<compile_context>
chip_gen: v7x
topology: tpu7x:2x2x1
jax: 0.10.2.dev20260603
libtpu: 0.0.44.dev20260713+nightly
codegen_flags: <defaults>
</compile_context>

<pallas_src>
import functools

import jax
import jax.numpy as jnp
from jax import lax
from jax.experimental import pallas as pl
from jax.experimental.pallas import tpu as pltpu
from jax.experimental.pallas import tpu_sc as plsc

N = 10000
E = 320000
DIN = 128
DHID = 256
DOUT = 128

NC = 2
NS = 16
B = 128
E_TOT = E + N
G = 56
BLKS = 168
NGRP = BLKS // G
E_PAD = BLKS * B * NS
NROWS = 10240
STRIPE = NROWS // NS
HROWS = NROWS // B
HHALF = NROWS // 2
DSTRIPE = 1024
JUNK = 10008

_mesh = plsc.VectorSubcoreMesh(core_axis_name="c", subcore_axis_name="s")


def _deg_body(dst_hbm, deg_out, dst_g, ones_v, zero_v, acc_sh):
    c = lax.axis_index("c")
    s = lax.axis_index("s")

    def fill(i, x):
        ones_v[pl.ds(i * 16, 16)] = jnp.full((16,), 1.0, jnp.float32)
        return x

    lax.fori_loop(0, B // 16, fill, 0)

    def fillz(i, x):
        zero_v[pl.ds(i * 16, 16)] = jnp.zeros((16,), jnp.float32)
        return x

    lax.fori_loop(0, DSTRIPE // 16, fillz, 0)

    pltpu.sync_copy(zero_v, acc_sh.at[pl.ds(s * DSTRIPE, DSTRIPE)])
    plsc.subcore_barrier()

    def grp(g, x):
        pltpu.sync_copy(dst_hbm.at[s, pl.ds(g * G, G)], dst_g)

        def blk(b, y):
            pltpu.sync_copy(ones_v, acc_sh.at[dst_g.at[2 * b + c]], add=True)
            return y

        lax.fori_loop(0, G // 2, blk, 0)
        return x

    lax.fori_loop(0, NGRP, grp, 0)
    plsc.subcore_barrier()
    pltpu.sync_copy(acc_sh.at[pl.ds(s * DSTRIPE, DSTRIPE)],
                    deg_out.at[pl.ds((c * NS + s) * DSTRIPE, DSTRIPE)])


_deg_kernel = pl.kernel(
    _deg_body,
    out_type=jax.ShapeDtypeStruct((NC * NS * DSTRIPE,), jnp.float32),
    mesh=_mesh,
    scratch_types=[
        pltpu.VMEM((G, B), jnp.int32),
        pltpu.VMEM((B,), jnp.float32),
        pltpu.VMEM((DSTRIPE,), jnp.float32),
        pltpu.VMEM_SHARED((NS * DSTRIPE,), jnp.float32),
    ],
)


def _agg1_body(g_hbm, src_hbm, dst_hbm, acc_out,
               idx2_g, dst_g, buf0, buf1, acc_sh, semg0, semg1):
    c = lax.axis_index("c")
    s = lax.axis_index("s")
    Dh = DHID // 2
    bufs = (buf0, buf1)
    semg = (semg0, semg1)

    def fill_zero(i, x):
        buf0[i // (Dh // 16), pl.ds((i % (Dh // 16)) * 16, 16)] = (
            jnp.zeros((16,), jnp.float32))
        return x

    lax.fori_loop(0, B * Dh // 16, fill_zero, 0)

    def zero_stripe(i, x):
        pltpu.sync_copy(buf0, acc_sh.at[pl.ds(s * STRIPE + i * B, B)])
        return x

    lax.fori_loop(0, STRIPE // B, zero_stripe, 0)
    plsc.subcore_barrier()

    def grp(g, x):
        pltpu.sync_copy(src_hbm.at[s, pl.ds(g * G, G)], idx2_g)
        pltpu.sync_copy(dst_hbm.at[s, pl.ds(g * G, G)], dst_g)

        def fill_idx(i, y):
            r = i // (B // 16)
            k = i % (B // 16)
            v = idx2_g[r, pl.ds(k * 16, 16)]
            idx2_g[r, pl.ds(k * 16, 16)] = v + c * N
            return y

        lax.fori_loop(0, G * (B // 16), fill_idx, 0)

        descs = [None] * G
        descs[0] = pltpu.async_copy(g_hbm.at[idx2_g.at[0]], bufs[0], semg[0])
        for b in range(G):
            if b + 1 < G:
                descs[b + 1] = pltpu.async_copy(
                    g_hbm.at[idx2_g.at[b + 1]], bufs[(b + 1) % 2],
                    semg[(b + 1) % 2])
            descs[b].wait()
            pltpu.sync_copy(bufs[b % 2], acc_sh.at[dst_g.at[b]], add=True)
        return x

    lax.fori_loop(0, NGRP, grp, 0)
    plsc.subcore_barrier()
    pltpu.sync_copy(acc_sh.at[pl.ds(s * STRIPE, STRIPE)],
                    acc_out.at[c, pl.ds(s * STRIPE, STRIPE)])


_agg1 = pl.kernel(
    _agg1_body,
    out_type=jax.ShapeDtypeStruct((NC, NROWS, DHID // 2), jnp.float32),
    mesh=_mesh,
    scratch_types=[
        pltpu.VMEM((G, B), jnp.int32),
        pltpu.VMEM((G, B), jnp.int32),
        pltpu.VMEM((B, DHID // 2), jnp.float32),
        pltpu.VMEM((B, DHID // 2), jnp.float32),
        pltpu.VMEM_SHARED((NROWS, DHID // 2), jnp.float32),
        pltpu.SemaphoreType.DMA,
        pltpu.SemaphoreType.DMA,
    ],
)


def _agg2_body(g_hbm, src_hbm, dst_hbm, acc_out,
               src_g, dst_g, buf0, buf1, acc_sh, semg0, semg1):
    c = lax.axis_index("c")
    s = lax.axis_index("s")
    bufs = (buf0, buf1)
    semg = (semg0, semg1)

    def fill_zero(i, x):
        buf0[i // (DOUT // 16), pl.ds((i % (DOUT // 16)) * 16, 16)] = (
            jnp.zeros((16,), jnp.float32))
        return x

    lax.fori_loop(0, B * DOUT // 16, fill_zero, 0)

    def zero_stripe(i, x):
        pltpu.sync_copy(buf0, acc_sh.at[pl.ds(s * STRIPE + i * B, B)])
        return x

    lax.fori_loop(0, STRIPE // B, zero_stripe, 0)
    plsc.subcore_barrier()

    H = G // 2

    def grp(g, x):
        pltpu.sync_copy(src_hbm.at[s, pl.ds(g * G, G)], src_g)
        pltpu.sync_copy(dst_hbm.at[s, pl.ds(g * G, G)], dst_g)

        def fill_idx(i, y):
            r = i // (B // 16)
            k = i % (B // 16)
            v = src_g[r, pl.ds(k * 16, 16)]
            src_g[r, pl.ds(k * 16, 16)] = v + c * N
            return y

        lax.fori_loop(0, G * (B // 16), fill_idx, 0)

        descs = [None] * H
        descs[0] = pltpu.async_copy(g_hbm.at[src_g.at[c]], bufs[0], semg[0])
        for b in range(H):
            if b + 1 < H:
                descs[b + 1] = pltpu.async_copy(
                    g_hbm.at[src_g.at[2 * (b + 1) + c]], bufs[(b + 1) % 2],
                    semg[(b + 1) % 2])
            descs[b].wait()
            pltpu.sync_copy(bufs[b % 2], acc_sh.at[dst_g.at[2 * b + c]],
                            add=True)
        return x

    lax.fori_loop(0, NGRP, grp, 0)
    plsc.subcore_barrier()
    pltpu.sync_copy(acc_sh.at[pl.ds(s * STRIPE, STRIPE)],
                    acc_out.at[c, pl.ds(s * STRIPE, STRIPE)])


_agg2 = pl.kernel(
    _agg2_body,
    out_type=jax.ShapeDtypeStruct((NC, NROWS, DOUT), jnp.float32),
    mesh=_mesh,
    scratch_types=[
        pltpu.VMEM((G, B), jnp.int32),
        pltpu.VMEM((G, B), jnp.int32),
        pltpu.VMEM((B, DOUT), jnp.float32),
        pltpu.VMEM((B, DOUT), jnp.float32),
        pltpu.VMEM_SHARED((NROWS, DOUT), jnp.float32),
        pltpu.SemaphoreType.DMA,
        pltpu.SemaphoreType.DMA,
    ],
)


def _tc1_body(x_ref, w1_ref, degp_ref, g1_ref, dis_ref):
    deg = degp_ref[0, :] + degp_ref[1, :]
    dis = jnp.where(deg > 0, lax.rsqrt(deg), 0.0)
    dis_ref[...] = dis
    h = jnp.dot(x_ref[...], w1_ref[...], preferred_element_type=jnp.float32)
    g = h * dis[:N, None]
    g1_ref[0] = g[:, : DHID // 2]
    g1_ref[1] = g[:, DHID // 2:]


_tc1 = pl.pallas_call(
    _tc1_body,
    out_shape=(
        jax.ShapeDtypeStruct((2, N, DHID // 2), jnp.float32),
        jax.ShapeDtypeStruct((NROWS,), jnp.float32),
    ),
)


def _tc2_body(accp_ref, w2_ref, b1_ref, dis_ref, g2_ref):
    dis = dis_ref[...][:N]
    a = accp_ref[0, :N, :] * dis[:, None] + b1_ref[...][None, : DHID // 2]
    b = accp_ref[1, :N, :] * dis[:, None] + b1_ref[...][None, DHID // 2:]
    t = jnp.concatenate([jnp.maximum(a, 0.0), jnp.maximum(b, 0.0)], axis=1)
    g2 = jnp.dot(t, w2_ref[...], preferred_element_type=jnp.float32)
    g2_ref[...] = g2 * dis[:, None]


_tc2 = pl.pallas_call(
    _tc2_body,
    out_shape=jax.ShapeDtypeStruct((N, DOUT), jnp.float32),
)


def _tc3_body(accp_ref, b2_ref, dis_ref, out_ref):
    dis = dis_ref[...][:N]
    out = accp_ref[0, :N, :] + accp_ref[1, :N, :]
    out_ref[...] = out * dis[:, None] + b2_ref[...][None, :]


_tc3 = pl.pallas_call(
    _tc3_body,
    out_shape=jax.ShapeDtypeStruct((N, DOUT), jnp.float32),
)


def kernel(x, edge_index, W1, b1, W2, b2):
    loop = jnp.arange(N, dtype=jnp.int32)
    pad = E_PAD - E_TOT
    src = jnp.concatenate(
        [edge_index[0], loop, jnp.zeros((pad,), jnp.int32)]).reshape(NS, BLKS, B)
    dst = jnp.concatenate(
        [edge_index[1], loop, jnp.full((pad,), JUNK, jnp.int32)]).reshape(NS, BLKS, B)

    degp = _deg_kernel(dst).reshape(NC, NS * DSTRIPE)[:, :NROWS]
    g1i, dis = _tc1(x, W1, degp)
    accp1 = _agg1(g1i.reshape(2 * N, DHID // 2), src, dst)
    g2 = _tc2(accp1, W2, b1, dis)
    accp2 = _agg2(jnp.concatenate([g2, g2], axis=0), src, dst)
    return _tc3(accp2, b2, dis)

# --- scband reference (transcript-rebuilt; emitter-appended) ---
"""Pipeline reference for scband-gcnencoder-31542239822439 (READ-ONLY COPY).

The authoritative reference and input builder live on the scoring server;
editing this copy changes nothing except your own understanding.
"""

import jax, jax.numpy as jnp
import numpy as np

N_NODES = 10000
N_EDGES = 320000
D_IN = 128
D_OUT = 128
D_HID = 2 * D_OUT


def setup_inputs(seed: int = 0) -> dict:
    key = jax.random.key(seed)
    k1, k2, k3, k4 = jax.random.split(key, 4)
    x = jax.random.normal(k1, (N_NODES, D_IN), dtype=jnp.float32)
    edge_index = jax.random.randint(k2, (2, N_EDGES), 0, N_NODES, dtype=jnp.int32)
    W1 = jax.random.normal(k3, (D_IN, D_HID), dtype=jnp.float32) * (1.0 / np.sqrt(D_IN))
    b1 = jnp.zeros((D_HID,), dtype=jnp.float32)
    W2 = jax.random.normal(k4, (D_HID, D_OUT), dtype=jnp.float32) * (1.0 / np.sqrt(D_HID))
    b2 = jnp.zeros((D_OUT,), dtype=jnp.float32)
    return {"x": x, "edge_index": edge_index, "W1": W1, "b1": b1, "W2": W2, "b2": b2}


def _gcn_conv(x, edge_index, W, b):
    # Faithful GCNConv: add self-loops, symmetric deg^-1/2 normalization,
    # linear transform, scatter-add aggregation by destination node.
    num_nodes = x.shape[0]
    h = x @ W
    loop = jnp.arange(num_nodes, dtype=edge_index.dtype)
    src = jnp.concatenate([edge_index[0], loop])
    dst = jnp.concatenate([edge_index[1], loop])
    deg = jax.ops.segment_sum(jnp.ones_like(src, dtype=h.dtype), dst, num_segments=num_nodes)
    deg_inv_sqrt = jnp.where(deg > 0, deg ** -0.5, 0.0)
    norm = deg_inv_sqrt[src] * deg_inv_sqrt[dst]
    msg = h[src] * norm[:, None]
    out = jax.ops.segment_sum(msg, dst, num_segments=num_nodes)
    return out + b


def reference(x, edge_index, W1, b1, W2, b2):
    h = jax.nn.relu(_gcn_conv(x, edge_index, W1, b1))
    return _gcn_conv(h, edge_index, W2, b2)

if __name__ == "__main__":
    import jax
    _d = setup_inputs()
    print(jax.jit(kernel)(*tuple(_d.values())))

</pallas_src>

<mosaic_0001>
#map = affine_map<(d0, d1) -> (0, 0)>
#map1 = affine_map<(d0, d1) -> (0, 0, 0)>
module attributes {stable_mosaic.version = 14 : i64} {
  func.func @_agg1_body(%arg0: i32, %arg1: i32, %arg2: memref<20000x128xf32, #tpu.memory_space<hbm>>, %arg3: memref<16x168x128xi32, #tpu.memory_space<hbm>>, %arg4: memref<16x168x128xi32, #tpu.memory_space<hbm>>, %arg5: memref<2x10240x128xf32, #tpu.memory_space<hbm>>, %arg6: memref<56x128xi32, #tpu.memory_space<vmem>>, %arg7: memref<56x128xi32, #tpu.memory_space<vmem>>, %arg8: memref<128x128xf32, #tpu.memory_space<vmem>>, %arg9: memref<128x128xf32, #tpu.memory_space<vmem>>, %arg10: memref<10240x128xf32, #tpu.memory_space<vmem_shared>>, %arg11: memref<!tpu.dma_semaphore, #tpu.memory_space<semaphore_mem>>, %arg12: memref<!tpu.dma_semaphore, #tpu.memory_space<semaphore_mem>>) attributes {dimension_semantics = [#tpu.dimension_semantics<core_parallel>, #tpu.dimension_semantics<subcore_parallel>], iteration_bounds = array<i64: 2, 16>, scalar_prefetch = 0 : i64, scratch_operands = 7 : i64, tpu.core_type = #tpu.core_type<sc_vector_subcore>, window_params = [{transform_indices = #map}, {transform_indices = #map1}, {transform_indices = #map1}, {transform_indices = #map1}]} {
    %scan3A = arith.constant 0 : i32
    %scan3A_0 = arith.constant 0 : i32
    %scan3A_1 = arith.constant 1024 : i32
    %scan3A_2 = arith.addi %scan3A_0, %scan3A_1 : i32
    %scan3A_3 = arith.constant 1 : i32
    scf.for %scan3A_21 = %scan3A_0 to %scan3A_2 step %scan3A_3  : i32 {
      %broadcast_in_dim3A = arith.constant 0.000000e+00 : f32
      %broadcast_in_dim3A_22 = vector.broadcast %broadcast_in_dim3A : f32 to vector<16xf32>
      %jit3A = arith.constant 8 : i32
      %div3A = arith.divsi %scan3A_21, %jit3A : i32
      %sign3A = arith.constant 0 : i32
      %sign3A_23 = arith.cmpi sgt, %scan3A_21, %sign3A : i32
      %sign3A_24 = arith.extui %sign3A_23 : i1 to i32
      %sign3A_25 = arith.constant 0 : i32
      %sign3A_26 = arith.cmpi slt, %scan3A_21, %sign3A_25 : i32
      %sign3A_27 = arith.extui %sign3A_26 : i1 to i32
      %sign3A_28 = arith.subi %sign3A_24, %sign3A_27 : i32
      %sign3A_29 = arith.constant 0 : i32
      %sign3A_30 = arith.cmpi sgt, %jit3A, %sign3A_29 : i32
      %sign3A_31 = arith.extui %sign3A_30 : i1 to i32
      %sign3A_32 = arith.constant 0 : i32
      %sign3A_33 = arith.cmpi slt, %jit3A, %sign3A_32 : i32
      %sign3A_34 = arith.extui %sign3A_33 : i1 to i32
      %sign3A_35 = arith.subi %sign3A_31, %sign3A_34 : i32
      %ne3A = arith.cmpi ne, %sign3A_28, %sign3A_35 : i32
      %rem3A = arith.remsi %scan3A_21, %jit3A : i32
      %ne3A_36 = arith.constant 0 : i32
      %ne3A_37 = arith.cmpi ne, %rem3A, %ne3A_36 : i32
      %and3A = arith.andi %ne3A, %ne3A_37 : i1
      %sub3A = arith.constant 1 : i32
      %sub3A_38 = arith.subi %div3A, %sub3A : i32
      %select_n3A = arith.select %and3A, %sub3A_38, %div3A : i32
      %jit3A_39 = arith.constant 8 : i32
      %eq3A = arith.constant 0 : i32
      %eq3A_40 = arith.cmpi eq, %jit3A_39, %eq3A : i32
      %jit3A_41 = arith.constant 1 : i32
      %select_n3A_42 = arith.select %eq3A_40, %jit3A_41, %jit3A_39 : i32
      %rem3A_43 = arith.remsi %scan3A_21, %select_n3A_42 : i32
      %ne3A_44 = arith.constant 0 : i32
      %ne3A_45 = arith.cmpi ne, %rem3A_43, %ne3A_44 : i32
      %lt3A = arith.constant 0 : i32
      %lt3A_46 = arith.cmpi slt, %rem3A_43, %lt3A : i32
      %lt3A_47 = arith.constant 0 : i32
      %lt3A_48 = arith.cmpi slt, %select_n3A_42, %lt3A_47 : i32
      %ne3A_49 = arith.xori %lt3A_46, %lt3A_48 : i1
      %and3A_50 = arith.andi %ne3A_49, %ne3A_45 : i1
      %add3A = arith.addi %rem3A_43, %select_n3A_42 : i32
      %select_n3A_51 = arith.select %and3A_50, %add3A, %rem3A_43 : i32
      %mul3A_52 = arith.constant 16 : i32
      %mul3A_53 = arith.muli %select_n3A_51, %mul3A_52 : i32
      %swap3A = arith.index_cast %select_n3A : i32 to index
      %swap3A_54 = arith.index_cast %mul3A_53 : i32 to index
      %swap3A_55 = tpu.vector_load %arg8[%swap3A, %swap3A_54] {strides = array<i32>} : memref<128x128xf32, #tpu.memory_space<vmem>>, vector<1x16xf32>,
      %swap3A_56 = vector.shape_cast %swap3A_55 : vector<1x16xf32> to vector<16xf32>
      %swap3A_57 = vector.shape_cast %broadcast_in_dim3A_22 : vector<16xf32> to vector<1x16xf32>
      tpu.vector_store %arg8[%swap3A, %swap3A_54], %swap3A_57 {strides = array<i32>} : memref<128x128xf32, #tpu.memory_space<vmem>>, vector<1x16xf32>,
    }
    %scan3A_4 = arith.constant 1024 : i32
    %scan3A_5 = arith.constant 0 : i32
    %scan3A_6 = arith.constant 0 : i32
    %scan3A_7 = arith.constant 5 : i32
    %scan3A_8 = arith.addi %scan3A_6, %scan3A_7 : i32
    %scan3A_9 = arith.constant 1 : i32
    scf.for %scan3A_21 = %scan3A_6 to %scan3A_8 step %scan3A_9  : i32 {
      %mul3A_22 = arith.constant 640 : i32
      %mul3A_23 = arith.muli %arg1, %mul3A_22 : i32
      %mul3A_24 = arith.constant 128 : i32
      %mul3A_25 = arith.muli %scan3A_21, %mul3A_24 : i32
      %add3A = arith.addi %mul3A_23, %mul3A_25 : i32
      "tpu.region"() ({
        %run_scoped3A = tpu.sem_alloc : memref<!tpu.dma_semaphore, #tpu.memory_space<semaphore_mem>>
        %dma_start3A = arith.constant 0 : i32
        %dma_start3A_26 = tpu.memref_slice %arg10[%add3A, %dma_start3A] : memref<10240x128xf32, #tpu.memory_space<vmem_shared>> -> memref<128x128xf32, #tpu.memory_space<vmem_shared>>
        %dma_start3A_27 = arith.constant 0 : i32
        %dma_start3A_28 = tpu.memref_slice %arg10[%add3A, %dma_start3A_27] : memref<10240x128xf32, #tpu.memory_space<vmem_shared>> -> memref<128x128xf32, #tpu.memory_space<vmem_shared>>
        tpu.enqueue_dma source(%arg8 : memref<128x128xf32, #tpu.memory_space<vmem>>) target(%dma_start3A_28 : memref<128x128xf32, #tpu.memory_space<vmem_shared>>) target_semaphore(%run_scoped3A : memref<!tpu.dma_semaphore, #tpu.memory_space<semaphore_mem>>)
        %dma_wait3A = arith.constant 0 : i32
        %dma_wait3A_29 = tpu.memref_slice %arg10[%add3A, %dma_wait3A] : memref<10240x128xf32, #tpu.memory_space<vmem_shared>> -> memref<128x128xf32, #tpu.memory_space<vmem_shared>>
        %dma_wait3A_30 = arith.constant 0 : i32
        %dma_wait3A_31 = tpu.memref_slice %arg10[%add3A, %dma_wait3A_30] : memref<10240x128xf32, #tpu.memory_space<vmem_shared>> -> memref<128x128xf32, #tpu.memory_space<vmem_shared>>
        tpu.wait_dma2 semaphore(%run_scoped3A : memref<!tpu.dma_semaphore, #tpu.memory_space<semaphore_mem>>) src(%arg8 : memref<128x128xf32, #tpu.memory_space<vmem>>) dst(%dma_wait3A_31 : memref<128x128xf32, #tpu.memory_space<vmem_shared>>)
        tpu.yield
      }) : () -> ()
    }
    %scan3A_10 = arith.constant 5 : i32
    %barrier3A = arith.constant 0 : index
    tpu.barrier barrier_id(%barrier3A)
    %scan3A_11 = arith.constant 0 : i32
    %scan3A_12 = arith.constant 0 : i32
    %scan3A_13 = arith.constant 3 : i32
    %scan3A_14 = arith.addi %scan3A_12, %scan3A_13 : i32
    %scan3A_15 = arith.constant 1 : i32
    scf.for %scan3A_21 = %scan3A_12 to %scan3A_14 step %scan3A_15  : i32 {
      %mul3A_22 = arith.constant 56 : i32
      %mul3A_23 = arith.muli %scan3A_21, %mul3A_22 : i32
      "tpu.region"() ({
        %run_scoped3A_869 = tpu.sem_alloc : memref<!tpu.dma_semaphore, #tpu.memory_space<semaphore_mem>>
        %dma_start3A_870 = arith.constant 0 : i32
        %dma_start3A_871 = tpu.memref_slice %arg3[%arg1, %mul3A_23, %dma_start3A_870] : memref<16x168x128xi32, #tpu.memory_space<hbm>> -> memref<1x56x128xi32, #tpu.memory_space<hbm>>
        %dma_start3A_872 = tpu.memref_squeeze %dma_start3A_871 : memref<1x56x128xi32, #tpu.memory_space<hbm>> -> memref<56x128xi32, #tpu.memory_space<hbm>>
        %dma_start3A_873 = arith.constant 0 : i32
        %dma_start3A_874 = tpu.memref_slice %arg3[%arg1, %mul3A_23, %dma_start3A_873] : memref<16x168x128xi32, #tpu.memory_space<hbm>> -> memref<1x56x128xi32, #tpu.memory_space<hbm>>
        %dma_start3A_875 = tpu.memref_squeeze %dma_start3A_874 : memref<1x56x128xi32, #tpu.memory_space<hbm>> -> memref<56x128xi32, #tpu.memory_space<hbm>>
        tpu.enqueue_dma source(%dma_start3A_875 : memref<56x128xi32, #tpu.memory_space<hbm>>) target(%arg6 : memref<56x128xi32, #tpu.memory_space<vmem>>) target_semaphore(%run_scoped3A_869 : memref<!tpu.dma_semaphore, #tpu.memory_space<semaphore_mem>>)
        %dma_wait3A_876 = arith.constant 0 : i32
        %dma_wait3A_877 = tpu.memref_slice %arg3[%arg1, %mul3A_23, %dma_wait3A_876] : memref<16x168x128xi32, #tpu.memory_space<hbm>> -> memref<1x56x128xi32, #tpu.memory_space<hbm>>
        %dma_wait3A_878 = tpu.memref_squeeze %dma_wait3A_877 : memref<1x56x128xi32, #tpu.memory_space<hbm>> -> memref<56x128xi32, #tpu.memory_space<hbm>>
        %dma_wait3A_879 = arith.constant 0 : i32
        %dma_wait3A_880 = tpu.memref_slice %arg3[%arg1, %mul3A_23, %dma_wait3A_879] : memref<16x168x128xi32, #tpu.memory_space<hbm>> -> memref<1x56x128xi32, #tpu.memory_space<hbm>>
        %dma_wait3A_881 = tpu.memref_squeeze %dma_wait3A_880 : memref<1x56x128xi32, #tpu.memory_space<hbm>> -> memref<56x128xi32, #tpu.memory_space<hbm>>
        tpu.wait_dma2 semaphore(%run_scoped3A_869 : memref<!tpu.dma_semaphore, #tpu.memory_space<semaphore_mem>>) src(%dma_wait3A_881 : memref<56x128xi32, #tpu.memory_space<hbm>>) dst(%arg6 : memref<56x128xi32, #tpu.memory_space<vmem>>)
        tpu.yield
      }) : () -> ()
      %mul3A_24 = arith.constant 56 : i32
      %mul3A_25 = arith.muli %scan3A_21, %mul3A_24 : i32
      "tpu.region"() ({
        %run_scoped3A_869 = tpu.sem_alloc : memref<!tpu.dma_semaphore, #tpu.memory_space<semaphore_mem>>
        %dma_start3A_870 = arith.constant 0 : i32
        %dma_start3A_871 = tpu.memref_slice %arg4[%arg1, %mul3A_25, %dma_start3A_870] : memref<16x168x128xi32, #tpu.memory_space<hbm>> -> memref<1x56x128xi32, #tpu.memory_space<hbm>>
        %dma_start3A_872 = tpu.memref_squeeze %dma_start3A_871 : memref<1x56x128xi32, #tpu.memory_space<hbm>> -> memref<56x128xi32, #tpu.memory_space<hbm>>
        %dma_start3A_873 = arith.constant 0 : i32
        %dma_start3A_874 = tpu.memref_slice %arg4[%arg1, %mul3A_25, %dma_start3A_873] : memref<16x168x128xi32, #tpu.memory_space<hbm>> -> memref<1x56x128xi32, #tpu.memory_space<hbm>>
        %dma_start3A_875 = tpu.memref_squeeze %dma_start3A_874 : memref<1x56x128xi32, #tpu.memory_space<hbm>> -> memref<56x128xi32, #tpu.memory_space<hbm>>
        tpu.enqueue_dma source(%dma_start3A_875 : memref<56x128xi32, #tpu.memory_space<hbm>>) target(%arg7 : memref<56x128xi32, #tpu.memory_space<vmem>>) target_semaphore(%run_scoped3A_869 : memref<!tpu.dma_semaphore, #tpu.memory_space<semaphore_mem>>)
        %dma_wait3A_876 = arith.constant 0 : i32
        %dma_wait3A_877 = tpu.memref_slice %arg4[%arg1, %mul3A_25, %dma_wait3A_876] : memref<16x168x128xi32, #tpu.memory_space<hbm>> -> memref<1x56x128xi32, #tpu.memory_space<hbm>>
        %dma_wait3A_878 = tpu.memref_squeeze %dma_wait3A_877 : memref<1x56x128xi32, #tpu.memory_space<hbm>> -> memref<56x128xi32, #tpu.memory_space<hbm>>
        %dma_wait3A_879 = arith.constant 0 : i32
        %dma_wait3A_880 = tpu.memref_slice %arg4[%arg1, %mul3A_25, %dma_wait3A_879] : memref<16x168x128xi32, #tpu.memory_space<hbm>> -> memref<1x56x128xi32, #tpu.memory_space<hbm>>
        %dma_wait3A_881 = tpu.memref_squeeze %dma_wait3A_880 : memref<1x56x128xi32, #tpu.memory_space<hbm>> -> memref<56x128xi32, #tpu.memory_space<hbm>>
        tpu.wait_dma2 semaphore(%run_scoped3A_869 : memref<!tpu.dma_semaphore, #tpu.memory_space<semaphore_mem>>) src(%dma_wait3A_881 : memref<56x128xi32, #tpu.memory_space<hbm>>) dst(%arg7 : memref<56x128xi32, #tpu.memory_space<vmem>>)
        tpu.yield
      }) : () -> ()
      %scan3A_26 = arith.constant 0 : i32
      %scan3A_27 = arith.constant 0 : i32
      %scan3A_28 = arith.constant 448 : i32
      %scan3A_29 = arith.addi %scan3A_27, %scan3A_28 : i32
      %scan3A_30 = arith.constant 1 : i32
      scf.for %scan3A_869 = %scan3A_27 to %scan3A_29 step %scan3A_30  : i32 {
        %jit3A = arith.constant 8 : i32
        %div3A = arith.divsi %scan3A_869, %jit3A : i32
        %sign3A = arith.constant 0 : i32
        %sign3A_870 = arith.cmpi sgt, %scan3A_869, %sign3A : i32
        %sign3A_871 = arith.extui %sign3A_870 : i1 to i32
        %sign3A_872 = arith.constant 0 : i32
        %sign3A_873 = arith.cmpi slt, %scan3A_869, %sign3A_872 : i32
        %sign3A_874 = arith.extui %sign3A_873 : i1 to i32
        %sign3A_875 = arith.subi %sign3A_871, %sign3A_874 : i32
        %sign3A_876 = arith.constant 0 : i32
        %sign3A_877 = arith.cmpi sgt, %jit3A, %sign3A_876 : i32
        %sign3A_878 = arith.extui %sign3A_877 : i1 to i32
        %sign3A_879 = arith.constant 0 : i32
        %sign3A_880 = arith.cmpi slt, %jit3A, %sign3A_879 : i32
        %sign3A_881 = arith.extui %sign3A_880 : i1 to i32
        %sign3A_882 = arith.subi %sign3A_878, %sign3A_881 : i32
        %ne3A = arith.cmpi ne, %sign3A_875, %sign3A_882 : i32
        %rem3A = arith.remsi %scan3A_869, %jit3A : i32
        %ne3A_883 = arith.constant 0 : i32
        %ne3A_884 = arith.cmpi ne, %rem3A, %ne3A_883 : i32
        %and3A = arith.andi %ne3A, %ne3A_884 : i1
        %sub3A = arith.constant 1 : i32
        %sub3A_885 = arith.subi %div3A, %sub3A : i32
        %select_n3A = arith.select %and3A, %sub3A_885, %div3A : i32
        %jit3A_886 = arith.constant 8 : i32
        %eq3A = arith.constant 0 : i32
        %eq3A_887 = arith.cmpi eq, %jit3A_886, %eq3A : i32
        %jit3A_888 = arith.constant 1 : i32
        %select_n3A_889 = arith.select %eq3A_887, %jit3A_888, %jit3A_886 : i32
        %rem3A_890 = arith.remsi %scan3A_869, %select_n3A_889 : i32
        %ne3A_891 = arith.constant 0 : i32
        %ne3A_892 = arith.cmpi ne, %rem3A_890, %ne3A_891 : i32
        %lt3A = arith.constant 0 : i32
        %lt3A_893 = arith.cmpi slt, %rem3A_890, %lt3A : i32
        %lt3A_894 = arith.constant 0 : i32
        %lt3A_895 = arith.cmpi slt, %select_n3A_889, %lt3A_894 : i32
        %ne3A_896 = arith.xori %lt3A_893, %lt3A_895 : i1
        %and3A_897 = arith.andi %ne3A_896, %ne3A_892 : i1
        %add3A = arith.addi %rem3A_890, %select_n3A_889 : i32
        %select_n3A_898 = arith.select %and3A_897, %add3A, %rem3A_890 : i32
        %mul3A_899 = arith.constant 16 : i32
        %mul3A_900 = arith.muli %select_n3A_898, %mul3A_899 : i32
        %get3A = arith.index_cast %select_n3A : i32 to index
        %get3A_901 = arith.index_cast %mul3A_900 : i32 to index
        %get3A_902 = tpu.vector_load %arg6[%get3A, %get3A_901] {strides = array<i32>} : memref<56x128xi32, #tpu.memory_space<vmem>>, vector<1x16xi32>,
        %get3A_903 = vector.shape_cast %get3A_902 : vector<1x16xi32> to vector<16xi32>
        %mul3A_904 = arith.constant 10000 : i32
        %mul3A_905 = arith.muli %arg0, %mul3A_904 : i32
        %add3A_906 = vector.broadcast %mul3A_905 : i32 to vector<16xi32>
        %add3A_907 = arith.addi %get3A_903, %add3A_906 : vector<16xi32>
        %mul3A_908 = arith.constant 16 : i32
        %mul3A_909 = arith.muli %select_n3A_898, %mul3A_908 : i32
        %swap3A = arith.index_cast %select_n3A : i32 to index
        %swap3A_910 = arith.index_cast %mul3A_909 : i32 to index
        %swap3A_911 = tpu.vector_load %arg6[%swap3A, %swap3A_910] {strides = array<i32>} : memref<56x128xi32, #tpu.memory_space<vmem>>, vector<1x16xi32>,
        %swap3A_912 = vector.shape_cast %swap3A_911 : vector<1x16xi32> to vector<16xi32>
        %swap3A_913 = vector.shape_cast %add3A_907 : vector<16xi32> to vector<1x16xi32>
        tpu.vector_store %arg6[%swap3A, %swap3A_910], %swap3A_913 {strides = array<i32>} : memref<56x128xi32, #tpu.memory_space<vmem>>, vector<1x16xi32>,
      }
      %scan3A_31 = arith.constant 448 : i32
      %dma_start3A = arith.constant 0 : i32
      %dma_start3A_32 = arith.constant 0 : i32
      %dma_start3A_33 = tpu.memref_slice %arg6[%dma_start3A, %dma_start3A_32] : memref<56x128xi32, #tpu.memory_space<vmem>> -> memref<1x128xi32, #tpu.memory_space<vmem>>
      %dma_start3A_34 = tpu.memref_squeeze %dma_start3A_33 : memref<1x128xi32, #tpu.memory_space<vmem>> -> memref<128xi32, #tpu.memory_space<vmem>>
      %dma_start3A_35 = arith.constant 0 : i32
      %dma_start3A_36 = arith.constant 0 : i32
      %dma_start3A_37 = tpu.memref_slice %arg2[%dma_start3A_35, %dma_start3A_36] : memref<20000x128xf32, #tpu.memory_space<hbm>> -> memref<20000x128xf32, #tpu.memory_space<hbm>>
      tpu.enqueue_indirect_dma source(%dma_start3A_37 : memref<20000x128xf32, #tpu.memory_space<hbm>>) target(%arg8 : memref<128x128xf32, #tpu.memory_space<vmem>>) offsets(%dma_start3A_34 : memref<128xi32, #tpu.memory_space<vmem>>) semaphore(%arg11 : memref<!tpu.dma_semaphore, #tpu.memory_space<semaphore_mem>>)
      %dma_start3A_38 = arith.constant 1 : i32
      %dma_start3A_39 = arith.constant 0 : i32
      %dma_start3A_40 = tpu.memref_slice %arg6[%dma_start3A_38, %dma_start3A_39] : memref<56x128xi32, #tpu.memory_space<vmem>> -> memref<1x128xi32, #tpu.memory_space<vmem>>
      %dma_start3A_41 = tpu.memref_squeeze %dma_start3A_40 : memref<1x128xi32, #tpu.memory_space<vmem>> -> memref<128xi32, #tpu.memory_space<vmem>>
      %dma_start3A_42 = arith.constant 0 : i32
      %dma_start3A_43 = arith.constant 0 : i32
      %dma_start3A_44 = tpu.memref_slice %arg2[%dma_start3A_42, %dma_start3A_43] : memref<20000x128xf32, #tpu.memory_space<hbm>> -> memref<20000x128xf32, #tpu.memory_space<hbm>>
      tpu.enqueue_indirect_dma source(%dma_start3A_44 : memref<20000x128xf32, #tpu.memory_space<hbm>>) target(%arg9 : memref<128x128xf32, #tpu.memory_space<vmem>>) offsets(%dma_start3A_41 : memref<128xi32, #tpu.memory_space<vmem>>) semaphore(%arg12 : memref<!tpu.dma_semaphore, #tpu.memory_space<semaphore_mem>>)
      %dma_wait3A = arith.constant 0 : i32
      %dma_wait3A_45 = arith.constant 0 : i32
      %dma_wait3A_46 = tpu.memref_slice %arg6[%dma_wait3A, %dma_wait3A_45] : memref<56x128xi32, #tpu.memory_space<vmem>> -> memref<1x128xi32, #tpu.memory_space<vmem>>
      %dma_wait3A_47 = tpu.memref_squeeze %dma_wait3A_46 : memref<1x128xi32, #tpu.memory_space<vmem>> -> memref<128xi32, #tpu.memory_space<vmem>>
      %dma_wait3A_48 = arith.constant 0 : i32
      %dma_wait3A_49 = arith.constant 0 : i32
      %dma_wait3A_50 = tpu.memref_slice %arg2[%dma_wait3A_48, %dma_wait3A_49] : memref<20000x128xf32, #tpu.memory_space<hbm>> -> memref<20000x128xf32, #tpu.memory_space<hbm>>
      tpu.wait_indirect_dma semaphore(%arg11 : memref<!tpu.dma_semaphore, #tpu.memory_space<semaphore_mem>>) src(%dma_wait3A_50 : memref<20000x128xf32, #tpu.memory_space<hbm>>) dst(%arg8 : memref<128x128xf32, #tpu.memory_space<vmem>>)
      %run_scoped3A = arith.constant 0 : i32
      "tpu.region"() ({
        %run_scoped3A_869 = tpu.sem_alloc : memref<!tpu.dma_semaphore, #tpu.memory_space<semaphore_mem>>
        %dma_start3A_870 = arith.constant 0 : i32
        %dma_start3A_871 = tpu.memref_slice %arg7[%run_scoped3A, %dma_start3A_870] : memref<56x128xi32, #tpu.memory_space<vmem>> -> memref<1x128xi32, #tpu.memory_space<vmem>>
        %dma_start3A_872 = tpu.memref_squeeze %dma_start3A_871 : memref<1x128xi32, #tpu.memory_space<vmem>> -> memref<128xi32, #tpu.memory_space<vmem>>
        %dma_start3A_873 = arith.constant 0 : i32
        %dma_start3A_874 = arith.constant 0 : i32
        %dma_start3A_875 = tpu.memref_slice %arg10[%dma_start3A_873, %dma_start3A_874] : memref<10240x128xf32, #tpu.memory_space<vmem_shared>> -> memref<10240x128xf32, #tpu.memory_space<vmem_shared>>
        tpu.enqueue_indirect_dma source(%arg8 : memref<128x128xf32, #tpu.memory_space<vmem>>) target(%dma_start3A_875 : memref<10240x128xf32, #tpu.memory_space<vmem_shared>>) offsets(%dma_start3A_872 : memref<128xi32, #tpu.memory_space<vmem>>) semaphore(%run_scoped3A_869 : memref<!tpu.dma_semaphore, #tpu.memory_space<semaphore_mem>>) {add = true}
        %dma_wait3A_876 = arith.constant 0 : i32
        %dma_wait3A_877 = tpu.memref_slice %arg7[%run_scoped3A, %dma_wait3A_876] : memref<56x128xi32, #tpu.memory_space<vmem>> -> memref<1x128xi32, #tpu.memory_space<vmem>>
        %dma_wait3A_878 = tpu.memref_squeeze %dma_wait3A_877 : memref<1x128xi32, #tpu.memory_space<vmem>> -> memref<128xi32, #tpu.memory_space<vmem>>
        %dma_wait3A_879 = arith.constant 0 : i32
        %dma_wait3A_880 = arith.constant 0 : i32
        %dma_wait3A_881 = tpu.memref_slice %arg10[%dma_wait3A_879, %dma_wait3A_880] : memref<10240x128xf32, #tpu.memory_space<vmem_shared>> -> memref<10240x128xf32, #tpu.memory_space<vmem_shared>>
        tpu.wait_indirect_dma semaphore(%run_scoped3A_869 : memref<!tpu.dma_semaphore, #tpu.memory_space<semaphore_mem>>) src(%arg8 : memref<128x128xf32, #tpu.memory_space<vmem>>) dst(%dma_wait3A_881 : memref<10240x128xf32, #tpu.memory_space<vmem_shared>>)
        tpu.yield
      }) : () -> ()
      %dma_start3A_51 = arith.constant 2 : i32
      %dma_start3A_52 = arith.constant 0 : i32
      %dma_start3A_53 = tpu.memref_slice %arg6[%dma_start3A_51, %dma_start3A_52] : memref<56x128xi32, #tpu.memory_space<vmem>> -> memref<1x128xi32, #tpu.memory_space<vmem>>
      %dma_start3A_54 = tpu.memref_squeeze %dma_start3A_53 : memref<1x128xi32, #tpu.memory_space<vmem>> -> memref<128xi32, #tpu.memory_space<vmem>>
      %dma_start3A_55 = arith.constant 0 : i32
      %dma_start3A_56 = arith.constant 0 : i32
      %dma_start3A_57 = tpu.memref_slice %arg2[%dma_start3A_55, %dma_start3A_56] : memref<20000x128xf32, #tpu.memory_space<hbm>> -> memref<20000x128xf32, #tpu.memory_space<hbm>>
      tpu.enqueue_indirect_dma source(%dma_start3A_57 : memref<20000x128xf32, #tpu.memory_space<hbm>>) target(%arg8 : memref<128x128xf32, #tpu.memory_space<vmem>>) offsets(%dma_start3A_54 : memref<128xi32, #tpu.memory_space<vmem>>) semaphore(%arg11 : memref<!tpu.dma_semaphore, #tpu.memory_space<semaphore_mem>>)
      %dma_wait3A_58 = arith.constant 1 : i32
      %dma_wait3A_59 = arith.constant 0 : i32
      %dma_wait3A_60 = tpu.memref_slice %arg6[%dma_wait3A_58, %dma_wait3A_59] : memref<56x128xi32, #tpu.memory_space<vmem>> -> memref<1x128xi32, #tpu.memory_space<vmem>>
      %dma_wait3A_61 = tpu.memref_squeeze %dma_wait3A_60 : memref<1x128xi32, #tpu.memory_space<vmem>> -> memref<128xi32, #tpu.memory_space<vmem>>
      %dma_wait3A_62 = arith.constant 0 : i32
      %dma_wait3A_63 = arith.constant 0 : i32
      %dma_wait3A_64 = tpu.memref_slice %arg2[%dma_wait3A_62, %dma_wait3A_63] : memref<20000x128xf32, #tpu.memory_space<hbm>> -> memref<20000x128xf32, #tpu.memory_space<hbm>>
      tpu.wait_indirect_dma semaphore(%arg12 : memref<!tpu.dma_semaphore, #tpu.memory_space<semaphore_mem>>) src(%dma_wait3A_64 : memref<20000x128xf32, #tpu.memory_space<hbm>>) dst(%arg9 : memref<128x128xf32, #tpu.memory_space<vmem>>)
      %run_scoped3A_65 = arith.constant 1 : i32
      "tpu.region"() ({
        %run_scoped3A_869 = tpu.sem_alloc : memref<!tpu.dma_semaphore, #tpu.memory_space<semaphore_mem>>
        %dma_start3A_870 = arith.constant 0 : i32
        %dma_start3A_871 = tpu.memref_slice %arg7[%run_scoped3A_65, %dma_start3A_870] : memref<56x128xi32, #tpu.memory_space<vmem>> -> memref<1x128xi32, #tpu.memory_space<vmem>>
        %dma_start3A_872 = tpu.memref_squeeze %dma_start3A_871 : memref<1x128xi32, #tpu.memory_space<vmem>> -> memref<128xi32, #tpu.memory_space<vmem>>
        %dma_start3A_873 = arith.constant 0 : i32
        %dma_start3A_874 = arith.constant 0 : i32
        %dma_start3A_875 = tpu.memref_slice %arg10[%dma_start3A_873, %dma_start3A_874] : memref<10240x128xf32, #tpu.memory_space<vmem_shared>> -> memref<10240x128xf32, #tpu.memory_space<vmem_shared>>
        tpu.enqueue_indirect_dma source(%arg9 : memref<128x128xf32, #tpu.memory_space<vmem>>) target(%dma_start3A_875 : memref<10240x128xf32, #tpu.memory_space<vmem_shared>>) offsets(%dma_start3A_872 : memref<128xi32, #tpu.memory_space<vmem>>) semaphore(%run_scoped3A_869 : memref<!tpu.dma_semaphore, #tpu.memory_space<semaphore_mem>>) {add = true}
        %dma_wait3A_876 = arith.constant 0 : i32
        %dma_wait3A_877 = tpu.memref_slice %arg7[%run_scoped3A_65, %dma_wait3A_876] : memref<56x128xi32, #tpu.memory_space<vmem>> -> memref<1x128xi32, #tpu.memory_space<vmem>>
        %dma_wait3A_878 = tpu.memref_squeeze %dma_wait3A_877 : memref<1x128xi32, #tpu.memory_space<vmem>> -> memref<128xi32, #tpu.memory_space<vmem>>
        %dma_wait3A_879 = arith.constant 0 : i32
        %dma_wait3A_880 = arith.constant 0 : i32
        %dma_wait3A_881 = tpu.memref_slice %arg10[%dma_wait3A_879, %dma_wait3A_880] : memref<10240x128xf32, #tpu.memory_space<vmem_shared>> -> memref<10240x128xf32, #tpu.memory_space<vmem_shared>>
        tpu.wait_indirect_dma semaphore(%run_scoped3A_869 : memref<!tpu.dma_semaphore, #tpu.memory_space<semaphore_mem>>) src(%arg9 : memref<128x128xf32, #tpu.memory_space<vmem>>) dst(%dma_wait3A_881 : memref<10240x128xf32, #tpu.memory_space<vmem_shared>>)
        tpu.yield
      }) : () -> ()
      %dma_start3A_66 = arith.constant 3 : i32
      %dma_start3A_67 = arith.constant 0 : i32
      %dma_start3A_68 = tpu.memref_slice %arg6[%dma_start3A_66, %dma_start3A_67] : memref<56x128xi32, #tpu.memory_space<vmem>> -> memref<1x128xi32, #tpu.memory_space<vmem>>
      %dma_start3A_69 = tpu.memref_squeeze %dma_start3A_68 : memref<1x128xi32, #tpu.memory_space<vmem>> -> memref<128xi32, #tpu.memory_space<vmem>>
      %dma_start3A_70 = arith.constant 0 : i32
      %dma_start3A_71 = arith.constant 0 : i32
      %dma_start3A_72 = tpu.memref_slice %arg2[%dma_start3A_70, %dma_start3A_71] : memref<20000x128xf32, #tpu.memory_space<hbm>> -> memref<20000x128xf32, #tpu.memory_space<hbm>>
      tpu.enqueue_indirect_dma source(%dma_start3A_72 : memref<20000x128xf32, #tpu.memory_space<hbm>>) target(%arg9 : memref<128x128xf32, #tpu.memory_space<vmem>>) offsets(%dma_start3A_69 : memref<128xi32, #tpu.memory_space<vmem>>) semaphore(%arg12 : memref<!tpu.dma_semaphore, #tpu.memory_space<semaphore_mem>>)
      %dma_wait3A_73 = arith.constant 2 : i32
      %dma_wait3A_74 = arith.constant 0 : i32
      %dma_wait3A_75 = tpu.memref_slice %arg6[%dma_wait3A_73, %dma_wait3A_74] : memref<56x128xi32, #tpu.memory_space<vmem>> -> memref<1x128xi32, #tpu.memory_space<vmem>>
      %dma_wait3A_76 = tpu.memref_squeeze %dma_wait3A_75 : memref<1x128xi32, #tpu.memory_space<vmem>> -> memref<128xi32, #tpu.memory_space<vmem>>
      %dma_wait3A_77 = arith.constant 0 : i32
      %dma_wait3A_78 = arith.constant 0 : i32
      %dma_wait3A_79 = tpu.memref_slice %arg2[%dma_wait3A_77, %dma_wait3A_78] : memref<20000x128xf32, #tpu.memory_space<hbm>> -> memref<20000x128xf32, #tpu.memory_space<hbm>>
      tpu.wait_indirect_dma semaphore(%arg11 : memref<!tpu.dma_semaphore, #tpu.memory_space<semaphore_mem>>) src(%dma_wait3A_79 : memref<20000x128xf32, #tpu.memory_space<hbm>>) dst(%arg8 : memref<128x128xf32, #tpu.memory_space<vmem>>)
      %run_scoped3A_80 = arith.constant 2 : i32
      "tpu.region"() ({
        %run_scoped3A_869 = tpu.sem_alloc : memref<!tpu.dma_semaphore, #tpu.memory_space<semaphore_mem>>
        %dma_start3A_870 = arith.constant 0 : i32
        %dma_start3A_871 = tpu.memref_slice %arg7[%run_scoped3A_80, %dma_start3A_870] : memref<56x128xi32, #tpu.memory_space<vmem>> -> memref<1x128xi32, #tpu.memory_space<vmem>>
        %dma_start3A_872 = tpu.memref_squeeze %dma_start3A_871 : memref<1x128xi32, #tpu.memory_space<vmem>> -> memref<128xi32, #tpu.memory_space<vmem>>
        %dma_start3A_873 = arith.constant 0 : i32
        %dma_start3A_874 = arith.constant 0 : i32
        %dma_start3A_875 = tpu.memref_slice %arg10[%dma_start3A_873, %dma_start3A_874] : memref<10240x128xf32, #tpu.memory_space<vmem_shared>> -> memref<10240x128xf32, #tpu.memory_space<vmem_shared>>
        tpu.enqueue_indirect_dma source(%arg8 : memref<128x128xf32, #tpu.memory_space<vmem>>) target(%dma_start3A_875 : memref<10240x128xf32, #tpu.memory_space<vmem_shared>>) offsets(%dma_start3A_872 : memref<128xi32, #tpu.memory_space<vmem>>) semaphore(%run_scoped3A_869 : memref<!tpu.dma_semaphore, #tpu.memory_space<semaphore_mem>>) {add = true}
        %dma_wait3A_876 = arith.constant 0 : i32
        %dma_wait3A_877 = tpu.memref_slice %arg7[%run_scoped3A_80, %dma_wait3A_876] : memref<56x128xi32, #tpu.memory_space<vmem>> -> memref<1x128xi32, #tpu.memory_space<vmem>>
        %dma_wait3A_878 = tpu.memref_squeeze %dma_wait3A_877 : memref<1x128xi32, #tpu.memory_space<vmem>> -> memref<128xi32, #tpu.memory_space<vmem>>
        %dma_wait3A_879 = arith.constant 0 : i32
        %dma_wait3A_880 = arith.constant 0 : i32
        %dma_wait3A_881 = tpu.memref_slice %arg10[%dma_wait3A_879, %dma_wait3A_880] : memref<10240x128xf32, #tpu.memory_space<vmem_shared>> -> memref<10240x128xf32, #tpu.memory_space<vmem_shared>>
        tpu.wait_indirect_dma semaphore(%run_scoped3A_869 : memref<!tpu.dma_semaphore, #tpu.memory_space<semaphore_mem>>) src(%arg8 : memref<128x128xf32, #tpu.memory_space<vmem>>) dst(%dma_wait3A_881 : memref<10240x128xf32, #tpu.memory_space<vmem_shared>>)
        tpu.yield
      }) : () -> ()
      %dma_start3A_81 = arith.constant 4 : i32
      %dma_start3A_82 = arith.constant 0 : i32
      %dma_start3A_83 = tpu.memref_slice %arg6[%dma_start3A_81, %dma_start3A_82] : memref<56x128xi32, #tpu.memory_space<vmem>> -> memref<1x128xi32, #tpu.memory_space<vmem>>
      %dma_start3A_84 = tpu.memref_squeeze %dma_start3A_83 : memref<1x128xi32, #tpu.memory_space<vmem>> -> memref<128xi32, #tpu.memory_space<vmem>>
      %dma_start3A_85 = arith.constant 0 : i32
      %dma_start3A_86 = arith.constant 0 : i32
      %dma_start3A_87 = tpu.memref_slice %arg2[%dma_start3A_85, %dma_start3A_86] : memref<20000x128xf32, #tpu.memory_space<hbm>> -> memref<20000x128xf32, #tpu.memory_space<hbm>>
      tpu.enqueue_indirect_dma source(%dma_start3A_87 : memref<20000x128xf32, #tpu.memory_space<hbm>>) target(%arg8 : memref<128x128xf32, #tpu.memory_space<vmem>>) offsets(%dma_start3A_84 : memref<128xi32, #tpu.memory_space<vmem>>) semaphore(%arg11 : memref<!tpu.dma_semaphore, #tpu.memory_space<semaphore_mem>>)
      %dma_wait3A_88 = arith.constant 3 : i32
      %dma_wait3A_89 = arith.constant 0 : i32
      %dma_wait3A_90 = tpu.memref_slice %arg6[%dma_wait3A_88, %dma_wait3A_89] : memref<56x128xi32, #tpu.memory_space<vmem>> -> memref<1x128xi32, #tpu.memory_space<vmem>>
      %dma_wait3A_91 = tpu.memref_squeeze %dma_wait3A_90 : memref<1x128xi32, #tpu.memory_space<vmem>> -> memref<128xi32, #tpu.memory_space<vmem>>
      %dma_wait3A_92 = arith.constant 0 : i32
      %dma_wait3A_93 = arith.constant 0 : i32
      %dma_wait3A_94 = tpu.memref_slice %arg2[%dma_wait3A_92, %dma_wait3A_93] : memref<20000x128xf32, #tpu.memory_space<hbm>> -> memref<20000x128xf32, #tpu.memory_space<hbm>>
      tpu.wait_indirect_dma semaphore(%arg12 : memref<!tpu.dma_semaphore, #tpu.memory_space<semaphore_mem>>) src(%dma_wait3A_94 : memref<20000x128xf32, #tpu.memory_space<hbm>>) dst(%arg9 : memref<128x128xf32, #tpu.memory_space<vmem>>)
      %run_scoped3A_95 = arith.constant 3 : i32
      "tpu.region"() ({
        %run_scoped3A_869 = tpu.sem_alloc : memref<!tpu.dma_semaphore, #tpu.memory_space<semaphore_mem>>
        %dma_start3A_870 = arith.constant 0 : i32
        %dma_start3A_871 = tpu.memref_slice %arg7[%run_scoped3A_95, %dma_start3A_870] : memref<56x128xi32, #tpu.memory_space<vmem>> -> memref<1x128xi32, #tpu.memory_space<vmem>>
        %dma_start3A_872 = tpu.memref_squeeze %dma_start3A_871 : memref<1x128xi32, #tpu.memory_space<vmem>> -> memref<128xi32, #tpu.memory_space<vmem>>
        %dma_start3A_873 = arith.constant 0 : i32
        %dma_start3A_874 = arith.constant 0 : i32
        %dma_start3A_875 = tpu.memref_slice %arg10[%dma_start3A_873, %dma_start3A_874] : memref<10240x128xf32, #tpu.memory_space<vmem_shared>> -> memref<10240x128xf32, #tpu.memory_space<vmem_shared>>
        tpu.enqueue_indirect_dma source(%arg9 : memref<128x128xf32, #tpu.memory_space<vmem>>) target(%dma_start3A_875 : memref<10240x128xf32, #tpu.memory_space<vmem_shared>>) offsets(%dma_start3A_872 : memref<128xi32, #tpu.memory_space<vmem>>) semaphore(%run_scoped3A_869 : memref<!tpu.dma_semaphore, #tpu.memory_space<semaphore_mem>>) {add = true}
        %dma_wait3A_876 = arith.constant 0 : i32
        %dma_wait3A_877 = tpu.memref_slice %arg7[%run_scoped3A_95, %dma_wait3A_876] : memref<56x128xi32, #tpu.memory_space<vmem>> -> memref<1x128xi32, #tpu.memory_space<vmem>>
        %dma_wait3A_878 = tpu.memref_squeeze %dma_wait3A_877 : memref<1x128xi32, #tpu.memory_space<vmem>> -> memref<128xi32, #tpu.memory_space<vmem>>
        %dma_wait3A_879 = arith.constant 0 : i32
        %dma_wait3A_880 = arith.constant 0 : i32
        %dma_wait3A_881 = tpu.memref_slice %arg10[%dma_wait3A_879, %dma_wait3A_880] : memref<10240x128xf32, #tpu.memory_space<vmem_shared>> -> memref<10240x128xf32, #tpu.memory_space<vmem_shared>>
        tpu.wait_indirect_dma semaphore(%run_scoped3A_869 : memref<!tpu.dma_semaphore, #tpu.memory_space<semaphore_mem>>) src(%arg9 : memref<128x128xf32, #tpu.memory_space<vmem>>) dst(%dma_wait3A_881 : memref<10240x128xf32, #tpu.memory_space<vmem_shared>>)
        tpu.yield
      }) : () -> ()
      %dma_start3A_96 = arith.constant 5 : i32
      %dma_start3A_97 = arith.constant 0 : i32
      %dma_start3A_98 = tpu.memref_slice %arg6[%dma_start3A_96, %dma_start3A_97] : memref<56x128xi32, #tpu.memory_space<vmem>> -> memref<1x128xi32, #tpu.memory_space<vmem>>
      %dma_start3A_99 = tpu.memref_squeeze %dma_start3A_98 : memref<1x128xi32, #tpu.memory_space<vmem>> -> memref<128xi32, #tpu.memory_space<vmem>>
      %dma_start3A_100 = arith.constant 0 : i32
      %dma_start3A_101 = arith.constant 0 : i32
      %dma_start3A_102 = tpu.memref_slice %arg2[%dma_start3A_100, %dma_start3A_101] : memref<20000x128xf32, #tpu.memory_space<hbm>> -> memref<20000x128xf32, #tpu.memory_space<hbm>>
      tpu.enqueue_indirect_dma source(%dma_start3A_102 : memref<20000x128xf32, #tpu.memory_space<hbm>>) target(%arg9 : memref<128x128xf32, #tpu.memory_space<vmem>>) offsets(%dma_start3A_99 : memref<128xi32, #tpu.memory_space<vmem>>) semaphore(%arg12 : memref<!tpu.dma_semaphore, #tpu.memory_space<semaphore_mem>>)
      %dma_wait3A_103 = arith.constant 4 : i32
      %dma_wait3A_104 = arith.constant 0 : i32
      %dma_wait3A_105 = tpu.memref_slice %arg6[%dma_wait3A_103, %dma_wait3A_104] : memref<56x128xi32, #tpu.memory_space<vmem>> -> memref<1x128xi32, #tpu.memory_space<vmem>>
      %dma_wait3A_106 = tpu.memref_squeeze %dma_wait3A_105 : memref<1x128xi32, #tpu.memory_space<vmem>> -> memref<128xi32, #tpu.memory_space<vmem>>
      %dma_wait3A_107 = arith.constant 0 : i32
      %dma_wait3A_108 = arith.constant 0 : i32
      %dma_wait3A_109 = tpu.memref_slice %arg2[%dma_wait3A_107, %dma_wait3A_108] : memref<20000x128xf32, #tpu.memory_space<hbm>> -> memref<20000x128xf32, #tpu.memory_space<hbm>>
      tpu.wait_indirect_dma semaphore(%arg11 : memref<!tpu.dma_semaphore, #tpu.memory_space<semaphore_mem>>) src(%dma_wait3A_109 : memref<20000x128xf32, #tpu.memory_space<hbm>>) dst(%arg8 : memref<128x128xf32, #tpu.memory_space<vmem>>)
      %run_scoped3A_110 = arith.constant 4 : i32
      "tpu.region"() ({
        %run_scoped3A_869 = tpu.sem_alloc : memref<!tpu.dma_semaphore, #tpu.memory_space<semaphore_mem>>
        %dma_start3A_870 = arith.constant 0 : i32
        %dma_start3A_871 = tpu.memref_slice %arg7[%run_scoped3A_110, %dma_start3A_870] : memref<56x128xi32, #tpu.memory_space<vmem>> -> memref<1x128xi32, #tpu.memory_space<vmem>>
        %dma_start3A_872 = tpu.memref_squeeze %dma_start3A_871 : memref<1x128xi32, #tpu.memory_space<vmem>> -> memref<128xi32, #tpu.memory_space<vmem>>
        %dma_start3A_873 = arith.constant 0 : i32
        %dma_start3A_874 = arith.constant 0 : i32
        %dma_start3A_875 = tpu.memref_slice %arg10[%dma_start3A_873, %dma_start3A_874] : memref<10240x128xf32, #tpu.memory_space<vmem_shared>> -> memref<10240x128xf32, #tpu.memory_space<vmem_shared>>
        tpu.enqueue_indirect_dma source(%arg8 : memref<128x128xf32, #tpu.memory_space<vmem>>) target(%dma_start3A_875 : memref<10240x128xf32, #tpu.memory_space<vmem_shared>>) offsets(%dma_start3A_872 : memref<128xi32, #tpu.memory_space<vmem>>) semaphore(%run_scoped3A_869 : memref<!tpu.dma_semaphore, #tpu.memory_space<semaphore_mem>>) {add = true}
        %dma_wait3A_876 = arith.constant 0 : i32
        %dma_wait3A_877 = tpu.memref_slice %arg7[%run_scoped3A_110, %dma_wait3A_876] : memref<56x128xi32, #tpu.memory_space<vmem>> -> memref<1x128xi32, #tpu.memory_space<vmem>>
        %dma_wait3A_878 = tpu.memref_squeeze %dma_wait3A_877 : memref<1x128xi32, #tpu.memory_space<vmem>> -> memref<128xi32, #tpu.memory_space<vmem>>
        %dma_wait3A_879 = arith.constant 0 : i32
        %dma_wait3A_880 = arith.constant 0 : i32
        %dma_wait3A_881 = tpu.memref_slice %arg10[%dma_wait3A_879, %dma_wait3A_880] : memref<10240x128xf32, #tpu.memory_space<vmem_shared>> -> memref<10240x128xf32, #tpu.memory_space<vmem_shared>>
        tpu.wait_indirect_dma semaphore(%run_scoped3A_869 : memref<!tpu.dma_semaphore, #tpu.memory_space<semaphore_mem>>) src(%arg8 : memref<128x128xf32, #tpu.memory_space<vmem>>) dst(%dma_wait3A_881 : memref<10240x128xf32, #tpu.memory_space<vmem_shared>>)
        tpu.yield
      }) : () -> ()
      %dma_start3A_111 = arith.constant 6 : i32
      %dma_start3A_112 = arith.constant 0 : i32
      %dma_start3A_113 = tpu.memref_slice %arg6[%dma_start3A_111, %dma_start3A_112] : memref<56x128xi32, #tpu.memory_space<vmem>> -> memref<1x128xi32, #tpu.memory_space<vmem>>
      %dma_start3A_114 = tpu.memref_squeeze %dma_start3A_113 : memref<1x128xi32, #tpu.memory_space<vmem>> -> memref<128xi32, #tpu.memory_space<vmem>>
      %dma_start3A_115 = arith.constant 0 : i32
      %dma_start3A_116 = arith.constant 0 : i32
      %dma_start3A_117 = tpu.memref_slice %arg2[%dma_start3A_115, %dma_start3A_116] : memref<20000x128xf32, #tpu.memory_space<hbm>> -> memref<20000x128xf32, #tpu.memory_space<hbm>>
      tpu.enqueue_indirect_dma source(%dma_start3A_117 : memref<20000x128xf32, #tpu.memory_space<hbm>>) target(%arg8 : memref<128x128xf32, #tpu.memory_space<vmem>>) offsets(%dma_start3A_114 : memref<128xi32, #tpu.memory_space<vmem>>) semaphore(%arg11 : memref<!tpu.dma_semaphore, #tpu.memory_space<semaphore_mem>>)
      %dma_wait3A_118 = arith.constant 5 : i32
      %dma_wait3A_119 = arith.constant 0 : i32
      %dma_wait3A_120 = tpu.memref_slice %arg6[%dma_wait3A_118, %dma_wait3A_119] : memref<56x128xi32, #tpu.memory_space<vmem>> -> memref<1x128xi32, #tpu.memory_space<vmem>>
      %dma_wait3A_121 = tpu.memref_squeeze %dma_wait3A_120 : memref<1x128xi32, #tpu.memory_space<vmem>> -> memref<128xi32, #tpu.memory_space<vmem>>
      %dma_wait3A_122 = arith.constant 0 : i32
      %dma_wait3A_123 = arith.constant 0 : i32
      %dma_wait3A_124 = tpu.memref_slice %arg2[%dma_wait3A_122, %dma_wait3A_123] : memref<20000x128xf32, #tpu.memory_space<hbm>> -> memref<20000x128xf32, #tpu.memory_space<hbm>>
      tpu.wait_indirect_dma semaphore(%arg12 : memref<!tpu.dma_semaphore, #tpu.memory_space<semaphore_mem>>) src(%dma_wait3A_124 : memref<20000x128xf32, #tpu.memory_space<hbm>>) dst(%arg9 : memref<128x128xf32, #tpu.memory_space<vmem>>)
      %run_scoped3A_125 = arith.constant 5 : i32
      "tpu.region"() ({
        %run_scoped3A_869 = tpu.sem_alloc : memref<!tpu.dma_semaphore, #tpu.memory_space<semaphore_mem>>
        %dma_start3A_870 = arith.constant 0 : i32
        %dma_start3A_871 = tpu.memref_slice %arg7[%run_scoped3A_125, %dma_start3A_870] : memref<56x128xi32, #tpu.memory_space<vmem>> -> memref<1x128xi32, #tpu.memory_space<vmem>>
        %dma_start3A_872 = tpu.memref_squeeze %dma_start3A_871 : memref<1x128xi32, #tpu.memory_space<vmem>> -> memref<128xi32, #tpu.memory_space<vmem>>
        %dma_start3A_873 = arith.constant 0 : i32
        %dma_start3A_874 = arith.constant 0 : i32
        %dma_start3A_875 = tpu.memref_slice %arg10[%dma_start3A_873, %dma_start3A_874] : memref<10240x128xf32, #tpu.memory_space<vmem_shared>> -> memref<10240x128xf32, #tpu.memory_space<vmem_shared>>
        tpu.enqueue_indirect_dma source(%arg9 : memref<128x128xf32, #tpu.memory_space<vmem>>) target(%dma_start3A_875 : memref<10240x128xf32, #tpu.memory_space<vmem_shared>>) offsets(%dma_start3A_872 : memref<128xi32, #tpu.memory_space<vmem>>) semaphore(%run_scoped3A_869 : memref<!tpu.dma_semaphore, #tpu.memory_space<semaphore_mem>>) {add = true}
        %dma_wait3A_876 = arith.constant 0 : i32
        %dma_wait3A_877 = tpu.memref_slice %arg7[%run_scoped3A_125, %dma_wait3A_876] : memref<56x128xi32, #tpu.memory_space<vmem>> -> memref<1x128xi32, #tpu.memory_space<vmem>>
        %dma_wait3A_878 = tpu.memref_squeeze %dma_wait3A_877 : memref<1x128xi32, #tpu.memory_space<vmem>> -> memref<128xi32, #tpu.memory_space<vmem>>
        %dma_wait3A_879 = arith.constant 0 : i32
        %dma_wait3A_880 = arith.constant 0 : i32
        %dma_wait3A_881 = tpu.memref_slice %arg10[%dma_wait3A_879, %dma_wait3A_880] : memref<10240x128xf32, #tpu.memory_space<vmem_shared>> -> memref<10240x128xf32, #tpu.memory_space<vmem_shared>>
        tpu.wait_indirect_dma semaphore(%run_scoped3A_869 : memref<!tpu.dma_semaphore, #tpu.memory_space<semaphore_mem>>) src(%arg9 : memref<128x128xf32, #tpu.memory_space<vmem>>) dst(%dma_wait3A_881 : memref<10240x128xf32, #tpu.memory_space<vmem_shared>>)
        tpu.yield
      }) : () -> ()
      %dma_start3A_126 = arith.constant 7 : i32
      %dma_start3A_127 = arith.constant 0 : i32
      %dma_start3A_128 = tpu.memref_slice %arg6[%dma_start3A_126, %dma_start3A_127] : memref<56x128xi32, #tpu.memory_space<vmem>> -> memref<1x128xi32, #tpu.memory_space<vmem>>
      %dma_start3A_129 = tpu.memref_squeeze %dma_start3A_128 : memref<1x128xi32, #tpu.memory_space<vmem>> -> memref<128xi32, #tpu.memory_space<vmem>>
      %dma_start3A_130 = arith.constant 0 : i32
      %dma_start3A_131 = arith.constant 0 : i32
      %dma_start3A_132 = tpu.memref_slice %arg2[%dma_start3A_130, %dma_start3A_131] : memref<20000x128xf32, #tpu.memory_space<hbm>> -> memref<20000x128xf32, #tpu.memory_space<hbm>>
      tpu.enqueue_indirect_dma source(%dma_start3A_132 : memref<20000x128xf32, #tpu.memory_space<hbm>>) target(%arg9 : memref<128x128xf32, #tpu.memory_space<vmem>>) offsets(%dma_start3A_129 : memref<128xi32, #tpu.memory_space<vmem>>) semaphore(%arg12 : memref<!tpu.dma_semaphore, #tpu.memory_space<semaphore_mem>>)
      %dma_wait3A_133 = arith.constant 6 : i32
      %dma_wait3A_134 = arith.constant 0 : i32
      %dma_wait3A_135 = tpu.memref_slice %arg6[%dma_wait3A_133, %dma_wait3A_134] : memref<56x128xi32, #tpu.memory_space<vmem>> -> memref<1x128xi32, #tpu.memory_space<vmem>>
      %dma_wait3A_136 = tpu.memref_squeeze %dma_wait3A_135 : memref<1x128xi32, #tpu.memory_space<vmem>> -> memref<128xi32, #tpu.memory_space<vmem>>
      %dma_wait3A_137 = arith.constant 0 : i32
      %dma_wait3A_138 = arith.constant 0 : i32
      %dma_wait3A_139 = tpu.memref_slice %arg2[%dma_wait3A_137, %dma_wait3A_138] : memref<20000x128xf32, #tpu.memory_space<hbm>> -> memref<20000x128xf32, #tpu.memory_space<hbm>>
      tpu.wait_indirect_dma semaphore(%arg11 : memref<!tpu.dma_semaphore, #tpu.memory_space<semaphore_mem>>) src(%dma_wait3A_139 : memref<20000x128xf32, #tpu.memory_space<hbm>>) dst(%arg8 : memref<128x128xf32, #tpu.memory_space<vmem>>)
      %run_scoped3A_140 = arith.constant 6 : i32
      "tpu.region"() ({
        %run_scoped3A_869 = tpu.sem_alloc : memref<!tpu.dma_semaphore, #tpu.memory_space<semaphore_mem>>
        %dma_start3A_870 = arith.constant 0 : i32
        %dma_start3A_871 = tpu.memref_slice %arg7[%run_scoped3A_140, %dma_start3A_870] : memref<56x128xi32, #tpu.memory_space<vmem>> -> memref<1x128xi32, #tpu.memory_space<vmem>>
        %dma_start3A_872 = tpu.memref_squeeze %dma_start3A_871 : memref<1x128xi32, #tpu.memory_space<vmem>> -> memref<128xi32, #tpu.memory_space<vmem>>
        %dma_start3A_873 = arith.constant 0 : i32
        %dma_start3A_874 = arith.constant 0 : i32
        %dma_start3A_875 = tpu.memref_slice %arg10[%dma_start3A_873, %dma_start3A_874] : memref<10240x128xf32, #tpu.memory_space<vmem_shared>> -> memref<10240x128xf32, #tpu.memory_space<vmem_shared>>
        tpu.enqueue_indirect_dma source(%arg8 : memref<128x128xf32, #tpu.memory_space<vmem>>) target(%dma_start3A_875 : memref<10240x128xf32, #tpu.memory_space<vmem_shared>>) offsets(%dma_start3A_872 : memref<128xi32, #tpu.memory_space<vmem>>) semaphore(%run_scoped3A_869 : memref<!tpu.dma_semaphore, #tpu.memory_space<semaphore_mem>>) {add = true}
        %dma_wait3A_876 = arith.constant 0 : i32
        %dma_wait3A_877 = tpu.memref_slice %arg7[%run_scoped3A_140, %dma_wait3A_876] : memref<56x128xi32, #tpu.memory_space<vmem>> -> memref<1x128xi32, #tpu.memory_space<vmem>>
        %dma_wait3A_878 = tpu.memref_squeeze %dma_wait3A_877 : memref<1x128xi32, #tpu.memory_space<vmem>> -> memref<128xi32, #tpu.memory_space<vmem>>
        %dma_wait3A_879 = arith.constant 0 : i32
        %dma_wait3A_880 = arith.constant 0 : i32
        %dma_wait3A_881 = tpu.memref_slice %arg10[%dma_wait3A_879, %dma_wait3A_880] : memref<10240x128xf32, #tpu.memory_space<vmem_shared>> -> memref<10240x128xf32, #tpu.memory_space<vmem_shared>>
        tpu.wait_indirect_dma semaphore(%run_scoped3A_869 : memref<!tpu.dma_semaphore, #tpu.memory_space<semaphore_mem>>) src(%arg8 : memref<128x128xf32, #tpu.memory_space<vmem>>) dst(%dma_wait3A_881 : memref<10240x128xf32, #tpu.memory_space<vmem_shared>>)
        tpu.yield
      }) : () -> ()
      %dma_start3A_141 = arith.constant 8 : i32
      %dma_start3A_142 = arith.constant 0 : i32
      %dma_start3A_143 = tpu.memref_slice %arg6[%dma_start3A_141, %dma_start3A_142] : memref<56x128xi32, #tpu.memory_space<vmem>> -> memref<1x128xi32, #tpu.memory_space<vmem>>
      %dma_start3A_144 = tpu.memref_squeeze %dma_start3A_143 : memref<1x128xi32, #tpu.memory_space<vmem>> -> memref<128xi32, #tpu.memory_space<vmem>>
      %dma_start3A_145 = arith.constant 0 : i32
      %dma_start3A_146 = arith.constant 0 : i32
      %dma_start3A_147 = tpu.memref_slice %arg2[%dma_start3A_145, %dma_start3A_146] : memref<20000x128xf32, #tpu.memory_space<hbm>> -> memref<20000x128xf32, #tpu.memory_space<hbm>>
      tpu.enqueue_indirect_dma source(%dma_start3A_147 : memref<20000x128xf32, #tpu.memory_space<hbm>>) target(%arg8 : memref<128x128xf32, #tpu.memory_space<vmem>>) offsets(%dma_start3A_144 : memref<128xi32, #tpu.memory_space<vmem>>) semaphore(%arg11 : memref<!tpu.dma_semaphore, #tpu.memory_space<semaphore_mem>>)
      %dma_wait3A_148 = arith.constant 7 : i32
      %dma_wait3A_149 = arith.constant 0 : i32
      %dma_wait3A_150 = tpu.memref_slice %arg6[%dma_wait3A_148, %dma_wait3A_149] : memref<56x128xi32, #tpu.memory_space<vmem>> -> memref<1x128xi32, #tpu.memory_space<vmem>>
      %dma_wait3A_151 = tpu.memref_squeeze %dma_wait3A_150 : memref<1x128xi32, #tpu.memory_space<vmem>> -> memref<128xi32, #tpu.memory_space<vmem>>
      %dma_wait3A_152 = arith.constant 0 : i32
      %dma_wait3A_153 = arith.constant 0 : i32
      %dma_wait3A_154 = tpu.memref_slice %arg2[%dma_wait3A_152, %dma_wait3A_153] : memref<20000x128xf32, #tpu.memory_space<hbm>> -> memref<20000x128xf32, #tpu.memory_space<hbm>>
      tpu.wait_indirect_dma semaphore(%arg12 : memref<!tpu.dma_semaphore, #tpu.memory_space<semaphore_mem>>) src(%dma_wait3A_154 : memref<20000x128xf32, #tpu.memory_space<hbm>>) dst(%arg9 : memref<128x128xf32, #tpu.memory_space<vmem>>)
      %run_scoped3A_155 = arith.constant 7 : i32
      "tpu.region"() ({
        %run_scoped3A_869 = tpu.sem_alloc : memref<!tpu.dma_semaphore, #tpu.memory_space<semaphore_mem>>
        %dma_start3A_870 = arith.constant 0 : i32
        %dma_start3A_871 = tpu.memref_slice %arg7[%run_scoped3A_155, %dma_start3A_870] : memref<56x128xi32, #tpu.memory_space<vmem>> -> memref<1x128xi32, #tpu.memory_space<vmem>>
        %dma_start3A_872 = tpu.memref_squeeze %dma_start3A_871 : memref<1x128xi32, #tpu.memory_space<vmem>> -> memref<128xi32, #tpu.memory_space<vmem>>
        %dma_start3A_873 = arith.constant 0 : i32
        %dma_start3A_874 = arith.constant 0 : i32
        %dma_start3A_875 = tpu.memref_slice %arg10[%dma_start3A_873, %dma_start3A_874] : memref<10240x128xf32, #tpu.memory_space<vmem_shared>> -> memref<10240x128xf32, #tpu.memory_space<vmem_shared>>
        tpu.enqueue_indirect_dma source(%arg9 : memref<128x128xf32, #tpu.memory_space<vmem>>) target(%dma_start3A_875 : memref<10240x128xf32, #tpu.memory_space<vmem_shared>>) offsets(%dma_start3A_872 : memref<128xi32, #tpu.memory_space<vmem>>) semaphore(%run_scoped3A_869 : memref<!tpu.dma_semaphore, #tpu.memory_space<semaphore_mem>>) {add = true}
        %dma_wait3A_876 = arith.constant 0 : i32
        %dma_wait3A_877 = tpu.memref_slice %arg7[%run_scoped3A_155, %dma_wait3A_876] : memref<56x128xi32, #tpu.memory_space<vmem>> -> memref<1x128xi32, #tpu.memory_space<vmem>>
        %dma_wait3A_878 = tpu.memref_squeeze %dma_wait3A_877 : memref<1x128xi32, #tpu.memory_space<vmem>> -> memref<128xi32, #tpu.memory_space<vmem>>
        %dma_wait3A_879 = arith.constant 0 : i32
        %dma_wait3A_880 = arith.constant 0 : i32
        %dma_wait3A_881 = tpu.memref_slice %arg10[%dma_wait3A_879, %dma_wait3A_880] : memref<10240x128xf32, #tpu.memory_space<vmem_shared>> -> memref<10240x128xf32, #tpu.memory_space<vmem_shared>>
        tpu.wait_indirect_dma semaphore(%run_scoped3A_869 : memref<!tpu.dma_semaphore, #tpu.memory_space<semaphore_mem>>) src(%arg9 : memref<128x128xf32, #tpu.memory_space<vmem>>) dst(%dma_wait3A_881 : memref<10240x128xf32, #tpu.memory_space<vmem_shared>>)
        tpu.yield
      }) : () -> ()
      %dma_start3A_156 = arith.constant 9 : i32
      %dma_start3A_157 = arith.constant 0 : i32
      %dma_start3A_158 = tpu.memref_slice %arg6[%dma_start3A_156, %dma_start3A_157] : memref<56x128xi32, #tpu.memory_space<vmem>> -> memref<1x128xi32, #tpu.memory_space<vmem>>
      %dma_start3A_159 = tpu.memref_squeeze %dma_start3A_158 : memref<1x128xi32, #tpu.memory_space<vmem>> -> memref<128xi32, #tpu.memory_space<vmem>>
      %dma_start3A_160 = arith.constant 0 : i32
      %dma_start3A_161 = arith.constant 0 : i32
      %dma_start3A_162 = tpu.memref_slice %arg2[%dma_start3A_160, %dma_start3A_161] : memref<20000x128xf32, #tpu.memory_space<hbm>> -> memref<20000x128xf32, #tpu.memory_space<hbm>>
      tpu.enqueue_indirect_dma source(%dma_start3A_162 : memref<20000x128xf32, #tpu.memory_space<hbm>>) target(%arg9 : memref<128x128xf32, #tpu.memory_space<vmem>>) offsets(%dma_start3A_159 : memref<128xi32, #tpu.memory_space<vmem>>) semaphore(%arg12 : memref<!tpu.dma_semaphore, #tpu.memory_space<semaphore_mem>>)
      %dma_wait3A_163 = arith.constant 8 : i32
      %dma_wait3A_164 = arith.constant 0 : i32
      %dma_wait3A_165 = tpu.memref_slice %arg6[%dma_wait3A_163, %dma_wait3A_164] : memref<56x128xi32, #tpu.memory_space<vmem>> -> memref<1x128xi32, #tpu.memory_space<vmem>>
      %dma_wait3A_166 = tpu.memref_squeeze %dma_wait3A_165 : memref<1x128xi32, #tpu.memory_space<vmem>> -> memref<128xi32, #tpu.memory_space<vmem>>
      %dma_wait3A_167 = arith.constant 0 : i32
      %dma_wait3A_168 = arith.constant 0 : i32
      %dma_wait3A_169 = tpu.memref_slice %arg2[%dma_wait3A_167, %dma_wait3A_168] : memref<20000x128xf32, #tpu.memory_space<hbm>> -> memref<20000x128xf32, #tpu.memory_space<hbm>>
      tpu.wait_indirect_dma semaphore(%arg11 : memref<!tpu.dma_semaphore, #tpu.memory_space<semaphore_mem>>) src(%dma_wait3A_169 : memref<20000x128xf32, #tpu.memory_space<hbm>>) dst(%arg8 : memref<128x128xf32, #tpu.memory_space<vmem>>)
      %run_scoped3A_170 = arith.constant 8 : i32
      "tpu.region"() ({
        %run_scoped3A_869 = tpu.sem_alloc : memref<!tpu.dma_semaphore, #tpu.memory_space<semaphore_mem>>
        %dma_start3A_870 = arith.constant 0 : i32
        %dma_start3A_871 = tpu.memref_slice %arg7[%run_scoped3A_170, %dma_start3A_870] : memref<56x128xi32, #tpu.memory_space<vmem>> -> memref<1x128xi32, #tpu.memory_space<vmem>>
        %dma_start3A_872 = tpu.memref_squeeze %dma_start3A_871 : memref<1x128xi32, #tpu.memory_space<vmem>> -> memref<128xi32, #tpu.memory_space<vmem>>
        %dma_start3A_873 = arith.constant 0 : i32
        %dma_start3A_874 = arith.constant 0 : i32
        %dma_start3A_875 = tpu.memref_slice %arg10[%dma_start3A_873, %dma_start3A_874] : memref<10240x128xf32, #tpu.memory_space<vmem_shared>> -> memref<10240x128xf32, #tpu.memory_space<vmem_shared>>
        tpu.enqueue_indirect_dma source(%arg8 : memref<128x128xf32, #tpu.memory_space<vmem>>) target(%dma_start3A_875 : memref<10240x128xf32, #tpu.memory_space<vmem_shared>>) offsets(%dma_start3A_872 : memref<128xi32, #tpu.memory_space<vmem>>) semaphore(%run_scoped3A_869 : memref<!tpu.dma_semaphore, #tpu.memory_space<semaphore_mem>>) {add = true}
        %dma_wait3A_876 = arith.constant 0 : i32
        %dma_wait3A_877 = tpu.memref_slice %arg7[%run_scoped3A_170, %dma_wait3A_876] : memref<56x128xi32, #tpu.memory_space<vmem>> -> memref<1x128xi32, #tpu.memory_space<vmem>>
        %dma_wait3A_878 = tpu.memref_squeeze %dma_wait3A_877 : memref<1x128xi32, #tpu.memory_space<vmem>> -> memref<128xi32, #tpu.memory_space<vmem>>
        %dma_wait3A_879 = arith.constant 0 : i32
        %dma_wait3A_880 = arith.constant 0 : i32
        %dma_wait3A_881 = tpu.memref_slice %arg10[%dma_wait3A_879, %dma_wait3A_880] : memref<10240x128xf32, #tpu.memory_space<vmem_shared>> -> memref<10240x128xf32, #tpu.memory_space<vmem_shared>>
        tpu.wait_indirect_dma semaphore(%run_scoped3A_869 : memref<!tpu.dma_semaphore, #tpu.memory_space<semaphore_mem>>) src(%arg8 : memref<128x128xf32, #tpu.memory_space<vmem>>) dst(%dma_wait3A_881 : memref<10240x128xf32, #tpu.memory_space<vmem_shared>>)
        tpu.yield
      }) : () -> ()
      %dma_start3A_171 = arith.constant 10 : i32
      %dma_start3A_172 = arith.constant 0 : i32
      %dma_start3A_173 = tpu.memref_slice %arg6[%dma_start3A_171, %dma_start3A_172] : memref<56x128xi32, #tpu.memory_space<vmem>> -> memref<1x128xi32, #tpu.memory_space<vmem>>
      %dma_start3A_174 = tpu.memref_squeeze %dma_start3A_173 : memref<1x128xi32, #tpu.memory_space<vmem>> -> memref<128xi32, #tpu.memory_space<vmem>>
      %dma_start3A_175 = arith.constant 0 : i32
      %dma_start3A_176 = arith.constant 0 : i32
      %dma_start3A_177 = tpu.memref_slice %arg2[%dma_start3A_175, %dma_start3A_176] : memref<20000x128xf32, #tpu.memory_space<hbm>> -> memref<20000x128xf32, #tpu.memory_space<hbm>>
      tpu.enqueue_indirect_dma source(%dma_start3A_177 : memref<20000x128xf32, #tpu.memory_space<hbm>>) target(%arg8 : memref<128x128xf32, #tpu.memory_space<vmem>>) offsets(%dma_start3A_174 : memref<128xi32, #tpu.memory_space<vmem>>) semaphore(%arg11 : memref<!tpu.dma_semaphore, #tpu.memory_space<semaphore_mem>>)
      %dma_wait3A_178 = arith.constant 9 : i32
      %dma_wait3A_179 = arith.constant 0 : i32
      %dma_wait3A_180 = tpu.memref_slice %arg6[%dma_wait3A_178, %dma_wait3A_179] : memref<56x128xi32, #tpu.memory_space<vmem>> -> memref<1x128xi32, #tpu.memory_space<vmem>>
      %dma_wait3A_181 = tpu.memref_squeeze %dma_wait3A_180 : memref<1x128xi32, #tpu.memory_space<vmem>> -> memref<128xi32, #tpu.memory_space<vmem>>
      %dma_wait3A_182 = arith.constant 0 : i32
      %dma_wait3A_183 = arith.constant 0 : i32
      %dma_wait3A_184 = tpu.memref_slice %arg2[%dma_wait3A_182, %dma_wait3A_183] : memref<20000x128xf32, #tpu.memory_space<hbm>> -> memref<20000x128xf32, #tpu.memory_space<hbm>>
      tpu.wait_indirect_dma semaphore(%arg12 : memref<!tpu.dma_semaphore, #tpu.memory_space<semaphore_mem>>) src(%dma_wait3A_184 : memref<20000x128xf32, #tpu.memory_space<hbm>>) dst(%arg9 : memref<128x128xf32, #tpu.memory_space<vmem>>)
      %run_scoped3A_185 = arith.constant 9 : i32
      "tpu.region"() ({
        %run_scoped3A_869 = tpu.sem_alloc : memref<!tpu.dma_semaphore, #tpu.memory_space<semaphore_mem>>
        %dma_start3A_870 = arith.constant 0 : i32
        %dma_start3A_871 = tpu.memref_slice %arg7[%run_scoped3A_185, %dma_start3A_870] : memref<56x128xi32, #tpu.memory_space<vmem>> -> memref<1x128xi32, #tpu.memory_space<vmem>>
        %dma_start3A_872 = tpu.memref_squeeze %dma_start3A_871 : memref<1x128xi32, #tpu.memory_space<vmem>> -> memref<128xi32, #tpu.memory_space<vmem>>
        %dma_start3A_873 = arith.constant 0 : i32
        %dma_start3A_874 = arith.constant 0 : i32
        %dma_start3A_875 = tpu.memref_slice %arg10[%dma_start3A_873, %dma_start3A_874] : memref<10240x128xf32, #tpu.memory_space<vmem_shared>> -> memref<10240x128xf32, #tpu.memory_space<vmem_shared>>
        tpu.enqueue_indirect_dma source(%arg9 : memref<128x128xf32, #tpu.memory_space<vmem>>) target(%dma_start3A_875 : memref<10240x128xf32, #tpu.memory_space<vmem_shared>>) offsets(%dma_start3A_872 : memref<128xi32, #tpu.memory_space<vmem>>) semaphore(%run_scoped3A_869 : memref<!tpu.dma_semaphore, #tpu.memory_space<semaphore_mem>>) {add = true}
        %dma_wait3A_876 = arith.constant 0 : i32
        %dma_wait3A_877 = tpu.memref_slice %arg7[%run_scoped3A_185, %dma_wait3A_876] : memref<56x128xi32, #tpu.memory_space<vmem>> -> memref<1x128xi32, #tpu.memory_space<vmem>>
        %dma_wait3A_878 = tpu.memref_squeeze %dma_wait3A_877 : memref<1x128xi32, #tpu.memory_space<vmem>> -> memref<128xi32, #tpu.memory_space<vmem>>
        %dma_wait3A_879 = arith.constant 0 : i32
        %dma_wait3A_880 = arith.constant 0 : i32
        %dma_wait3A_881 = tpu.memref_slice %arg10[%dma_wait3A_879, %dma_wait3A_880] : memref<10240x128xf32, #tpu.memory_space<vmem_shared>> -> memref<10240x128xf32, #tpu.memory_space<vmem_shared>>
        tpu.wait_indirect_dma semaphore(%run_scoped3A_869 : memref<!tpu.dma_semaphore, #tpu.memory_space<semaphore_mem>>) src(%arg9 : memref<128x128xf32, #tpu.memory_space<vmem>>) dst(%dma_wait3A_881 : memref<10240x128xf32, #tpu.memory_space<vmem_shared>>)
        tpu.yield
      }) : () -> ()
      %dma_start3A_186 = arith.constant 11 : i32
      %dma_start3A_187 = arith.constant 0 : i32
      %dma_start3A_188 = tpu.memref_slice %arg6[%dma_start3A_186, %dma_start3A_187] : memref<56x128xi32, #tpu.memory_space<vmem>> -> memref<1x128xi32, #tpu.memory_space<vmem>>
      %dma_start3A_189 = tpu.memref_squeeze %dma_start3A_188 : memref<1x128xi32, #tpu.memory_space<vmem>> -> memref<128xi32, #tpu.memory_space<vmem>>
      %dma_start3A_190 = arith.constant 0 : i32
      %dma_start3A_191 = arith.constant 0 : i32
      %dma_start3A_192 = tpu.memref_slice %arg2[%dma_start3A_190, %dma_start3A_191] : memref<20000x128xf32, #tpu.memory_space<hbm>> -> memref<20000x128xf32, #tpu.memory_space<hbm>>
      tpu.enqueue_indirect_dma source(%dma_start3A_192 : memref<20000x128xf32, #tpu.memory_space<hbm>>) target(%arg9 : memref<128x128xf32, #tpu.memory_space<vmem>>) offsets(%dma_start3A_189 : memref<128xi32, #tpu.memory_space<vmem>>) semaphore(%arg12 : memref<!tpu.dma_semaphore, #tpu.memory_space<semaphore_mem>>)
      %dma_wait3A_193 = arith.constant 10 : i32
      %dma_wait3A_194 = arith.constant 0 : i32
      %dma_wait3A_195 = tpu.memref_slice %arg6[%dma_wait3A_193, %dma_wait3A_194] : memref<56x128xi32, #tpu.memory_space<vmem>> -> memref<1x128xi32, #tpu.memory_space<vmem>>
      %dma_wait3A_196 = tpu.memref_squeeze %dma_wait3A_195 : memref<1x128xi32, #tpu.memory_space<vmem>> -> memref<128xi32, #tpu.memory_space<vmem>>
      %dma_wait3A_197 = arith.constant 0 : i32
      %dma_wait3A_198 = arith.constant 0 : i32
      %dma_wait3A_199 = tpu.memref_slice %arg2[%dma_wait3A_197, %dma_wait3A_198] : memref<20000x128xf32, #tpu.memory_space<hbm>> -> memref<20000x128xf32, #tpu.memory_space<hbm>>
      tpu.wait_indirect_dma semaphore(%arg11 : memref<!tpu.dma_semaphore, #tpu.memory_space<semaphore_mem>>) src(%dma_wait3A_199 : memref<20000x128xf32, #tpu.memory_space<hbm>>) dst(%arg8 : memref<128x128xf32, #tpu.memory_space<vmem>>)
      %run_scoped3A_200 = arith.constant 10 : i32
      "tpu.region"() ({
        %run_scoped3A_869 = tpu.sem_alloc : memref<!tpu.dma_semaphore, #tpu.memory_space<semaphore_mem>>
        %dma_start3A_870 = arith.constant 0 : i32
        %dma_start3A_871 = tpu.memref_slice %arg7[%run_scoped3A_200, %dma_start3A_870] : memref<56x128xi32, #tpu.memory_space<vmem>> -> memref<1x128xi32, #tpu.memory_space<vmem>>
        %dma_start3A_872 = tpu.memref_squeeze %dma_start3A_871 : memref<1x128xi32, #tpu.memory_space<vmem>> -> memref<128xi32, #tpu.memory_space<vmem>>
        %dma_start3A_873 = arith.constant 0 : i32
        %dma_start3A_874 = arith.constant 0 : i32
        %dma_start3A_875 = tpu.memref_slice %arg10[%dma_start3A_873, %dma_start3A_874] : memref<10240x128xf32, #tpu.memory_space<vmem_shared>> -> memref<10240x128xf32, #tpu.memory_space<vmem_shared>>
        tpu.enqueue_indirect_dma source(%arg8 : memref<128x128xf32, #tpu.memory_space<vmem>>) target(%dma_start3A_875 : memref<10240x128xf32, #tpu.memory_space<vmem_shared>>) offsets(%dma_start3A_872 : memref<128xi32, #tpu.memory_space<vmem>>) semaphore(%run_scoped3A_869 : memref<!tpu.dma_semaphore, #tpu.memory_space<semaphore_mem>>) {add = true}
        %dma_wait3A_876 = arith.constant 0 : i32
        %dma_wait3A_877 = tpu.memref_slice %arg7[%run_scoped3A_200, %dma_wait3A_876] : memref<56x128xi32, #tpu.memory_space<vmem>> -> memref<1x128xi32, #tpu.memory_space<vmem>>
        %dma_wait3A_878 = tpu.memref_squeeze %dma_wait3A_877 : memref<1x128xi32, #tpu.memory_space<vmem>> -> memref<128xi32, #tpu.memory_space<vmem>>
        %dma_wait3A_879 = arith.constant 0 : i32
        %dma_wait3A_880 = arith.constant 0 : i32
        %dma_wait3A_881 = tpu.memref_slice %arg10[%dma_wait3A_879, %dma_wait3A_880] : memref<10240x128xf32, #tpu.memory_space<vmem_shared>> -> memref<10240x128xf32, #tpu.memory_space<vmem_shared>>
        tpu.wait_indirect_dma semaphore(%run_scoped3A_869 : memref<!tpu.dma_semaphore, #tpu.memory_space<semaphore_mem>>) src(%arg8 : memref<128x128xf32, #tpu.memory_space<vmem>>) dst(%dma_wait3A_881 : memref<10240x128xf32, #tpu.memory_space<vmem_shared>>)
        tpu.yield
      }) : () -> ()
      %dma_start3A_201 = arith.constant 12 : i32
      %dma_start3A_202 = arith.constant 0 : i32
      %dma_start3A_203 = tpu.memref_slice %arg6[%dma_start3A_201, %dma_start3A_202] : memref<56x128xi32, #tpu.memory_space<vmem>> -> memref<1x128xi32, #tpu.memory_space<vmem>>
      %dma_start3A_204 = tpu.memref_squeeze %dma_start3A_203 : memref<1x128xi32, #tpu.memory_space<vmem>> -> memref<128xi32, #tpu.memory_space<vmem>>
      %dma_start3A_205 = arith.constant 0 : i32
      %dma_start3A_206 = arith.constant 0 : i32
      %dma_start3A_207 = tpu.memref_slice %arg2[%dma_start3A_205, %dma_start3A_206] : memref<20000x128xf32, #tpu.memory_space<hbm>> -> memref<20000x128xf32, #tpu.memory_space<hbm>>
      tpu.enqueue_indirect_dma source(%dma_start3A_207 : memref<20000x128xf32, #tpu.memory_space<hbm>>) target(%arg8 : memref<128x128xf32, #tpu.memory_space<vmem>>) offsets(%dma_start3A_204 : memref<128xi32, #tpu.memory_space<vmem>>) semaphore(%arg11 : memref<!tpu.dma_semaphore, #tpu.memory_space<semaphore_mem>>)
      %dma_wait3A_208 = arith.constant 11 : i32
      %dma_wait3A_209 = arith.constant 0 : i32
      %dma_wait3A_210 = tpu.memref_slice %arg6[%dma_wait3A_208, %dma_wait3A_209] : memref<56x128xi32, #tpu.memory_space<vmem>> -> memref<1x128xi32, #tpu.memory_space<vmem>>
      %dma_wait3A_211 = tpu.memref_squeeze %dma_wait3A_210 : memref<1x128xi32, #tpu.memory_space<vmem>> -> memref<128xi32, #tpu.memory_space<vmem>>
      %dma_wait3A_212 = arith.constant 0 : i32
      %dma_wait3A_213 = arith.constant 0 : i32
      %dma_wait3A_214 = tpu.memref_slice %arg2[%dma_wait3A_212, %dma_wait3A_213] : memref<20000x128xf32, #tpu.memory_space<hbm>> -> memref<20000x128xf32, #tpu.memory_space<hbm>>
      tpu.wait_indirect_dma semaphore(%arg12 : memref<!tpu.dma_semaphore, #tpu.memory_space<semaphore_mem>>) src(%dma_wait3A_214 : memref<20000x128xf32, #tpu.memory_space<hbm>>) dst(%arg9 : memref<128x128xf32, #tpu.memory_space<vmem>>)
      %run_scoped3A_215 = arith.constant 11 : i32
      "tpu.region"() ({
        %run_scoped3A_869 = tpu.sem_alloc : memref<!tpu.dma_semaphore, #tpu.memory_space<semaphore_mem>>
        %dma_start3A_870 = arith.constant 0 : i32
        %dma_start3A_871 = tpu.memref_slice %arg7[%run_scoped3A_215, %dma_start3A_870] : memref<56x128xi32, #tpu.memory_space<vmem>> -> memref<1x128xi32, #tpu.memory_space<vmem>>
        %dma_start3A_872 = tpu.memref_squeeze %dma_start3A_871 : memref<1x128xi32, #tpu.memory_space<vmem>> -> memref<128xi32, #tpu.memory_space<vmem>>
        %dma_start3A_873 = arith.constant 0 : i32
        %dma_start3A_874 = arith.constant 0 : i32
        %dma_start3A_875 = tpu.memref_slice %arg10[%dma_start3A_873, %dma_start3A_874] : memref<10240x128xf32, #tpu.memory_space<vmem_shared>> -> memref<10240x128xf32, #tpu.memory_space<vmem_shared>>
        tpu.enqueue_indirect_dma source(%arg9 : memref<128x128xf32, #tpu.memory_space<vmem>>) target(%dma_start3A_875 : memref<10240x128xf32, #tpu.memory_space<vmem_shared>>) offsets(%dma_start3A_872 : memref<128xi32, #tpu.memory_space<vmem>>) semaphore(%run_scoped3A_869 : memref<!tpu.dma_semaphore, #tpu.memory_space<semaphore_mem>>) {add = true}
        %dma_wait3A_876 = arith.constant 0 : i32
        %dma_wait3A_877 = tpu.memref_slice %arg7[%run_scoped3A_215, %dma_wait3A_876] : memref<56x128xi32, #tpu.memory_space<vmem>> -> memref<1x128xi32, #tpu.memory_space<vmem>>
        %dma_wait3A_878 = tpu.memref_squeeze %dma_wait3A_877 : memref<1x128xi32, #tpu.memory_space<vmem>> -> memref<128xi32, #tpu.memory_space<vmem>>
        %dma_wait3A_879 = arith.constant 0 : i32
        %dma_wait3A_880 = arith.constant 0 : i32
        %dma_wait3A_881 = tpu.memref_slice %arg10[%dma_wait3A_879, %dma_wait3A_880] : memref<10240x128xf32, #tpu.memory_space<vmem_shared>> -> memref<10240x128xf32, #tpu.memory_space<vmem_shared>>
        tpu.wait_indirect_dma semaphore(%run_scoped3A_869 : memref<!tpu.dma_semaphore, #tpu.memory_space<semaphore_mem>>) src(%arg9 : memref<128x128xf32, #tpu.memory_space<vmem>>) dst(%dma_wait3A_881 : memref<10240x128xf32, #tpu.memory_space<vmem_shared>>)
        tpu.yield
      }) : () -> ()
      %dma_start3A_216 = arith.constant 13 : i32
      %dma_start3A_217 = arith.constant 0 : i32
      %dma_start3A_218 = tpu.memref_slice %arg6[%dma_start3A_216, %dma_start3A_217] : memref<56x128xi32, #tpu.memory_space<vmem>> -> memref<1x128xi32, #tpu.memory_space<vmem>>
      %dma_start3A_219 = tpu.memref_squeeze %dma_start3A_218 : memref<1x128xi32, #tpu.memory_space<vmem>> -> memref<128xi32, #tpu.memory_space<vmem>>
      %dma_start3A_220 = arith.constant 0 : i32
      %dma_start3A_221 = arith.constant 0 : i32
      %dma_start3A_222 = tpu.memref_slice %arg2[%dma_start3A_220, %dma_start3A_221] : memref<20000x128xf32, #tpu.memory_space<hbm>> -> memref<20000x128xf32, #tpu.memory_space<hbm>>
      tpu.enqueue_indirect_dma source(%dma_start3A_222 : memref<20000x128xf32, #tpu.memory_space<hbm>>) target(%arg9 : memref<128x128xf32, #tpu.memory_space<vmem>>) offsets(%dma_start3A_219 : memref<128xi32, #tpu.memory_space<vmem>>) semaphore(%arg12 : memref<!tpu.dma_semaphore, #tpu.memory_space<semaphore_mem>>)
      %dma_wait3A_223 = arith.constant 12 : i32
      %dma_wait3A_224 = arith.constant 0 : i32
      %dma_wait3A_225 = tpu.memref_slice %arg6[%dma_wait3A_223, %dma_wait3A_224] : memref<56x128xi32, #tpu.memory_space<vmem>> -> memref<1x128xi32, #tpu.memory_space<vmem>>
      %dma_wait3A_226 = tpu.memref_squeeze %dma_wait3A_225 : memref<1x128xi32, #tpu.memory_space<vmem>> -> memref<128xi32, #tpu.memory_space<vmem>>
      %dma_wait3A_227 = arith.constant 0 : i32
      %dma_wait3A_228 = arith.constant 0 : i32
      %dma_wait3A_229 = tpu.memref_slice %arg2[%dma_wait3A_227, %dma_wait3A_228] : memref<20000x128xf32, #tpu.memory_space<hbm>> -> memref<20000x128xf32, #tpu.memory_space<hbm>>
      tpu.wait_indirect_dma semaphore(%arg11 : memref<!tpu.dma_semaphore, #tpu.memory_space<semaphore_mem>>) src(%dma_wait3A_229 : memref<20000x128xf32, #tpu.memory_space<hbm>>) dst(%arg8 : memref<128x128xf32, #tpu.memory_space<vmem>>)
      %run_scoped3A_230 = arith.constant 12 : i32
      "tpu.region"() ({
        %run_scoped3A_869 = tpu.sem_alloc : memref<!tpu.dma_semaphore, #tpu.memory_space<semaphore_mem>>
        %dma_start3A_870 = arith.constant 0 : i32
        %dma_start3A_871 = tpu.memref_slice %arg7[%run_scoped3A_230, %dma_start3A_870] : memref<56x128xi32, #tpu.memory_space<vmem>> -> memref<1x128xi32, #tpu.memory_space<vmem>>
        %dma_start3A_872 = tpu.memref_squeeze %dma_start3A_871 : memref<1x128xi32, #tpu.memory_space<vmem>> -> memref<128xi32, #tpu.memory_space<vmem>>
        %dma_start3A_873 = arith.constant 0 : i32
        %dma_start3A_874 = arith.constant 0 : i32
        %dma_start3A_875 = tpu.memref_slice %arg10[%dma_start3A_873, %dma_start3A_874] : memref<10240x128xf32, #tpu.memory_space<vmem_shared>> -> memref<10240x128xf32, #tpu.memory_space<vmem_shared>>
        tpu.enqueue_indirect_dma source(%arg8 : memref<128x128xf32, #tpu.memory_space<vmem>>) target(%dma_start3A_875 : memref<10240x128xf32, #tpu.memory_space<vmem_shared>>) offsets(%dma_start3A_872 : memref<128xi32, #tpu.memory_space<vmem>>) semaphore(%run_scoped3A_869 : memref<!tpu.dma_semaphore, #tpu.memory_space<semaphore_mem>>) {add = true}
        %dma_wait3A_876 = arith.constant 0 : i32
        %dma_wait3A_877 = tpu.memref_slice %arg7[%run_scoped3A_230, %dma_wait3A_876] : memref<56x128xi32, #tpu.memory_space<vmem>> -> memref<1x128xi32, #tpu.memory_space<vmem>>
        %dma_wait3A_878 = tpu.memref_squeeze %dma_wait3A_877 : memref<1x128xi32, #tpu.memory_space<vmem>> -> memref<128xi32, #tpu.memory_space<vmem>>
        %dma_wait3A_879 = arith.constant 0 : i32
        %dma_wait3A_880 = arith.constant 0 : i32
        %dma_wait3A_881 = tpu.memref_slice %arg10[%dma_wait3A_879, %dma_wait3A_880] : memref<10240x128xf32, #tpu.memory_space<vmem_shared>> -> memref<10240x128xf32, #tpu.memory_space<vmem_shared>>
        tpu.wait_indirect_dma semaphore(%run_scoped3A_869 : memref<!tpu.dma_semaphore, #tpu.memory_space<semaphore_mem>>) src(%arg8 : memref<128x128xf32, #tpu.memory_space<vmem>>) dst(%dma_wait3A_881 : memref<10240x128xf32, #tpu.memory_space<vmem_shared>>)
        tpu.yield
      }) : () -> ()
      %dma_start3A_231 = arith.constant 14 : i32
      %dma_start3A_232 = arith.constant 0 : i32
      %dma_start3A_233 = tpu.memref_slice %arg6[%dma_start3A_231, %dma_start3A_232] : memref<56x128xi32, #tpu.memory_space<vmem>> -> memref<1x128xi32, #tpu.memory_space<vmem>>
      %dma_start3A_234 = tpu.memref_squeeze %dma_start3A_233 : memref<1x128xi32, #tpu.memory_space<vmem>> -> memref<128xi32, #tpu.memory_space<vmem>>
      %dma_start3A_235 = arith.constant 0 : i32
      %dma_start3A_236 = arith.constant 0 : i32
      %dma_start3A_237 = tpu.memref_slice %arg2[%dma_start3A_235, %dma_start3A_236] : memref<20000x128xf32, #tpu.memory_space<hbm>> -> memref<20000x128xf32, #tpu.memory_space<hbm>>
      tpu.enqueue_indirect_dma source(%dma_start3A_237 : memref<20000x128xf32, #tpu.memory_space<hbm>>) target(%arg8 : memref<128x128xf32, #tpu.memory_space<vmem>>) offsets(%dma_start3A_234 : memref<128xi32, #tpu.memory_space<vmem>>) semaphore(%arg11 : memref<!tpu.dma_semaphore, #tpu.memory_space<semaphore_mem>>)
      %dma_wait3A_238 = arith.constant 13 : i32
      %dma_wait3A_239 = arith.constant 0 : i32
      %dma_wait3A_240 = tpu.memref_slice %arg6[%dma_wait3A_238, %dma_wait3A_239] : memref<56x128xi32, #tpu.memory_space<vmem>> -> memref<1x128xi32, #tpu.memory_space<vmem>>
      %dma_wait3A_241 = tpu.memref_squeeze %dma_wait3A_240 : memref<1x128xi32, #tpu.memory_space<vmem>> -> memref<128xi32, #tpu.memory_space<vmem>>
      %dma_wait3A_242 = arith.constant 0 : i32
      %dma_wait3A_243 = arith.constant 0 : i32
      %dma_wait3A_244 = tpu.memref_slice %arg2[%dma_wait3A_242, %dma_wait3A_243] : memref<20000x128xf32, #tpu.memory_space<hbm>> -> memref<20000x128xf32, #tpu.memory_space<hbm>>
      tpu.wait_indirect_dma semaphore(%arg12 : memref<!tpu.dma_semaphore, #tpu.memory_space<semaphore_mem>>) src(%dma_wait3A_244 : memref<20000x128xf32, #tpu.memory_space<hbm>>) dst(%arg9 : memref<128x128xf32, #tpu.memory_space<vmem>>)
      %run_scoped3A_245 = arith.constant 13 : i32
      "tpu.region"() ({
        %run_scoped3A_869 = tpu.sem_alloc : memref<!tpu.dma_semaphore, #tpu.memory_space<semaphore_mem>>
        %dma_start3A_870 = arith.constant 0 : i32
        %dma_start3A_871 = tpu.memref_slice %arg7[%run_scoped3A_245, %dma_start3A_870] : memref<56x128xi32, #tpu.memory_space<vmem>> -> memref<1x128xi32, #tpu.memory_space<vmem>>
        %dma_start3A_872 = tpu.memref_squeeze %dma_start3A_871 : memref<1x128xi32, #tpu.memory_space<vmem>> -> memref<128xi32, #tpu.memory_space<vmem>>
        %dma_start3A_873 = arith.constant 0 : i32
        %dma_start3A_874 = arith.constant 0 : i32
        %dma_start3A_875 = tpu.memref_slice %arg10[%dma_start3A_873, %dma_start3A_874] : memref<10240x128xf32, #tpu.memory_space<vmem_shared>> -> memref<10240x128xf32, #tpu.memory_space<vmem_shared>>
        tpu.enqueue_indirect_dma source(%arg9 : memref<128x128xf32, #tpu.memory_space<vmem>>) target(%dma_start3A_875 : memref<10240x128xf32, #tpu.memory_space<vmem_shared>>) offsets(%dma_start3A_872 : memref<128xi32, #tpu.memory_space<vmem>>) semaphore(%run_scoped3A_869 : memref<!tpu.dma_semaphore, #tpu.memory_space<semaphore_mem>>) {add = true}
        %dma_wait3A_876 = arith.constant 0 : i32
        %dma_wait3A_877 = tpu.memref_slice %arg7[%run_scoped3A_245, %dma_wait3A_876] : memref<56x128xi32, #tpu.memory_space<vmem>> -> memref<1x128xi32, #tpu.memory_space<vmem>>
        %dma_wait3A_878 = tpu.memref_squeeze %dma_wait3A_877 : memref<1x128xi32, #tpu.memory_space<vmem>> -> memref<128xi32, #tpu.memory_space<vmem>>
        %dma_wait3A_879 = arith.constant 0 : i32
        %dma_wait3A_880 = arith.constant 0 : i32
        %dma_wait3A_881 = tpu.memref_slice %arg10[%dma_wait3A_879, %dma_wait3A_880] : memref<10240x128xf32, #tpu.memory_space<vmem_shared>> -> memref<10240x128xf32, #tpu.memory_space<vmem_shared>>
        tpu.wait_indirect_dma semaphore(%run_scoped3A_869 : memref<!tpu.dma_semaphore, #tpu.memory_space<semaphore_mem>>) src(%arg9 : memref<128x128xf32, #tpu.memory_space<vmem>>) dst(%dma_wait3A_881 : memref<10240x128xf32, #tpu.memory_space<vmem_shared>>)
        tpu.yield
      }) : () -> ()
      %dma_start3A_246 = arith.constant 15 : i32
      %dma_start3A_247 = arith.constant 0 : i32
      %dma_start3A_248 = tpu.memref_slice %arg6[%dma_start3A_246, %dma_start3A_247] : memref<56x128xi32, #tpu.memory_space<vmem>> -> memref<1x128xi32, #tpu.memory_space<vmem>>
      %dma_start3A_249 = tpu.memref_squeeze %dma_start3A_248 : memref<1x128xi32, #tpu.memory_space<vmem>> -> memref<128xi32, #tpu.memory_space<vmem>>
      %dma_start3A_250 = arith.constant 0 : i32
      %dma_start3A_251 = arith.constant 0 : i32
      %dma_start3A_252 = tpu.memref_slice %arg2[%dma_start3A_250, %dma_start3A_251] : memref<20000x128xf32, #tpu.memory_space<hbm>> -> memref<20000x128xf32, #tpu.memory_space<hbm>>
      tpu.enqueue_indirect_dma source(%dma_start3A_252 : memref<20000x128xf32, #tpu.memory_space<hbm>>) target(%arg9 : memref<128x128xf32, #tpu.memory_space<vmem>>) offsets(%dma_start3A_249 : memref<128xi32, #tpu.memory_space<vmem>>) semaphore(%arg12 : memref<!tpu.dma_semaphore, #tpu.memory_space<semaphore_mem>>)
      %dma_wait3A_253 = arith.constant 14 : i32
      %dma_wait3A_254 = arith.constant 0 : i32
      %dma_wait3A_255 = tpu.memref_slice %arg6[%dma_wait3A_253, %dma_wait3A_254] : memref<56x128xi32, #tpu.memory_space<vmem>> -> memref<1x128xi32, #tpu.memory_space<vmem>>
      %dma_wait3A_256 = tpu.memref_squeeze %dma_wait3A_255 : memref<1x128xi32, #tpu.memory_space<vmem>> -> memref<128xi32, #tpu.memory_space<vmem>>
      %dma_wait3A_257 = arith.constant 0 : i32
      %dma_wait3A_258 = arith.constant 0 : i32
      %dma_wait3A_259 = tpu.memref_slice %arg2[%dma_wait3A_257, %dma_wait3A_258] : memref<20000x128xf32, #tpu.memory_space<hbm>> -> memref<20000x128xf32, #tpu.memory_space<hbm>>
      tpu.wait_indirect_dma semaphore(%arg11 : memref<!tpu.dma_semaphore, #tpu.memory_space<semaphore_mem>>) src(%dma_wait3A_259 : memref<20000x128xf32, #tpu.memory_space<hbm>>) dst(%arg8 : memref<128x128xf32, #tpu.memory_space<vmem>>)
      %run_scoped3A_260 = arith.constant 14 : i32
      "tpu.region"() ({
        %run_scoped3A_869 = tpu.sem_alloc : memref<!tpu.dma_semaphore, #tpu.memory_space<semaphore_mem>>
        %dma_start3A_870 = arith.constant 0 : i32
        %dma_start3A_871 = tpu.memref_slice %arg7[%run_scoped3A_260, %dma_start3A_870] : memref<56x128xi32, #tpu.memory_space<vmem>> -> memref<1x128xi32, #tpu.memory_space<vmem>>
        %dma_start3A_872 = tpu.memref_squeeze %dma_start3A_871 : memref<1x128xi32, #tpu.memory_space<vmem>> -> memref<128xi32, #tpu.memory_space<vmem>>
        %dma_start3A_873 = arith.constant 0 : i32
        %dma_start3A_874 = arith.constant 0 : i32
        %dma_start3A_875 = tpu.memref_slice %arg10[%dma_start3A_873, %dma_start3A_874] : memref<10240x128xf32, #tpu.memory_space<vmem_shared>> -> memref<10240x128xf32, #tpu.memory_space<vmem_shared>>
        tpu.enqueue_indirect_dma source(%arg8 : memref<128x128xf32, #tpu.memory_space<vmem>>) target(%dma_start3A_875 : memref<10240x128xf32, #tpu.memory_space<vmem_shared>>) offsets(%dma_start3A_872 : memref<128xi32, #tpu.memory_space<vmem>>) semaphore(%run_scoped3A_869 : memref<!tpu.dma_semaphore, #tpu.memory_space<semaphore_mem>>) {add = true}
        %dma_wait3A_876 = arith.constant 0 : i32
        %dma_wait3A_877 = tpu.memref_slice %arg7[%run_scoped3A_260, %dma_wait3A_876] : memref<56x128xi32, #tpu.memory_space<vmem>> -> memref<1x128xi32, #tpu.memory_space<vmem>>
        %dma_wait3A_878 = tpu.memref_squeeze %dma_wait3A_877 : memref<1x128xi32, #tpu.memory_space<vmem>> -> memref<128xi32, #tpu.memory_space<vmem>>
        %dma_wait3A_879 = arith.constant 0 : i32
        %dma_wait3A_880 = arith.constant 0 : i32
        %dma_wait3A_881 = tpu.memref_slice %arg10[%dma_wait3A_879, %dma_wait3A_880] : memref<10240x128xf32, #tpu.memory_space<vmem_shared>> -> memref<10240x128xf32, #tpu.memory_space<vmem_shared>>
        tpu.wait_indirect_dma semaphore(%run_scoped3A_869 : memref<!tpu.dma_semaphore, #tpu.memory_space<semaphore_mem>>) src(%arg8 : memref<128x128xf32, #tpu.memory_space<vmem>>) dst(%dma_wait3A_881 : memref<10240x128xf32, #tpu.memory_space<vmem_shared>>)
        tpu.yield
      }) : () -> ()
      %dma_start3A_261 = arith.constant 16 : i32
      %dma_start3A_262 = arith.constant 0 : i32
      %dma_start3A_263 = tpu.memref_slice %arg6[%dma_start3A_261, %dma_start3A_262] : memref<56x128xi32, #tpu.memory_space<vmem>> -> memref<1x128xi32, #tpu.memory_space<vmem>>
      %dma_start3A_264 = tpu.memref_squeeze %dma_start3A_263 : memref<1x128xi32, #tpu.memory_space<vmem>> -> memref<128xi32, #tpu.memory_space<vmem>>
      %dma_start3A_265 = arith.constant 0 : i32
      %dma_start3A_266 = arith.constant 0 : i32
      %dma_start3A_267 = tpu.memref_slice %arg2[%dma_start3A_265, %dma_start3A_266] : memref<20000x128xf32, #tpu.memory_space<hbm>> -> memref<20000x128xf32, #tpu.memory_space<hbm>>
      tpu.enqueue_indirect_dma source(%dma_start3A_267 : memref<20000x128xf32, #tpu.memory_space<hbm>>) target(%arg8 : memref<128x128xf32, #tpu.memory_space<vmem>>) offsets(%dma_start3A_264 : memref<128xi32, #tpu.memory_space<vmem>>) semaphore(%arg11 : memref<!tpu.dma_semaphore, #tpu.memory_space<semaphore_mem>>)
      %dma_wait3A_268 = arith.constant 15 : i32
      %dma_wait3A_269 = arith.constant 0 : i32
      %dma_wait3A_270 = tpu.memref_slice %arg6[%dma_wait3A_268, %dma_wait3A_269] : memref<56x128xi32, #tpu.memory_space<vmem>> -> memref<1x128xi32, #tpu.memory_space<vmem>>
      %dma_wait3A_271 = tpu.memref_squeeze %dma_wait3A_270 : memref<1x128xi32, #tpu.memory_space<vmem>> -> memref<128xi32, #tpu.memory_space<vmem>>
      %dma_wait3A_272 = arith.constant 0 : i32
      %dma_wait3A_273 = arith.constant 0 : i32
      %dma_wait3A_274 = tpu.memref_slice %arg2[%dma_wait3A_272, %dma_wait3A_273] : memref<20000x128xf32, #tpu.memory_space<hbm>> -> memref<20000x128xf32, #tpu.memory_space<hbm>>
      tpu.wait_indirect_dma semaphore(%arg12 : memref<!tpu.dma_semaphore, #tpu.memory_space<semaphore_mem>>) src(%dma_wait3A_274 : memref<20000x128xf32, #tpu.memory_space<hbm>>) dst(%arg9 : memref<128x128xf32, #tpu.memory_space<vmem>>)
      %run_scoped3A_275 = arith.constant 15 : i32
      "tpu.region"() ({
        %run_scoped3A_869 = tpu.sem_alloc : memref<!tpu.dma_semaphore, #tpu.memory_space<semaphore_mem>>
        %dma_start3A_870 = arith.constant 0 : i32
        %dma_start3A_871 = tpu.memref_slice %arg7[%run_scoped3A_275, %dma_start3A_870] : memref<56x128xi32, #tpu.memory_space<vmem>> -> memref<1x128xi32, #tpu.memory_space<vmem>>
        %dma_start3A_872 = tpu.memref_squeeze %dma_start3A_871 : memref<1x128xi32, #tpu.memory_space<vmem>> -> memref<128xi32, #tpu.memory_space<vmem>>
        %dma_start3A_873 = arith.constant 0 : i32
        %dma_start3A_874 = arith.constant 0 : i32
        %dma_start3A_875 = tpu.memref_slice %arg10[%dma_start3A_873, %dma_start3A_874] : memref<10240x128xf32, #tpu.memory_space<vmem_shared>> -> memref<10240x128xf32, #tpu.memory_space<vmem_shared>>
        tpu.enqueue_indirect_dma source(%arg9 : memref<128x128xf32, #tpu.memory_space<vmem>>) target(%dma_start3A_875 : memref<10240x128xf32, #tpu.memory_space<vmem_shared>>) offsets(%dma_start3A_872 : memref<128xi32, #tpu.memory_space<vmem>>) semaphore(%run_scoped3A_869 : memref<!tpu.dma_semaphore, #tpu.memory_space<semaphore_mem>>) {add = true}
        %dma_wait3A_876 = arith.constant 0 : i32
        %dma_wait3A_877 = tpu.memref_slice %arg7[%run_scoped3A_275, %dma_wait3A_876] : memref<56x128xi32, #tpu.memory_space<vmem>> -> memref<1x128xi32, #tpu.memory_space<vmem>>
        %dma_wait3A_878 = tpu.memref_squeeze %dma_wait3A_877 : memref<1x128xi32, #tpu.memory_space<vmem>> -> memref<128xi32, #tpu.memory_space<vmem>>
        %dma_wait3A_879 = arith.constant 0 : i32
        %dma_wait3A_880 = arith.constant 0 : i32
        %dma_wait3A_881 = tpu.memref_slice %arg10[%dma_wait3A_879, %dma_wait3A_880] : memref<10240x128xf32, #tpu.memory_space<vmem_shared>> -> memref<10240x128xf32, #tpu.memory_space<vmem_shared>>
        tpu.wait_indirect_dma semaphore(%run_scoped3A_869 : memref<!tpu.dma_semaphore, #tpu.memory_space<semaphore_mem>>) src(%arg9 : memref<128x128xf32, #tpu.memory_space<vmem>>) dst(%dma_wait3A_881 : memref<10240x128xf32, #tpu.memory_space<vmem_shared>>)
        tpu.yield
      }) : () -> ()
      %dma_start3A_276 = arith.constant 17 : i32
      %dma_start3A_277 = arith.constant 0 : i32
      %dma_start3A_278 = tpu.memref_slice %arg6[%dma_start3A_276, %dma_start3A_277] : memref<56x128xi32, #tpu.memory_space<vmem>> -> memref<1x128xi32, #tpu.memory_space<vmem>>
      %dma_start3A_279 = tpu.memref_squeeze %dma_start3A_278 : memref<1x128xi32, #tpu.memory_space<vmem>> -> memref<128xi32, #tpu.memory_space<vmem>>
      %dma_start3A_280 = arith.constant 0 : i32
      %dma_start3A_281 = arith.constant 0 : i32
      %dma_start3A_282 = tpu.memref_slice %arg2[%dma_start3A_280, %dma_start3A_281] : memref<20000x128xf32, #tpu.memory_space<hbm>> -> memref<20000x128xf32, #tpu.memory_space<hbm>>
      tpu.enqueue_indirect_dma source(%dma_start3A_282 : memref<20000x128xf32, #tpu.memory_space<hbm>>) target(%arg9 : memref<128x128xf32, #tpu.memory_space<vmem>>) offsets(%dma_start3A_279 : memref<128xi32, #tpu.memory_space<vmem>>) semaphore(%arg12 : memref<!tpu.dma_semaphore, #tpu.memory_space<semaphore_mem>>)
      %dma_wait3A_283 = arith.constant 16 : i32
      %dma_wait3A_284 = arith.constant 0 : i32
      %dma_wait3A_285 = tpu.memref_slice %arg6[%dma_wait3A_283, %dma_wait3A_284] : memref<56x128xi32, #tpu.memory_space<vmem>> -> memref<1x128xi32, #tpu.memory_space<vmem>>
      %dma_wait3A_286 = tpu.memref_squeeze %dma_wait3A_285 : memref<1x128xi32, #tpu.memory_space<vmem>> -> memref<128xi32, #tpu.memory_space<vmem>>
      %dma_wait3A_287 = arith.constant 0 : i32
      %dma_wait3A_288 = arith.constant 0 : i32
      %dma_wait3A_289 = tpu.memref_slice %arg2[%dma_wait3A_287, %dma_wait3A_288] : memref<20000x128xf32, #tpu.memory_space<hbm>> -> memref<20000x128xf32, #tpu.memory_space<hbm>>
      tpu.wait_indirect_dma semaphore(%arg11 : memref<!tpu.dma_semaphore, #tpu.memory_space<semaphore_mem>>) src(%dma_wait3A_289 : memref<20000x128xf32, #tpu.memory_space<hbm>>) dst(%arg8 : memref<128x128xf32, #tpu.memory_space<vmem>>)
      %run_scoped3A_290 = arith.constant 16 : i32
      "tpu.region"() ({
        %run_scoped3A_869 = tpu.sem_alloc : memref<!tpu.dma_semaphore, #tpu.memory_space<semaphore_mem>>
        %dma_start3A_870 = arith.constant 0 : i32
        %dma_start3A_871 = tpu.memref_slice %arg7[%run_scoped3A_290, %dma_start3A_870] : memref<56x128xi32, #tpu.memory_space<vmem>> -> memref<1x128xi32, #tpu.memory_space<vmem>>
        %dma_start3A_872 = tpu.memref_squeeze %dma_start3A_871 : memref<1x128xi32, #tpu.memory_space<vmem>> -> memref<128xi32, #tpu.memory_space<vmem>>
        %dma_start3A_873 = arith.constant 0 : i32
        %dma_start3A_874 = arith.constant 0 : i32
        %dma_start3A_875 = tpu.memref_slice %arg10[%dma_start3A_873, %dma_start3A_874] : memref<10240x128xf32, #tpu.memory_space<vmem_shared>> -> memref<10240x128xf32, #tpu.memory_space<vmem_shared>>
        tpu.enqueue_indirect_dma source(%arg8 : memref<128x128xf32, #tpu.memory_space<vmem>>) target(%dma_start3A_875 : memref<10240x128xf32, #tpu.memory_space<vmem_shared>>) offsets(%dma_start3A_872 : memref<128xi32, #tpu.memory_space<vmem>>) semaphore(%run_scoped3A_869 : memref<!tpu.dma_semaphore, #tpu.memory_space<semaphore_mem>>) {add = true}
        %dma_wait3A_876 = arith.constant 0 : i32
        %dma_wait3A_877 = tpu.memref_slice %arg7[%run_scoped3A_290, %dma_wait3A_876] : memref<56x128xi32, #tpu.memory_space<vmem>> -> memref<1x128xi32, #tpu.memory_space<vmem>>
        %dma_wait3A_878 = tpu.memref_squeeze %dma_wait3A_877 : memref<1x128xi32, #tpu.memory_space<vmem>> -> memref<128xi32, #tpu.memory_space<vmem>>
        %dma_wait3A_879 = arith.constant 0 : i32
        %dma_wait3A_880 = arith.constant 0 : i32
        %dma_wait3A_881 = tpu.memref_slice %arg10[%dma_wait3A_879, %dma_wait3A_880] : memref<10240x128xf32, #tpu.memory_space<vmem_shared>> -> memref<10240x128xf32, #tpu.memory_space<vmem_shared>>
        tpu.wait_indirect_dma semaphore(%run_scoped3A_869 : memref<!tpu.dma_semaphore, #tpu.memory_space<semaphore_mem>>) src(%arg8 : memref<128x128xf32, #tpu.memory_space<vmem>>) dst(%dma_wait3A_881 : memref<10240x128xf32, #tpu.memory_space<vmem_shared>>)
        tpu.yield
      }) : () -> ()
      %dma_start3A_291 = arith.constant 18 : i32
      %dma_start3A_292 = arith.constant 0 : i32
      %dma_start3A_293 = tpu.memref_slice %arg6[%dma_start3A_291, %dma_start3A_292] : memref<56x128xi32, #tpu.memory_space<vmem>> -> memref<1x128xi32, #tpu.memory_space<vmem>>
      %dma_start3A_294 = tpu.memref_squeeze %dma_start3A_293 : memref<1x128xi32, #tpu.memory_space<vmem>> -> memref<128xi32, #tpu.memory_space<vmem>>
      %dma_start3A_295 = arith.constant 0 : i32
      %dma_start3A_296 = arith.constant 0 : i32
      %dma_start3A_297 = tpu.memref_slice %arg2[%dma_start3A_295, %dma_start3A_296] : memref<20000x128xf32, #tpu.memory_space<hbm>> -> memref<20000x128xf32, #tpu.memory_space<hbm>>
      tpu.enqueue_indirect_dma source(%dma_start3A_297 : memref<20000x128xf32, #tpu.memory_space<hbm>>) target(%arg8 : memref<128x128xf32, #tpu.memory_space<vmem>>) offsets(%dma_start3A_294 : memref<128xi32, #tpu.memory_space<vmem>>) semaphore(%arg11 : memref<!tpu.dma_semaphore, #tpu.memory_space<semaphore_mem>>)
      %dma_wait3A_298 = arith.constant 17 : i32
      %dma_wait3A_299 = arith.constant 0 : i32
      %dma_wait3A_300 = tpu.memref_slice %arg6[%dma_wait3A_298, %dma_wait3A_299] : memref<56x128xi32, #tpu.memory_space<vmem>> -> memref<1x128xi32, #tpu.memory_space<vmem>>
      %dma_wait3A_301 = tpu.memref_squeeze %dma_wait3A_300 : memref<1x128xi32, #tpu.memory_space<vmem>> -> memref<128xi32, #tpu.memory_space<vmem>>
      %dma_wait3A_302 = arith.constant 0 : i32
      %dma_wait3A_303 = arith.constant 0 : i32
      %dma_wait3A_304 = tpu.memref_slice %arg2[%dma_wait3A_302, %dma_wait3A_303] : memref<20000x128xf32, #tpu.memory_space<hbm>> -> memref<20000x128xf32, #tpu.memory_space<hbm>>
      tpu.wait_indirect_dma semaphore(%arg12 : memref<!tpu.dma_semaphore, #tpu.memory_space<semaphore_mem>>) src(%dma_wait3A_304 : memref<20000x128xf32, #tpu.memory_space<hbm>>) dst(%arg9 : memref<128x128xf32, #tpu.memory_space<vmem>>)
      %run_scoped3A_305 = arith.constant 17 : i32
      "tpu.region"() ({
        %run_scoped3A_869 = tpu.sem_alloc : memref<!tpu.dma_semaphore, #tpu.memory_space<semaphore_mem>>
        %dma_start3A_870 = arith.constant 0 : i32
        %dma_start3A_871 = tpu.memref_slice %arg7[%run_scoped3A_305, %dma_start3A_870] : memref<56x128xi32, #tpu.memory_space<vmem>> -> memref<1x128xi32, #tpu.memory_space<vmem>>
        %dma_start3A_872 = tpu.memref_squeeze %dma_start3A_871 : memref<1x128xi32, #tpu.memory_space<vmem>> -> memref<128xi32, #tpu.memory_space<vmem>>
        %dma_start3A_873 = arith.constant 0 : i32
        %dma_start3A_874 = arith.constant 0 : i32
        %dma_start3A_875 = tpu.memref_slice %arg10[%dma_start3A_873, %dma_start3A_874] : memref<10240x128xf32, #tpu.memory_space<vmem_shared>> -> memref<10240x128xf32, #tpu.memory_space<vmem_shared>>
        tpu.enqueue_indirect_dma source(%arg9 : memref<128x128xf32, #tpu.memory_space<vmem>>) target(%dma_start3A_875 : memref<10240x128xf32, #tpu.memory_space<vmem_shared>>) offsets(%dma_start3A_872 : memref<128xi32, #tpu.memory_space<vmem>>) semaphore(%run_scoped3A_869 : memref<!tpu.dma_semaphore, #tpu.memory_space<semaphore_mem>>) {add = true}
        %dma_wait3A_876 = arith.constant 0 : i32
        %dma_wait3A_877 = tpu.memref_slice %arg7[%run_scoped3A_305, %dma_wait3A_876] : memref<56x128xi32, #tpu.memory_space<vmem>> -> memref<1x128xi32, #tpu.memory_space<vmem>>
        %dma_wait3A_878 = tpu.memref_squeeze %dma_wait3A_877 : memref<1x128xi32, #tpu.memory_space<vmem>> -> memref<128xi32, #tpu.memory_space<vmem>>
        %dma_wait3A_879 = arith.constant 0 : i32
        %dma_wait3A_880 = arith.constant 0 : i32
        %dma_wait3A_881 = tpu.memref_slice %arg10[%dma_wait3A_879, %dma_wait3A_880] : memref<10240x128xf32, #tpu.memory_space<vmem_shared>> -> memref<10240x128xf32, #tpu.memory_space<vmem_shared>>
        tpu.wait_indirect_dma semaphore(%run_scoped3A_869 : memref<!tpu.dma_semaphore, #tpu.memory_space<semaphore_mem>>) src(%arg9 : memref<128x128xf32, #tpu.memory_space<vmem>>) dst(%dma_wait3A_881 : memref<10240x128xf32, #tpu.memory_space<vmem_shared>>)
        tpu.yield
      }) : () -> ()
      %dma_start3A_306 = arith.constant 19 : i32
      %dma_start3A_307 = arith.constant 0 : i32
      %dma_start3A_308 = tpu.memref_slice %arg6[%dma_start3A_306, %dma_start3A_307] : memref<56x128xi32, #tpu.memory_space<vmem>> -> memref<1x128xi32, #tpu.memory_space<vmem>>
      %dma_start3A_309 = tpu.memref_squeeze %dma_start3A_308 : memref<1x128xi32, #tpu.memory_space<vmem>> -> memref<128xi32, #tpu.memory_space<vmem>>
      %dma_start3A_310 = arith.constant 0 : i32
      %dma_start3A_311 = arith.constant 0 : i32
      %dma_start3A_312 = tpu.memref_slice %arg2[%dma_start3A_310, %dma_start3A_311] : memref<20000x128xf32, #tpu.memory_space<hbm>> -> memref<20000x128xf32, #tpu.memory_space<hbm>>
      tpu.enqueue_indirect_dma source(%dma_start3A_312 : memref<20000x128xf32, #tpu.memory_space<hbm>>) target(%arg9 : memref<128x128xf32, #tpu.memory_space<vmem>>) offsets(%dma_start3A_309 : memref<128xi32, #tpu.memory_space<vmem>>) semaphore(%arg12 : memref<!tpu.dma_semaphore, #tpu.memory_space<semaphore_mem>>)
      %dma_wait3A_313 = arith.constant 18 : i32
      %dma_wait3A_314 = arith.constant 0 : i32
      %dma_wait3A_315 = tpu.memref_slice %arg6[%dma_wait3A_313, %dma_wait3A_314] : memref<56x128xi32, #tpu.memory_space<vmem>> -> memref<1x128xi32, #tpu.memory_space<vmem>>
      %dma_wait3A_316 = tpu.memref_squeeze %dma_wait3A_315 : memref<1x128xi32, #tpu.memory_space<vmem>> -> memref<128xi32, #tpu.memory_space<vmem>>
      %dma_wait3A_317 = arith.constant 0 : i32
      %dma_wait3A_318 = arith.constant 0 : i32
      %dma_wait3A_319 = tpu.memref_slice %arg2[%dma_wait3A_317, %dma_wait3A_318] : memref<20000x128xf32, #tpu.memory_space<hbm>> -> memref<20000x128xf32, #tpu.memory_space<hbm>>
      tpu.wait_indirect_dma semaphore(%arg11 : memref<!tpu.dma_semaphore, #tpu.memory_space<semaphore_mem>>) src(%dma_wait3A_319 : memref<20000x128xf32, #tpu.memory_space<hbm>>) dst(%arg8 : memref<128x128xf32, #tpu.memory_space<vmem>>)
      %run_scoped3A_320 = arith.constant 18 : i32
      "tpu.region"() ({
        %run_scoped3A_869 = tpu.sem_alloc : memref<!tpu.dma_semaphore, #tpu.memory_space<semaphore_mem>>
        %dma_start3A_870 = arith.constant 0 : i32
        %dma_start3A_871 = tpu.memref_slice %arg7[%run_scoped3A_320, %dma_start3A_870] : memref<56x128xi32, #tpu.memory_space<vmem>> -> memref<1x128xi32, #tpu.memory_space<vmem>>
        %dma_start3A_872 = tpu.memref_squeeze %dma_start3A_871 : memref<1x128xi32, #tpu.memory_space<vmem>> -> memref<128xi32, #tpu.memory_space<vmem>>
        %dma_start3A_873 = arith.constant 0 : i32
        %dma_start3A_874 = arith.constant 0 : i32
        %dma_start3A_875 = tpu.memref_slice %arg10[%dma_start3A_873, %dma_start3A_874] : memref<10240x128xf32, #tpu.memory_space<vmem_shared>> -> memref<10240x128xf32, #tpu.memory_space<vmem_shared>>
        tpu.enqueue_indirect_dma source(%arg8 : memref<128x128xf32, #tpu.memory_space<vmem>>) target(%dma_start3A_875 : memref<10240x128xf32, #tpu.memory_space<vmem_shared>>) offsets(%dma_start3A_872 : memref<128xi32, #tpu.memory_space<vmem>>) semaphore(%run_scoped3A_869 : memref<!tpu.dma_semaphore, #tpu.memory_space<semaphore_mem>>) {add = true}
        %dma_wait3A_876 = arith.constant 0 : i32
        %dma_wait3A_877 = tpu.memref_slice %arg7[%run_scoped3A_320, %dma_wait3A_876] : memref<56x128xi32, #tpu.memory_space<vmem>> -> memref<1x128xi32, #tpu.memory_space<vmem>>
        %dma_wait3A_878 = tpu.memref_squeeze %dma_wait3A_877 : memref<1x128xi32, #tpu.memory_space<vmem>> -> memref<128xi32, #tpu.memory_space<vmem>>
        %dma_wait3A_879 = arith.constant 0 : i32
        %dma_wait3A_880 = arith.constant 0 : i32
        %dma_wait3A_881 = tpu.memref_slice %arg10[%dma_wait3A_879, %dma_wait3A_880] : memref<10240x128xf32, #tpu.memory_space<vmem_shared>> -> memref<10240x128xf32, #tpu.memory_space<vmem_shared>>
        tpu.wait_indirect_dma semaphore(%run_scoped3A_869 : memref<!tpu.dma_semaphore, #tpu.memory_space<semaphore_mem>>) src(%arg8 : memref<128x128xf32, #tpu.memory_space<vmem>>) dst(%dma_wait3A_881 : memref<10240x128xf32, #tpu.memory_space<vmem_shared>>)
        tpu.yield
      }) : () -> ()
      %dma_start3A_321 = arith.constant 20 : i32
      %dma_start3A_322 = arith.constant 0 : i32
      %dma_start3A_323 = tpu.memref_slice %arg6[%dma_start3A_321, %dma_start3A_322] : memref<56x128xi32, #tpu.memory_space<vmem>> -> memref<1x128xi32, #tpu.memory_space<vmem>>
      %dma_start3A_324 = tpu.memref_squeeze %dma_start3A_323 : memref<1x128xi32, #tpu.memory_space<vmem>> -> memref<128xi32, #tpu.memory_space<vmem>>
      %dma_start3A_325 = arith.constant 0 : i32
      %dma_start3A_326 = arith.constant 0 : i32
      %dma_start3A_327 = tpu.memref_slice %arg2[%dma_start3A_325, %dma_start3A_326] : memref<20000x128xf32, #tpu.memory_space<hbm>> -> memref<20000x128xf32, #tpu.memory_space<hbm>>
      tpu.enqueue_indirect_dma source(%dma_start3A_327 : memref<20000x128xf32, #tpu.memory_space<hbm>>) target(%arg8 : memref<128x128xf32, #tpu.memory_space<vmem>>) offsets(%dma_start3A_324 : memref<128xi32, #tpu.memory_space<vmem>>) semaphore(%arg11 : memref<!tpu.dma_semaphore, #tpu.memory_space<semaphore_mem>>)
      %dma_wait3A_328 = arith.constant 19 : i32
      %dma_wait3A_329 = arith.constant 0 : i32
      %dma_wait3A_330 = tpu.memref_slice %arg6[%dma_wait3A_328, %dma_wait3A_329] : memref<56x128xi32, #tpu.memory_space<vmem>> -> memref<1x128xi32, #tpu.memory_space<vmem>>
      %dma_wait3A_331 = tpu.memref_squeeze %dma_wait3A_330 : memref<1x128xi32, #tpu.memory_space<vmem>> -> memref<128xi32, #tpu.memory_space<vmem>>
      %dma_wait3A_332 = arith.constant 0 : i32
      %dma_wait3A_333 = arith.constant 0 : i32
      %dma_wait3A_334 = tpu.memref_slice %arg2[%dma_wait3A_332, %dma_wait3A_333] : memref<20000x128xf32, #tpu.memory_space<hbm>> -> memref<20000x128xf32, #tpu.memory_space<hbm>>
      tpu.wait_indirect_dma semaphore(%arg12 : memref<!tpu.dma_semaphore, #tpu.memory_space<semaphore_mem>>) src(%dma_wait3A_334 : memref<20000x128xf32, #tpu.memory_space<hbm>>) dst(%arg9 : memref<128x128xf32, #tpu.memory_space<vmem>>)
      %run_scoped3A_335 = arith.constant 19 : i32
      "tpu.region"() ({
        %run_scoped3A_869 = tpu.sem_alloc : memref<!tpu.dma_semaphore, #tpu.memory_space<semaphore_mem>>
        %dma_start3A_870 = arith.constant 0 : i32
        %dma_start3A_871 = tpu.memref_slice %arg7[%run_scoped3A_335, %dma_start3A_870] : memref<56x128xi32, #tpu.memory_space<vmem>> -> memref<1x128xi32, #tpu.memory_space<vmem>>
        %dma_start3A_872 = tpu.memref_squeeze %dma_start3A_871 : memref<1x128xi32, #tpu.memory_space<vmem>> -> memref<128xi32, #tpu.memory_space<vmem>>
        %dma_start3A_873 = arith.constant 0 : i32
        %dma_start3A_874 = arith.constant 0 : i32
        %dma_start3A_875 = tpu.memref_slice %arg10[%dma_start3A_873, %dma_start3A_874] : memref<10240x128xf32, #tpu.memory_space<vmem_shared>> -> memref<10240x128xf32, #tpu.memory_space<vmem_shared>>
        tpu.enqueue_indirect_dma source(%arg9 : memref<128x128xf32, #tpu.memory_space<vmem>>) target(%dma_start3A_875 : memref<10240x128xf32, #tpu.memory_space<vmem_shared>>) offsets(%dma_start3A_872 : memref<128xi32, #tpu.memory_space<vmem>>) semaphore(%run_scoped3A_869 : memref<!tpu.dma_semaphore, #tpu.memory_space<semaphore_mem>>) {add = true}
        %dma_wait3A_876 = arith.constant 0 : i32
        %dma_wait3A_877 = tpu.memref_slice %arg7[%run_scoped3A_335, %dma_wait3A_876] : memref<56x128xi32, #tpu.memory_space<vmem>> -> memref<1x128xi32, #tpu.memory_space<vmem>>
        %dma_wait3A_878 = tpu.memref_squeeze %dma_wait3A_877 : memref<1x128xi32, #tpu.memory_space<vmem>> -> memref<128xi32, #tpu.memory_space<vmem>>
        %dma_wait3A_879 = arith.constant 0 : i32
        %dma_wait3A_880 = arith.constant 0 : i32
        %dma_wait3A_881 = tpu.memref_slice %arg10[%dma_wait3A_879, %dma_wait3A_880] : memref<10240x128xf32, #tpu.memory_space<vmem_shared>> -> memref<10240x128xf32, #tpu.memory_space<vmem_shared>>
        tpu.wait_indirect_dma semaphore(%run_scoped3A_869 : memref<!tpu.dma_semaphore, #tpu.memory_space<semaphore_mem>>) src(%arg9 : memref<128x128xf32, #tpu.memory_space<vmem>>) dst(%dma_wait3A_881 : memref<10240x128xf32, #tpu.memory_space<vmem_shared>>)
        tpu.yield
      }) : () -> ()
      %dma_start3A_336 = arith.constant 21 : i32
      %dma_start3A_337 = arith.constant 0 : i32
      %dma_start3A_338 = tpu.memref_slice %arg6[%dma_start3A_336, %dma_start3A_337] : memref<56x128xi32, #tpu.memory_space<vmem>> -> memref<1x128xi32, #tpu.memory_space<vmem>>
      %dma_start3A_339 = tpu.memref_squeeze %dma_start3A_338 : memref<1x128xi32, #tpu.memory_space<vmem>> -> memref<128xi32, #tpu.memory_space<vmem>>
      %dma_start3A_340 = arith.constant 0 : i32
      %dma_start3A_341 = arith.constant 0 : i32
      %dma_start3A_342 = tpu.memref_slice %arg2[%dma_start3A_340, %dma_start3A_341] : memref<20000x128xf32, #tpu.memory_space<hbm>> -> memref<20000x128xf32, #tpu.memory_space<hbm>>
      tpu.enqueue_indirect_dma source(%dma_start3A_342 : memref<20000x128xf32, #tpu.memory_space<hbm>>) target(%arg9 : memref<128x128xf32, #tpu.memory_space<vmem>>) offsets(%dma_start3A_339 : memref<128xi32, #tpu.memory_space<vmem>>) semaphore(%arg12 : memref<!tpu.dma_semaphore, #tpu.memory_space<semaphore_mem>>)
      %dma_wait3A_343 = arith.constant 20 : i32
      %dma_wait3A_344 = arith.constant 0 : i32
      %dma_wait3A_345 = tpu.memref_slice %arg6[%dma_wait3A_343, %dma_wait3A_344] : memref<56x128xi32, #tpu.memory_space<vmem>> -> memref<1x128xi32, #tpu.memory_space<vmem>>
      %dma_wait3A_346 = tpu.memref_squeeze %dma_wait3A_345 : memref<1x128xi32, #tpu.memory_space<vmem>> -> memref<128xi32, #tpu.memory_space<vmem>>
      %dma_wait3A_347 = arith.constant 0 : i32
      %dma_wait3A_348 = arith.constant 0 : i32
      %dma_wait3A_349 = tpu.memref_slice %arg2[%dma_wait3A_347, %dma_wait3A_348] : memref<20000x128xf32, #tpu.memory_space<hbm>> -> memref<20000x128xf32, #tpu.memory_space<hbm>>
      tpu.wait_indirect_dma semaphore(%arg11 : memref<!tpu.dma_semaphore, #tpu.memory_space<semaphore_mem>>) src(%dma_wait3A_349 : memref<20000x128xf32, #tpu.memory_space<hbm>>) dst(%arg8 : memref<128x128xf32, #tpu.memory_space<vmem>>)
      %run_scoped3A_350 = arith.constant 20 : i32
      "tpu.region"() ({
        %run_scoped3A_869 = tpu.sem_alloc : memref<!tpu.dma_semaphore, #tpu.memory_space<semaphore_mem>>
        %dma_start3A_870 = arith.constant 0 : i32
        %dma_start3A_871 = tpu.memref_slice %arg7[%run_scoped3A_350, %dma_start3A_870] : memref<56x128xi32, #tpu.memory_space<vmem>> -> memref<1x128xi32, #tpu.memory_space<vmem>>
        %dma_start3A_872 = tpu.memref_squeeze %dma_start3A_871 : memref<1x128xi32, #tpu.memory_space<vmem>> -> memref<128xi32, #tpu.memory_space<vmem>>
        %dma_start3A_873 = arith.constant 0 : i32
        %dma_start3A_874 = arith.constant 0 : i32
        %dma_start3A_875 = tpu.memref_slice %arg10[%dma_start3A_873, %dma_start3A_874] : memref<10240x128xf32, #tpu.memory_space<vmem_shared>> -> memref<10240x128xf32, #tpu.memory_space<vmem_shared>>
        tpu.enqueue_indirect_dma source(%arg8 : memref<128x128xf32, #tpu.memory_space<vmem>>) target(%dma_start3A_875 : memref<10240x128xf32, #tpu.memory_space<vmem_shared>>) offsets(%dma_start3A_872 : memref<128xi32, #tpu.memory_space<vmem>>) semaphore(%run_scoped3A_869 : memref<!tpu.dma_semaphore, #tpu.memory_space<semaphore_mem>>) {add = true}
        %dma_wait3A_876 = arith.constant 0 : i32
        %dma_wait3A_877 = tpu.memref_slice %arg7[%run_scoped3A_350, %dma_wait3A_876] : memref<56x128xi32, #tpu.memory_space<vmem>> -> memref<1x128xi32, #tpu.memory_space<vmem>>
        %dma_wait3A_878 = tpu.memref_squeeze %dma_wait3A_877 : memref<1x128xi32, #tpu.memory_space<vmem>> -> memref<128xi32, #tpu.memory_space<vmem>>
        %dma_wait3A_879 = arith.constant 0 : i32
        %dma_wait3A_880 = arith.constant 0 : i32
        %dma_wait3A_881 = tpu.memref_slice %arg10[%dma_wait3A_879, %dma_wait3A_880] : memref<10240x128xf32, #tpu.memory_space<vmem_shared>> -> memref<10240x128xf32, #tpu.memory_space<vmem_shared>>
        tpu.wait_indirect_dma semaphore(%run_scoped3A_869 : memref<!tpu.dma_semaphore, #tpu.memory_space<semaphore_mem>>) src(%arg8 : memref<128x128xf32, #tpu.memory_space<vmem>>) dst(%dma_wait3A_881 : memref<10240x128xf32, #tpu.memory_space<vmem_shared>>)
        tpu.yield
      }) : () -> ()
      %dma_start3A_351 = arith.constant 22 : i32
      %dma_start3A_352 = arith.constant 0 : i32
      %dma_start3A_353 = tpu.memref_slice %arg6[%dma_start3A_351, %dma_start3A_352] : memref<56x128xi32, #tpu.memory_space<vmem>> -> memref<1x128xi32, #tpu.memory_space<vmem>>
      %dma_start3A_354 = tpu.memref_squeeze %dma_start3A_353 : memref<1x128xi32, #tpu.memory_space<vmem>> -> memref<128xi32, #tpu.memory_space<vmem>>
      %dma_start3A_355 = arith.constant 0 : i32
      %dma_start3A_356 = arith.constant 0 : i32
      %dma_start3A_357 = tpu.memref_slice %arg2[%dma_start3A_355, %dma_start3A_356] : memref<20000x128xf32, #tpu.memory_space<hbm>> -> memref<20000x128xf32, #tpu.memory_space<hbm>>
      tpu.enqueue_indirect_dma source(%dma_start3A_357 : memref<20000x128xf32, #tpu.memory_space<hbm>>) target(%arg8 : memref<128x128xf32, #tpu.memory_space<vmem>>) offsets(%dma_start3A_354 : memref<128xi32, #tpu.memory_space<vmem>>) semaphore(%arg11 : memref<!tpu.dma_semaphore, #tpu.memory_space<semaphore_mem>>)
      %dma_wait3A_358 = arith.constant 21 : i32
      %dma_wait3A_359 = arith.constant 0 : i32
      %dma_wait3A_360 = tpu.memref_slice %arg6[%dma_wait3A_358, %dma_wait3A_359] : memref<56x128xi32, #tpu.memory_space<vmem>> -> memref<1x128xi32, #tpu.memory_space<vmem>>
      %dma_wait3A_361 = tpu.memref_squeeze %dma_wait3A_360 : memref<1x128xi32, #tpu.memory_space<vmem>> -> memref<128xi32, #tpu.memory_space<vmem>>
      %dma_wait3A_362 = arith.constant 0 : i32
      %dma_wait3A_363 = arith.constant 0 : i32
      %dma_wait3A_364 = tpu.memref_slice %arg2[%dma_wait3A_362, %dma_wait3A_363] : memref<20000x128xf32, #tpu.memory_space<hbm>> -> memref<20000x128xf32, #tpu.memory_space<hbm>>
      tpu.wait_indirect_dma semaphore(%arg12 : memref<!tpu.dma_semaphore, #tpu.memory_space<semaphore_mem>>) src(%dma_wait3A_364 : memref<20000x128xf32, #tpu.memory_space<hbm>>) dst(%arg9 : memref<128x128xf32, #tpu.memory_space<vmem>>)
      %run_scoped3A_365 = arith.constant 21 : i32
      "tpu.region"() ({
        %run_scoped3A_869 = tpu.sem_alloc : memref<!tpu.dma_semaphore, #tpu.memory_space<semaphore_mem>>
        %dma_start3A_870 = arith.constant 0 : i32
        %dma_start3A_871 = tpu.memref_slice %arg7[%run_scoped3A_365, %dma_start3A_870] : memref<56x128xi32, #tpu.memory_space<vmem>> -> memref<1x128xi32, #tpu.memory_space<vmem>>
        %dma_start3A_872 = tpu.memref_squeeze %dma_start3A_871 : memref<1x128xi32, #tpu.memory_space<vmem>> -> memref<128xi32, #tpu.memory_space<vmem>>
        %dma_start3A_873 = arith.constant 0 : i32
        %dma_start3A_874 = arith.constant 0 : i32
        %dma_start3A_875 = tpu.memref_slice %arg10[%dma_start3A_873, %dma_start3A_874] : memref<10240x128xf32, #tpu.memory_space<vmem_shared>> -> memref<10240x128xf32, #tpu.memory_space<vmem_shared>>
        tpu.enqueue_indirect_dma source(%arg9 : memref<128x128xf32, #tpu.memory_space<vmem>>) target(%dma_start3A_875 : memref<10240x128xf32, #tpu.memory_space<vmem_shared>>) offsets(%dma_start3A_872 : memref<128xi32, #tpu.memory_space<vmem>>) semaphore(%run_scoped3A_869 : memref<!tpu.dma_semaphore, #tpu.memory_space<semaphore_mem>>) {add = true}
        %dma_wait3A_876 = arith.constant 0 : i32
        %dma_wait3A_877 = tpu.memref_slice %arg7[%run_scoped3A_365, %dma_wait3A_876] : memref<56x128xi32, #tpu.memory_space<vmem>> -> memref<1x128xi32, #tpu.memory_space<vmem>>
        %dma_wait3A_878 = tpu.memref_squeeze %dma_wait3A_877 : memref<1x128xi32, #tpu.memory_space<vmem>> -> memref<128xi32, #tpu.memory_space<vmem>>
        %dma_wait3A_879 = arith.constant 0 : i32
        %dma_wait3A_880 = arith.constant 0 : i32
        %dma_wait3A_881 = tpu.memref_slice %arg10[%dma_wait3A_879, %dma_wait3A_880] : memref<10240x128xf32, #tpu.memory_space<vmem_shared>> -> memref<10240x128xf32, #tpu.memory_space<vmem_shared>>
        tpu.wait_indirect_dma semaphore(%run_scoped3A_869 : memref<!tpu.dma_semaphore, #tpu.memory_space<semaphore_mem>>) src(%arg9 : memref<128x128xf32, #tpu.memory_space<vmem>>) dst(%dma_wait3A_881 : memref<10240x128xf32, #tpu.memory_space<vmem_shared>>)
        tpu.yield
      }) : () -> ()
      %dma_start3A_366 = arith.constant 23 : i32
      %dma_start3A_367 = arith.constant 0 : i32
      %dma_start3A_368 = tpu.memref_slice %arg6[%dma_start3A_366, %dma_start3A_367] : memref<56x128xi32, #tpu.memory_space<vmem>> -> memref<1x128xi32, #tpu.memory_space<vmem>>
      %dma_start3A_369 = tpu.memref_squeeze %dma_start3A_368 : memref<1x128xi32, #tpu.memory_space<vmem>> -> memref<128xi32, #tpu.memory_space<vmem>>
      %dma_start3A_370 = arith.constant 0 : i32
      %dma_start3A_371 = arith.constant 0 : i32
      %dma_start3A_372 = tpu.memref_slice %arg2[%dma_start3A_370, %dma_start3A_371] : memref<20000x128xf32, #tpu.memory_space<hbm>> -> memref<20000x128xf32, #tpu.memory_space<hbm>>
      tpu.enqueue_indirect_dma source(%dma_start3A_372 : memref<20000x128xf32, #tpu.memory_space<hbm>>) target(%arg9 : memref<128x128xf32, #tpu.memory_space<vmem>>) offsets(%dma_start3A_369 : memref<128xi32, #tpu.memory_space<vmem>>) semaphore(%arg12 : memref<!tpu.dma_semaphore, #tpu.memory_space<semaphore_mem>>)
      %dma_wait3A_373 = arith.constant 22 : i32
      %dma_wait3A_374 = arith.constant 0 : i32
      %dma_wait3A_375 = tpu.memref_slice %arg6[%dma_wait3A_373, %dma_wait3A_374] : memref<56x128xi32, #tpu.memory_space<vmem>> -> memref<1x128xi32, #tpu.memory_space<vmem>>
      %dma_wait3A_376 = tpu.memref_squeeze %dma_wait3A_375 : memref<1x128xi32, #tpu.memory_space<vmem>> -> memref<128xi32, #tpu.memory_space<vmem>>
      %dma_wait3A_377 = arith.constant 0 : i32
      %dma_wait3A_378 = arith.constant 0 : i32
      %dma_wait3A_379 = tpu.memref_slice %arg2[%dma_wait3A_377, %dma_wait3A_378] : memref<20000x128xf32, #tpu.memory_space<hbm>> -> memref<20000x128xf32, #tpu.memory_space<hbm>>
      tpu.wait_indirect_dma semaphore(%arg11 : memref<!tpu.dma_semaphore, #tpu.memory_space<semaphore_mem>>) src(%dma_wait3A_379 : memref<20000x128xf32, #tpu.memory_space<hbm>>) dst(%arg8 : memref<128x128xf32, #tpu.memory_space<vmem>>)
      %run_scoped3A_380 = arith.constant 22 : i32
      "tpu.region"() ({
        %run_scoped3A_869 = tpu.sem_alloc : memref<!tpu.dma_semaphore, #tpu.memory_space<semaphore_mem>>
        %dma_start3A_870 = arith.constant 0 : i32
        %dma_start3A_871 = tpu.memref_slice %arg7[%run_scoped3A_380, %dma_start3A_870] : memref<56x128xi32, #tpu.memory_space<vmem>> -> memref<1x128xi32, #tpu.memory_space<vmem>>
        %dma_start3A_872 = tpu.memref_squeeze %dma_start3A_871 : memref<1x128xi32, #tpu.memory_space<vmem>> -> memref<128xi32, #tpu.memory_space<vmem>>
        %dma_start3A_873 = arith.constant 0 : i32
        %dma_start3A_874 = arith.constant 0 : i32
        %dma_start3A_875 = tpu.memref_slice %arg10[%dma_start3A_873, %dma_start3A_874] : memref<10240x128xf32, #tpu.memory_space<vmem_shared>> -> memref<10240x128xf32, #tpu.memory_space<vmem_shared>>
        tpu.enqueue_indirect_dma source(%arg8 : memref<128x128xf32, #tpu.memory_space<vmem>>) target(%dma_start3A_875 : memref<10240x128xf32, #tpu.memory_space<vmem_shared>>) offsets(%dma_start3A_872 : memref<128xi32, #tpu.memory_space<vmem>>) semaphore(%run_scoped3A_869 : memref<!tpu.dma_semaphore, #tpu.memory_space<semaphore_mem>>) {add = true}
        %dma_wait3A_876 = arith.constant 0 : i32
        %dma_wait3A_877 = tpu.memref_slice %arg7[%run_scoped3A_380, %dma_wait3A_876] : memref<56x128xi32, #tpu.memory_space<vmem>> -> memref<1x128xi32, #tpu.memory_space<vmem>>
        %dma_wait3A_878 = tpu.memref_squeeze %dma_wait3A_877 : memref<1x128xi32, #tpu.memory_space<vmem>> -> memref<128xi32, #tpu.memory_space<vmem>>
        %dma_wait3A_879 = arith.constant 0 : i32
        %dma_wait3A_880 = arith.constant 0 : i32
        %dma_wait3A_881 = tpu.memref_slice %arg10[%dma_wait3A_879, %dma_wait3A_880] : memref<10240x128xf32, #tpu.memory_space<vmem_shared>> -> memref<10240x128xf32, #tpu.memory_space<vmem_shared>>
        tpu.wait_indirect_dma semaphore(%run_scoped3A_869 : memref<!tpu.dma_semaphore, #tpu.memory_space<semaphore_mem>>) src(%arg8 : memref<128x128xf32, #tpu.memory_space<vmem>>) dst(%dma_wait3A_881 : memref<10240x128xf32, #tpu.memory_space<vmem_shared>>)
        tpu.yield
      }) : () -> ()
      %dma_start3A_381 = arith.constant 24 : i32
      %dma_start3A_382 = arith.constant 0 : i32
      %dma_start3A_383 = tpu.memref_slice %arg6[%dma_start3A_381, %dma_start3A_382] : memref<56x128xi32, #tpu.memory_space<vmem>> -> memref<1x128xi32, #tpu.memory_space<vmem>>
      %dma_start3A_384 = tpu.memref_squeeze %dma_start3A_383 : memref<1x128xi32, #tpu.memory_space<vmem>> -> memref<128xi32, #tpu.memory_space<vmem>>
      %dma_start3A_385 = arith.constant 0 : i32
      %dma_start3A_386 = arith.constant 0 : i32
      %dma_start3A_387 = tpu.memref_slice %arg2[%dma_start3A_385, %dma_start3A_386] : memref<20000x128xf32, #tpu.memory_space<hbm>> -> memref<20000x128xf32, #tpu.memory_space<hbm>>
      tpu.enqueue_indirect_dma source(%dma_start3A_387 : memref<20000x128xf32, #tpu.memory_space<hbm>>) target(%arg8 : memref<128x128xf32, #tpu.memory_space<vmem>>) offsets(%dma_start3A_384 : memref<128xi32, #tpu.memory_space<vmem>>) semaphore(%arg11 : memref<!tpu.dma_semaphore, #tpu.memory_space<semaphore_mem>>)
      %dma_wait3A_388 = arith.constant 23 : i32
      %dma_wait3A_389 = arith.constant 0 : i32
      %dma_wait3A_390 = tpu.memref_slice %arg6[%dma_wait3A_388, %dma_wait3A_389] : memref<56x128xi32, #tpu.memory_space<vmem>> -> memref<1x128xi32, #tpu.memory_space<vmem>>
      %dma_wait3A_391 = tpu.memref_squeeze %dma_wait3A_390 : memref<1x128xi32, #tpu.memory_space<vmem>> -> memref<128xi32, #tpu.memory_space<vmem>>
      %dma_wait3A_392 = arith.constant 0 : i32
      %dma_wait3A_393 = arith.constant 0 : i32
      %dma_wait3A_394 = tpu.memref_slice %arg2[%dma_wait3A_392, %dma_wait3A_393] : memref<20000x128xf32, #tpu.memory_space<hbm>> -> memref<20000x128xf32, #tpu.memory_space<hbm>>
      tpu.wait_indirect_dma semaphore(%arg12 : memref<!tpu.dma_semaphore, #tpu.memory_space<semaphore_mem>>) src(%dma_wait3A_394 : memref<20000x128xf32, #tpu.memory_space<hbm>>) dst(%arg9 : memref<128x128xf32, #tpu.memory_space<vmem>>)
      %run_scoped3A_395 = arith.constant 23 : i32
      "tpu.region"() ({
        %run_scoped3A_869 = tpu.sem_alloc : memref<!tpu.dma_semaphore, #tpu.memory_space<semaphore_mem>>
        %dma_start3A_870 = arith.constant 0 : i32
        %dma_start3A_871 = tpu.memref_slice %arg7[%run_scoped3A_395, %dma_start3A_870] : memref<56x128xi32, #tpu.memory_space<vmem>> -> memref<1x128xi32, #tpu.memory_space<vmem>>
        %dma_start3A_872 = tpu.memref_squeeze %dma_start3A_871 : memref<1x128xi32, #tpu.memory_space<vmem>> -> memref<128xi32, #tpu.memory_space<vmem>>
        %dma_start3A_873 = arith.constant 0 : i32
        %dma_start3A_874 = arith.constant 0 : i32
        %dma_start3A_875 = tpu.memref_slice %arg10[%dma_start3A_873, %dma_start3A_874] : memref<10240x128xf32, #tpu.memory_space<vmem_shared>> -> memref<10240x128xf32, #tpu.memory_space<vmem_shared>>
        tpu.enqueue_indirect_dma source(%arg9 : memref<128x128xf32, #tpu.memory_space<vmem>>) target(%dma_start3A_875 : memref<10240x128xf32, #tpu.memory_space<vmem_shared>>) offsets(%dma_start3A_872 : memref<128xi32, #tpu.memory_space<vmem>>) semaphore(%run_scoped3A_869 : memref<!tpu.dma_semaphore, #tpu.memory_space<semaphore_mem>>) {add = true}
        %dma_wait3A_876 = arith.constant 0 : i32
        %dma_wait3A_877 = tpu.memref_slice %arg7[%run_scoped3A_395, %dma_wait3A_876] : memref<56x128xi32, #tpu.memory_space<vmem>> -> memref<1x128xi32, #tpu.memory_space<vmem>>
        %dma_wait3A_878 = tpu.memref_squeeze %dma_wait3A_877 : memref<1x128xi32, #tpu.memory_space<vmem>> -> memref<128xi32, #tpu.memory_space<vmem>>
        %dma_wait3A_879 = arith.constant 0 : i32
        %dma_wait3A_880 = arith.constant 0 : i32
        %dma_wait3A_881 = tpu.memref_slice %arg10[%dma_wait3A_879, %dma_wait3A_880] : memref<10240x128xf32, #tpu.memory_space<vmem_shared>> -> memref<10240x128xf32, #tpu.memory_space<vmem_shared>>
        tpu.wait_indirect_dma semaphore(%run_scoped3A_869 : memref<!tpu.dma_semaphore, #tpu.memory_space<semaphore_mem>>) src(%arg9 : memref<128x128xf32, #tpu.memory_space<vmem>>) dst(%dma_wait3A_881 : memref<10240x128xf32, #tpu.memory_space<vmem_shared>>)
        tpu.yield
      }) : () -> ()
      %dma_start3A_396 = arith.constant 25 : i32
      %dma_start3A_397 = arith.constant 0 : i32
      %dma_start3A_398 = tpu.memref_slice %arg6[%dma_start3A_396, %dma_start3A_397] : memref<56x128xi32, #tpu.memory_space<vmem>> -> memref<1x128xi32, #tpu.memory_space<vmem>>
      %dma_start3A_399 = tpu.memref_squeeze %dma_start3A_398 : memref<1x128xi32, #tpu.memory_space<vmem>> -> memref<128xi32, #tpu.memory_space<vmem>>
      %dma_start3A_400 = arith.constant 0 : i32
      %dma_start3A_401 = arith.constant 0 : i32
      %dma_start3A_402 = tpu.memref_slice %arg2[%dma_start3A_400, %dma_start3A_401] : memref<20000x128xf32, #tpu.memory_space<hbm>> -> memref<20000x128xf32, #tpu.memory_space<hbm>>
      tpu.enqueue_indirect_dma source(%dma_start3A_402 : memref<20000x128xf32, #tpu.memory_space<hbm>>) target(%arg9 : memref<128x128xf32, #tpu.memory_space<vmem>>) offsets(%dma_start3A_399 : memref<128xi32, #tpu.memory_space<vmem>>) semaphore(%arg12 : memref<!tpu.dma_semaphore, #tpu.memory_space<semaphore_mem>>)
      %dma_wait3A_403 = arith.constant 24 : i32
      %dma_wait3A_404 = arith.constant 0 : i32
      %dma_wait3A_405 = tpu.memref_slice %arg6[%dma_wait3A_403, %dma_wait3A_404] : memref<56x128xi32, #tpu.memory_space<vmem>> -> memref<1x128xi32, #tpu.memory_space<vmem>>
      %dma_wait3A_406 = tpu.memref_squeeze %dma_wait3A_405 : memref<1x128xi32, #tpu.memory_space<vmem>> -> memref<128xi32, #tpu.memory_space<vmem>>
      %dma_wait3A_407 = arith.constant 0 : i32
      %dma_wait3A_408 = arith.constant 0 : i32
      %dma_wait3A_409 = tpu.memref_slice %arg2[%dma_wait3A_407, %dma_wait3A_408] : memref<20000x128xf32, #tpu.memory_space<hbm>> -> memref<20000x128xf32, #tpu.memory_space<hbm>>
      tpu.wait_indirect_dma semaphore(%arg11 : memref<!tpu.dma_semaphore, #tpu.memory_space<semaphore_mem>>) src(%dma_wait3A_409 : memref<20000x128xf32, #tpu.memory_space<hbm>>) dst(%arg8 : memref<128x128xf32, #tpu.memory_space<vmem>>)
      %run_scoped3A_410 = arith.constant 24 : i32
      "tpu.region"() ({
        %run_scoped3A_869 = tpu.sem_alloc : memref<!tpu.dma_semaphore, #tpu.memory_space<semaphore_mem>>
        %dma_start3A_870 = arith.constant 0 : i32
        %dma_start3A_871 = tpu.memref_slice %arg7[%run_scoped3A_410, %dma_start3A_870] : memref<56x128xi32, #tpu.memory_space<vmem>> -> memref<1x128xi32, #tpu.memory_space<vmem>>
        %dma_start3A_872 = tpu.memref_squeeze %dma_start3A_871 : memref<1x128xi32, #tpu.memory_space<vmem>> -> memref<128xi32, #tpu.memory_space<vmem>>
        %dma_start3A_873 = arith.constant 0 : i32
        %dma_start3A_874 = arith.constant 0 : i32
        %dma_start3A_875 = tpu.memref_slice %arg10[%dma_start3A_873, %dma_start3A_874] : memref<10240x128xf32, #tpu.memory_space<vmem_shared>> -> memref<10240x128xf32, #tpu.memory_space<vmem_shared>>
        tpu.enqueue_indirect_dma source(%arg8 : memref<128x128xf32, #tpu.memory_space<vmem>>) target(%dma_start3A_875 : memref<10240x128xf32, #tpu.memory_space<vmem_shared>>) offsets(%dma_start3A_872 : memref<128xi32, #tpu.memory_space<vmem>>) semaphore(%run_scoped3A_869 : memref<!tpu.dma_semaphore, #tpu.memory_space<semaphore_mem>>) {add = true}
        %dma_wait3A_876 = arith.constant 0 : i32
        %dma_wait3A_877 = tpu.memref_slice %arg7[%run_scoped3A_410, %dma_wait3A_876] : memref<56x128xi32, #tpu.memory_space<vmem>> -> memref<1x128xi32, #tpu.memory_space<vmem>>
        %dma_wait3A_878 = tpu.memref_squeeze %dma_wait3A_877 : memref<1x128xi32, #tpu.memory_space<vmem>> -> memref<128xi32, #tpu.memory_space<vmem>>
        %dma_wait3A_879 = arith.constant 0 : i32
        %dma_wait3A_880 = arith.constant 0 : i32
        %dma_wait3A_881 = tpu.memref_slice %arg10[%dma_wait3A_879, %dma_wait3A_880] : memref<10240x128xf32, #tpu.memory_space<vmem_shared>> -> memref<10240x128xf32, #tpu.memory_space<vmem_shared>>
        tpu.wait_indirect_dma semaphore(%run_scoped3A_869 : memref<!tpu.dma_semaphore, #tpu.memory_space<semaphore_mem>>) src(%arg8 : memref<128x128xf32, #tpu.memory_space<vmem>>) dst(%dma_wait3A_881 : memref<10240x128xf32, #tpu.memory_space<vmem_shared>>)
        tpu.yield
      }) : () -> ()
      %dma_start3A_411 = arith.constant 26 : i32
      %dma_start3A_412 = arith.constant 0 : i32
      %dma_start3A_413 = tpu.memref_slice %arg6[%dma_start3A_411, %dma_start3A_412] : memref<56x128xi32, #tpu.memory_space<vmem>> -> memref<1x128xi32, #tpu.memory_space<vmem>>
      %dma_start3A_414 = tpu.memref_squeeze %dma_start3A_413 : memref<1x128xi32, #tpu.memory_space<vmem>> -> memref<128xi32, #tpu.memory_space<vmem>>
      %dma_start3A_415 = arith.constant 0 : i32
      %dma_start3A_416 = arith.constant 0 : i32
      %dma_start3A_417 = tpu.memref_slice %arg2[%dma_start3A_415, %dma_start3A_416] : memref<20000x128xf32, #tpu.memory_space<hbm>> -> memref<20000x128xf32, #tpu.memory_space<hbm>>
      tpu.enqueue_indirect_dma source(%dma_start3A_417 : memref<20000x128xf32, #tpu.memory_space<hbm>>) target(%arg8 : memref<128x128xf32, #tpu.memory_space<vmem>>) offsets(%dma_start3A_414 : memref<128xi32, #tpu.memory_space<vmem>>) semaphore(%arg11 : memref<!tpu.dma_semaphore, #tpu.memory_space<semaphore_mem>>)
      %dma_wait3A_418 = arith.constant 25 : i32
      %dma_wait3A_419 = arith.constant 0 : i32
      %dma_wait3A_420 = tpu.memref_slice %arg6[%dma_wait3A_418, %dma_wait3A_419] : memref<56x128xi32, #tpu.memory_space<vmem>> -> memref<1x128xi32, #tpu.memory_space<vmem>>
      %dma_wait3A_421 = tpu.memref_squeeze %dma_wait3A_420 : memref<1x128xi32, #tpu.memory_space<vmem>> -> memref<128xi32, #tpu.memory_space<vmem>>
      %dma_wait3A_422 = arith.constant 0 : i32
      %dma_wait3A_423 = arith.constant 0 : i32
      %dma_wait3A_424 = tpu.memref_slice %arg2[%dma_wait3A_422, %dma_wait3A_423] : memref<20000x128xf32, #tpu.memory_space<hbm>> -> memref<20000x128xf32, #tpu.memory_space<hbm>>
      tpu.wait_indirect_dma semaphore(%arg12 : memref<!tpu.dma_semaphore, #tpu.memory_space<semaphore_mem>>) src(%dma_wait3A_424 : memref<20000x128xf32, #tpu.memory_space<hbm>>) dst(%arg9 : memref<128x128xf32, #tpu.memory_space<vmem>>)
      %run_scoped3A_425 = arith.constant 25 : i32
      "tpu.region"() ({
        %run_scoped3A_869 = tpu.sem_alloc : memref<!tpu.dma_semaphore, #tpu.memory_space<semaphore_mem>>
        %dma_start3A_870 = arith.constant 0 : i32
        %dma_start3A_871 = tpu.memref_slice %arg7[%run_scoped3A_425, %dma_start3A_870] : memref<56x128xi32, #tpu.memory_space<vmem>> -> memref<1x128xi32, #tpu.memory_space<vmem>>
        %dma_start3A_872 = tpu.memref_squeeze %dma_start3A_871 : memref<1x128xi32, #tpu.memory_space<vmem>> -> memref<128xi32, #tpu.memory_space<vmem>>
        %dma_start3A_873 = arith.constant 0 : i32
        %dma_start3A_874 = arith.constant 0 : i32
        %dma_start3A_875 = tpu.memref_slice %arg10[%dma_start3A_873, %dma_start3A_874] : memref<10240x128xf32, #tpu.memory_space<vmem_shared>> -> memref<10240x128xf32, #tpu.memory_space<vmem_shared>>
        tpu.enqueue_indirect_dma source(%arg9 : memref<128x128xf32, #tpu.memory_space<vmem>>) target(%dma_start3A_875 : memref<10240x128xf32, #tpu.memory_space<vmem_shared>>) offsets(%dma_start3A_872 : memref<128xi32, #tpu.memory_space<vmem>>) semaphore(%run_scoped3A_869 : memref<!tpu.dma_semaphore, #tpu.memory_space<semaphore_mem>>) {add = true}
        %dma_wait3A_876 = arith.constant 0 : i32
        %dma_wait3A_877 = tpu.memref_slice %arg7[%run_scoped3A_425, %dma_wait3A_876] : memref<56x128xi32, #tpu.memory_space<vmem>> -> memref<1x128xi32, #tpu.memory_space<vmem>>
        %dma_wait3A_878 = tpu.memref_squeeze %dma_wait3A_877 : memref<1x128xi32, #tpu.memory_space<vmem>> -> memref<128xi32, #tpu.memory_space<vmem>>
        %dma_wait3A_879 = arith.constant 0 : i32
        %dma_wait3A_880 = arith.constant 0 : i32
        %dma_wait3A_881 = tpu.memref_slice %arg10[%dma_wait3A_879, %dma_wait3A_880] : memref<10240x128xf32, #tpu.memory_space<vmem_shared>> -> memref<10240x128xf32, #tpu.memory_space<vmem_shared>>
        tpu.wait_indirect_dma semaphore(%run_scoped3A_869 : memref<!tpu.dma_semaphore, #tpu.memory_space<semaphore_mem>>) src(%arg9 : memref<128x128xf32, #tpu.memory_space<vmem>>) dst(%dma_wait3A_881 : memref<10240x128xf32, #tpu.memory_space<vmem_shared>>)
        tpu.yield
      }) : () -> ()
      %dma_start3A_426 = arith.constant 27 : i32
      %dma_start3A_427 = arith.constant 0 : i32
      %dma_start3A_428 = tpu.memref_slice %arg6[%dma_start3A_426, %dma_start3A_427] : memref<56x128xi32, #tpu.memory_space<vmem>> -> memref<1x128xi32, #tpu.memory_space<vmem>>
      %dma_start3A_429 = tpu.memref_squeeze %dma_start3A_428 : memref<1x128xi32, #tpu.memory_space<vmem>> -> memref<128xi32, #tpu.memory_space<vmem>>
      %dma_start3A_430 = arith.constant 0 : i32
      %dma_start3A_431 = arith.constant 0 : i32
      %dma_start3A_432 = tpu.memref_slice %arg2[%dma_start3A_430, %dma_start3A_431] : memref<20000x128xf32, #tpu.memory_space<hbm>> -> memref<20000x128xf32, #tpu.memory_space<hbm>>
      tpu.enqueue_indirect_dma source(%dma_start3A_432 : memref<20000x128xf32, #tpu.memory_space<hbm>>) target(%arg9 : memref<128x128xf32, #tpu.memory_space<vmem>>) offsets(%dma_start3A_429 : memref<128xi32, #tpu.memory_space<vmem>>) semaphore(%arg12 : memref<!tpu.dma_semaphore, #tpu.memory_space<semaphore_mem>>)
      %dma_wait3A_433 = arith.constant 26 : i32
      %dma_wait3A_434 = arith.constant 0 : i32
      %dma_wait3A_435 = tpu.memref_slice %arg6[%dma_wait3A_433, %dma_wait3A_434] : memref<56x128xi32, #tpu.memory_space<vmem>> -> memref<1x128xi32, #tpu.memory_space<vmem>>
      %dma_wait3A_436 = tpu.memref_squeeze %dma_wait3A_435 : memref<1x128xi32, #tpu.memory_space<vmem>> -> memref<128xi32, #tpu.memory_space<vmem>>
      %dma_wait3A_437 = arith.constant 0 : i32
      %dma_wait3A_438 = arith.constant 0 : i32
      %dma_wait3A_439 = tpu.memref_slice %arg2[%dma_wait3A_437, %dma_wait3A_438] : memref<20000x128xf32, #tpu.memory_space<hbm>> -> memref<20000x128xf32, #tpu.memory_space<hbm>>
      tpu.wait_indirect_dma semaphore(%arg11 : memref<!tpu.dma_semaphore, #tpu.memory_space<semaphore_mem>>) src(%dma_wait3A_439 : memref<20000x128xf32, #tpu.memory_space<hbm>>) dst(%arg8 : memref<128x128xf32, #tpu.memory_space<vmem>>)
      %run_scoped3A_440 = arith.constant 26 : i32
      "tpu.region"() ({
        %run_scoped3A_869 = tpu.sem_alloc : memref<!tpu.dma_semaphore, #tpu.memory_space<semaphore_mem>>
        %dma_start3A_870 = arith.constant 0 : i32
        %dma_start3A_871 = tpu.memref_slice %arg7[%run_scoped3A_440, %dma_start3A_870] : memref<56x128xi32, #tpu.memory_space<vmem>> -> memref<1x128xi32, #tpu.memory_space<vmem>>
        %dma_start3A_872 = tpu.memref_squeeze %dma_start3A_871 : memref<1x128xi32, #tpu.memory_space<vmem>> -> memref<128xi32, #tpu.memory_space<vmem>>
        %dma_start3A_873 = arith.constant 0 : i32
        %dma_start3A_874 = arith.constant 0 : i32
        %dma_start3A_875 = tpu.memref_slice %arg10[%dma_start3A_873, %dma_start3A_874] : memref<10240x128xf32, #tpu.memory_space<vmem_shared>> -> memref<10240x128xf32, #tpu.memory_space<vmem_shared>>
        tpu.enqueue_indirect_dma source(%arg8 : memref<128x128xf32, #tpu.memory_space<vmem>>) target(%dma_start3A_875 : memref<10240x128xf32, #tpu.memory_space<vmem_shared>>) offsets(%dma_start3A_872 : memref<128xi32, #tpu.memory_space<vmem>>) semaphore(%run_scoped3A_869 : memref<!tpu.dma_semaphore, #tpu.memory_space<semaphore_mem>>) {add = true}
        %dma_wait3A_876 = arith.constant 0 : i32
        %dma_wait3A_877 = tpu.memref_slice %arg7[%run_scoped3A_440, %dma_wait3A_876] : memref<56x128xi32, #tpu.memory_space<vmem>> -> memref<1x128xi32, #tpu.memory_space<vmem>>
        %dma_wait3A_878 = tpu.memref_squeeze %dma_wait3A_877 : memref<1x128xi32, #tpu.memory_space<vmem>> -> memref<128xi32, #tpu.memory_space<vmem>>
        %dma_wait3A_879 = arith.constant 0 : i32
        %dma_wait3A_880 = arith.constant 0 : i32
        %dma_wait3A_881 = tpu.memref_slice %arg10[%dma_wait3A_879, %dma_wait3A_880] : memref<10240x128xf32, #tpu.memory_space<vmem_shared>> -> memref<10240x128xf32, #tpu.memory_space<vmem_shared>>
        tpu.wait_indirect_dma semaphore(%run_scoped3A_869 : memref<!tpu.dma_semaphore, #tpu.memory_space<semaphore_mem>>) src(%arg8 : memref<128x128xf32, #tpu.memory_space<vmem>>) dst(%dma_wait3A_881 : memref<10240x128xf32, #tpu.memory_space<vmem_shared>>)
        tpu.yield
      }) : () -> ()
      %dma_start3A_441 = arith.constant 28 : i32
      %dma_start3A_442 = arith.constant 0 : i32
      %dma_start3A_443 = tpu.memref_slice %arg6[%dma_start3A_441, %dma_start3A_442] : memref<56x128xi32, #tpu.memory_space<vmem>> -> memref<1x128xi32, #tpu.memory_space<vmem>>
      %dma_start3A_444 = tpu.memref_squeeze %dma_start3A_443 : memref<1x128xi32, #tpu.memory_space<vmem>> -> memref<128xi32, #tpu.memory_space<vmem>>
      %dma_start3A_445 = arith.constant 0 : i32
      %dma_start3A_446 = arith.constant 0 : i32
      %dma_start3A_447 = tpu.memref_slice %arg2[%dma_start3A_445, %dma_start3A_446] : memref<20000x128xf32, #tpu.memory_space<hbm>> -> memref<20000x128xf32, #tpu.memory_space<hbm>>
      tpu.enqueue_indirect_dma source(%dma_start3A_447 : memref<20000x128xf32, #tpu.memory_space<hbm>>) target(%arg8 : memref<128x128xf32, #tpu.memory_space<vmem>>) offsets(%dma_start3A_444 : memref<128xi32, #tpu.memory_space<vmem>>) semaphore(%arg11 : memref<!tpu.dma_semaphore, #tpu.memory_space<semaphore_mem>>)
      %dma_wait3A_448 = arith.constant 27 : i32
      %dma_wait3A_449 = arith.constant 0 : i32
      %dma_wait3A_450 = tpu.memref_slice %arg6[%dma_wait3A_448, %dma_wait3A_449] : memref<56x128xi32, #tpu.memory_space<vmem>> -> memref<1x128xi32, #tpu.memory_space<vmem>>
      %dma_wait3A_451 = tpu.memref_squeeze %dma_wait3A_450 : memref<1x128xi32, #tpu.memory_space<vmem>> -> memref<128xi32, #tpu.memory_space<vmem>>
      %dma_wait3A_452 = arith.constant 0 : i32
      %dma_wait3A_453 = arith.constant 0 : i32
      %dma_wait3A_454 = tpu.memref_slice %arg2[%dma_wait3A_452, %dma_wait3A_453] : memref<20000x128xf32, #tpu.memory_space<hbm>> -> memref<20000x128xf32, #tpu.memory_space<hbm>>
      tpu.wait_indirect_dma semaphore(%arg12 : memref<!tpu.dma_semaphore, #tpu.memory_space<semaphore_mem>>) src(%dma_wait3A_454 : memref<20000x128xf32, #tpu.memory_space<hbm>>) dst(%arg9 : memref<128x128xf32, #tpu.memory_space<vmem>>)
      %run_scoped3A_455 = arith.constant 27 : i32
      "tpu.region"() ({
        %run_scoped3A_869 = tpu.sem_alloc : memref<!tpu.dma_semaphore, #tpu.memory_space<semaphore_mem>>
        %dma_start3A_870 = arith.constant 0 : i32
        %dma_start3A_871 = tpu.memref_slice %arg7[%run_scoped3A_455, %dma_start3A_870] : memref<56x128xi32, #tpu.memory_space<vmem>> -> memref<1x128xi32, #tpu.memory_space<vmem>>
        %dma_start3A_872 = tpu.memref_squeeze %dma_start3A_871 : memref<1x128xi32, #tpu.memory_space<vmem>> -> memref<128xi32, #tpu.memory_space<vmem>>
        %dma_start3A_873 = arith.constant 0 : i32
        %dma_start3A_874 = arith.constant 0 : i32
        %dma_start3A_875 = tpu.memref_slice %arg10[%dma_start3A_873, %dma_start3A_874] : memref<10240x128xf32, #tpu.memory_space<vmem_shared>> -> memref<10240x128xf32, #tpu.memory_space<vmem_shared>>
        tpu.enqueue_indirect_dma source(%arg9 : memref<128x128xf32, #tpu.memory_space<vmem>>) target(%dma_start3A_875 : memref<10240x128xf32, #tpu.memory_space<vmem_shared>>) offsets(%dma_start3A_872 : memref<128xi32, #tpu.memory_space<vmem>>) semaphore(%run_scoped3A_869 : memref<!tpu.dma_semaphore, #tpu.memory_space<semaphore_mem>>) {add = true}
        %dma_wait3A_876 = arith.constant 0 : i32
        %dma_wait3A_877 = tpu.memref_slice %arg7[%run_scoped3A_455, %dma_wait3A_876] : memref<56x128xi32, #tpu.memory_space<vmem>> -> memref<1x128xi32, #tpu.memory_space<vmem>>
        %dma_wait3A_878 = tpu.memref_squeeze %dma_wait3A_877 : memref<1x128xi32, #tpu.memory_space<vmem>> -> memref<128xi32, #tpu.memory_space<vmem>>
        %dma_wait3A_879 = arith.constant 0 : i32
        %dma_wait3A_880 = arith.constant 0 : i32
        %dma_wait3A_881 = tpu.memref_slice %arg10[%dma_wait3A_879, %dma_wait3A_880] : memref<10240x128xf32, #tpu.memory_space<vmem_shared>> -> memref<10240x128xf32, #tpu.memory_space<vmem_shared>>
        tpu.wait_indirect_dma semaphore(%run_scoped3A_869 : memref<!tpu.dma_semaphore, #tpu.memory_space<semaphore_mem>>) src(%arg9 : memref<128x128xf32, #tpu.memory_space<vmem>>) dst(%dma_wait3A_881 : memref<10240x128xf32, #tpu.memory_space<vmem_shared>>)
        tpu.yield
      }) : () -> ()
      %dma_start3A_456 = arith.constant 29 : i32
      %dma_start3A_457 = arith.constant 0 : i32
      %dma_start3A_458 = tpu.memref_slice %arg6[%dma_start3A_456, %dma_start3A_457] : memref<56x128xi32, #tpu.memory_space<vmem>> -> memref<1x128xi32, #tpu.memory_space<vmem>>
      %dma_start3A_459 = tpu.memref_squeeze %dma_start3A_458 : memref<1x128xi32, #tpu.memory_space<vmem>> -> memref<128xi32, #tpu.memory_space<vmem>>
      %dma_start3A_460 = arith.constant 0 : i32
      %dma_start3A_461 = arith.constant 0 : i32
      %dma_start3A_462 = tpu.memref_slice %arg2[%dma_start3A_460, %dma_start3A_461] : memref<20000x128xf32, #tpu.memory_space<hbm>> -> memref<20000x128xf32, #tpu.memory_space<hbm>>
      tpu.enqueue_indirect_dma source(%dma_start3A_462 : memref<20000x128xf32, #tpu.memory_space<hbm>>) target(%arg9 : memref<128x128xf32, #tpu.memory_space<vmem>>) offsets(%dma_start3A_459 : memref<128xi32, #tpu.memory_space<vmem>>) semaphore(%arg12 : memref<!tpu.dma_semaphore, #tpu.memory_space<semaphore_mem>>)
      %dma_wait3A_463 = arith.constant 28 : i32
      %dma_wait3A_464 = arith.constant 0 : i32
      %dma_wait3A_465 = tpu.memref_slice %arg6[%dma_wait3A_463, %dma_wait3A_464] : memref<56x128xi32, #tpu.memory_space<vmem>> -> memref<1x128xi32, #tpu.memory_space<vmem>>
      %dma_wait3A_466 = tpu.memref_squeeze %dma_wait3A_465 : memref<1x128xi32, #tpu.memory_space<vmem>> -> memref<128xi32, #tpu.memory_space<vmem>>
      %dma_wait3A_467 = arith.constant 0 : i32
      %dma_wait3A_468 = arith.constant 0 : i32
      %dma_wait3A_469 = tpu.memref_slice %arg2[%dma_wait3A_467, %dma_wait3A_468] : memref<20000x128xf32, #tpu.memory_space<hbm>> -> memref<20000x128xf32, #tpu.memory_space<hbm>>
      tpu.wait_indirect_dma semaphore(%arg11 : memref<!tpu.dma_semaphore, #tpu.memory_space<semaphore_mem>>) src(%dma_wait3A_469 : memref<20000x128xf32, #tpu.memory_space<hbm>>) dst(%arg8 : memref<128x128xf32, #tpu.memory_space<vmem>>)
      %run_scoped3A_470 = arith.constant 28 : i32
      "tpu.region"() ({
        %run_scoped3A_869 = tpu.sem_alloc : memref<!tpu.dma_semaphore, #tpu.memory_space<semaphore_mem>>
        %dma_start3A_870 = arith.constant 0 : i32
        %dma_start3A_871 = tpu.memref_slice %arg7[%run_scoped3A_470, %dma_start3A_870] : memref<56x128xi32, #tpu.memory_space<vmem>> -> memref<1x128xi32, #tpu.memory_space<vmem>>
        %dma_start3A_872 = tpu.memref_squeeze %dma_start3A_871 : memref<1x128xi32, #tpu.memory_space<vmem>> -> memref<128xi32, #tpu.memory_space<vmem>>
        %dma_start3A_873 = arith.constant 0 : i32
        %dma_start3A_874 = arith.constant 0 : i32
        %dma_start3A_875 = tpu.memref_slice %arg10[%dma_start3A_873, %dma_start3A_874] : memref<10240x128xf32, #tpu.memory_space<vmem_shared>> -> memref<10240x128xf32, #tpu.memory_space<vmem_shared>>
        tpu.enqueue_indirect_dma source(%arg8 : memref<128x128xf32, #tpu.memory_space<vmem>>) target(%dma_start3A_875 : memref<10240x128xf32, #tpu.memory_space<vmem_shared>>) offsets(%dma_start3A_872 : memref<128xi32, #tpu.memory_space<vmem>>) semaphore(%run_scoped3A_869 : memref<!tpu.dma_semaphore, #tpu.memory_space<semaphore_mem>>) {add = true}
        %dma_wait3A_876 = arith.constant 0 : i32
        %dma_wait3A_877 = tpu.memref_slice %arg7[%run_scoped3A_470, %dma_wait3A_876] : memref<56x128xi32, #tpu.memory_space<vmem>> -> memref<1x128xi32, #tpu.memory_space<vmem>>
        %dma_wait3A_878 = tpu.memref_squeeze %dma_wait3A_877 : memref<1x128xi32, #tpu.memory_space<vmem>> -> memref<128xi32, #tpu.memory_space<vmem>>
        %dma_wait3A_879 = arith.constant 0 : i32
        %dma_wait3A_880 = arith.constant 0 : i32
        %dma_wait3A_881 = tpu.memref_slice %arg10[%dma_wait3A_879, %dma_wait3A_880] : memref<10240x128xf32, #tpu.memory_space<vmem_shared>> -> memref<10240x128xf32, #tpu.memory_space<vmem_shared>>
        tpu.wait_indirect_dma semaphore(%run_scoped3A_869 : memref<!tpu.dma_semaphore, #tpu.memory_space<semaphore_mem>>) src(%arg8 : memref<128x128xf32, #tpu.memory_space<vmem>>) dst(%dma_wait3A_881 : memref<10240x128xf32, #tpu.memory_space<vmem_shared>>)
        tpu.yield
      }) : () -> ()
      %dma_start3A_471 = arith.constant 30 : i32
      %dma_start3A_472 = arith.constant 0 : i32
      %dma_start3A_473 = tpu.memref_slice %arg6[%dma_start3A_471, %dma_start3A_472] : memref<56x128xi32, #tpu.memory_space<vmem>> -> memref<1x128xi32, #tpu.memory_space<vmem>>
      %dma_start3A_474 = tpu.memref_squeeze %dma_start3A_473 : memref<1x128xi32, #tpu.memory_space<vmem>> -> memref<128xi32, #tpu.memory_space<vmem>>
      %dma_start3A_475 = arith.constant 0 : i32
      %dma_start3A_476 = arith.constant 0 : i32
      %dma_start3A_477 = tpu.memref_slice %arg2[%dma_start3A_475, %dma_start3A_476] : memref<20000x128xf32, #tpu.memory_space<hbm>> -> memref<20000x128xf32, #tpu.memory_space<hbm>>
      tpu.enqueue_indirect_dma source(%dma_start3A_477 : memref<20000x128xf32, #tpu.memory_space<hbm>>) target(%arg8 : memref<128x128xf32, #tpu.memory_space<vmem>>) offsets(%dma_start3A_474 : memref<128xi32, #tpu.memory_space<vmem>>) semaphore(%arg11 : memref<!tpu.dma_semaphore, #tpu.memory_space<semaphore_mem>>)
      %dma_wait3A_478 = arith.constant 29 : i32
      %dma_wait3A_479 = arith.constant 0 : i32
      %dma_wait3A_480 = tpu.memref_slice %arg6[%dma_wait3A_478, %dma_wait3A_479] : memref<56x128xi32, #tpu.memory_space<vmem>> -> memref<1x128xi32, #tpu.memory_space<vmem>>
      %dma_wait3A_481 = tpu.memref_squeeze %dma_wait3A_480 : memref<1x128xi32, #tpu.memory_space<vmem>> -> memref<128xi32, #tpu.memory_space<vmem>>
      %dma_wait3A_482 = arith.constant 0 : i32
      %dma_wait3A_483 = arith.constant 0 : i32
      %dma_wait3A_484 = tpu.memref_slice %arg2[%dma_wait3A_482, %dma_wait3A_483] : memref<20000x128xf32, #tpu.memory_space<hbm>> -> memref<20000x128xf32, #tpu.memory_space<hbm>>
      tpu.wait_indirect_dma semaphore(%arg12 : memref<!tpu.dma_semaphore, #tpu.memory_space<semaphore_mem>>) src(%dma_wait3A_484 : memref<20000x128xf32, #tpu.memory_space<hbm>>) dst(%arg9 : memref<128x128xf32, #tpu.memory_space<vmem>>)
      %run_scoped3A_485 = arith.constant 29 : i32
      "tpu.region"() ({
        %run_scoped3A_869 = tpu.sem_alloc : memref<!tpu.dma_semaphore, #tpu.memory_space<semaphore_mem>>
        %dma_start3A_870 = arith.constant 0 : i32
        %dma_start3A_871 = tpu.memref_slice %arg7[%run_scoped3A_485, %dma_start3A_870] : memref<56x128xi32, #tpu.memory_space<vmem>> -> memref<1x128xi32, #tpu.memory_space<vmem>>
        %dma_start3A_872 = tpu.memref_squeeze %dma_start3A_871 : memref<1x128xi32, #tpu.memory_space<vmem>> -> memref<128xi32, #tpu.memory_space<vmem>>
        %dma_start3A_873 = arith.constant 0 : i32
        %dma_start3A_874 = arith.constant 0 : i32
        %dma_start3A_875 = tpu.memref_slice %arg10[%dma_start3A_873, %dma_start3A_874] : memref<10240x128xf32, #tpu.memory_space<vmem_shared>> -> memref<10240x128xf32, #tpu.memory_space<vmem_shared>>
        tpu.enqueue_indirect_dma source(%arg9 : memref<128x128xf32, #tpu.memory_space<vmem>>) target(%dma_start3A_875 : memref<10240x128xf32, #tpu.memory_space<vmem_shared>>) offsets(%dma_start3A_872 : memref<128xi32, #tpu.memory_space<vmem>>) semaphore(%run_scoped3A_869 : memref<!tpu.dma_semaphore, #tpu.memory_space<semaphore_mem>>) {add = true}
        %dma_wait3A_876 = arith.constant 0 : i32
        %dma_wait3A_877 = tpu.memref_slice %arg7[%run_scoped3A_485, %dma_wait3A_876] : memref<56x128xi32, #tpu.memory_space<vmem>> -> memref<1x128xi32, #tpu.memory_space<vmem>>
        %dma_wait3A_878 = tpu.memref_squeeze %dma_wait3A_877 : memref<1x128xi32, #tpu.memory_space<vmem>> -> memref<128xi32, #tpu.memory_space<vmem>>
        %dma_wait3A_879 = arith.constant 0 : i32
        %dma_wait3A_880 = arith.constant 0 : i32
        %dma_wait3A_881 = tpu.memref_slice %arg10[%dma_wait3A_879, %dma_wait3A_880] : memref<10240x128xf32, #tpu.memory_space<vmem_shared>> -> memref<10240x128xf32, #tpu.memory_space<vmem_shared>>
        tpu.wait_indirect_dma semaphore(%run_scoped3A_869 : memref<!tpu.dma_semaphore, #tpu.memory_space<semaphore_mem>>) src(%arg9 : memref<128x128xf32, #tpu.memory_space<vmem>>) dst(%dma_wait3A_881 : memref<10240x128xf32, #tpu.memory_space<vmem_shared>>)
        tpu.yield
      }) : () -> ()
      %dma_start3A_486 = arith.constant 31 : i32
      %dma_start3A_487 = arith.constant 0 : i32
      %dma_start3A_488 = tpu.memref_slice %arg6[%dma_start3A_486, %dma_start3A_487] : memref<56x128xi32, #tpu.memory_space<vmem>> -> memref<1x128xi32, #tpu.memory_space<vmem>>
      %dma_start3A_489 = tpu.memref_squeeze %dma_start3A_488 : memref<1x128xi32, #tpu.memory_space<vmem>> -> memref<128xi32, #tpu.memory_space<vmem>>
      %dma_start3A_490 = arith.constant 0 : i32
      %dma_start3A_491 = arith.constant 0 : i32
      %dma_start3A_492 = tpu.memref_slice %arg2[%dma_start3A_490, %dma_start3A_491] : memref<20000x128xf32, #tpu.memory_space<hbm>> -> memref<20000x128xf32, #tpu.memory_space<hbm>>
      tpu.enqueue_indirect_dma source(%dma_start3A_492 : memref<20000x128xf32, #tpu.memory_space<hbm>>) target(%arg9 : memref<128x128xf32, #tpu.memory_space<vmem>>) offsets(%dma_start3A_489 : memref<128xi32, #tpu.memory_space<vmem>>) semaphore(%arg12 : memref<!tpu.dma_semaphore, #tpu.memory_space<semaphore_mem>>)
      %dma_wait3A_493 = arith.constant 30 : i32
      %dma_wait3A_494 = arith.constant 0 : i32
      %dma_wait3A_495 = tpu.memref_slice %arg6[%dma_wait3A_493, %dma_wait3A_494] : memref<56x128xi32, #tpu.memory_space<vmem>> -> memref<1x128xi32, #tpu.memory_space<vmem>>
      %dma_wait3A_496 = tpu.memref_squeeze %dma_wait3A_495 : memref<1x128xi32, #tpu.memory_space<vmem>> -> memref<128xi32, #tpu.memory_space<vmem>>
      %dma_wait3A_497 = arith.constant 0 : i32
      %dma_wait3A_498 = arith.constant 0 : i32
      %dma_wait3A_499 = tpu.memref_slice %arg2[%dma_wait3A_497, %dma_wait3A_498] : memref<20000x128xf32, #tpu.memory_space<hbm>> -> memref<20000x128xf32, #tpu.memory_space<hbm>>
      tpu.wait_indirect_dma semaphore(%arg11 : memref<!tpu.dma_semaphore, #tpu.memory_space<semaphore_mem>>) src(%dma_wait3A_499 : memref<20000x128xf32, #tpu.memory_space<hbm>>) dst(%arg8 : memref<128x128xf32, #tpu.memory_space<vmem>>)
      %run_scoped3A_500 = arith.constant 30 : i32
      "tpu.region"() ({
        %run_scoped3A_869 = tpu.sem_alloc : memref<!tpu.dma_semaphore, #tpu.memory_space<semaphore_mem>>
        %dma_start3A_870 = arith.constant 0 : i32
        %dma_start3A_871 = tpu.memref_slice %arg7[%run_scoped3A_500, %dma_start3A_870] : memref<56x128xi32, #tpu.memory_space<vmem>> -> memref<1x128xi32, #tpu.memory_space<vmem>>
        %dma_start3A_872 = tpu.memref_squeeze %dma_start3A_871 : memref<1x128xi32, #tpu.memory_space<vmem>> -> memref<128xi32, #tpu.memory_space<vmem>>
        %dma_start3A_873 = arith.constant 0 : i32
        %dma_start3A_874 = arith.constant 0 : i32
        %dma_start3A_875 = tpu.memref_slice %arg10[%dma_start3A_873, %dma_start3A_874] : memref<10240x128xf32, #tpu.memory_space<vmem_shared>> -> memref<10240x128xf32, #tpu.memory_space<vmem_shared>>
        tpu.enqueue_indirect_dma source(%arg8 : memref<128x128xf32, #tpu.memory_space<vmem>>) target(%dma_start3A_875 : memref<10240x128xf32, #tpu.memory_space<vmem_shared>>) offsets(%dma_start3A_872 : memref<128xi32, #tpu.memory_space<vmem>>) semaphore(%run_scoped3A_869 : memref<!tpu.dma_semaphore, #tpu.memory_space<semaphore_mem>>) {add = true}
        %dma_wait3A_876 = arith.constant 0 : i32
        %dma_wait3A_877 = tpu.memref_slice %arg7[%run_scoped3A_500, %dma_wait3A_876] : memref<56x128xi32, #tpu.memory_space<vmem>> -> memref<1x128xi32, #tpu.memory_space<vmem>>
        %dma_wait3A_878 = tpu.memref_squeeze %dma_wait3A_877 : memref<1x128xi32, #tpu.memory_space<vmem>> -> memref<128xi32, #tpu.memory_space<vmem>>
        %dma_wait3A_879 = arith.constant 0 : i32
        %dma_wait3A_880 = arith.constant 0 : i32
        %dma_wait3A_881 = tpu.memref_slice %arg10[%dma_wait3A_879, %dma_wait3A_880] : memref<10240x128xf32, #tpu.memory_space<vmem_shared>> -> memref<10240x128xf32, #tpu.memory_space<vmem_shared>>
        tpu.wait_indirect_dma semaphore(%run_scoped3A_869 : memref<!tpu.dma_semaphore, #tpu.memory_space<semaphore_mem>>) src(%arg8 : memref<128x128xf32, #tpu.memory_space<vmem>>) dst(%dma_wait3A_881 : memref<10240x128xf32, #tpu.memory_space<vmem_shared>>)
        tpu.yield
      }) : () -> ()
      %dma_start3A_501 = arith.constant 32 : i32
      %dma_start3A_502 = arith.constant 0 : i32
      %dma_start3A_503 = tpu.memref_slice %arg6[%dma_start3A_501, %dma_start3A_502] : memref<56x128xi32, #tpu.memory_space<vmem>> -> memref<1x128xi32, #tpu.memory_space<vmem>>
      %dma_start3A_504 = tpu.memref_squeeze %dma_start3A_503 : memref<1x128xi32, #tpu.memory_space<vmem>> -> memref<128xi32, #tpu.memory_space<vmem>>
      %dma_start3A_505 = arith.constant 0 : i32
      %dma_start3A_506 = arith.constant 0 : i32
      %dma_start3A_507 = tpu.memref_slice %arg2[%dma_start3A_505, %dma_start3A_506] : memref<20000x128xf32, #tpu.memory_space<hbm>> -> memref<20000x128xf32, #tpu.memory_space<hbm>>
      tpu.enqueue_indirect_dma source(%dma_start3A_507 : memref<20000x128xf32, #tpu.memory_space<hbm>>) target(%arg8 : memref<128x128xf32, #tpu.memory_space<vmem>>) offsets(%dma_start3A_504 : memref<128xi32, #tpu.memory_space<vmem>>) semaphore(%arg11 : memref<!tpu.dma_semaphore, #tpu.memory_space<semaphore_mem>>)
      %dma_wait3A_508 = arith.constant 31 : i32
      %dma_wait3A_509 = arith.constant 0 : i32
      %dma_wait3A_510 = tpu.memref_slice %arg6[%dma_wait3A_508, %dma_wait3A_509] : memref<56x128xi32, #tpu.memory_space<vmem>> -> memref<1x128xi32, #tpu.memory_space<vmem>>
      %dma_wait3A_511 = tpu.memref_squeeze %dma_wait3A_510 : memref<1x128xi32, #tpu.memory_space<vmem>> -> memref<128xi32, #tpu.memory_space<vmem>>
      %dma_wait3A_512 = arith.constant 0 : i32
      %dma_wait3A_513 = arith.constant 0 : i32
      %dma_wait3A_514 = tpu.memref_slice %arg2[%dma_wait3A_512, %dma_wait3A_513] : memref<20000x128xf32, #tpu.memory_space<hbm>> -> memref<20000x128xf32, #tpu.memory_space<hbm>>
      tpu.wait_indirect_dma semaphore(%arg12 : memref<!tpu.dma_semaphore, #tpu.memory_space<semaphore_mem>>) src(%dma_wait3A_514 : memref<20000x128xf32, #tpu.memory_space<hbm>>) dst(%arg9 : memref<128x128xf32, #tpu.memory_space<vmem>>)
      %run_scoped3A_515 = arith.constant 31 : i32
      "tpu.region"() ({
        %run_scoped3A_869 = tpu.sem_alloc : memref<!tpu.dma_semaphore, #tpu.memory_space<semaphore_mem>>
        %dma_start3A_870 = arith.constant 0 : i32
        %dma_start3A_871 = tpu.memref_slice %arg7[%run_scoped3A_515, %dma_start3A_870] : memref<56x128xi32, #tpu.memory_space<vmem>> -> memref<1x128xi32, #tpu.memory_space<vmem>>
        %dma_start3A_872 = tpu.memref_squeeze %dma_start3A_871 : memref<1x128xi32, #tpu.memory_space<vmem>> -> memref<128xi32, #tpu.memory_space<vmem>>
        %dma_start3A_873 = arith.constant 0 : i32
        %dma_start3A_874 = arith.constant 0 : i32
        %dma_start3A_875 = tpu.memref_slice %arg10[%dma_start3A_873, %dma_start3A_874] : memref<10240x128xf32, #tpu.memory_space<vmem_shared>> -> memref<10240x128xf32, #tpu.memory_space<vmem_shared>>
        tpu.enqueue_indirect_dma source(%arg9 : memref<128x128xf32, #tpu.memory_space<vmem>>) target(%dma_start3A_875 : memref<10240x128xf32, #tpu.memory_space<vmem_shared>>) offsets(%dma_start3A_872 : memref<128xi32, #tpu.memory_space<vmem>>) semaphore(%run_scoped3A_869 : memref<!tpu.dma_semaphore, #tpu.memory_space<semaphore_mem>>) {add = true}
        %dma_wait3A_876 = arith.constant 0 : i32
        %dma_wait3A_877 = tpu.memref_slice %arg7[%run_scoped3A_515, %dma_wait3A_876] : memref<56x128xi32, #tpu.memory_space<vmem>> -> memref<1x128xi32, #tpu.memory_space<vmem>>
        %dma_wait3A_878 = tpu.memref_squeeze %dma_wait3A_877 : memref<1x128xi32, #tpu.memory_space<vmem>> -> memref<128xi32, #tpu.memory_space<vmem>>
        %dma_wait3A_879 = arith.constant 0 : i32
        %dma_wait3A_880 = arith.constant 0 : i32
        %dma_wait3A_881 = tpu.memref_slice %arg10[%dma_wait3A_879, %dma_wait3A_880] : memref<10240x128xf32, #tpu.memory_space<vmem_shared>> -> memref<10240x128xf32, #tpu.memory_space<vmem_shared>>
        tpu.wait_indirect_dma semaphore(%run_scoped3A_869 : memref<!tpu.dma_semaphore, #tpu.memory_space<semaphore_mem>>) src(%arg9 : memref<128x128xf32, #tpu.memory_space<vmem>>) dst(%dma_wait3A_881 : memref<10240x128xf32, #tpu.memory_space<vmem_shared>>)
        tpu.yield
      }) : () -> ()
      %dma_start3A_516 = arith.constant 33 : i32
      %dma_start3A_517 = arith.constant 0 : i32
      %dma_start3A_518 = tpu.memref_slice %arg6[%dma_start3A_516, %dma_start3A_517] : memref<56x128xi32, #tpu.memory_space<vmem>> -> memref<1x128xi32, #tpu.memory_space<vmem>>
      %dma_start3A_519 = tpu.memref_squeeze %dma_start3A_518 : memref<1x128xi32, #tpu.memory_space<vmem>> -> memref<128xi32, #tpu.memory_space<vmem>>
      %dma_start3A_520 = arith.constant 0 : i32
      %dma_start3A_521 = arith.constant 0 : i32
      %dma_start3A_522 = tpu.memref_slice %arg2[%dma_start3A_520, %dma_start3A_521] : memref<20000x128xf32, #tpu.memory_space<hbm>> -> memref<20000x128xf32, #tpu.memory_space<hbm>>
      tpu.enqueue_indirect_dma source(%dma_start3A_522 : memref<20000x128xf32, #tpu.memory_space<hbm>>) target(%arg9 : memref<128x128xf32, #tpu.memory_space<vmem>>) offsets(%dma_start3A_519 : memref<128xi32, #tpu.memory_space<vmem>>) semaphore(%arg12 : memref<!tpu.dma_semaphore, #tpu.memory_space<semaphore_mem>>)
      %dma_wait3A_523 = arith.constant 32 : i32
      %dma_wait3A_524 = arith.constant 0 : i32
      %dma_wait3A_525 = tpu.memref_slice %arg6[%dma_wait3A_523, %dma_wait3A_524] : memref<56x128xi32, #tpu.memory_space<vmem>> -> memref<1x128xi32, #tpu.memory_space<vmem>>
      %dma_wait3A_526 = tpu.memref_squeeze %dma_wait3A_525 : memref<1x128xi32, #tpu.memory_space<vmem>> -> memref<128xi32, #tpu.memory_space<vmem>>
      %dma_wait3A_527 = arith.constant 0 : i32
      %dma_wait3A_528 = arith.constant 0 : i32
      %dma_wait3A_529 = tpu.memref_slice %arg2[%dma_wait3A_527, %dma_wait3A_528] : memref<20000x128xf32, #tpu.memory_space<hbm>> -> memref<20000x128xf32, #tpu.memory_space<hbm>>
      tpu.wait_indirect_dma semaphore(%arg11 : memref<!tpu.dma_semaphore, #tpu.memory_space<semaphore_mem>>) src(%dma_wait3A_529 : memref<20000x128xf32, #tpu.memory_space<hbm>>) dst(%arg8 : memref<128x128xf32, #tpu.memory_space<vmem>>)
      %run_scoped3A_530 = arith.constant 32 : i32
      "tpu.region"() ({
        %run_scoped3A_869 = tpu.sem_alloc : memref<!tpu.dma_semaphore, #tpu.memory_space<semaphore_mem>>
        %dma_start3A_870 = arith.constant 0 : i32
        %dma_start3A_871 = tpu.memref_slice %arg7[%run_scoped3A_530, %dma_start3A_870] : memref<56x128xi32, #tpu.memory_space<vmem>> -> memref<1x128xi32, #tpu.memory_space<vmem>>
        %dma_start3A_872 = tpu.memref_squeeze %dma_start3A_871 : memref<1x128xi32, #tpu.memory_space<vmem>> -> memref<128xi32, #tpu.memory_space<vmem>>
        %dma_start3A_873 = arith.constant 0 : i32
        %dma_start3A_874 = arith.constant 0 : i32
        %dma_start3A_875 = tpu.memref_slice %arg10[%dma_start3A_873, %dma_start3A_874] : memref<10240x128xf32, #tpu.memory_space<vmem_shared>> -> memref<10240x128xf32, #tpu.memory_space<vmem_shared>>
        tpu.enqueue_indirect_dma source(%arg8 : memref<128x128xf32, #tpu.memory_space<vmem>>) target(%dma_start3A_875 : memref<10240x128xf32, #tpu.memory_space<vmem_shared>>) offsets(%dma_start3A_872 : memref<128xi32, #tpu.memory_space<vmem>>) semaphore(%run_scoped3A_869 : memref<!tpu.dma_semaphore, #tpu.memory_space<semaphore_mem>>) {add = true}
        %dma_wait3A_876 = arith.constant 0 : i32
        %dma_wait3A_877 = tpu.memref_slice %arg7[%run_scoped3A_530, %dma_wait3A_876] : memref<56x128xi32, #tpu.memory_space<vmem>> -> memref<1x128xi32, #tpu.memory_space<vmem>>
        %dma_wait3A_878 = tpu.memref_squeeze %dma_wait3A_877 : memref<1x128xi32, #tpu.memory_space<vmem>> -> memref<128xi32, #tpu.memory_space<vmem>>
        %dma_wait3A_879 = arith.constant 0 : i32
        %dma_wait3A_880 = arith.constant 0 : i32
        %dma_wait3A_881 = tpu.memref_slice %arg10[%dma_wait3A_879, %dma_wait3A_880] : memref<10240x128xf32, #tpu.memory_space<vmem_shared>> -> memref<10240x128xf32, #tpu.memory_space<vmem_shared>>
        tpu.wait_indirect_dma semaphore(%run_scoped3A_869 : memref<!tpu.dma_semaphore, #tpu.memory_space<semaphore_mem>>) src(%arg8 : memref<128x128xf32, #tpu.memory_space<vmem>>) dst(%dma_wait3A_881 : memref<10240x128xf32, #tpu.memory_space<vmem_shared>>)
        tpu.yield
      }) : () -> ()
      %dma_start3A_531 = arith.constant 34 : i32
      %dma_start3A_532 = arith.constant 0 : i32
      %dma_start3A_533 = tpu.memref_slice %arg6[%dma_start3A_531, %dma_start3A_532] : memref<56x128xi32, #tpu.memory_space<vmem>> -> memref<1x128xi32, #tpu.memory_space<vmem>>
      %dma_start3A_534 = tpu.memref_squeeze %dma_start3A_533 : memref<1x128xi32, #tpu.memory_space<vmem>> -> memref<128xi32, #tpu.memory_space<vmem>>
      %dma_start3A_535 = arith.constant 0 : i32
      %dma_start3A_536 = arith.constant 0 : i32
      %dma_start3A_537 = tpu.memref_slice %arg2[%dma_start3A_535, %dma_start3A_536] : memref<20000x128xf32, #tpu.memory_space<hbm>> -> memref<20000x128xf32, #tpu.memory_space<hbm>>
      tpu.enqueue_indirect_dma source(%dma_start3A_537 : memref<20000x128xf32, #tpu.memory_space<hbm>>) target(%arg8 : memref<128x128xf32, #tpu.memory_space<vmem>>) offsets(%dma_start3A_534 : memref<128xi32, #tpu.memory_space<vmem>>) semaphore(%arg11 : memref<!tpu.dma_semaphore, #tpu.memory_space<semaphore_mem>>)
      %dma_wait3A_538 = arith.constant 33 : i32
      %dma_wait3A_539 = arith.constant 0 : i32
      %dma_wait3A_540 = tpu.memref_slice %arg6[%dma_wait3A_538, %dma_wait3A_539] : memref<56x128xi32, #tpu.memory_space<vmem>> -> memref<1x128xi32, #tpu.memory_space<vmem>>
      %dma_wait3A_541 = tpu.memref_squeeze %dma_wait3A_540 : memref<1x128xi32, #tpu.memory_space<vmem>> -> memref<128xi32, #tpu.memory_space<vmem>>
      %dma_wait3A_542 = arith.constant 0 : i32
      %dma_wait3A_543 = arith.constant 0 : i32
      %dma_wait3A_544 = tpu.memref_slice %arg2[%dma_wait3A_542, %dma_wait3A_543] : memref<20000x128xf32, #tpu.memory_space<hbm>> -> memref<20000x128xf32, #tpu.memory_space<hbm>>
      tpu.wait_indirect_dma semaphore(%arg12 : memref<!tpu.dma_semaphore, #tpu.memory_space<semaphore_mem>>) src(%dma_wait3A_544 : memref<20000x128xf32, #tpu.memory_space<hbm>>) dst(%arg9 : memref<128x128xf32, #tpu.memory_space<vmem>>)
      %run_scoped3A_545 = arith.constant 33 : i32
      "tpu.region"() ({
        %run_scoped3A_869 = tpu.sem_alloc : memref<!tpu.dma_semaphore, #tpu.memory_space<semaphore_mem>>
        %dma_start3A_870 = arith.constant 0 : i32
        %dma_start3A_871 = tpu.memref_slice %arg7[%run_scoped3A_545, %dma_start3A_870] : memref<56x128xi32, #tpu.memory_space<vmem>> -> memref<1x128xi32, #tpu.memory_space<vmem>>
        %dma_start3A_872 = tpu.memref_squeeze %dma_start3A_871 : memref<1x128xi32, #tpu.memory_space<vmem>> -> memref<128xi32, #tpu.memory_space<vmem>>
        %dma_start3A_873 = arith.constant 0 : i32
        %dma_start3A_874 = arith.constant 0 : i32
        %dma_start3A_875 = tpu.memref_slice %arg10[%dma_start3A_873, %dma_start3A_874] : memref<10240x128xf32, #tpu.memory_space<vmem_shared>> -> memref<10240x128xf32, #tpu.memory_space<vmem_shared>>
        tpu.enqueue_indirect_dma source(%arg9 : memref<128x128xf32, #tpu.memory_space<vmem>>) target(%dma_start3A_875 : memref<10240x128xf32, #tpu.memory_space<vmem_shared>>) offsets(%dma_start3A_872 : memref<128xi32, #tpu.memory_space<vmem>>) semaphore(%run_scoped3A_869 : memref<!tpu.dma_semaphore, #tpu.memory_space<semaphore_mem>>) {add = true}
        %dma_wait3A_876 = arith.constant 0 : i32
        %dma_wait3A_877 = tpu.memref_slice %arg7[%run_scoped3A_545, %dma_wait3A_876] : memref<56x128xi32, #tpu.memory_space<vmem>> -> memref<1x128xi32, #tpu.memory_space<vmem>>
        %dma_wait3A_878 = tpu.memref_squeeze %dma_wait3A_877 : memref<1x128xi32, #tpu.memory_space<vmem>> -> memref<128xi32, #tpu.memory_space<vmem>>
        %dma_wait3A_879 = arith.constant 0 : i32
        %dma_wait3A_880 = arith.constant 0 : i32
        %dma_wait3A_881 = tpu.memref_slice %arg10[%dma_wait3A_879, %dma_wait3A_880] : memref<10240x128xf32, #tpu.memory_space<vmem_shared>> -> memref<10240x128xf32, #tpu.memory_space<vmem_shared>>
        tpu.wait_indirect_dma semaphore(%run_scoped3A_869 : memref<!tpu.dma_semaphore, #tpu.memory_space<semaphore_mem>>) src(%arg9 : memref<128x128xf32, #tpu.memory_space<vmem>>) dst(%dma_wait3A_881 : memref<10240x128xf32, #tpu.memory_space<vmem_shared>>)
        tpu.yield
      }) : () -> ()
      %dma_start3A_546 = arith.constant 35 : i32
      %dma_start3A_547 = arith.constant 0 : i32
      %dma_start3A_548 = tpu.memref_slice %arg6[%dma_start3A_546, %dma_start3A_547] : memref<56x128xi32, #tpu.memory_space<vmem>> -> memref<1x128xi32, #tpu.memory_space<vmem>>
      %dma_start3A_549 = tpu.memref_squeeze %dma_start3A_548 : memref<1x128xi32, #tpu.memory_space<vmem>> -> memref<128xi32, #tpu.memory_space<vmem>>
      %dma_start3A_550 = arith.constant 0 : i32
      %dma_start3A_551 = arith.constant 0 : i32
      %dma_start3A_552 = tpu.memref_slice %arg2[%dma_start3A_550, %dma_start3A_551] : memref<20000x128xf32, #tpu.memory_space<hbm>> -> memref<20000x128xf32, #tpu.memory_space<hbm>>
      tpu.enqueue_indirect_dma source(%dma_start3A_552 : memref<20000x128xf32, #tpu.memory_space<hbm>>) target(%arg9 : memref<128x128xf32, #tpu.memory_space<vmem>>) offsets(%dma_start3A_549 : memref<128xi32, #tpu.memory_space<vmem>>) semaphore(%arg12 : memref<!tpu.dma_semaphore, #tpu.memory_space<semaphore_mem>>)
      %dma_wait3A_553 = arith.constant 34 : i32
      %dma_wait3A_554 = arith.constant 0 : i32
      %dma_wait3A_555 = tpu.memref_slice %arg6[%dma_wait3A_553, %dma_wait3A_554] : memref<56x128xi32, #tpu.memory_space<vmem>> -> memref<1x128xi32, #tpu.memory_space<vmem>>
      %dma_wait3A_556 = tpu.memref_squeeze %dma_wait3A_555 : memref<1x128xi32, #tpu.memory_space<vmem>> -> memref<128xi32, #tpu.memory_space<vmem>>
      %dma_wait3A_557 = arith.constant 0 : i32
      %dma_wait3A_558 = arith.constant 0 : i32
      %dma_wait3A_559 = tpu.memref_slice %arg2[%dma_wait3A_557, %dma_wait3A_558] : memref<20000x128xf32, #tpu.memory_space<hbm>> -> memref<20000x128xf32, #tpu.memory_space<hbm>>
      tpu.wait_indirect_dma semaphore(%arg11 : memref<!tpu.dma_semaphore, #tpu.memory_space<semaphore_mem>>) src(%dma_wait3A_559 : memref<20000x128xf32, #tpu.memory_space<hbm>>) dst(%arg8 : memref<128x128xf32, #tpu.memory_space<vmem>>)
      %run_scoped3A_560 = arith.constant 34 : i32
      "tpu.region"() ({
        %run_scoped3A_869 = tpu.sem_alloc : memref<!tpu.dma_semaphore, #tpu.memory_space<semaphore_mem>>
        %dma_start3A_870 = arith.constant 0 : i32
        %dma_start3A_871 = tpu.memref_slice %arg7[%run_scoped3A_560, %dma_start3A_870] : memref<56x128xi32, #tpu.memory_space<vmem>> -> memref<1x128xi32, #tpu.memory_space<vmem>>
        %dma_start3A_872 = tpu.memref_squeeze %dma_start3A_871 : memref<1x128xi32, #tpu.memory_space<vmem>> -> memref<128xi32, #tpu.memory_space<vmem>>
        %dma_start3A_873 = arith.constant 0 : i32
        %dma_start3A_874 = arith.constant 0 : i32
        %dma_start3A_875 = tpu.memref_slice %arg10[%dma_start3A_873, %dma_start3A_874] : memref<10240x128xf32, #tpu.memory_space<vmem_shared>> -> memref<10240x128xf32, #tpu.memory_space<vmem_shared>>
        tpu.enqueue_indirect_dma source(%arg8 : memref<128x128xf32, #tpu.memory_space<vmem>>) target(%dma_start3A_875 : memref<10240x128xf32, #tpu.memory_space<vmem_shared>>) offsets(%dma_start3A_872 : memref<128xi32, #tpu.memory_space<vmem>>) semaphore(%run_scoped3A_869 : memref<!tpu.dma_semaphore, #tpu.memory_space<semaphore_mem>>) {add = true}
        %dma_wait3A_876 = arith.constant 0 : i32
        %dma_wait3A_877 = tpu.memref_slice %arg7[%run_scoped3A_560, %dma_wait3A_876] : memref<56x128xi32, #tpu.memory_space<vmem>> -> memref<1x128xi32, #tpu.memory_space<vmem>>
        %dma_wait3A_878 = tpu.memref_squeeze %dma_wait3A_877 : memref<1x128xi32, #tpu.memory_space<vmem>> -> memref<128xi32, #tpu.memory_space<vmem>>
        %dma_wait3A_879 = arith.constant 0 : i32
        %dma_wait3A_880 = arith.constant 0 : i32
        %dma_wait3A_881 = tpu.memref_slice %arg10[%dma_wait3A_879, %dma_wait3A_880] : memref<10240x128xf32, #tpu.memory_space<vmem_shared>> -> memref<10240x128xf32, #tpu.memory_space<vmem_shared>>
        tpu.wait_indirect_dma semaphore(%run_scoped3A_869 : memref<!tpu.dma_semaphore, #tpu.memory_space<semaphore_mem>>) src(%arg8 : memref<128x128xf32, #tpu.memory_space<vmem>>) dst(%dma_wait3A_881 : memref<10240x128xf32, #tpu.memory_space<vmem_shared>>)
        tpu.yield
      }) : () -> ()
      %dma_start3A_561 = arith.constant 36 : i32
      %dma_start3A_562 = arith.constant 0 : i32
      %dma_start3A_563 = tpu.memref_slice %arg6[%dma_start3A_561, %dma_start3A_562] : memref<56x128xi32, #tpu.memory_space<vmem>> -> memref<1x128xi32, #tpu.memory_space<vmem>>
      %dma_start3A_564 = tpu.memref_squeeze %dma_start3A_563 : memref<1x128xi32, #tpu.memory_space<vmem>> -> memref<128xi32, #tpu.memory_space<vmem>>
      %dma_start3A_565 = arith.constant 0 : i32
      %dma_start3A_566 = arith.constant 0 : i32
      %dma_start3A_567 = tpu.memref_slice %arg2[%dma_start3A_565, %dma_start3A_566] : memref<20000x128xf32, #tpu.memory_space<hbm>> -> memref<20000x128xf32, #tpu.memory_space<hbm>>
      tpu.enqueue_indirect_dma source(%dma_start3A_567 : memref<20000x128xf32, #tpu.memory_space<hbm>>) target(%arg8 : memref<128x128xf32, #tpu.memory_space<vmem>>) offsets(%dma_start3A_564 : memref<128xi32, #tpu.memory_space<vmem>>) semaphore(%arg11 : memref<!tpu.dma_semaphore, #tpu.memory_space<semaphore_mem>>)
      %dma_wait3A_568 = arith.constant 35 : i32
      %dma_wait3A_569 = arith.constant 0 : i32
      %dma_wait3A_570 = tpu.memref_slice %arg6[%dma_wait3A_568, %dma_wait3A_569] : memref<56x128xi32, #tpu.memory_space<vmem>> -> memref<1x128xi32, #tpu.memory_space<vmem>>
      %dma_wait3A_571 = tpu.memref_squeeze %dma_wait3A_570 : memref<1x128xi32, #tpu.memory_space<vmem>> -> memref<128xi32, #tpu.memory_space<vmem>>
      %dma_wait3A_572 = arith.constant 0 : i32
      %dma_wait3A_573 = arith.constant 0 : i32
      %dma_wait3A_574 = tpu.memref_slice %arg2[%dma_wait3A_572, %dma_wait3A_573] : memref<20000x128xf32, #tpu.memory_space<hbm>> -> memref<20000x128xf32, #tpu.memory_space<hbm>>
      tpu.wait_indirect_dma semaphore(%arg12 : memref<!tpu.dma_semaphore, #tpu.memory_space<semaphore_mem>>) src(%dma_wait3A_574 : memref<20000x128xf32, #tpu.memory_space<hbm>>) dst(%arg9 : memref<128x128xf32, #tpu.memory_space<vmem>>)
      %run_scoped3A_575 = arith.constant 35 : i32
      "tpu.region"() ({
        %run_scoped3A_869 = tpu.sem_alloc : memref<!tpu.dma_semaphore, #tpu.memory_space<semaphore_mem>>
        %dma_start3A_870 = arith.constant 0 : i32
        %dma_start3A_871 = tpu.memref_slice %arg7[%run_scoped3A_575, %dma_start3A_870] : memref<56x128xi32, #tpu.memory_space<vmem>> -> memref<1x128xi32, #tpu.memory_space<vmem>>
        %dma_start3A_872 = tpu.memref_squeeze %dma_start3A_871 : memref<1x128xi32, #tpu.memory_space<vmem>> -> memref<128xi32, #tpu.memory_space<vmem>>
        %dma_start3A_873 = arith.constant 0 : i32
        %dma_start3A_874 = arith.constant 0 : i32
        %dma_start3A_875 = tpu.memref_slice %arg10[%dma_start3A_873, %dma_start3A_874] : memref<10240x128xf32, #tpu.memory_space<vmem_shared>> -> memref<10240x128xf32, #tpu.memory_space<vmem_shared>>
        tpu.enqueue_indirect_dma source(%arg9 : memref<128x128xf32, #tpu.memory_space<vmem>>) target(%dma_start3A_875 : memref<10240x128xf32, #tpu.memory_space<vmem_shared>>) offsets(%dma_start3A_872 : memref<128xi32, #tpu.memory_space<vmem>>) semaphore(%run_scoped3A_869 : memref<!tpu.dma_semaphore, #tpu.memory_space<semaphore_mem>>) {add = true}
        %dma_wait3A_876 = arith.constant 0 : i32
        %dma_wait3A_877 = tpu.memref_slice %arg7[%run_scoped3A_575, %dma_wait3A_876] : memref<56x128xi32, #tpu.memory_space<vmem>> -> memref<1x128xi32, #tpu.memory_space<vmem>>
        %dma_wait3A_878 = tpu.memref_squeeze %dma_wait3A_877 : memref<1x128xi32, #tpu.memory_space<vmem>> -> memref<128xi32, #tpu.memory_space<vmem>>
        %dma_wait3A_879 = arith.constant 0 : i32
        %dma_wait3A_880 = arith.constant 0 : i32
        %dma_wait3A_881 = tpu.memref_slice %arg10[%dma_wait3A_879, %dma_wait3A_880] : memref<10240x128xf32, #tpu.memory_space<vmem_shared>> -> memref<10240x128xf32, #tpu.memory_space<vmem_shared>>
        tpu.wait_indirect_dma semaphore(%run_scoped3A_869 : memref<!tpu.dma_semaphore, #tpu.memory_space<semaphore_mem>>) src(%arg9 : memref<128x128xf32, #tpu.memory_space<vmem>>) dst(%dma_wait3A_881 : memref<10240x128xf32, #tpu.memory_space<vmem_shared>>)
        tpu.yield
      }) : () -> ()
      %dma_start3A_576 = arith.constant 37 : i32
      %dma_start3A_577 = arith.constant 0 : i32
      %dma_start3A_578 = tpu.memref_slice %arg6[%dma_start3A_576, %dma_start3A_577] : memref<56x128xi32, #tpu.memory_space<vmem>> -> memref<1x128xi32, #tpu.memory_space<vmem>>
      %dma_start3A_579 = tpu.memref_squeeze %dma_start3A_578 : memref<1x128xi32, #tpu.memory_space<vmem>> -> memref<128xi32, #tpu.memory_space<vmem>>
      %dma_start3A_580 = arith.constant 0 : i32
      %dma_start3A_581 = arith.constant 0 : i32
      %dma_start3A_582 = tpu.memref_slice %arg2[%dma_start3A_580, %dma_start3A_581] : memref<20000x128xf32, #tpu.memory_space<hbm>> -> memref<20000x128xf32, #tpu.memory_space<hbm>>
      tpu.enqueue_indirect_dma source(%dma_start3A_582 : memref<20000x128xf32, #tpu.memory_space<hbm>>) target(%arg9 : memref<128x128xf32, #tpu.memory_space<vmem>>) offsets(%dma_start3A_579 : memref<128xi32, #tpu.memory_space<vmem>>) semaphore(%arg12 : memref<!tpu.dma_semaphore, #tpu.memory_space<semaphore_mem>>)
      %dma_wait3A_583 = arith.constant 36 : i32
      %dma_wait3A_584 = arith.constant 0 : i32
      %dma_wait3A_585 = tpu.memref_slice %arg6[%dma_wait3A_583, %dma_wait3A_584] : memref<56x128xi32, #tpu.memory_space<vmem>> -> memref<1x128xi32, #tpu.memory_space<vmem>>
      %dma_wait3A_586 = tpu.memref_squeeze %dma_wait3A_585 : memref<1x128xi32, #tpu.memory_space<vmem>> -> memref<128xi32, #tpu.memory_space<vmem>>
      %dma_wait3A_587 = arith.constant 0 : i32
      %dma_wait3A_588 = arith.constant 0 : i32
      %dma_wait3A_589 = tpu.memref_slice %arg2[%dma_wait3A_587, %dma_wait3A_588] : memref<20000x128xf32, #tpu.memory_space<hbm>> -> memref<20000x128xf32, #tpu.memory_space<hbm>>
      tpu.wait_indirect_dma semaphore(%arg11 : memref<!tpu.dma_semaphore, #tpu.memory_space<semaphore_mem>>) src(%dma_wait3A_589 : memref<20000x128xf32, #tpu.memory_space<hbm>>) dst(%arg8 : memref<128x128xf32, #tpu.memory_space<vmem>>)
      %run_scoped3A_590 = arith.constant 36 : i32
      "tpu.region"() ({
        %run_scoped3A_869 = tpu.sem_alloc : memref<!tpu.dma_semaphore, #tpu.memory_space<semaphore_mem>>
        %dma_start3A_870 = arith.constant 0 : i32
        %dma_start3A_871 = tpu.memref_slice %arg7[%run_scoped3A_590, %dma_start3A_870] : memref<56x128xi32, #tpu.memory_space<vmem>> -> memref<1x128xi32, #tpu.memory_space<vmem>>
        %dma_start3A_872 = tpu.memref_squeeze %dma_start3A_871 : memref<1x128xi32, #tpu.memory_space<vmem>> -> memref<128xi32, #tpu.memory_space<vmem>>
        %dma_start3A_873 = arith.constant 0 : i32
        %dma_start3A_874 = arith.constant 0 : i32
        %dma_start3A_875 = tpu.memref_slice %arg10[%dma_start3A_873, %dma_start3A_874] : memref<10240x128xf32, #tpu.memory_space<vmem_shared>> -> memref<10240x128xf32, #tpu.memory_space<vmem_shared>>
        tpu.enqueue_indirect_dma source(%arg8 : memref<128x128xf32, #tpu.memory_space<vmem>>) target(%dma_start3A_875 : memref<10240x128xf32, #tpu.memory_space<vmem_shared>>) offsets(%dma_start3A_872 : memref<128xi32, #tpu.memory_space<vmem>>) semaphore(%run_scoped3A_869 : memref<!tpu.dma_semaphore, #tpu.memory_space<semaphore_mem>>) {add = true}
        %dma_wait3A_876 = arith.constant 0 : i32
        %dma_wait3A_877 = tpu.memref_slice %arg7[%run_scoped3A_590, %dma_wait3A_876] : memref<56x128xi32, #tpu.memory_space<vmem>> -> memref<1x128xi32, #tpu.memory_space<vmem>>
        %dma_wait3A_878 = tpu.memref_squeeze %dma_wait3A_877 : memref<1x128xi32, #tpu.memory_space<vmem>> -> memref<128xi32, #tpu.memory_space<vmem>>
        %dma_wait3A_879 = arith.constant 0 : i32
        %dma_wait3A_880 = arith.constant 0 : i32
        %dma_wait3A_881 = tpu.memref_slice %arg10[%dma_wait3A_879, %dma_wait3A_880] : memref<10240x128xf32, #tpu.memory_space<vmem_shared>> -> memref<10240x128xf32, #tpu.memory_space<vmem_shared>>
        tpu.wait_indirect_dma semaphore(%run_scoped3A_869 : memref<!tpu.dma_semaphore, #tpu.memory_space<semaphore_mem>>) src(%arg8 : memref<128x128xf32, #tpu.memory_space<vmem>>) dst(%dma_wait3A_881 : memref<10240x128xf32, #tpu.memory_space<vmem_shared>>)
        tpu.yield
      }) : () -> ()
      %dma_start3A_591 = arith.constant 38 : i32
      %dma_start3A_592 = arith.constant 0 : i32
      %dma_start3A_593 = tpu.memref_slice %arg6[%dma_start3A_591, %dma_start3A_592] : memref<56x128xi32, #tpu.memory_space<vmem>> -> memref<1x128xi32, #tpu.memory_space<vmem>>
      %dma_start3A_594 = tpu.memref_squeeze %dma_start3A_593 : memref<1x128xi32, #tpu.memory_space<vmem>> -> memref<128xi32, #tpu.memory_space<vmem>>
      %dma_start3A_595 = arith.constant 0 : i32
      %dma_start3A_596 = arith.constant 0 : i32
      %dma_start3A_597 = tpu.memref_slice %arg2[%dma_start3A_595, %dma_start3A_596] : memref<20000x128xf32, #tpu.memory_space<hbm>> -> memref<20000x128xf32, #tpu.memory_space<hbm>>
      tpu.enqueue_indirect_dma source(%dma_start3A_597 : memref<20000x128xf32, #tpu.memory_space<hbm>>) target(%arg8 : memref<128x128xf32, #tpu.memory_space<vmem>>) offsets(%dma_start3A_594 : memref<128xi32, #tpu.memory_space<vmem>>) semaphore(%arg11 : memref<!tpu.dma_semaphore, #tpu.memory_space<semaphore_mem>>)
      %dma_wait3A_598 = arith.constant 37 : i32
      %dma_wait3A_599 = arith.constant 0 : i32
      %dma_wait3A_600 = tpu.memref_slice %arg6[%dma_wait3A_598, %dma_wait3A_599] : memref<56x128xi32, #tpu.memory_space<vmem>> -> memref<1x128xi32, #tpu.memory_space<vmem>>
      %dma_wait3A_601 = tpu.memref_squeeze %dma_wait3A_600 : memref<1x128xi32, #tpu.memory_space<vmem>> -> memref<128xi32, #tpu.memory_space<vmem>>
      %dma_wait3A_602 = arith.constant 0 : i32
      %dma_wait3A_603 = arith.constant 0 : i32
      %dma_wait3A_604 = tpu.memref_slice %arg2[%dma_wait3A_602, %dma_wait3A_603] : memref<20000x128xf32, #tpu.memory_space<hbm>> -> memref<20000x128xf32, #tpu.memory_space<hbm>>
      tpu.wait_indirect_dma semaphore(%arg12 : memref<!tpu.dma_semaphore, #tpu.memory_space<semaphore_mem>>) src(%dma_wait3A_604 : memref<20000x128xf32, #tpu.memory_space<hbm>>) dst(%arg9 : memref<128x128xf32, #tpu.memory_space<vmem>>)
      %run_scoped3A_605 = arith.constant 37 : i32
      "tpu.region"() ({
        %run_scoped3A_869 = tpu.sem_alloc : memref<!tpu.dma_semaphore, #tpu.memory_space<semaphore_mem>>
        %dma_start3A_870 = arith.constant 0 : i32
        %dma_start3A_871 = tpu.memref_slice %arg7[%run_scoped3A_605, %dma_start3A_870] : memref<56x128xi32, #tpu.memory_space<vmem>> -> memref<1x128xi32, #tpu.memory_space<vmem>>
        %dma_start3A_872 = tpu.memref_squeeze %dma_start3A_871 : memref<1x128xi32, #tpu.memory_space<vmem>> -> memref<128xi32, #tpu.memory_space<vmem>>
        %dma_start3A_873 = arith.constant 0 : i32
        %dma_start3A_874 = arith.constant 0 : i32
        %dma_start3A_875 = tpu.memref_slice %arg10[%dma_start3A_873, %dma_start3A_874] : memref<10240x128xf32, #tpu.memory_space<vmem_shared>> -> memref<10240x128xf32, #tpu.memory_space<vmem_shared>>
        tpu.enqueue_indirect_dma source(%arg9 : memref<128x128xf32, #tpu.memory_space<vmem>>) target(%dma_start3A_875 : memref<10240x128xf32, #tpu.memory_space<vmem_shared>>) offsets(%dma_start3A_872 : memref<128xi32, #tpu.memory_space<vmem>>) semaphore(%run_scoped3A_869 : memref<!tpu.dma_semaphore, #tpu.memory_space<semaphore_mem>>) {add = true}
        %dma_wait3A_876 = arith.constant 0 : i32
        %dma_wait3A_877 = tpu.memref_slice %arg7[%run_scoped3A_605, %dma_wait3A_876] : memref<56x128xi32, #tpu.memory_space<vmem>> -> memref<1x128xi32, #tpu.memory_space<vmem>>
        %dma_wait3A_878 = tpu.memref_squeeze %dma_wait3A_877 : memref<1x128xi32, #tpu.memory_space<vmem>> -> memref<128xi32, #tpu.memory_space<vmem>>
        %dma_wait3A_879 = arith.constant 0 : i32
        %dma_wait3A_880 = arith.constant 0 : i32
        %dma_wait3A_881 = tpu.memref_slice %arg10[%dma_wait3A_879, %dma_wait3A_880] : memref<10240x128xf32, #tpu.memory_space<vmem_shared>> -> memref<10240x128xf32, #tpu.memory_space<vmem_shared>>
        tpu.wait_indirect_dma semaphore(%run_scoped3A_869 : memref<!tpu.dma_semaphore, #tpu.memory_space<semaphore_mem>>) src(%arg9 : memref<128x128xf32, #tpu.memory_space<vmem>>) dst(%dma_wait3A_881 : memref<10240x128xf32, #tpu.memory_space<vmem_shared>>)
        tpu.yield
      }) : () -> ()
      %dma_start3A_606 = arith.constant 39 : i32
      %dma_start3A_607 = arith.constant 0 : i32
      %dma_start3A_608 = tpu.memref_slice %arg6[%dma_start3A_606, %dma_start3A_607] : memref<56x128xi32, #tpu.memory_space<vmem>> -> memref<1x128xi32, #tpu.memory_space<vmem>>
      %dma_start3A_609 = tpu.memref_squeeze %dma_start3A_608 : memref<1x128xi32, #tpu.memory_space<vmem>> -> memref<128xi32, #tpu.memory_space<vmem>>
      %dma_start3A_610 = arith.constant 0 : i32
      %dma_start3A_611 = arith.constant 0 : i32
      %dma_start3A_612 = tpu.memref_slice %arg2[%dma_start3A_610, %dma_start3A_611] : memref<20000x128xf32, #tpu.memory_space<hbm>> -> memref<20000x128xf32, #tpu.memory_space<hbm>>
      tpu.enqueue_indirect_dma source(%dma_start3A_612 : memref<20000x128xf32, #tpu.memory_space<hbm>>) target(%arg9 : memref<128x128xf32, #tpu.memory_space<vmem>>) offsets(%dma_start3A_609 : memref<128xi32, #tpu.memory_space<vmem>>) semaphore(%arg12 : memref<!tpu.dma_semaphore, #tpu.memory_space<semaphore_mem>>)
      %dma_wait3A_613 = arith.constant 38 : i32
      %dma_wait3A_614 = arith.constant 0 : i32
      %dma_wait3A_615 = tpu.memref_slice %arg6[%dma_wait3A_613, %dma_wait3A_614] : memref<56x128xi32, #tpu.memory_space<vmem>> -> memref<1x128xi32, #tpu.memory_space<vmem>>
      %dma_wait3A_616 = tpu.memref_squeeze %dma_wait3A_615 : memref<1x128xi32, #tpu.memory_space<vmem>> -> memref<128xi32, #tpu.memory_space<vmem>>
      %dma_wait3A_617 = arith.constant 0 : i32
      %dma_wait3A_618 = arith.constant 0 : i32
      %dma_wait3A_619 = tpu.memref_slice %arg2[%dma_wait3A_617, %dma_wait3A_618] : memref<20000x128xf32, #tpu.memory_space<hbm>> -> memref<20000x128xf32, #tpu.memory_space<hbm>>
      tpu.wait_indirect_dma semaphore(%arg11 : memref<!tpu.dma_semaphore, #tpu.memory_space<semaphore_mem>>) src(%dma_wait3A_619 : memref<20000x128xf32, #tpu.memory_space<hbm>>) dst(%arg8 : memref<128x128xf32, #tpu.memory_space<vmem>>)
      %run_scoped3A_620 = arith.constant 38 : i32
      "tpu.region"() ({
        %run_scoped3A_869 = tpu.sem_alloc : memref<!tpu.dma_semaphore, #tpu.memory_space<semaphore_mem>>
        %dma_start3A_870 = arith.constant 0 : i32
        %dma_start3A_871 = tpu.memref_slice %arg7[%run_scoped3A_620, %dma_start3A_870] : memref<56x128xi32, #tpu.memory_space<vmem>> -> memref<1x128xi32, #tpu.memory_space<vmem>>
        %dma_start3A_872 = tpu.memref_squeeze %dma_start3A_871 : memref<1x128xi32, #tpu.memory_space<vmem>> -> memref<128xi32, #tpu.memory_space<vmem>>
        %dma_start3A_873 = arith.constant 0 : i32
        %dma_start3A_874 = arith.constant 0 : i32
        %dma_start3A_875 = tpu.memref_slice %arg10[%dma_start3A_873, %dma_start3A_874] : memref<10240x128xf32, #tpu.memory_space<vmem_shared>> -> memref<10240x128xf32, #tpu.memory_space<vmem_shared>>
        tpu.enqueue_indirect_dma source(%arg8 : memref<128x128xf32, #tpu.memory_space<vmem>>) target(%dma_start3A_875 : memref<10240x128xf32, #tpu.memory_space<vmem_shared>>) offsets(%dma_start3A_872 : memref<128xi32, #tpu.memory_space<vmem>>) semaphore(%run_scoped3A_869 : memref<!tpu.dma_semaphore, #tpu.memory_space<semaphore_mem>>) {add = true}
        %dma_wait3A_876 = arith.constant 0 : i32
        %dma_wait3A_877 = tpu.memref_slice %arg7[%run_scoped3A_620, %dma_wait3A_876] : memref<56x128xi32, #tpu.memory_space<vmem>> -> memref<1x128xi32, #tpu.memory_space<vmem>>
        %dma_wait3A_878 = tpu.memref_squeeze %dma_wait3A_877 : memref<1x128xi32, #tpu.memory_space<vmem>> -> memref<128xi32, #tpu.memory_space<vmem>>
        %dma_wait3A_879 = arith.constant 0 : i32
        %dma_wait3A_880 = arith.constant 0 : i32
        %dma_wait3A_881 = tpu.memref_slice %arg10[%dma_wait3A_879, %dma_wait3A_880] : memref<10240x128xf32, #tpu.memory_space<vmem_shared>> -> memref<10240x128xf32, #tpu.memory_space<vmem_shared>>
        tpu.wait_indirect_dma semaphore(%run_scoped3A_869 : memref<!tpu.dma_semaphore, #tpu.memory_space<semaphore_mem>>) src(%arg8 : memref<128x128xf32, #tpu.memory_space<vmem>>) dst(%dma_wait3A_881 : memref<10240x128xf32, #tpu.memory_space<vmem_shared>>)
        tpu.yield
      }) : () -> ()
      %dma_start3A_621 = arith.constant 40 : i32
      %dma_start3A_622 = arith.constant 0 : i32
      %dma_start3A_623 = tpu.memref_slice %arg6[%dma_start3A_621, %dma_start3A_622] : memref<56x128xi32, #tpu.memory_space<vmem>> -> memref<1x128xi32, #tpu.memory_space<vmem>>
      %dma_start3A_624 = tpu.memref_squeeze %dma_start3A_623 : memref<1x128xi32, #tpu.memory_space<vmem>> -> memref<128xi32, #tpu.memory_space<vmem>>
      %dma_start3A_625 = arith.constant 0 : i32
      %dma_start3A_626 = arith.constant 0 : i32
      %dma_start3A_627 = tpu.memref_slice %arg2[%dma_start3A_625, %dma_start3A_626] : memref<20000x128xf32, #tpu.memory_space<hbm>> -> memref<20000x128xf32, #tpu.memory_space<hbm>>
      tpu.enqueue_indirect_dma source(%dma_start3A_627 : memref<20000x128xf32, #tpu.memory_space<hbm>>) target(%arg8 : memref<128x128xf32, #tpu.memory_space<vmem>>) offsets(%dma_start3A_624 : memref<128xi32, #tpu.memory_space<vmem>>) semaphore(%arg11 : memref<!tpu.dma_semaphore, #tpu.memory_space<semaphore_mem>>)
      %dma_wait3A_628 = arith.constant 39 : i32
      %dma_wait3A_629 = arith.constant 0 : i32
      %dma_wait3A_630 = tpu.memref_slice %arg6[%dma_wait3A_628, %dma_wait3A_629] : memref<56x128xi32, #tpu.memory_space<vmem>> -> memref<1x128xi32, #tpu.memory_space<vmem>>
      %dma_wait3A_631 = tpu.memref_squeeze %dma_wait3A_630 : memref<1x128xi32, #tpu.memory_space<vmem>> -> memref<128xi32, #tpu.memory_space<vmem>>
      %dma_wait3A_632 = arith.constant 0 : i32
      %dma_wait3A_633 = arith.constant 0 : i32
      %dma_wait3A_634 = tpu.memref_slice %arg2[%dma_wait3A_632, %dma_wait3A_633] : memref<20000x128xf32, #tpu.memory_space<hbm>> -> memref<20000x128xf32, #tpu.memory_space<hbm>>
      tpu.wait_indirect_dma semaphore(%arg12 : memref<!tpu.dma_semaphore, #tpu.memory_space<semaphore_mem>>) src(%dma_wait3A_634 : memref<20000x128xf32, #tpu.memory_space<hbm>>) dst(%arg9 : memref<128x128xf32, #tpu.memory_space<vmem>>)
      %run_scoped3A_635 = arith.constant 39 : i32
      "tpu.region"() ({
        %run_scoped3A_869 = tpu.sem_alloc : memref<!tpu.dma_semaphore, #tpu.memory_space<semaphore_mem>>
        %dma_start3A_870 = arith.constant 0 : i32
        %dma_start3A_871 = tpu.memref_slice %arg7[%run_scoped3A_635, %dma_start3A_870] : memref<56x128xi32, #tpu.memory_space<vmem>> -> memref<1x128xi32, #tpu.memory_space<vmem>>
        %dma_start3A_872 = tpu.memref_squeeze %dma_start3A_871 : memref<1x128xi32, #tpu.memory_space<vmem>> -> memref<128xi32, #tpu.memory_space<vmem>>
        %dma_start3A_873 = arith.constant 0 : i32
        %dma_start3A_874 = arith.constant 0 : i32
        %dma_start3A_875 = tpu.memref_slice %arg10[%dma_start3A_873, %dma_start3A_874] : memref<10240x128xf32, #tpu.memory_space<vmem_shared>> -> memref<10240x128xf32, #tpu.memory_space<vmem_shared>>
        tpu.enqueue_indirect_dma source(%arg9 : memref<128x128xf32, #tpu.memory_space<vmem>>) target(%dma_start3A_875 : memref<10240x128xf32, #tpu.memory_space<vmem_shared>>) offsets(%dma_start3A_872 : memref<128xi32, #tpu.memory_space<vmem>>) semaphore(%run_scoped3A_869 : memref<!tpu.dma_semaphore, #tpu.memory_space<semaphore_mem>>) {add = true}
        %dma_wait3A_876 = arith.constant 0 : i32
        %dma_wait3A_877 = tpu.memref_slice %arg7[%run_scoped3A_635, %dma_wait3A_876] : memref<56x128xi32, #tpu.memory_space<vmem>> -> memref<1x128xi32, #tpu.memory_space<vmem>>
        %dma_wait3A_878 = tpu.memref_squeeze %dma_wait3A_877 : memref<1x128xi32, #tpu.memory_space<vmem>> -> memref<128xi32, #tpu.memory_space<vmem>>
        %dma_wait3A_879 = arith.constant 0 : i32
        %dma_wait3A_880 = arith.constant 0 : i32
        %dma_wait3A_881 = tpu.memref_slice %arg10[%dma_wait3A_879, %dma_wait3A_880] : memref<10240x128xf32, #tpu.memory_space<vmem_shared>> -> memref<10240x128xf32, #tpu.memory_space<vmem_shared>>
        tpu.wait_indirect_dma semaphore(%run_scoped3A_869 : memref<!tpu.dma_semaphore, #tpu.memory_space<semaphore_mem>>) src(%arg9 : memref<128x128xf32, #tpu.memory_space<vmem>>) dst(%dma_wait3A_881 : memref<10240x128xf32, #tpu.memory_space<vmem_shared>>)
        tpu.yield
      }) : () -> ()
      %dma_start3A_636 = arith.constant 41 : i32
      %dma_start3A_637 = arith.constant 0 : i32
      %dma_start3A_638 = tpu.memref_slice %arg6[%dma_start3A_636, %dma_start3A_637] : memref<56x128xi32, #tpu.memory_space<vmem>> -> memref<1x128xi32, #tpu.memory_space<vmem>>
      %dma_start3A_639 = tpu.memref_squeeze %dma_start3A_638 : memref<1x128xi32, #tpu.memory_space<vmem>> -> memref<128xi32, #tpu.memory_space<vmem>>
      %dma_start3A_640 = arith.constant 0 : i32
      %dma_start3A_641 = arith.constant 0 : i32
      %dma_start3A_642 = tpu.memref_slice %arg2[%dma_start3A_640, %dma_start3A_641] : memref<20000x128xf32, #tpu.memory_space<hbm>> -> memref<20000x128xf32, #tpu.memory_space<hbm>>
      tpu.enqueue_indirect_dma source(%dma_start3A_642 : memref<20000x128xf32, #tpu.memory_space<hbm>>) target(%arg9 : memref<128x128xf32, #tpu.memory_space<vmem>>) offsets(%dma_start3A_639 : memref<128xi32, #tpu.memory_space<vmem>>) semaphore(%arg12 : memref<!tpu.dma_semaphore, #tpu.memory_space<semaphore_mem>>)
      %dma_wait3A_643 = arith.constant 40 : i32
      %dma_wait3A_644 = arith.constant 0 : i32
      %dma_wait3A_645 = tpu.memref_slice %arg6[%dma_wait3A_643, %dma_wait3A_644] : memref<56x128xi32, #tpu.memory_space<vmem>> -> memref<1x128xi32, #tpu.memory_space<vmem>>
      %dma_wait3A_646 = tpu.memref_squeeze %dma_wait3A_645 : memref<1x128xi32, #tpu.memory_space<vmem>> -> memref<128xi32, #tpu.memory_space<vmem>>
      %dma_wait3A_647 = arith.constant 0 : i32
      %dma_wait3A_648 = arith.constant 0 : i32
      %dma_wait3A_649 = tpu.memref_slice %arg2[%dma_wait3A_647, %dma_wait3A_648] : memref<20000x128xf32, #tpu.memory_space<hbm>> -> memref<20000x128xf32, #tpu.memory_space<hbm>>
      tpu.wait_indirect_dma semaphore(%arg11 : memref<!tpu.dma_semaphore, #tpu.memory_space<semaphore_mem>>) src(%dma_wait3A_649 : memref<20000x128xf32, #tpu.memory_space<hbm>>) dst(%arg8 : memref<128x128xf32, #tpu.memory_space<vmem>>)
      %run_scoped3A_650 = arith.constant 40 : i32
      "tpu.region"() ({
        %run_scoped3A_869 = tpu.sem_alloc : memref<!tpu.dma_semaphore, #tpu.memory_space<semaphore_mem>>
        %dma_start3A_870 = arith.constant 0 : i32
        %dma_start3A_871 = tpu.memref_slice %arg7[%run_scoped3A_650, %dma_start3A_870] : memref<56x128xi32, #tpu.memory_space<vmem>> -> memref<1x128xi32, #tpu.memory_space<vmem>>
        %dma_start3A_872 = tpu.memref_squeeze %dma_start3A_871 : memref<1x128xi32, #tpu.memory_space<vmem>> -> memref<128xi32, #tpu.memory_space<vmem>>
        %dma_start3A_873 = arith.constant 0 : i32
        %dma_start3A_874 = arith.constant 0 : i32
        %dma_start3A_875 = tpu.memref_slice %arg10[%dma_start3A_873, %dma_start3A_874] : memref<10240x128xf32, #tpu.memory_space<vmem_shared>> -> memref<10240x128xf32, #tpu.memory_space<vmem_shared>>
        tpu.enqueue_indirect_dma source(%arg8 : memref<128x128xf32, #tpu.memory_space<vmem>>) target(%dma_start3A_875 : memref<10240x128xf32, #tpu.memory_space<vmem_shared>>) offsets(%dma_start3A_872 : memref<128xi32, #tpu.memory_space<vmem>>) semaphore(%run_scoped3A_869 : memref<!tpu.dma_semaphore, #tpu.memory_space<semaphore_mem>>) {add = true}
        %dma_wait3A_876 = arith.constant 0 : i32
        %dma_wait3A_877 = tpu.memref_slice %arg7[%run_scoped3A_650, %dma_wait3A_876] : memref<56x128xi32, #tpu.memory_space<vmem>> -> memref<1x128xi32, #tpu.memory_space<vmem>>
        %dma_wait3A_878 = tpu.memref_squeeze %dma_wait3A_877 : memref<1x128xi32, #tpu.memory_space<vmem>> -> memref<128xi32, #tpu.memory_space<vmem>>
        %dma_wait3A_879 = arith.constant 0 : i32
        %dma_wait3A_880 = arith.constant 0 : i32
        %dma_wait3A_881 = tpu.memref_slice %arg10[%dma_wait3A_879, %dma_wait3A_880] : memref<10240x128xf32, #tpu.memory_space<vmem_shared>> -> memref<10240x128xf32, #tpu.memory_space<vmem_shared>>
        tpu.wait_indirect_dma semaphore(%run_scoped3A_869 : memref<!tpu.dma_semaphore, #tpu.memory_space<semaphore_mem>>) src(%arg8 : memref<128x128xf32, #tpu.memory_space<vmem>>) dst(%dma_wait3A_881 : memref<10240x128xf32, #tpu.memory_space<vmem_shared>>)
        tpu.yield
      }) : () -> ()
      %dma_start3A_651 = arith.constant 42 : i32
      %dma_start3A_652 = arith.constant 0 : i32
      %dma_start3A_653 = tpu.memref_slice %arg6[%dma_start3A_651, %dma_start3A_652] : memref<56x128xi32, #tpu.memory_space<vmem>> -> memref<1x128xi32, #tpu.memory_space<vmem>>
      %dma_start3A_654 = tpu.memref_squeeze %dma_start3A_653 : memref<1x128xi32, #tpu.memory_space<vmem>> -> memref<128xi32, #tpu.memory_space<vmem>>
      %dma_start3A_655 = arith.constant 0 : i32
      %dma_start3A_656 = arith.constant 0 : i32
      %dma_start3A_657 = tpu.memref_slice %arg2[%dma_start3A_655, %dma_start3A_656] : memref<20000x128xf32, #tpu.memory_space<hbm>> -> memref<20000x128xf32, #tpu.memory_space<hbm>>
      tpu.enqueue_indirect_dma source(%dma_start3A_657 : memref<20000x128xf32, #tpu.memory_space<hbm>>) target(%arg8 : memref<128x128xf32, #tpu.memory_space<vmem>>) offsets(%dma_start3A_654 : memref<128xi32, #tpu.memory_space<vmem>>) semaphore(%arg11 : memref<!tpu.dma_semaphore, #tpu.memory_space<semaphore_mem>>)
      %dma_wait3A_658 = arith.constant 41 : i32
      %dma_wait3A_659 = arith.constant 0 : i32
      %dma_wait3A_660 = tpu.memref_slice %arg6[%dma_wait3A_658, %dma_wait3A_659] : memref<56x128xi32, #tpu.memory_space<vmem>> -> memref<1x128xi32, #tpu.memory_space<vmem>>
      %dma_wait3A_661 = tpu.memref_squeeze %dma_wait3A_660 : memref<1x128xi32, #tpu.memory_space<vmem>> -> memref<128xi32, #tpu.memory_space<vmem>>
      %dma_wait3A_662 = arith.constant 0 : i32
      %dma_wait3A_663 = arith.constant 0 : i32
      %dma_wait3A_664 = tpu.memref_slice %arg2[%dma_wait3A_662, %dma_wait3A_663] : memref<20000x128xf32, #tpu.memory_space<hbm>> -> memref<20000x128xf32, #tpu.memory_space<hbm>>
      tpu.wait_indirect_dma semaphore(%arg12 : memref<!tpu.dma_semaphore, #tpu.memory_space<semaphore_mem>>) src(%dma_wait3A_664 : memref<20000x128xf32, #tpu.memory_space<hbm>>) dst(%arg9 : memref<128x128xf32, #tpu.memory_space<vmem>>)
      %run_scoped3A_665 = arith.constant 41 : i32
      "tpu.region"() ({
        %run_scoped3A_869 = tpu.sem_alloc : memref<!tpu.dma_semaphore, #tpu.memory_space<semaphore_mem>>
        %dma_start3A_870 = arith.constant 0 : i32
        %dma_start3A_871 = tpu.memref_slice %arg7[%run_scoped3A_665, %dma_start3A_870] : memref<56x128xi32, #tpu.memory_space<vmem>> -> memref<1x128xi32, #tpu.memory_space<vmem>>
        %dma_start3A_872 = tpu.memref_squeeze %dma_start3A_871 : memref<1x128xi32, #tpu.memory_space<vmem>> -> memref<128xi32, #tpu.memory_space<vmem>>
        %dma_start3A_873 = arith.constant 0 : i32
        %dma_start3A_874 = arith.constant 0 : i32
        %dma_start3A_875 = tpu.memref_slice %arg10[%dma_start3A_873, %dma_start3A_874] : memref<10240x128xf32, #tpu.memory_space<vmem_shared>> -> memref<10240x128xf32, #tpu.memory_space<vmem_shared>>
        tpu.enqueue_indirect_dma source(%arg9 : memref<128x128xf32, #tpu.memory_space<vmem>>) target(%dma_start3A_875 : memref<10240x128xf32, #tpu.memory_space<vmem_shared>>) offsets(%dma_start3A_872 : memref<128xi32, #tpu.memory_space<vmem>>) semaphore(%run_scoped3A_869 : memref<!tpu.dma_semaphore, #tpu.memory_space<semaphore_mem>>) {add = true}
        %dma_wait3A_876 = arith.constant 0 : i32
        %dma_wait3A_877 = tpu.memref_slice %arg7[%run_scoped3A_665, %dma_wait3A_876] : memref<56x128xi32, #tpu.memory_space<vmem>> -> memref<1x128xi32, #tpu.memory_space<vmem>>
        %dma_wait3A_878 = tpu.memref_squeeze %dma_wait3A_877 : memref<1x128xi32, #tpu.memory_space<vmem>> -> memref<128xi32, #tpu.memory_space<vmem>>
        %dma_wait3A_879 = arith.constant 0 : i32
        %dma_wait3A_880 = arith.constant 0 : i32
        %dma_wait3A_881 = tpu.memref_slice %arg10[%dma_wait3A_879, %dma_wait3A_880] : memref<10240x128xf32, #tpu.memory_space<vmem_shared>> -> memref<10240x128xf32, #tpu.memory_space<vmem_shared>>
        tpu.wait_indirect_dma semaphore(%run_scoped3A_869 : memref<!tpu.dma_semaphore, #tpu.memory_space<semaphore_mem>>) src(%arg9 : memref<128x128xf32, #tpu.memory_space<vmem>>) dst(%dma_wait3A_881 : memref<10240x128xf32, #tpu.memory_space<vmem_shared>>)
        tpu.yield
      }) : () -> ()
      %dma_start3A_666 = arith.constant 43 : i32
      %dma_start3A_667 = arith.constant 0 : i32
      %dma_start3A_668 = tpu.memref_slice %arg6[%dma_start3A_666, %dma_start3A_667] : memref<56x128xi32, #tpu.memory_space<vmem>> -> memref<1x128xi32, #tpu.memory_space<vmem>>
      %dma_start3A_669 = tpu.memref_squeeze %dma_start3A_668 : memref<1x128xi32, #tpu.memory_space<vmem>> -> memref<128xi32, #tpu.memory_space<vmem>>
      %dma_start3A_670 = arith.constant 0 : i32
      %dma_start3A_671 = arith.constant 0 : i32
      %dma_start3A_672 = tpu.memref_slice %arg2[%dma_start3A_670, %dma_start3A_671] : memref<20000x128xf32, #tpu.memory_space<hbm>> -> memref<20000x128xf32, #tpu.memory_space<hbm>>
      tpu.enqueue_indirect_dma source(%dma_start3A_672 : memref<20000x128xf32, #tpu.memory_space<hbm>>) target(%arg9 : memref<128x128xf32, #tpu.memory_space<vmem>>) offsets(%dma_start3A_669 : memref<128xi32, #tpu.memory_space<vmem>>) semaphore(%arg12 : memref<!tpu.dma_semaphore, #tpu.memory_space<semaphore_mem>>)
      %dma_wait3A_673 = arith.constant 42 : i32
      %dma_wait3A_674 = arith.constant 0 : i32
      %dma_wait3A_675 = tpu.memref_slice %arg6[%dma_wait3A_673, %dma_wait3A_674] : memref<56x128xi32, #tpu.memory_space<vmem>> -> memref<1x128xi32, #tpu.memory_space<vmem>>
      %dma_wait3A_676 = tpu.memref_squeeze %dma_wait3A_675 : memref<1x128xi32, #tpu.memory_space<vmem>> -> memref<128xi32, #tpu.memory_space<vmem>>
      %dma_wait3A_677 = arith.constant 0 : i32
      %dma_wait3A_678 = arith.constant 0 : i32
      %dma_wait3A_679 = tpu.memref_slice %arg2[%dma_wait3A_677, %dma_wait3A_678] : memref<20000x128xf32, #tpu.memory_space<hbm>> -> memref<20000x128xf32, #tpu.memory_space<hbm>>
      tpu.wait_indirect_dma semaphore(%arg11 : memref<!tpu.dma_semaphore, #tpu.memory_space<semaphore_mem>>) src(%dma_wait3A_679 : memref<20000x128xf32, #tpu.memory_space<hbm>>) dst(%arg8 : memref<128x128xf32, #tpu.memory_space<vmem>>)
      %run_scoped3A_680 = arith.constant 42 : i32
      "tpu.region"() ({
        %run_scoped3A_869 = tpu.sem_alloc : memref<!tpu.dma_semaphore, #tpu.memory_space<semaphore_mem>>
        %dma_start3A_870 = arith.constant 0 : i32
        %dma_start3A_871 = tpu.memref_slice %arg7[%run_scoped3A_680, %dma_start3A_870] : memref<56x128xi32, #tpu.memory_space<vmem>> -> memref<1x128xi32, #tpu.memory_space<vmem>>
        %dma_start3A_872 = tpu.memref_squeeze %dma_start3A_871 : memref<1x128xi32, #tpu.memory_space<vmem>> -> memref<128xi32, #tpu.memory_space<vmem>>
        %dma_start3A_873 = arith.constant 0 : i32
        %dma_start3A_874 = arith.constant 0 : i32
        %dma_start3A_875 = tpu.memref_slice %arg10[%dma_start3A_873, %dma_start3A_874] : memref<10240x128xf32, #tpu.memory_space<vmem_shared>> -> memref<10240x128xf32, #tpu.memory_space<vmem_shared>>
        tpu.enqueue_indirect_dma source(%arg8 : memref<128x128xf32, #tpu.memory_space<vmem>>) target(%dma_start3A_875 : memref<10240x128xf32, #tpu.memory_space<vmem_shared>>) offsets(%dma_start3A_872 : memref<128xi32, #tpu.memory_space<vmem>>) semaphore(%run_scoped3A_869 : memref<!tpu.dma_semaphore, #tpu.memory_space<semaphore_mem>>) {add = true}
        %dma_wait3A_876 = arith.constant 0 : i32
        %dma_wait3A_877 = tpu.memref_slice %arg7[%run_scoped3A_680, %dma_wait3A_876] : memref<56x128xi32, #tpu.memory_space<vmem>> -> memref<1x128xi32, #tpu.memory_space<vmem>>
        %dma_wait3A_878 = tpu.memref_squeeze %dma_wait3A_877 : memref<1x128xi32, #tpu.memory_space<vmem>> -> memref<128xi32, #tpu.memory_space<vmem>>
        %dma_wait3A_879 = arith.constant 0 : i32
        %dma_wait3A_880 = arith.constant 0 : i32
        %dma_wait3A_881 = tpu.memref_slice %arg10[%dma_wait3A_879, %dma_wait3A_880] : memref<10240x128xf32, #tpu.memory_space<vmem_shared>> -> memref<10240x128xf32, #tpu.memory_space<vmem_shared>>
        tpu.wait_indirect_dma semaphore(%run_scoped3A_869 : memref<!tpu.dma_semaphore, #tpu.memory_space<semaphore_mem>>) src(%arg8 : memref<128x128xf32, #tpu.memory_space<vmem>>) dst(%dma_wait3A_881 : memref<10240x128xf32, #tpu.memory_space<vmem_shared>>)
        tpu.yield
      }) : () -> ()
      %dma_start3A_681 = arith.constant 44 : i32
      %dma_start3A_682 = arith.constant 0 : i32
      %dma_start3A_683 = tpu.memref_slice %arg6[%dma_start3A_681, %dma_start3A_682] : memref<56x128xi32, #tpu.memory_space<vmem>> -> memref<1x128xi32, #tpu.memory_space<vmem>>
      %dma_start3A_684 = tpu.memref_squeeze %dma_start3A_683 : memref<1x128xi32, #tpu.memory_space<vmem>> -> memref<128xi32, #tpu.memory_space<vmem>>
      %dma_start3A_685 = arith.constant 0 : i32
      %dma_start3A_686 = arith.constant 0 : i32
      %dma_start3A_687 = tpu.memref_slice %arg2[%dma_start3A_685, %dma_start3A_686] : memref<20000x128xf32, #tpu.memory_space<hbm>> -> memref<20000x128xf32, #tpu.memory_space<hbm>>
      tpu.enqueue_indirect_dma source(%dma_start3A_687 : memref<20000x128xf32, #tpu.memory_space<hbm>>) target(%arg8 : memref<128x128xf32, #tpu.memory_space<vmem>>) offsets(%dma_start3A_684 : memref<128xi32, #tpu.memory_space<vmem>>) semaphore(%arg11 : memref<!tpu.dma_semaphore, #tpu.memory_space<semaphore_mem>>)
      %dma_wait3A_688 = arith.constant 43 : i32
      %dma_wait3A_689 = arith.constant 0 : i32
      %dma_wait3A_690 = tpu.memref_slice %arg6[%dma_wait3A_688, %dma_wait3A_689] : memref<56x128xi32, #tpu.memory_space<vmem>> -> memref<1x128xi32, #tpu.memory_space<vmem>>
      %dma_wait3A_691 = tpu.memref_squeeze %dma_wait3A_690 : memref<1x128xi32, #tpu.memory_space<vmem>> -> memref<128xi32, #tpu.memory_space<vmem>>
      %dma_wait3A_692 = arith.constant 0 : i32
      %dma_wait3A_693 = arith.constant 0 : i32
      %dma_wait3A_694 = tpu.memref_slice %arg2[%dma_wait3A_692, %dma_wait3A_693] : memref<20000x128xf32, #tpu.memory_space<hbm>> -> memref<20000x128xf32, #tpu.memory_space<hbm>>
      tpu.wait_indirect_dma semaphore(%arg12 : memref<!tpu.dma_semaphore, #tpu.memory_space<semaphore_mem>>) src(%dma_wait3A_694 : memref<20000x128xf32, #tpu.memory_space<hbm>>) dst(%arg9 : memref<128x128xf32, #tpu.memory_space<vmem>>)
      %run_scoped3A_695 = arith.constant 43 : i32
      "tpu.region"() ({
        %run_scoped3A_869 = tpu.sem_alloc : memref<!tpu.dma_semaphore, #tpu.memory_space<semaphore_mem>>
        %dma_start3A_870 = arith.constant 0 : i32
        %dma_start3A_871 = tpu.memref_slice %arg7[%run_scoped3A_695, %dma_start3A_870] : memref<56x128xi32, #tpu.memory_space<vmem>> -> memref<1x128xi32, #tpu.memory_space<vmem>>
        %dma_start3A_872 = tpu.memref_squeeze %dma_start3A_871 : memref<1x128xi32, #tpu.memory_space<vmem>> -> memref<128xi32, #tpu.memory_space<vmem>>
        %dma_start3A_873 = arith.constant 0 : i32
        %dma_start3A_874 = arith.constant 0 : i32
        %dma_start3A_875 = tpu.memref_slice %arg10[%dma_start3A_873, %dma_start3A_874] : memref<10240x128xf32, #tpu.memory_space<vmem_shared>> -> memref<10240x128xf32, #tpu.memory_space<vmem_shared>>
        tpu.enqueue_indirect_dma source(%arg9 : memref<128x128xf32, #tpu.memory_space<vmem>>) target(%dma_start3A_875 : memref<10240x128xf32, #tpu.memory_space<vmem_shared>>) offsets(%dma_start3A_872 : memref<128xi32, #tpu.memory_space<vmem>>) semaphore(%run_scoped3A_869 : memref<!tpu.dma_semaphore, #tpu.memory_space<semaphore_mem>>) {add = true}
        %dma_wait3A_876 = arith.constant 0 : i32
        %dma_wait3A_877 = tpu.memref_slice %arg7[%run_scoped3A_695, %dma_wait3A_876] : memref<56x128xi32, #tpu.memory_space<vmem>> -> memref<1x128xi32, #tpu.memory_space<vmem>>
        %dma_wait3A_878 = tpu.memref_squeeze %dma_wait3A_877 : memref<1x128xi32, #tpu.memory_space<vmem>> -> memref<128xi32, #tpu.memory_space<vmem>>
        %dma_wait3A_879 = arith.constant 0 : i32
        %dma_wait3A_880 = arith.constant 0 : i32
        %dma_wait3A_881 = tpu.memref_slice %arg10[%dma_wait3A_879, %dma_wait3A_880] : memref<10240x128xf32, #tpu.memory_space<vmem_shared>> -> memref<10240x128xf32, #tpu.memory_space<vmem_shared>>
        tpu.wait_indirect_dma semaphore(%run_scoped3A_869 : memref<!tpu.dma_semaphore, #tpu.memory_space<semaphore_mem>>) src(%arg9 : memref<128x128xf32, #tpu.memory_space<vmem>>) dst(%dma_wait3A_881 : memref<10240x128xf32, #tpu.memory_space<vmem_shared>>)
        tpu.yield
      }) : () -> ()
      %dma_start3A_696 = arith.constant 45 : i32
      %dma_start3A_697 = arith.constant 0 : i32
      %dma_start3A_698 = tpu.memref_slice %arg6[%dma_start3A_696, %dma_start3A_697] : memref<56x128xi32, #tpu.memory_space<vmem>> -> memref<1x128xi32, #tpu.memory_space<vmem>>
      %dma_start3A_699 = tpu.memref_squeeze %dma_start3A_698 : memref<1x128xi32, #tpu.memory_space<vmem>> -> memref<128xi32, #tpu.memory_space<vmem>>
      %dma_start3A_700 = arith.constant 0 : i32
      %dma_start3A_701 = arith.constant 0 : i32
      %dma_start3A_702 = tpu.memref_slice %arg2[%dma_start3A_700, %dma_start3A_701] : memref<20000x128xf32, #tpu.memory_space<hbm>> -> memref<20000x128xf32, #tpu.memory_space<hbm>>
      tpu.enqueue_indirect_dma source(%dma_start3A_702 : memref<20000x128xf32, #tpu.memory_space<hbm>>) target(%arg9 : memref<128x128xf32, #tpu.memory_space<vmem>>) offsets(%dma_start3A_699 : memref<128xi32, #tpu.memory_space<vmem>>) semaphore(%arg12 : memref<!tpu.dma_semaphore, #tpu.memory_space<semaphore_mem>>)
      %dma_wait3A_703 = arith.constant 44 : i32
      %dma_wait3A_704 = arith.constant 0 : i32
      %dma_wait3A_705 = tpu.memref_slice %arg6[%dma_wait3A_703, %dma_wait3A_704] : memref<56x128xi32, #tpu.memory_space<vmem>> -> memref<1x128xi32, #tpu.memory_space<vmem>>
      %dma_wait3A_706 = tpu.memref_squeeze %dma_wait3A_705 : memref<1x128xi32, #tpu.memory_space<vmem>> -> memref<128xi32, #tpu.memory_space<vmem>>
      %dma_wait3A_707 = arith.constant 0 : i32
      %dma_wait3A_708 = arith.constant 0 : i32
      %dma_wait3A_709 = tpu.memref_slice %arg2[%dma_wait3A_707, %dma_wait3A_708] : memref<20000x128xf32, #tpu.memory_space<hbm>> -> memref<20000x128xf32, #tpu.memory_space<hbm>>
      tpu.wait_indirect_dma semaphore(%arg11 : memref<!tpu.dma_semaphore, #tpu.memory_space<semaphore_mem>>) src(%dma_wait3A_709 : memref<20000x128xf32, #tpu.memory_space<hbm>>) dst(%arg8 : memref<128x128xf32, #tpu.memory_space<vmem>>)
      %run_scoped3A_710 = arith.constant 44 : i32
      "tpu.region"() ({
        %run_scoped3A_869 = tpu.sem_alloc : memref<!tpu.dma_semaphore, #tpu.memory_space<semaphore_mem>>
        %dma_start3A_870 = arith.constant 0 : i32
        %dma_start3A_871 = tpu.memref_slice %arg7[%run_scoped3A_710, %dma_start3A_870] : memref<56x128xi32, #tpu.memory_space<vmem>> -> memref<1x128xi32, #tpu.memory_space<vmem>>
        %dma_start3A_872 = tpu.memref_squeeze %dma_start3A_871 : memref<1x128xi32, #tpu.memory_space<vmem>> -> memref<128xi32, #tpu.memory_space<vmem>>
        %dma_start3A_873 = arith.constant 0 : i32
        %dma_start3A_874 = arith.constant 0 : i32
        %dma_start3A_875 = tpu.memref_slice %arg10[%dma_start3A_873, %dma_start3A_874] : memref<10240x128xf32, #tpu.memory_space<vmem_shared>> -> memref<10240x128xf32, #tpu.memory_space<vmem_shared>>
        tpu.enqueue_indirect_dma source(%arg8 : memref<128x128xf32, #tpu.memory_space<vmem>>) target(%dma_start3A_875 : memref<10240x128xf32, #tpu.memory_space<vmem_shared>>) offsets(%dma_start3A_872 : memref<128xi32, #tpu.memory_space<vmem>>) semaphore(%run_scoped3A_869 : memref<!tpu.dma_semaphore, #tpu.memory_space<semaphore_mem>>) {add = true}
        %dma_wait3A_876 = arith.constant 0 : i32
        %dma_wait3A_877 = tpu.memref_slice %arg7[%run_scoped3A_710, %dma_wait3A_876] : memref<56x128xi32, #tpu.memory_space<vmem>> -> memref<1x128xi32, #tpu.memory_space<vmem>>
        %dma_wait3A_878 = tpu.memref_squeeze %dma_wait3A_877 : memref<1x128xi32, #tpu.memory_space<vmem>> -> memref<128xi32, #tpu.memory_space<vmem>>
        %dma_wait3A_879 = arith.constant 0 : i32
        %dma_wait3A_880 = arith.constant 0 : i32
        %dma_wait3A_881 = tpu.memref_slice %arg10[%dma_wait3A_879, %dma_wait3A_880] : memref<10240x128xf32, #tpu.memory_space<vmem_shared>> -> memref<10240x128xf32, #tpu.memory_space<vmem_shared>>
        tpu.wait_indirect_dma semaphore(%run_scoped3A_869 : memref<!tpu.dma_semaphore, #tpu.memory_space<semaphore_mem>>) src(%arg8 : memref<128x128xf32, #tpu.memory_space<vmem>>) dst(%dma_wait3A_881 : memref<10240x128xf32, #tpu.memory_space<vmem_shared>>)
        tpu.yield
      }) : () -> ()
      %dma_start3A_711 = arith.constant 46 : i32
      %dma_start3A_712 = arith.constant 0 : i32
      %dma_start3A_713 = tpu.memref_slice %arg6[%dma_start3A_711, %dma_start3A_712] : memref<56x128xi32, #tpu.memory_space<vmem>> -> memref<1x128xi32, #tpu.memory_space<vmem>>
      %dma_start3A_714 = tpu.memref_squeeze %dma_start3A_713 : memref<1x128xi32, #tpu.memory_space<vmem>> -> memref<128xi32, #tpu.memory_space<vmem>>
      %dma_start3A_715 = arith.constant 0 : i32
      %dma_start3A_716 = arith.constant 0 : i32
      %dma_start3A_717 = tpu.memref_slice %arg2[%dma_start3A_715, %dma_start3A_716] : memref<20000x128xf32, #tpu.memory_space<hbm>> -> memref<20000x128xf32, #tpu.memory_space<hbm>>
      tpu.enqueue_indirect_dma source(%dma_start3A_717 : memref<20000x128xf32, #tpu.memory_space<hbm>>) target(%arg8 : memref<128x128xf32, #tpu.memory_space<vmem>>) offsets(%dma_start3A_714 : memref<128xi32, #tpu.memory_space<vmem>>) semaphore(%arg11 : memref<!tpu.dma_semaphore, #tpu.memory_space<semaphore_mem>>)
      %dma_wait3A_718 = arith.constant 45 : i32
      %dma_wait3A_719 = arith.constant 0 : i32
      %dma_wait3A_720 = tpu.memref_slice %arg6[%dma_wait3A_718, %dma_wait3A_719] : memref<56x128xi32, #tpu.memory_space<vmem>> -> memref<1x128xi32, #tpu.memory_space<vmem>>
      %dma_wait3A_721 = tpu.memref_squeeze %dma_wait3A_720 : memref<1x128xi32, #tpu.memory_space<vmem>> -> memref<128xi32, #tpu.memory_space<vmem>>
      %dma_wait3A_722 = arith.constant 0 : i32
      %dma_wait3A_723 = arith.constant 0 : i32
      %dma_wait3A_724 = tpu.memref_slice %arg2[%dma_wait3A_722, %dma_wait3A_723] : memref<20000x128xf32, #tpu.memory_space<hbm>> -> memref<20000x128xf32, #tpu.memory_space<hbm>>
      tpu.wait_indirect_dma semaphore(%arg12 : memref<!tpu.dma_semaphore, #tpu.memory_space<semaphore_mem>>) src(%dma_wait3A_724 : memref<20000x128xf32, #tpu.memory_space<hbm>>) dst(%arg9 : memref<128x128xf32, #tpu.memory_space<vmem>>)
      %run_scoped3A_725 = arith.constant 45 : i32
      "tpu.region"() ({
        %run_scoped3A_869 = tpu.sem_alloc : memref<!tpu.dma_semaphore, #tpu.memory_space<semaphore_mem>>
        %dma_start3A_870 = arith.constant 0 : i32
        %dma_start3A_871 = tpu.memref_slice %arg7[%run_scoped3A_725, %dma_start3A_870] : memref<56x128xi32, #tpu.memory_space<vmem>> -> memref<1x128xi32, #tpu.memory_space<vmem>>
        %dma_start3A_872 = tpu.memref_squeeze %dma_start3A_871 : memref<1x128xi32, #tpu.memory_space<vmem>> -> memref<128xi32, #tpu.memory_space<vmem>>
        %dma_start3A_873 = arith.constant 0 : i32
        %dma_start3A_874 = arith.constant 0 : i32
        %dma_start3A_875 = tpu.memref_slice %arg10[%dma_start3A_873, %dma_start3A_874] : memref<10240x128xf32, #tpu.memory_space<vmem_shared>> -> memref<10240x128xf32, #tpu.memory_space<vmem_shared>>
        tpu.enqueue_indirect_dma source(%arg9 : memref<128x128xf32, #tpu.memory_space<vmem>>) target(%dma_start3A_875 : memref<10240x128xf32, #tpu.memory_space<vmem_shared>>) offsets(%dma_start3A_872 : memref<128xi32, #tpu.memory_space<vmem>>) semaphore(%run_scoped3A_869 : memref<!tpu.dma_semaphore, #tpu.memory_space<semaphore_mem>>) {add = true}
        %dma_wait3A_876 = arith.constant 0 : i32
        %dma_wait3A_877 = tpu.memref_slice %arg7[%run_scoped3A_725, %dma_wait3A_876] : memref<56x128xi32, #tpu.memory_space<vmem>> -> memref<1x128xi32, #tpu.memory_space<vmem>>
        %dma_wait3A_878 = tpu.memref_squeeze %dma_wait3A_877 : memref<1x128xi32, #tpu.memory_space<vmem>> -> memref<128xi32, #tpu.memory_space<vmem>>
        %dma_wait3A_879 = arith.constant 0 : i32
        %dma_wait3A_880 = arith.constant 0 : i32
        %dma_wait3A_881 = tpu.memref_slice %arg10[%dma_wait3A_879, %dma_wait3A_880] : memref<10240x128xf32, #tpu.memory_space<vmem_shared>> -> memref<10240x128xf32, #tpu.memory_space<vmem_shared>>
        tpu.wait_indirect_dma semaphore(%run_scoped3A_869 : memref<!tpu.dma_semaphore, #tpu.memory_space<semaphore_mem>>) src(%arg9 : memref<128x128xf32, #tpu.memory_space<vmem>>) dst(%dma_wait3A_881 : memref<10240x128xf32, #tpu.memory_space<vmem_shared>>)
        tpu.yield
      }) : () -> ()
      %dma_start3A_726 = arith.constant 47 : i32
      %dma_start3A_727 = arith.constant 0 : i32
      %dma_start3A_728 = tpu.memref_slice %arg6[%dma_start3A_726, %dma_start3A_727] : memref<56x128xi32, #tpu.memory_space<vmem>> -> memref<1x128xi32, #tpu.memory_space<vmem>>
      %dma_start3A_729 = tpu.memref_squeeze %dma_start3A_728 : memref<1x128xi32, #tpu.memory_space<vmem>> -> memref<128xi32, #tpu.memory_space<vmem>>
      %dma_start3A_730 = arith.constant 0 : i32
      %dma_start3A_731 = arith.constant 0 : i32
      %dma_start3A_732 = tpu.memref_slice %arg2[%dma_start3A_730, %dma_start3A_731] : memref<20000x128xf32, #tpu.memory_space<hbm>> -> memref<20000x128xf32, #tpu.memory_space<hbm>>
      tpu.enqueue_indirect_dma source(%dma_start3A_732 : memref<20000x128xf32, #tpu.memory_space<hbm>>) target(%arg9 : memref<128x128xf32, #tpu.memory_space<vmem>>) offsets(%dma_start3A_729 : memref<128xi32, #tpu.memory_space<vmem>>) semaphore(%arg12 : memref<!tpu.dma_semaphore, #tpu.memory_space<semaphore_mem>>)
      %dma_wait3A_733 = arith.constant 46 : i32
      %dma_wait3A_734 = arith.constant 0 : i32
      %dma_wait3A_735 = tpu.memref_slice %arg6[%dma_wait3A_733, %dma_wait3A_734] : memref<56x128xi32, #tpu.memory_space<vmem>> -> memref<1x128xi32, #tpu.memory_space<vmem>>
      %dma_wait3A_736 = tpu.memref_squeeze %dma_wait3A_735 : memref<1x128xi32, #tpu.memory_space<vmem>> -> memref<128xi32, #tpu.memory_space<vmem>>
      %dma_wait3A_737 = arith.constant 0 : i32
      %dma_wait3A_738 = arith.constant 0 : i32
      %dma_wait3A_739 = tpu.memref_slice %arg2[%dma_wait3A_737, %dma_wait3A_738] : memref<20000x128xf32, #tpu.memory_space<hbm>> -> memref<20000x128xf32, #tpu.memory_space<hbm>>
      tpu.wait_indirect_dma semaphore(%arg11 : memref<!tpu.dma_semaphore, #tpu.memory_space<semaphore_mem>>) src(%dma_wait3A_739 : memref<20000x128xf32, #tpu.memory_space<hbm>>) dst(%arg8 : memref<128x128xf32, #tpu.memory_space<vmem>>)
      %run_scoped3A_740 = arith.constant 46 : i32
      "tpu.region"() ({
        %run_scoped3A_869 = tpu.sem_alloc : memref<!tpu.dma_semaphore, #tpu.memory_space<semaphore_mem>>
        %dma_start3A_870 = arith.constant 0 : i32
        %dma_start3A_871 = tpu.memref_slice %arg7[%run_scoped3A_740, %dma_start3A_870] : memref<56x128xi32, #tpu.memory_space<vmem>> -> memref<1x128xi32, #tpu.memory_space<vmem>>
        %dma_start3A_872 = tpu.memref_squeeze %dma_start3A_871 : memref<1x128xi32, #tpu.memory_space<vmem>> -> memref<128xi32, #tpu.memory_space<vmem>>
        %dma_start3A_873 = arith.constant 0 : i32
        %dma_start3A_874 = arith.constant 0 : i32
        %dma_start3A_875 = tpu.memref_slice %arg10[%dma_start3A_873, %dma_start3A_874] : memref<10240x128xf32, #tpu.memory_space<vmem_shared>> -> memref<10240x128xf32, #tpu.memory_space<vmem_shared>>
        tpu.enqueue_indirect_dma source(%arg8 : memref<128x128xf32, #tpu.memory_space<vmem>>) target(%dma_start3A_875 : memref<10240x128xf32, #tpu.memory_space<vmem_shared>>) offsets(%dma_start3A_872 : memref<128xi32, #tpu.memory_space<vmem>>) semaphore(%run_scoped3A_869 : memref<!tpu.dma_semaphore, #tpu.memory_space<semaphore_mem>>) {add = true}
        %dma_wait3A_876 = arith.constant 0 : i32
        %dma_wait3A_877 = tpu.memref_slice %arg7[%run_scoped3A_740, %dma_wait3A_876] : memref<56x128xi32, #tpu.memory_space<vmem>> -> memref<1x128xi32, #tpu.memory_space<vmem>>
        %dma_wait3A_878 = tpu.memref_squeeze %dma_wait3A_877 : memref<1x128xi32, #tpu.memory_space<vmem>> -> memref<128xi32, #tpu.memory_space<vmem>>
        %dma_wait3A_879 = arith.constant 0 : i32
        %dma_wait3A_880 = arith.constant 0 : i32
        %dma_wait3A_881 = tpu.memref_slice %arg10[%dma_wait3A_879, %dma_wait3A_880] : memref<10240x128xf32, #tpu.memory_space<vmem_shared>> -> memref<10240x128xf32, #tpu.memory_space<vmem_shared>>
        tpu.wait_indirect_dma semaphore(%run_scoped3A_869 : memref<!tpu.dma_semaphore, #tpu.memory_space<semaphore_mem>>) src(%arg8 : memref<128x128xf32, #tpu.memory_space<vmem>>) dst(%dma_wait3A_881 : memref<10240x128xf32, #tpu.memory_space<vmem_shared>>)
        tpu.yield
      }) : () -> ()
      %dma_start3A_741 = arith.constant 48 : i32
      %dma_start3A_742 = arith.constant 0 : i32
      %dma_start3A_743 = tpu.memref_slice %arg6[%dma_start3A_741, %dma_start3A_742] : memref<56x128xi32, #tpu.memory_space<vmem>> -> memref<1x128xi32, #tpu.memory_space<vmem>>
      %dma_start3A_744 = tpu.memref_squeeze %dma_start3A_743 : memref<1x128xi32, #tpu.memory_space<vmem>> -> memref<128xi32, #tpu.memory_space<vmem>>
      %dma_start3A_745 = arith.constant 0 : i32
      %dma_start3A_746 = arith.constant 0 : i32
      %dma_start3A_747 = tpu.memref_slice %arg2[%dma_start3A_745, %dma_start3A_746] : memref<20000x128xf32, #tpu.memory_space<hbm>> -> memref<20000x128xf32, #tpu.memory_space<hbm>>
      tpu.enqueue_indirect_dma source(%dma_start3A_747 : memref<20000x128xf32, #tpu.memory_space<hbm>>) target(%arg8 : memref<128x128xf32, #tpu.memory_space<vmem>>) offsets(%dma_start3A_744 : memref<128xi32, #tpu.memory_space<vmem>>) semaphore(%arg11 : memref<!tpu.dma_semaphore, #tpu.memory_space<semaphore_mem>>)
      %dma_wait3A_748 = arith.constant 47 : i32
      %dma_wait3A_749 = arith.constant 0 : i32
      %dma_wait3A_750 = tpu.memref_slice %arg6[%dma_wait3A_748, %dma_wait3A_749] : memref<56x128xi32, #tpu.memory_space<vmem>> -> memref<1x128xi32, #tpu.memory_space<vmem>>
      %dma_wait3A_751 = tpu.memref_squeeze %dma_wait3A_750 : memref<1x128xi32, #tpu.memory_space<vmem>> -> memref<128xi32, #tpu.memory_space<vmem>>
      %dma_wait3A_752 = arith.constant 0 : i32
      %dma_wait3A_753 = arith.constant 0 : i32
      %dma_wait3A_754 = tpu.memref_slice %arg2[%dma_wait3A_752, %dma_wait3A_753] : memref<20000x128xf32, #tpu.memory_space<hbm>> -> memref<20000x128xf32, #tpu.memory_space<hbm>>
      tpu.wait_indirect_dma semaphore(%arg12 : memref<!tpu.dma_semaphore, #tpu.memory_space<semaphore_mem>>) src(%dma_wait3A_754 : memref<20000x128xf32, #tpu.memory_space<hbm>>) dst(%arg9 : memref<128x128xf32, #tpu.memory_space<vmem>>)
      %run_scoped3A_755 = arith.constant 47 : i32
      "tpu.region"() ({
        %run_scoped3A_869 = tpu.sem_alloc : memref<!tpu.dma_semaphore, #tpu.memory_space<semaphore_mem>>
        %dma_start3A_870 = arith.constant 0 : i32
        %dma_start3A_871 = tpu.memref_slice %arg7[%run_scoped3A_755, %dma_start3A_870] : memref<56x128xi32, #tpu.memory_space<vmem>> -> memref<1x128xi32, #tpu.memory_space<vmem>>
        %dma_start3A_872 = tpu.memref_squeeze %dma_start3A_871 : memref<1x128xi32, #tpu.memory_space<vmem>> -> memref<128xi32, #tpu.memory_space<vmem>>
        %dma_start3A_873 = arith.constant 0 : i32
        %dma_start3A_874 = arith.constant 0 : i32
        %dma_start3A_875 = tpu.memref_slice %arg10[%dma_start3A_873, %dma_start3A_874] : memref<10240x128xf32, #tpu.memory_space<vmem_shared>> -> memref<10240x128xf32, #tpu.memory_space<vmem_shared>>
        tpu.enqueue_indirect_dma source(%arg9 : memref<128x128xf32, #tpu.memory_space<vmem>>) target(%dma_start3A_875 : memref<10240x128xf32, #tpu.memory_space<vmem_shared>>) offsets(%dma_start3A_872 : memref<128xi32, #tpu.memory_space<vmem>>) semaphore(%run_scoped3A_869 : memref<!tpu.dma_semaphore, #tpu.memory_space<semaphore_mem>>) {add = true}
        %dma_wait3A_876 = arith.constant 0 : i32
        %dma_wait3A_877 = tpu.memref_slice %arg7[%run_scoped3A_755, %dma_wait3A_876] : memref<56x128xi32, #tpu.memory_space<vmem>> -> memref<1x128xi32, #tpu.memory_space<vmem>>
        %dma_wait3A_878 = tpu.memref_squeeze %dma_wait3A_877 : memref<1x128xi32, #tpu.memory_space<vmem>> -> memref<128xi32, #tpu.memory_space<vmem>>
        %dma_wait3A_879 = arith.constant 0 : i32
        %dma_wait3A_880 = arith.constant 0 : i32
        %dma_wait3A_881 = tpu.memref_slice %arg10[%dma_wait3A_879, %dma_wait3A_880] : memref<10240x128xf32, #tpu.memory_space<vmem_shared>> -> memref<10240x128xf32, #tpu.memory_space<vmem_shared>>
        tpu.wait_indirect_dma semaphore(%run_scoped3A_869 : memref<!tpu.dma_semaphore, #tpu.memory_space<semaphore_mem>>) src(%arg9 : memref<128x128xf32, #tpu.memory_space<vmem>>) dst(%dma_wait3A_881 : memref<10240x128xf32, #tpu.memory_space<vmem_shared>>)
        tpu.yield
      }) : () -> ()
      %dma_start3A_756 = arith.constant 49 : i32
      %dma_start3A_757 = arith.constant 0 : i32
      %dma_start3A_758 = tpu.memref_slice %arg6[%dma_start3A_756, %dma_start3A_757] : memref<56x128xi32, #tpu.memory_space<vmem>> -> memref<1x128xi32, #tpu.memory_space<vmem>>
      %dma_start3A_759 = tpu.memref_squeeze %dma_start3A_758 : memref<1x128xi32, #tpu.memory_space<vmem>> -> memref<128xi32, #tpu.memory_space<vmem>>
      %dma_start3A_760 = arith.constant 0 : i32
      %dma_start3A_761 = arith.constant 0 : i32
      %dma_start3A_762 = tpu.memref_slice %arg2[%dma_start3A_760, %dma_start3A_761] : memref<20000x128xf32, #tpu.memory_space<hbm>> -> memref<20000x128xf32, #tpu.memory_space<hbm>>
      tpu.enqueue_indirect_dma source(%dma_start3A_762 : memref<20000x128xf32, #tpu.memory_space<hbm>>) target(%arg9 : memref<128x128xf32, #tpu.memory_space<vmem>>) offsets(%dma_start3A_759 : memref<128xi32, #tpu.memory_space<vmem>>) semaphore(%arg12 : memref<!tpu.dma_semaphore, #tpu.memory_space<semaphore_mem>>)
      %dma_wait3A_763 = arith.constant 48 : i32
      %dma_wait3A_764 = arith.constant 0 : i32
      %dma_wait3A_765 = tpu.memref_slice %arg6[%dma_wait3A_763, %dma_wait3A_764] : memref<56x128xi32, #tpu.memory_space<vmem>> -> memref<1x128xi32, #tpu.memory_space<vmem>>
      %dma_wait3A_766 = tpu.memref_squeeze %dma_wait3A_765 : memref<1x128xi32, #tpu.memory_space<vmem>> -> memref<128xi32, #tpu.memory_space<vmem>>
      %dma_wait3A_767 = arith.constant 0 : i32
      %dma_wait3A_768 = arith.constant 0 : i32
      %dma_wait3A_769 = tpu.memref_slice %arg2[%dma_wait3A_767, %dma_wait3A_768] : memref<20000x128xf32, #tpu.memory_space<hbm>> -> memref<20000x128xf32, #tpu.memory_space<hbm>>
      tpu.wait_indirect_dma semaphore(%arg11 : memref<!tpu.dma_semaphore, #tpu.memory_space<semaphore_mem>>) src(%dma_wait3A_769 : memref<20000x128xf32, #tpu.memory_space<hbm>>) dst(%arg8 : memref<128x128xf32, #tpu.memory_space<vmem>>)
      %run_scoped3A_770 = arith.constant 48 : i32
      "tpu.region"() ({
        %run_scoped3A_869 = tpu.sem_alloc : memref<!tpu.dma_semaphore, #tpu.memory_space<semaphore_mem>>
        %dma_start3A_870 = arith.constant 0 : i32
        %dma_start3A_871 = tpu.memref_slice %arg7[%run_scoped3A_770, %dma_start3A_870] : memref<56x128xi32, #tpu.memory_space<vmem>> -> memref<1x128xi32, #tpu.memory_space<vmem>>
        %dma_start3A_872 = tpu.memref_squeeze %dma_start3A_871 : memref<1x128xi32, #tpu.memory_space<vmem>> -> memref<128xi32, #tpu.memory_space<vmem>>
        %dma_start3A_873 = arith.constant 0 : i32
        %dma_start3A_874 = arith.constant 0 : i32
        %dma_start3A_875 = tpu.memref_slice %arg10[%dma_start3A_873, %dma_start3A_874] : memref<10240x128xf32, #tpu.memory_space<vmem_shared>> -> memref<10240x128xf32, #tpu.memory_space<vmem_shared>>
        tpu.enqueue_indirect_dma source(%arg8 : memref<128x128xf32, #tpu.memory_space<vmem>>) target(%dma_start3A_875 : memref<10240x128xf32, #tpu.memory_space<vmem_shared>>) offsets(%dma_start3A_872 : memref<128xi32, #tpu.memory_space<vmem>>) semaphore(%run_scoped3A_869 : memref<!tpu.dma_semaphore, #tpu.memory_space<semaphore_mem>>) {add = true}
        %dma_wait3A_876 = arith.constant 0 : i32
        %dma_wait3A_877 = tpu.memref_slice %arg7[%run_scoped3A_770, %dma_wait3A_876] : memref<56x128xi32, #tpu.memory_space<vmem>> -> memref<1x128xi32, #tpu.memory_space<vmem>>
        %dma_wait3A_878 = tpu.memref_squeeze %dma_wait3A_877 : memref<1x128xi32, #tpu.memory_space<vmem>> -> memref<128xi32, #tpu.memory_space<vmem>>
        %dma_wait3A_879 = arith.constant 0 : i32
        %dma_wait3A_880 = arith.constant 0 : i32
        %dma_wait3A_881 = tpu.memref_slice %arg10[%dma_wait3A_879, %dma_wait3A_880] : memref<10240x128xf32, #tpu.memory_space<vmem_shared>> -> memref<10240x128xf32, #tpu.memory_space<vmem_shared>>
        tpu.wait_indirect_dma semaphore(%run_scoped3A_869 : memref<!tpu.dma_semaphore, #tpu.memory_space<semaphore_mem>>) src(%arg8 : memref<128x128xf32, #tpu.memory_space<vmem>>) dst(%dma_wait3A_881 : memref<10240x128xf32, #tpu.memory_space<vmem_shared>>)
        tpu.yield
      }) : () -> ()
      %dma_start3A_771 = arith.constant 50 : i32
      %dma_start3A_772 = arith.constant 0 : i32
      %dma_start3A_773 = tpu.memref_slice %arg6[%dma_start3A_771, %dma_start3A_772] : memref<56x128xi32, #tpu.memory_space<vmem>> -> memref<1x128xi32, #tpu.memory_space<vmem>>
      %dma_start3A_774 = tpu.memref_squeeze %dma_start3A_773 : memref<1x128xi32, #tpu.memory_space<vmem>> -> memref<128xi32, #tpu.memory_space<vmem>>
      %dma_start3A_775 = arith.constant 0 : i32
      %dma_start3A_776 = arith.constant 0 : i32
      %dma_start3A_777 = tpu.memref_slice %arg2[%dma_start3A_775, %dma_start3A_776] : memref<20000x128xf32, #tpu.memory_space<hbm>> -> memref<20000x128xf32, #tpu.memory_space<hbm>>
      tpu.enqueue_indirect_dma source(%dma_start3A_777 : memref<20000x128xf32, #tpu.memory_space<hbm>>) target(%arg8 : memref<128x128xf32, #tpu.memory_space<vmem>>) offsets(%dma_start3A_774 : memref<128xi32, #tpu.memory_space<vmem>>) semaphore(%arg11 : memref<!tpu.dma_semaphore, #tpu.memory_space<semaphore_mem>>)
      %dma_wait3A_778 = arith.constant 49 : i32
      %dma_wait3A_779 = arith.constant 0 : i32
      %dma_wait3A_780 = tpu.memref_slice %arg6[%dma_wait3A_778, %dma_wait3A_779] : memref<56x128xi32, #tpu.memory_space<vmem>> -> memref<1x128xi32, #tpu.memory_space<vmem>>
      %dma_wait3A_781 = tpu.memref_squeeze %dma_wait3A_780 : memref<1x128xi32, #tpu.memory_space<vmem>> -> memref<128xi32, #tpu.memory_space<vmem>>
      %dma_wait3A_782 = arith.constant 0 : i32
      %dma_wait3A_783 = arith.constant 0 : i32
      %dma_wait3A_784 = tpu.memref_slice %arg2[%dma_wait3A_782, %dma_wait3A_783] : memref<20000x128xf32, #tpu.memory_space<hbm>> -> memref<20000x128xf32, #tpu.memory_space<hbm>>
      tpu.wait_indirect_dma semaphore(%arg12 : memref<!tpu.dma_semaphore, #tpu.memory_space<semaphore_mem>>) src(%dma_wait3A_784 : memref<20000x128xf32, #tpu.memory_space<hbm>>) dst(%arg9 : memref<128x128xf32, #tpu.memory_space<vmem>>)
      %run_scoped3A_785 = arith.constant 49 : i32
      "tpu.region"() ({
        %run_scoped3A_869 = tpu.sem_alloc : memref<!tpu.dma_semaphore, #tpu.memory_space<semaphore_mem>>
        %dma_start3A_870 = arith.constant 0 : i32
        %dma_start3A_871 = tpu.memref_slice %arg7[%run_scoped3A_785, %dma_start3A_870] : memref<56x128xi32, #tpu.memory_space<vmem>> -> memref<1x128xi32, #tpu.memory_space<vmem>>
        %dma_start3A_872 = tpu.memref_squeeze %dma_start3A_871 : memref<1x128xi32, #tpu.memory_space<vmem>> -> memref<128xi32, #tpu.memory_space<vmem>>
        %dma_start3A_873 = arith.constant 0 : i32
        %dma_start3A_874 = arith.constant 0 : i32
        %dma_start3A_875 = tpu.memref_slice %arg10[%dma_start3A_873, %dma_start3A_874] : memref<10240x128xf32, #tpu.memory_space<vmem_shared>> -> memref<10240x128xf32, #tpu.memory_space<vmem_shared>>
        tpu.enqueue_indirect_dma source(%arg9 : memref<128x128xf32, #tpu.memory_space<vmem>>) target(%dma_start3A_875 : memref<10240x128xf32, #tpu.memory_space<vmem_shared>>) offsets(%dma_start3A_872 : memref<128xi32, #tpu.memory_space<vmem>>) semaphore(%run_scoped3A_869 : memref<!tpu.dma_semaphore, #tpu.memory_space<semaphore_mem>>) {add = true}
        %dma_wait3A_876 = arith.constant 0 : i32
        %dma_wait3A_877 = tpu.memref_slice %arg7[%run_scoped3A_785, %dma_wait3A_876] : memref<56x128xi32, #tpu.memory_space<vmem>> -> memref<1x128xi32, #tpu.memory_space<vmem>>
        %dma_wait3A_878 = tpu.memref_squeeze %dma_wait3A_877 : memref<1x128xi32, #tpu.memory_space<vmem>> -> memref<128xi32, #tpu.memory_space<vmem>>
        %dma_wait3A_879 = arith.constant 0 : i32
        %dma_wait3A_880 = arith.constant 0 : i32
        %dma_wait3A_881 = tpu.memref_slice %arg10[%dma_wait3A_879, %dma_wait3A_880] : memref<10240x128xf32, #tpu.memory_space<vmem_shared>> -> memref<10240x128xf32, #tpu.memory_space<vmem_shared>>
        tpu.wait_indirect_dma semaphore(%run_scoped3A_869 : memref<!tpu.dma_semaphore, #tpu.memory_space<semaphore_mem>>) src(%arg9 : memref<128x128xf32, #tpu.memory_space<vmem>>) dst(%dma_wait3A_881 : memref<10240x128xf32, #tpu.memory_space<vmem_shared>>)
        tpu.yield
      }) : () -> ()
      %dma_start3A_786 = arith.constant 51 : i32
      %dma_start3A_787 = arith.constant 0 : i32
      %dma_start3A_788 = tpu.memref_slice %arg6[%dma_start3A_786, %dma_start3A_787] : memref<56x128xi32, #tpu.memory_space<vmem>> -> memref<1x128xi32, #tpu.memory_space<vmem>>
      %dma_start3A_789 = tpu.memref_squeeze %dma_start3A_788 : memref<1x128xi32, #tpu.memory_space<vmem>> -> memref<128xi32, #tpu.memory_space<vmem>>
      %dma_start3A_790 = arith.constant 0 : i32
      %dma_start3A_791 = arith.constant 0 : i32
      %dma_start3A_792 = tpu.memref_slice %arg2[%dma_start3A_790, %dma_start3A_791] : memref<20000x128xf32, #tpu.memory_space<hbm>> -> memref<20000x128xf32, #tpu.memory_space<hbm>>
      tpu.enqueue_indirect_dma source(%dma_start3A_792 : memref<20000x128xf32, #tpu.memory_space<hbm>>) target(%arg9 : memref<128x128xf32, #tpu.memory_space<vmem>>) offsets(%dma_start3A_789 : memref<128xi32, #tpu.memory_space<vmem>>) semaphore(%arg12 : memref<!tpu.dma_semaphore, #tpu.memory_space<semaphore_mem>>)
      %dma_wait3A_793 = arith.constant 50 : i32
      %dma_wait3A_794 = arith.constant 0 : i32
      %dma_wait3A_795 = tpu.memref_slice %arg6[%dma_wait3A_793, %dma_wait3A_794] : memref<56x128xi32, #tpu.memory_space<vmem>> -> memref<1x128xi32, #tpu.memory_space<vmem>>
      %dma_wait3A_796 = tpu.memref_squeeze %dma_wait3A_795 : memref<1x128xi32, #tpu.memory_space<vmem>> -> memref<128xi32, #tpu.memory_space<vmem>>
      %dma_wait3A_797 = arith.constant 0 : i32
      %dma_wait3A_798 = arith.constant 0 : i32
      %dma_wait3A_799 = tpu.memref_slice %arg2[%dma_wait3A_797, %dma_wait3A_798] : memref<20000x128xf32, #tpu.memory_space<hbm>> -> memref<20000x128xf32, #tpu.memory_space<hbm>>
      tpu.wait_indirect_dma semaphore(%arg11 : memref<!tpu.dma_semaphore, #tpu.memory_space<semaphore_mem>>) src(%dma_wait3A_799 : memref<20000x128xf32, #tpu.memory_space<hbm>>) dst(%arg8 : memref<128x128xf32, #tpu.memory_space<vmem>>)
      %run_scoped3A_800 = arith.constant 50 : i32
      "tpu.region"() ({
        %run_scoped3A_869 = tpu.sem_alloc : memref<!tpu.dma_semaphore, #tpu.memory_space<semaphore_mem>>
        %dma_start3A_870 = arith.constant 0 : i32
        %dma_start3A_871 = tpu.memref_slice %arg7[%run_scoped3A_800, %dma_start3A_870] : memref<56x128xi32, #tpu.memory_space<vmem>> -> memref<1x128xi32, #tpu.memory_space<vmem>>
        %dma_start3A_872 = tpu.memref_squeeze %dma_start3A_871 : memref<1x128xi32, #tpu.memory_space<vmem>> -> memref<128xi32, #tpu.memory_space<vmem>>
        %dma_start3A_873 = arith.constant 0 : i32
        %dma_start3A_874 = arith.constant 0 : i32
        %dma_start3A_875 = tpu.memref_slice %arg10[%dma_start3A_873, %dma_start3A_874] : memref<10240x128xf32, #tpu.memory_space<vmem_shared>> -> memref<10240x128xf32, #tpu.memory_space<vmem_shared>>
        tpu.enqueue_indirect_dma source(%arg8 : memref<128x128xf32, #tpu.memory_space<vmem>>) target(%dma_start3A_875 : memref<10240x128xf32, #tpu.memory_space<vmem_shared>>) offsets(%dma_start3A_872 : memref<128xi32, #tpu.memory_space<vmem>>) semaphore(%run_scoped3A_869 : memref<!tpu.dma_semaphore, #tpu.memory_space<semaphore_mem>>) {add = true}
        %dma_wait3A_876 = arith.constant 0 : i32
        %dma_wait3A_877 = tpu.memref_slice %arg7[%run_scoped3A_800, %dma_wait3A_876] : memref<56x128xi32, #tpu.memory_space<vmem>> -> memref<1x128xi32, #tpu.memory_space<vmem>>
        %dma_wait3A_878 = tpu.memref_squeeze %dma_wait3A_877 : memref<1x128xi32, #tpu.memory_space<vmem>> -> memref<128xi32, #tpu.memory_space<vmem>>
        %dma_wait3A_879 = arith.constant 0 : i32
        %dma_wait3A_880 = arith.constant 0 : i32
        %dma_wait3A_881 = tpu.memref_slice %arg10[%dma_wait3A_879, %dma_wait3A_880] : memref<10240x128xf32, #tpu.memory_space<vmem_shared>> -> memref<10240x128xf32, #tpu.memory_space<vmem_shared>>
        tpu.wait_indirect_dma semaphore(%run_scoped3A_869 : memref<!tpu.dma_semaphore, #tpu.memory_space<semaphore_mem>>) src(%arg8 : memref<128x128xf32, #tpu.memory_space<vmem>>) dst(%dma_wait3A_881 : memref<10240x128xf32, #tpu.memory_space<vmem_shared>>)
        tpu.yield
      }) : () -> ()
      %dma_start3A_801 = arith.constant 52 : i32
      %dma_start3A_802 = arith.constant 0 : i32
      %dma_start3A_803 = tpu.memref_slice %arg6[%dma_start3A_801, %dma_start3A_802] : memref<56x128xi32, #tpu.memory_space<vmem>> -> memref<1x128xi32, #tpu.memory_space<vmem>>
      %dma_start3A_804 = tpu.memref_squeeze %dma_start3A_803 : memref<1x128xi32, #tpu.memory_space<vmem>> -> memref<128xi32, #tpu.memory_space<vmem>>
      %dma_start3A_805 = arith.constant 0 : i32
      %dma_start3A_806 = arith.constant 0 : i32
      %dma_start3A_807 = tpu.memref_slice %arg2[%dma_start3A_805, %dma_start3A_806] : memref<20000x128xf32, #tpu.memory_space<hbm>> -> memref<20000x128xf32, #tpu.memory_space<hbm>>
      tpu.enqueue_indirect_dma source(%dma_start3A_807 : memref<20000x128xf32, #tpu.memory_space<hbm>>) target(%arg8 : memref<128x128xf32, #tpu.memory_space<vmem>>) offsets(%dma_start3A_804 : memref<128xi32, #tpu.memory_space<vmem>>) semaphore(%arg11 : memref<!tpu.dma_semaphore, #tpu.memory_space<semaphore_mem>>)
      %dma_wait3A_808 = arith.constant 51 : i32
      %dma_wait3A_809 = arith.constant 0 : i32
      %dma_wait3A_810 = tpu.memref_slice %arg6[%dma_wait3A_808, %dma_wait3A_809] : memref<56x128xi32, #tpu.memory_space<vmem>> -> memref<1x128xi32, #tpu.memory_space<vmem>>
      %dma_wait3A_811 = tpu.memref_squeeze %dma_wait3A_810 : memref<1x128xi32, #tpu.memory_space<vmem>> -> memref<128xi32, #tpu.memory_space<vmem>>
      %dma_wait3A_812 = arith.constant 0 : i32
      %dma_wait3A_813 = arith.constant 0 : i32
      %dma_wait3A_814 = tpu.memref_slice %arg2[%dma_wait3A_812, %dma_wait3A_813] : memref<20000x128xf32, #tpu.memory_space<hbm>> -> memref<20000x128xf32, #tpu.memory_space<hbm>>
      tpu.wait_indirect_dma semaphore(%arg12 : memref<!tpu.dma_semaphore, #tpu.memory_space<semaphore_mem>>) src(%dma_wait3A_814 : memref<20000x128xf32, #tpu.memory_space<hbm>>) dst(%arg9 : memref<128x128xf32, #tpu.memory_space<vmem>>)
      %run_scoped3A_815 = arith.constant 51 : i32
      "tpu.region"() ({
        %run_scoped3A_869 = tpu.sem_alloc : memref<!tpu.dma_semaphore, #tpu.memory_space<semaphore_mem>>
        %dma_start3A_870 = arith.constant 0 : i32
        %dma_start3A_871 = tpu.memref_slice %arg7[%run_scoped3A_815, %dma_start3A_870] : memref<56x128xi32, #tpu.memory_space<vmem>> -> memref<1x128xi32, #tpu.memory_space<vmem>>
        %dma_start3A_872 = tpu.memref_squeeze %dma_start3A_871 : memref<1x128xi32, #tpu.memory_space<vmem>> -> memref<128xi32, #tpu.memory_space<vmem>>
        %dma_start3A_873 = arith.constant 0 : i32
        %dma_start3A_874 = arith.constant 0 : i32
        %dma_start3A_875 = tpu.memref_slice %arg10[%dma_start3A_873, %dma_start3A_874] : memref<10240x128xf32, #tpu.memory_space<vmem_shared>> -> memref<10240x128xf32, #tpu.memory_space<vmem_shared>>
        tpu.enqueue_indirect_dma source(%arg9 : memref<128x128xf32, #tpu.memory_space<vmem>>) target(%dma_start3A_875 : memref<10240x128xf32, #tpu.memory_space<vmem_shared>>) offsets(%dma_start3A_872 : memref<128xi32, #tpu.memory_space<vmem>>) semaphore(%run_scoped3A_869 : memref<!tpu.dma_semaphore, #tpu.memory_space<semaphore_mem>>) {add = true}
        %dma_wait3A_876 = arith.constant 0 : i32
        %dma_wait3A_877 = tpu.memref_slice %arg7[%run_scoped3A_815, %dma_wait3A_876] : memref<56x128xi32, #tpu.memory_space<vmem>> -> memref<1x128xi32, #tpu.memory_space<vmem>>
        %dma_wait3A_878 = tpu.memref_squeeze %dma_wait3A_877 : memref<1x128xi32, #tpu.memory_space<vmem>> -> memref<128xi32, #tpu.memory_space<vmem>>
        %dma_wait3A_879 = arith.constant 0 : i32
        %dma_wait3A_880 = arith.constant 0 : i32
        %dma_wait3A_881 = tpu.memref_slice %arg10[%dma_wait3A_879, %dma_wait3A_880] : memref<10240x128xf32, #tpu.memory_space<vmem_shared>> -> memref<10240x128xf32, #tpu.memory_space<vmem_shared>>
        tpu.wait_indirect_dma semaphore(%run_scoped3A_869 : memref<!tpu.dma_semaphore, #tpu.memory_space<semaphore_mem>>) src(%arg9 : memref<128x128xf32, #tpu.memory_space<vmem>>) dst(%dma_wait3A_881 : memref<10240x128xf32, #tpu.memory_space<vmem_shared>>)
        tpu.yield
      }) : () -> ()
      %dma_start3A_816 = arith.constant 53 : i32
      %dma_start3A_817 = arith.constant 0 : i32
      %dma_start3A_818 = tpu.memref_slice %arg6[%dma_start3A_816, %dma_start3A_817] : memref<56x128xi32, #tpu.memory_space<vmem>> -> memref<1x128xi32, #tpu.memory_space<vmem>>
      %dma_start3A_819 = tpu.memref_squeeze %dma_start3A_818 : memref<1x128xi32, #tpu.memory_space<vmem>> -> memref<128xi32, #tpu.memory_space<vmem>>
      %dma_start3A_820 = arith.constant 0 : i32
      %dma_start3A_821 = arith.constant 0 : i32
      %dma_start3A_822 = tpu.memref_slice %arg2[%dma_start3A_820, %dma_start3A_821] : memref<20000x128xf32, #tpu.memory_space<hbm>> -> memref<20000x128xf32, #tpu.memory_space<hbm>>
      tpu.enqueue_indirect_dma source(%dma_start3A_822 : memref<20000x128xf32, #tpu.memory_space<hbm>>) target(%arg9 : memref<128x128xf32, #tpu.memory_space<vmem>>) offsets(%dma_start3A_819 : memref<128xi32, #tpu.memory_space<vmem>>) semaphore(%arg12 : memref<!tpu.dma_semaphore, #tpu.memory_space<semaphore_mem>>)
      %dma_wait3A_823 = arith.constant 52 : i32
      %dma_wait3A_824 = arith.constant 0 : i32
      %dma_wait3A_825 = tpu.memref_slice %arg6[%dma_wait3A_823, %dma_wait3A_824] : memref<56x128xi32, #tpu.memory_space<vmem>> -> memref<1x128xi32, #tpu.memory_space<vmem>>
      %dma_wait3A_826 = tpu.memref_squeeze %dma_wait3A_825 : memref<1x128xi32, #tpu.memory_space<vmem>> -> memref<128xi32, #tpu.memory_space<vmem>>
      %dma_wait3A_827 = arith.constant 0 : i32
      %dma_wait3A_828 = arith.constant 0 : i32
      %dma_wait3A_829 = tpu.memref_slice %arg2[%dma_wait3A_827, %dma_wait3A_828] : memref<20000x128xf32, #tpu.memory_space<hbm>> -> memref<20000x128xf32, #tpu.memory_space<hbm>>
      tpu.wait_indirect_dma semaphore(%arg11 : memref<!tpu.dma_semaphore, #tpu.memory_space<semaphore_mem>>) src(%dma_wait3A_829 : memref<20000x128xf32, #tpu.memory_space<hbm>>) dst(%arg8 : memref<128x128xf32, #tpu.memory_space<vmem>>)
      %run_scoped3A_830 = arith.constant 52 : i32
      "tpu.region"() ({
        %run_scoped3A_869 = tpu.sem_alloc : memref<!tpu.dma_semaphore, #tpu.memory_space<semaphore_mem>>
        %dma_start3A_870 = arith.constant 0 : i32
        %dma_start3A_871 = tpu.memref_slice %arg7[%run_scoped3A_830, %dma_start3A_870] : memref<56x128xi32, #tpu.memory_space<vmem>> -> memref<1x128xi32, #tpu.memory_space<vmem>>
        %dma_start3A_872 = tpu.memref_squeeze %dma_start3A_871 : memref<1x128xi32, #tpu.memory_space<vmem>> -> memref<128xi32, #tpu.memory_space<vmem>>
        %dma_start3A_873 = arith.constant 0 : i32
        %dma_start3A_874 = arith.constant 0 : i32
        %dma_start3A_875 = tpu.memref_slice %arg10[%dma_start3A_873, %dma_start3A_874] : memref<10240x128xf32, #tpu.memory_space<vmem_shared>> -> memref<10240x128xf32, #tpu.memory_space<vmem_shared>>
        tpu.enqueue_indirect_dma source(%arg8 : memref<128x128xf32, #tpu.memory_space<vmem>>) target(%dma_start3A_875 : memref<10240x128xf32, #tpu.memory_space<vmem_shared>>) offsets(%dma_start3A_872 : memref<128xi32, #tpu.memory_space<vmem>>) semaphore(%run_scoped3A_869 : memref<!tpu.dma_semaphore, #tpu.memory_space<semaphore_mem>>) {add = true}
        %dma_wait3A_876 = arith.constant 0 : i32
        %dma_wait3A_877 = tpu.memref_slice %arg7[%run_scoped3A_830, %dma_wait3A_876] : memref<56x128xi32, #tpu.memory_space<vmem>> -> memref<1x128xi32, #tpu.memory_space<vmem>>
        %dma_wait3A_878 = tpu.memref_squeeze %dma_wait3A_877 : memref<1x128xi32, #tpu.memory_space<vmem>> -> memref<128xi32, #tpu.memory_space<vmem>>
        %dma_wait3A_879 = arith.constant 0 : i32
        %dma_wait3A_880 = arith.constant 0 : i32
        %dma_wait3A_881 = tpu.memref_slice %arg10[%dma_wait3A_879, %dma_wait3A_880] : memref<10240x128xf32, #tpu.memory_space<vmem_shared>> -> memref<10240x128xf32, #tpu.memory_space<vmem_shared>>
        tpu.wait_indirect_dma semaphore(%run_scoped3A_869 : memref<!tpu.dma_semaphore, #tpu.memory_space<semaphore_mem>>) src(%arg8 : memref<128x128xf32, #tpu.memory_space<vmem>>) dst(%dma_wait3A_881 : memref<10240x128xf32, #tpu.memory_space<vmem_shared>>)
        tpu.yield
      }) : () -> ()
      %dma_start3A_831 = arith.constant 54 : i32
      %dma_start3A_832 = arith.constant 0 : i32
      %dma_start3A_833 = tpu.memref_slice %arg6[%dma_start3A_831, %dma_start3A_832] : memref<56x128xi32, #tpu.memory_space<vmem>> -> memref<1x128xi32, #tpu.memory_space<vmem>>
      %dma_start3A_834 = tpu.memref_squeeze %dma_start3A_833 : memref<1x128xi32, #tpu.memory_space<vmem>> -> memref<128xi32, #tpu.memory_space<vmem>>
      %dma_start3A_835 = arith.constant 0 : i32
      %dma_start3A_836 = arith.constant 0 : i32
      %dma_start3A_837 = tpu.memref_slice %arg2[%dma_start3A_835, %dma_start3A_836] : memref<20000x128xf32, #tpu.memory_space<hbm>> -> memref<20000x128xf32, #tpu.memory_space<hbm>>
      tpu.enqueue_indirect_dma source(%dma_start3A_837 : memref<20000x128xf32, #tpu.memory_space<hbm>>) target(%arg8 : memref<128x128xf32, #tpu.memory_space<vmem>>) offsets(%dma_start3A_834 : memref<128xi32, #tpu.memory_space<vmem>>) semaphore(%arg11 : memref<!tpu.dma_semaphore, #tpu.memory_space<semaphore_mem>>)
      %dma_wait3A_838 = arith.constant 53 : i32
      %dma_wait3A_839 = arith.constant 0 : i32
      %dma_wait3A_840 = tpu.memref_slice %arg6[%dma_wait3A_838, %dma_wait3A_839] : memref<56x128xi32, #tpu.memory_space<vmem>> -> memref<1x128xi32, #tpu.memory_space<vmem>>
      %dma_wait3A_841 = tpu.memref_squeeze %dma_wait3A_840 : memref<1x128xi32, #tpu.memory_space<vmem>> -> memref<128xi32, #tpu.memory_space<vmem>>
      %dma_wait3A_842 = arith.constant 0 : i32
      %dma_wait3A_843 = arith.constant 0 : i32
      %dma_wait3A_844 = tpu.memref_slice %arg2[%dma_wait3A_842, %dma_wait3A_843] : memref<20000x128xf32, #tpu.memory_space<hbm>> -> memref<20000x128xf32, #tpu.memory_space<hbm>>
      tpu.wait_indirect_dma semaphore(%arg12 : memref<!tpu.dma_semaphore, #tpu.memory_space<semaphore_mem>>) src(%dma_wait3A_844 : memref<20000x128xf32, #tpu.memory_space<hbm>>) dst(%arg9 : memref<128x128xf32, #tpu.memory_space<vmem>>)
      %run_scoped3A_845 = arith.constant 53 : i32
      "tpu.region"() ({
        %run_scoped3A_869 = tpu.sem_alloc : memref<!tpu.dma_semaphore, #tpu.memory_space<semaphore_mem>>
        %dma_start3A_870 = arith.constant 0 : i32
        %dma_start3A_871 = tpu.memref_slice %arg7[%run_scoped3A_845, %dma_start3A_870] : memref<56x128xi32, #tpu.memory_space<vmem>> -> memref<1x128xi32, #tpu.memory_space<vmem>>
        %dma_start3A_872 = tpu.memref_squeeze %dma_start3A_871 : memref<1x128xi32, #tpu.memory_space<vmem>> -> memref<128xi32, #tpu.memory_space<vmem>>
        %dma_start3A_873 = arith.constant 0 : i32
        %dma_start3A_874 = arith.constant 0 : i32
        %dma_start3A_875 = tpu.memref_slice %arg10[%dma_start3A_873, %dma_start3A_874] : memref<10240x128xf32, #tpu.memory_space<vmem_shared>> -> memref<10240x128xf32, #tpu.memory_space<vmem_shared>>
        tpu.enqueue_indirect_dma source(%arg9 : memref<128x128xf32, #tpu.memory_space<vmem>>) target(%dma_start3A_875 : memref<10240x128xf32, #tpu.memory_space<vmem_shared>>) offsets(%dma_start3A_872 : memref<128xi32, #tpu.memory_space<vmem>>) semaphore(%run_scoped3A_869 : memref<!tpu.dma_semaphore, #tpu.memory_space<semaphore_mem>>) {add = true}
        %dma_wait3A_876 = arith.constant 0 : i32
        %dma_wait3A_877 = tpu.memref_slice %arg7[%run_scoped3A_845, %dma_wait3A_876] : memref<56x128xi32, #tpu.memory_space<vmem>> -> memref<1x128xi32, #tpu.memory_space<vmem>>
        %dma_wait3A_878 = tpu.memref_squeeze %dma_wait3A_877 : memref<1x128xi32, #tpu.memory_space<vmem>> -> memref<128xi32, #tpu.memory_space<vmem>>
        %dma_wait3A_879 = arith.constant 0 : i32
        %dma_wait3A_880 = arith.constant 0 : i32
        %dma_wait3A_881 = tpu.memref_slice %arg10[%dma_wait3A_879, %dma_wait3A_880] : memref<10240x128xf32, #tpu.memory_space<vmem_shared>> -> memref<10240x128xf32, #tpu.memory_space<vmem_shared>>
        tpu.wait_indirect_dma semaphore(%run_scoped3A_869 : memref<!tpu.dma_semaphore, #tpu.memory_space<semaphore_mem>>) src(%arg9 : memref<128x128xf32, #tpu.memory_space<vmem>>) dst(%dma_wait3A_881 : memref<10240x128xf32, #tpu.memory_space<vmem_shared>>)
        tpu.yield
      }) : () -> ()
      %dma_start3A_846 = arith.constant 55 : i32
      %dma_start3A_847 = arith.constant 0 : i32
      %dma_start3A_848 = tpu.memref_slice %arg6[%dma_start3A_846, %dma_start3A_847] : memref<56x128xi32, #tpu.memory_space<vmem>> -> memref<1x128xi32, #tpu.memory_space<vmem>>
      %dma_start3A_849 = tpu.memref_squeeze %dma_start3A_848 : memref<1x128xi32, #tpu.memory_space<vmem>> -> memref<128xi32, #tpu.memory_space<vmem>>
      %dma_start3A_850 = arith.constant 0 : i32
      %dma_start3A_851 = arith.constant 0 : i32
      %dma_start3A_852 = tpu.memref_slice %arg2[%dma_start3A_850, %dma_start3A_851] : memref<20000x128xf32, #tpu.memory_space<hbm>> -> memref<20000x128xf32, #tpu.memory_space<hbm>>
      tpu.enqueue_indirect_dma source(%dma_start3A_852 : memref<20000x128xf32, #tpu.memory_space<hbm>>) target(%arg9 : memref<128x128xf32, #tpu.memory_space<vmem>>) offsets(%dma_start3A_849 : memref<128xi32, #tpu.memory_space<vmem>>) semaphore(%arg12 : memref<!tpu.dma_semaphore, #tpu.memory_space<semaphore_mem>>)
      %dma_wait3A_853 = arith.constant 54 : i32
      %dma_wait3A_854 = arith.constant 0 : i32
      %dma_wait3A_855 = tpu.memref_slice %arg6[%dma_wait3A_853, %dma_wait3A_854] : memref<56x128xi32, #tpu.memory_space<vmem>> -> memref<1x128xi32, #tpu.memory_space<vmem>>
      %dma_wait3A_856 = tpu.memref_squeeze %dma_wait3A_855 : memref<1x128xi32, #tpu.memory_space<vmem>> -> memref<128xi32, #tpu.memory_space<vmem>>
      %dma_wait3A_857 = arith.constant 0 : i32
      %dma_wait3A_858 = arith.constant 0 : i32
      %dma_wait3A_859 = tpu.memref_slice %arg2[%dma_wait3A_857, %dma_wait3A_858] : memref<20000x128xf32, #tpu.memory_space<hbm>> -> memref<20000x128xf32, #tpu.memory_space<hbm>>
      tpu.wait_indirect_dma semaphore(%arg11 : memref<!tpu.dma_semaphore, #tpu.memory_space<semaphore_mem>>) src(%dma_wait3A_859 : memref<20000x128xf32, #tpu.memory_space<hbm>>) dst(%arg8 : memref<128x128xf32, #tpu.memory_space<vmem>>)
      %run_scoped3A_860 = arith.constant 54 : i32
      "tpu.region"() ({
        %run_scoped3A_869 = tpu.sem_alloc : memref<!tpu.dma_semaphore, #tpu.memory_space<semaphore_mem>>
        %dma_start3A_870 = arith.constant 0 : i32
        %dma_start3A_871 = tpu.memref_slice %arg7[%run_scoped3A_860, %dma_start3A_870] : memref<56x128xi32, #tpu.memory_space<vmem>> -> memref<1x128xi32, #tpu.memory_space<vmem>>
        %dma_start3A_872 = tpu.memref_squeeze %dma_start3A_871 : memref<1x128xi32, #tpu.memory_space<vmem>> -> memref<128xi32, #tpu.memory_space<vmem>>
        %dma_start3A_873 = arith.constant 0 : i32
        %dma_start3A_874 = arith.constant 0 : i32
        %dma_start3A_875 = tpu.memref_slice %arg10[%dma_start3A_873, %dma_start3A_874] : memref<10240x128xf32, #tpu.memory_space<vmem_shared>> -> memref<10240x128xf32, #tpu.memory_space<vmem_shared>>
        tpu.enqueue_indirect_dma source(%arg8 : memref<128x128xf32, #tpu.memory_space<vmem>>) target(%dma_start3A_875 : memref<10240x128xf32, #tpu.memory_space<vmem_shared>>) offsets(%dma_start3A_872 : memref<128xi32, #tpu.memory_space<vmem>>) semaphore(%run_scoped3A_869 : memref<!tpu.dma_semaphore, #tpu.memory_space<semaphore_mem>>) {add = true}
        %dma_wait3A_876 = arith.constant 0 : i32
        %dma_wait3A_877 = tpu.memref_slice %arg7[%run_scoped3A_860, %dma_wait3A_876] : memref<56x128xi32, #tpu.memory_space<vmem>> -> memref<1x128xi32, #tpu.memory_space<vmem>>
        %dma_wait3A_878 = tpu.memref_squeeze %dma_wait3A_877 : memref<1x128xi32, #tpu.memory_space<vmem>> -> memref<128xi32, #tpu.memory_space<vmem>>
        %dma_wait3A_879 = arith.constant 0 : i32
        %dma_wait3A_880 = arith.constant 0 : i32
        %dma_wait3A_881 = tpu.memref_slice %arg10[%dma_wait3A_879, %dma_wait3A_880] : memref<10240x128xf32, #tpu.memory_space<vmem_shared>> -> memref<10240x128xf32, #tpu.memory_space<vmem_shared>>
        tpu.wait_indirect_dma semaphore(%run_scoped3A_869 : memref<!tpu.dma_semaphore, #tpu.memory_space<semaphore_mem>>) src(%arg8 : memref<128x128xf32, #tpu.memory_space<vmem>>) dst(%dma_wait3A_881 : memref<10240x128xf32, #tpu.memory_space<vmem_shared>>)
        tpu.yield
      }) : () -> ()
      %dma_wait3A_861 = arith.constant 55 : i32
      %dma_wait3A_862 = arith.constant 0 : i32
      %dma_wait3A_863 = tpu.memref_slice %arg6[%dma_wait3A_861, %dma_wait3A_862] : memref<56x128xi32, #tpu.memory_space<vmem>> -> memref<1x128xi32, #tpu.memory_space<vmem>>
      %dma_wait3A_864 = tpu.memref_squeeze %dma_wait3A_863 : memref<1x128xi32, #tpu.memory_space<vmem>> -> memref<128xi32, #tpu.memory_space<vmem>>
      %dma_wait3A_865 = arith.constant 0 : i32
      %dma_wait3A_866 = arith.constant 0 : i32
      %dma_wait3A_867 = tpu.memref_slice %arg2[%dma_wait3A_865, %dma_wait3A_866] : memref<20000x128xf32, #tpu.memory_space<hbm>> -> memref<20000x128xf32, #tpu.memory_space<hbm>>
      tpu.wait_indirect_dma semaphore(%arg12 : memref<!tpu.dma_semaphore, #tpu.memory_space<semaphore_mem>>) src(%dma_wait3A_867 : memref<20000x128xf32, #tpu.memory_space<hbm>>) dst(%arg9 : memref<128x128xf32, #tpu.memory_space<vmem>>)
      %run_scoped3A_868 = arith.constant 55 : i32
      "tpu.region"() ({
        %run_scoped3A_869 = tpu.sem_alloc : memref<!tpu.dma_semaphore, #tpu.memory_space<semaphore_mem>>
        %dma_start3A_870 = arith.constant 0 : i32
        %dma_start3A_871 = tpu.memref_slice %arg7[%run_scoped3A_868, %dma_start3A_870] : memref<56x128xi32, #tpu.memory_space<vmem>> -> memref<1x128xi32, #tpu.memory_space<vmem>>
        %dma_start3A_872 = tpu.memref_squeeze %dma_start3A_871 : memref<1x128xi32, #tpu.memory_space<vmem>> -> memref<128xi32, #tpu.memory_space<vmem>>
        %dma_start3A_873 = arith.constant 0 : i32
        %dma_start3A_874 = arith.constant 0 : i32
        %dma_start3A_875 = tpu.memref_slice %arg10[%dma_start3A_873, %dma_start3A_874] : memref<10240x128xf32, #tpu.memory_space<vmem_shared>> -> memref<10240x128xf32, #tpu.memory_space<vmem_shared>>
        tpu.enqueue_indirect_dma source(%arg9 : memref<128x128xf32, #tpu.memory_space<vmem>>) target(%dma_start3A_875 : memref<10240x128xf32, #tpu.memory_space<vmem_shared>>) offsets(%dma_start3A_872 : memref<128xi32, #tpu.memory_space<vmem>>) semaphore(%run_scoped3A_869 : memref<!tpu.dma_semaphore, #tpu.memory_space<semaphore_mem>>) {add = true}
        %dma_wait3A_876 = arith.constant 0 : i32
        %dma_wait3A_877 = tpu.memref_slice %arg7[%run_scoped3A_868, %dma_wait3A_876] : memref<56x128xi32, #tpu.memory_space<vmem>> -> memref<1x128xi32, #tpu.memory_space<vmem>>
        %dma_wait3A_878 = tpu.memref_squeeze %dma_wait3A_877 : memref<1x128xi32, #tpu.memory_space<vmem>> -> memref<128xi32, #tpu.memory_space<vmem>>
        %dma_wait3A_879 = arith.constant 0 : i32
        %dma_wait3A_880 = arith.constant 0 : i32
        %dma_wait3A_881 = tpu.memref_slice %arg10[%dma_wait3A_879, %dma_wait3A_880] : memref<10240x128xf32, #tpu.memory_space<vmem_shared>> -> memref<10240x128xf32, #tpu.memory_space<vmem_shared>>
        tpu.wait_indirect_dma semaphore(%run_scoped3A_869 : memref<!tpu.dma_semaphore, #tpu.memory_space<semaphore_mem>>) src(%arg9 : memref<128x128xf32, #tpu.memory_space<vmem>>) dst(%dma_wait3A_881 : memref<10240x128xf32, #tpu.memory_space<vmem_shared>>)
        tpu.yield
      }) : () -> ()
    }
    %scan3A_16 = arith.constant 3 : i32
    %barrier3A_17 = arith.constant 0 : index
    tpu.barrier barrier_id(%barrier3A_17)
    %mul3A = arith.constant 640 : i32
    %mul3A_18 = arith.muli %arg1, %mul3A : i32
    %mul3A_19 = arith.constant 640 : i32
    %mul3A_20 = arith.muli %arg1, %mul3A_19 : i32
    "tpu.region"() ({
      %run_scoped3A = tpu.sem_alloc : memref<!tpu.dma_semaphore, #tpu.memory_space<semaphore_mem>>
      %dma_start3A = arith.constant 0 : i32
      %dma_start3A_21 = tpu.memref_slice %arg5[%arg0, %mul3A_20, %dma_start3A] : memref<2x10240x128xf32, #tpu.memory_space<hbm>> -> memref<1x640x128xf32, #tpu.memory_space<hbm>>
      %dma_start3A_22 = tpu.memref_squeeze %dma_start3A_21 : memref<1x640x128xf32, #tpu.memory_space<hbm>> -> memref<640x128xf32, #tpu.memory_space<hbm>>
      %dma_start3A_23 = arith.constant 0 : i32
      %dma_start3A_24 = tpu.memref_slice %arg10[%mul3A_18, %dma_start3A_23] : memref<10240x128xf32, #tpu.memory_space<vmem_shared>> -> memref<640x128xf32, #tpu.memory_space<vmem_shared>>
      tpu.enqueue_dma source(%dma_start3A_24 : memref<640x128xf32, #tpu.memory_space<vmem_shared>>) target(%dma_start3A_22 : memref<640x128xf32, #tpu.memory_space<hbm>>) target_semaphore(%run_scoped3A : memref<!tpu.dma_semaphore, #tpu.memory_space<semaphore_mem>>)
      %dma_wait3A = arith.constant 0 : i32
      %dma_wait3A_25 = tpu.memref_slice %arg5[%arg0, %mul3A_20, %dma_wait3A] : memref<2x10240x128xf32, #tpu.memory_space<hbm>> -> memref<1x640x128xf32, #tpu.memory_space<hbm>>
      %dma_wait3A_26 = tpu.memref_squeeze %dma_wait3A_25 : memref<1x640x128xf32, #tpu.memory_space<hbm>> -> memref<640x128xf32, #tpu.memory_space<hbm>>
      %dma_wait3A_27 = arith.constant 0 : i32
      %dma_wait3A_28 = tpu.memref_slice %arg10[%mul3A_18, %dma_wait3A_27] : memref<10240x128xf32, #tpu.memory_space<vmem_shared>> -> memref<640x128xf32, #tpu.memory_space<vmem_shared>>
      tpu.wait_dma2 semaphore(%run_scoped3A : memref<!tpu.dma_semaphore, #tpu.memory_space<semaphore_mem>>) src(%dma_wait3A_28 : memref<640x128xf32, #tpu.memory_space<vmem_shared>>) dst(%dma_wait3A_26 : memref<640x128xf32, #tpu.memory_space<hbm>>)
      tpu.yield
    }) : () -> ()
    return
  }
}

#map = affine_map<(d0, d1) -> (0, 0, 0)>
#map1 = affine_map<(d0, d1) -> (0)>
module attributes {stable_mosaic.version = 14 : i64} {
  func.func @_deg_body(%arg0: i32, %arg1: i32, %arg2: memref<16x168x128xi32, #tpu.memory_space<hbm>>, %arg3: memref<32768xf32, #tpu.memory_space<hbm>>, %arg4: memref<56x128xi32, #tpu.memory_space<vmem>>, %arg5: memref<128xf32, #tpu.memory_space<vmem>>, %arg6: memref<1024xf32, #tpu.memory_space<vmem>>, %arg7: memref<16384xf32, #tpu.memory_space<vmem_shared>>) attributes {dimension_semantics = [#tpu.dimension_semantics<core_parallel>, #tpu.dimension_semantics<subcore_parallel>], iteration_bounds = array<i64: 2, 16>, scalar_prefetch = 0 : i64, scratch_operands = 4 : i64, tpu.core_type = #tpu.core_type<sc_vector_subcore>, window_params = [{transform_indices = #map}, {transform_indices = #map1}]} {
    %scan3A = arith.constant 0 : i32
    %scan3A_0 = arith.constant 0 : i32
    %scan3A_1 = arith.constant 8 : i32
    %scan3A_2 = arith.addi %scan3A_0, %scan3A_1 : i32
    %scan3A_3 = arith.constant 1 : i32
    scf.for %scan3A_25 = %scan3A_0 to %scan3A_2 step %scan3A_3  : i32 {
      %broadcast_in_dim3A = arith.constant 1.000000e+00 : f32
      %broadcast_in_dim3A_26 = vector.broadcast %broadcast_in_dim3A : f32 to vector<16xf32>
      %mul3A_27 = arith.constant 16 : i32
      %mul3A_28 = arith.muli %scan3A_25, %mul3A_27 : i32
      %swap3A = arith.index_cast %mul3A_28 : i32 to index
      %swap3A_29 = tpu.vector_load %arg5[%swap3A] {strides = array<i32>} : memref<128xf32, #tpu.memory_space<vmem>>, vector<16xf32>,
      %swap3A_30 = vector.shape_cast %swap3A_29 : vector<16xf32> to vector<16xf32>
      %swap3A_31 = vector.shape_cast %broadcast_in_dim3A_26 : vector<16xf32> to vector<16xf32>
      tpu.vector_store %arg5[%swap3A], %swap3A_31 {strides = array<i32>} : memref<128xf32, #tpu.memory_space<vmem>>, vector<16xf32>,
    }
    %scan3A_4 = arith.constant 8 : i32
    %scan3A_5 = arith.constant 0 : i32
    %scan3A_6 = arith.constant 0 : i32
    %scan3A_7 = arith.constant 64 : i32
    %scan3A_8 = arith.addi %scan3A_6, %scan3A_7 : i32
    %scan3A_9 = arith.constant 1 : i32
    scf.for %scan3A_25 = %scan3A_6 to %scan3A_8 step %scan3A_9  : i32 {
      %broadcast_in_dim3A = arith.constant 0.000000e+00 : f32
      %broadcast_in_dim3A_26 = vector.broadcast %broadcast_in_dim3A : f32 to vector<16xf32>
      %mul3A_27 = arith.constant 16 : i32
      %mul3A_28 = arith.muli %scan3A_25, %mul3A_27 : i32
      %swap3A = arith.index_cast %mul3A_28 : i32 to index
      %swap3A_29 = tpu.vector_load %arg6[%swap3A] {strides = array<i32>} : memref<1024xf32, #tpu.memory_space<vmem>>, vector<16xf32>,
      %swap3A_30 = vector.shape_cast %swap3A_29 : vector<16xf32> to vector<16xf32>
      %swap3A_31 = vector.shape_cast %broadcast_in_dim3A_26 : vector<16xf32> to vector<16xf32>
      tpu.vector_store %arg6[%swap3A], %swap3A_31 {strides = array<i32>} : memref<1024xf32, #tpu.memory_space<vmem>>, vector<16xf32>,
    }
    %scan3A_10 = arith.constant 64 : i32
    %mul3A = arith.constant 1024 : i32
    %mul3A_11 = arith.muli %arg1, %mul3A : i32
    "tpu.region"() ({
      %run_scoped3A = tpu.sem_alloc : memref<!tpu.dma_semaphore, #tpu.memory_space<semaphore_mem>>
      %dma_start3A = tpu.memref_slice %arg7[%mul3A_11] : memref<16384xf32, #tpu.memory_space<vmem_shared>> -> memref<1024xf32, #tpu.memory_space<vmem_shared>>
      %dma_start3A_25 = tpu.memref_slice %arg7[%mul3A_11] : memref<16384xf32, #tpu.memory_space<vmem_shared>> -> memref<1024xf32, #tpu.memory_space<vmem_shared>>
      tpu.enqueue_dma source(%arg6 : memref<1024xf32, #tpu.memory_space<vmem>>) target(%dma_start3A_25 : memref<1024xf32, #tpu.memory_space<vmem_shared>>) target_semaphore(%run_scoped3A : memref<!tpu.dma_semaphore, #tpu.memory_space<semaphore_mem>>)
      %dma_wait3A = tpu.memref_slice %arg7[%mul3A_11] : memref<16384xf32, #tpu.memory_space<vmem_shared>> -> memref<1024xf32, #tpu.memory_space<vmem_shared>>
      %dma_wait3A_26 = tpu.memref_slice %arg7[%mul3A_11] : memref<16384xf32, #tpu.memory_space<vmem_shared>> -> memref<1024xf32, #tpu.memory_space<vmem_shared>>
      tpu.wait_dma2 semaphore(%run_scoped3A : memref<!tpu.dma_semaphore, #tpu.memory_space<semaphore_mem>>) src(%arg6 : memref<1024xf32, #tpu.memory_space<vmem>>) dst(%dma_wait3A_26 : memref<1024xf32, #tpu.memory_space<vmem_shared>>)
      tpu.yield
    }) : () -> ()
    %barrier3A = arith.constant 0 : index
    tpu.barrier barrier_id(%barrier3A)
    %scan3A_12 = arith.constant 0 : i32
    %scan3A_13 = arith.constant 0 : i32
    %scan3A_14 = arith.constant 3 : i32
    %scan3A_15 = arith.addi %scan3A_13, %scan3A_14 : i32
    %scan3A_16 = arith.constant 1 : i32
    scf.for %scan3A_25 = %scan3A_13 to %scan3A_15 step %scan3A_16  : i32 {
      %mul3A_26 = arith.constant 56 : i32
      %mul3A_27 = arith.muli %scan3A_25, %mul3A_26 : i32
      "tpu.region"() ({
        %run_scoped3A = tpu.sem_alloc : memref<!tpu.dma_semaphore, #tpu.memory_space<semaphore_mem>>
        %dma_start3A = arith.constant 0 : i32
        %dma_start3A_34 = tpu.memref_slice %arg2[%arg1, %mul3A_27, %dma_start3A] : memref<16x168x128xi32, #tpu.memory_space<hbm>> -> memref<1x56x128xi32, #tpu.memory_space<hbm>>
        %dma_start3A_35 = tpu.memref_squeeze %dma_start3A_34 : memref<1x56x128xi32, #tpu.memory_space<hbm>> -> memref<56x128xi32, #tpu.memory_space<hbm>>
        %dma_start3A_36 = arith.constant 0 : i32
        %dma_start3A_37 = tpu.memref_slice %arg2[%arg1, %mul3A_27, %dma_start3A_36] : memref<16x168x128xi32, #tpu.memory_space<hbm>> -> memref<1x56x128xi32, #tpu.memory_space<hbm>>
        %dma_start3A_38 = tpu.memref_squeeze %dma_start3A_37 : memref<1x56x128xi32, #tpu.memory_space<hbm>> -> memref<56x128xi32, #tpu.memory_space<hbm>>
        tpu.enqueue_dma source(%dma_start3A_38 : memref<56x128xi32, #tpu.memory_space<hbm>>) target(%arg4 : memref<56x128xi32, #tpu.memory_space<vmem>>) target_semaphore(%run_scoped3A : memref<!tpu.dma_semaphore, #tpu.memory_space<semaphore_mem>>)
        %dma_wait3A = arith.constant 0 : i32
        %dma_wait3A_39 = tpu.memref_slice %arg2[%arg1, %mul3A_27, %dma_wait3A] : memref<16x168x128xi32, #tpu.memory_space<hbm>> -> memref<1x56x128xi32, #tpu.memory_space<hbm>>
        %dma_wait3A_40 = tpu.memref_squeeze %dma_wait3A_39 : memref<1x56x128xi32, #tpu.memory_space<hbm>> -> memref<56x128xi32, #tpu.memory_space<hbm>>
        %dma_wait3A_41 = arith.constant 0 : i32
        %dma_wait3A_42 = tpu.memref_slice %arg2[%arg1, %mul3A_27, %dma_wait3A_41] : memref<16x168x128xi32, #tpu.memory_space<hbm>> -> memref<1x56x128xi32, #tpu.memory_space<hbm>>
        %dma_wait3A_43 = tpu.memref_squeeze %dma_wait3A_42 : memref<1x56x128xi32, #tpu.memory_space<hbm>> -> memref<56x128xi32, #tpu.memory_space<hbm>>
        tpu.wait_dma2 semaphore(%run_scoped3A : memref<!tpu.dma_semaphore, #tpu.memory_space<semaphore_mem>>) src(%dma_wait3A_43 : memref<56x128xi32, #tpu.memory_space<hbm>>) dst(%arg4 : memref<56x128xi32, #tpu.memory_space<vmem>>)
        tpu.yield
      }) : () -> ()
      %scan3A_28 = arith.constant 0 : i32
      %scan3A_29 = arith.constant 0 : i32
      %scan3A_30 = arith.constant 28 : i32
      %scan3A_31 = arith.addi %scan3A_29, %scan3A_30 : i32
      %scan3A_32 = arith.constant 1 : i32
      scf.for %scan3A_34 = %scan3A_29 to %scan3A_31 step %scan3A_32  : i32 {
        %mul3A_35 = arith.constant 2 : i32
        %mul3A_36 = arith.muli %mul3A_35, %scan3A_34 : i32
        %add3A_37 = arith.addi %mul3A_36, %arg0 : i32
        "tpu.region"() ({
          %run_scoped3A = tpu.sem_alloc : memref<!tpu.dma_semaphore, #tpu.memory_space<semaphore_mem>>
          %dma_start3A = arith.constant 0 : i32
          %dma_start3A_38 = tpu.memref_slice %arg4[%add3A_37, %dma_start3A] : memref<56x128xi32, #tpu.memory_space<vmem>> -> memref<1x128xi32, #tpu.memory_space<vmem>>
          %dma_start3A_39 = tpu.memref_squeeze %dma_start3A_38 : memref<1x128xi32, #tpu.memory_space<vmem>> -> memref<128xi32, #tpu.memory_space<vmem>>
          %dma_start3A_40 = arith.constant 0 : i32
          %dma_start3A_41 = tpu.memref_slice %arg7[%dma_start3A_40] : memref<16384xf32, #tpu.memory_space<vmem_shared>> -> memref<16384xf32, #tpu.memory_space<vmem_shared>>
          tpu.enqueue_indirect_dma source(%arg5 : memref<128xf32, #tpu.memory_space<vmem>>) target(%dma_start3A_41 : memref<16384xf32, #tpu.memory_space<vmem_shared>>) offsets(%dma_start3A_39 : memref<128xi32, #tpu.memory_space<vmem>>) semaphore(%run_scoped3A : memref<!tpu.dma_semaphore, #tpu.memory_space<semaphore_mem>>) {add = true}
          %dma_wait3A = arith.constant 0 : i32
          %dma_wait3A_42 = tpu.memref_slice %arg4[%add3A_37, %dma_wait3A] : memref<56x128xi32, #tpu.memory_space<vmem>> -> memref<1x128xi32, #tpu.memory_space<vmem>>
          %dma_wait3A_43 = tpu.memref_squeeze %dma_wait3A_42 : memref<1x128xi32, #tpu.memory_space<vmem>> -> memref<128xi32, #tpu.memory_space<vmem>>
          %dma_wait3A_44 = arith.constant 0 : i32
          %dma_wait3A_45 = tpu.memref_slice %arg7[%dma_wait3A_44] : memref<16384xf32, #tpu.memory_space<vmem_shared>> -> memref<16384xf32, #tpu.memory_space<vmem_shared>>
          tpu.wait_indirect_dma semaphore(%run_scoped3A : memref<!tpu.dma_semaphore, #tpu.memory_space<semaphore_mem>>) src(%arg5 : memref<128xf32, #tpu.memory_space<vmem>>) dst(%dma_wait3A_45 : memref<16384xf32, #tpu.memory_space<vmem_shared>>)
          tpu.yield
        }) : () -> ()
      }
      %scan3A_33 = arith.constant 28 : i32
    }
    %scan3A_17 = arith.constant 3 : i32
    %barrier3A_18 = arith.constant 0 : index
    tpu.barrier barrier_id(%barrier3A_18)
    %mul3A_19 = arith.constant 1024 : i32
    %mul3A_20 = arith.muli %arg1, %mul3A_19 : i32
    %mul3A_21 = arith.constant 16 : i32
    %mul3A_22 = arith.muli %arg0, %mul3A_21 : i32
    %add3A = arith.addi %mul3A_22, %arg1 : i32
    %mul3A_23 = arith.constant 1024 : i32
    %mul3A_24 = arith.muli %add3A, %mul3A_23 : i32
    "tpu.region"() ({
      %run_scoped3A = tpu.sem_alloc : memref<!tpu.dma_semaphore, #tpu.memory_space<semaphore_mem>>
      %dma_start3A = tpu.memref_slice %arg3[%mul3A_24] : memref<32768xf32, #tpu.memory_space<hbm>> -> memref<1024xf32, #tpu.memory_space<hbm>>
      %dma_start3A_25 = tpu.memref_slice %arg7[%mul3A_20] : memref<16384xf32, #tpu.memory_space<vmem_shared>> -> memref<1024xf32, #tpu.memory_space<vmem_shared>>
      tpu.enqueue_dma source(%dma_start3A_25 : memref<1024xf32, #tpu.memory_space<vmem_shared>>) target(%dma_start3A : memref<1024xf32, #tpu.memory_space<hbm>>) target_semaphore(%run_scoped3A : memref<!tpu.dma_semaphore, #tpu.memory_space<semaphore_mem>>)
      %dma_wait3A = tpu.memref_slice %arg3[%mul3A_24] : memref<32768xf32, #tpu.memory_space<hbm>> -> memref<1024xf32, #tpu.memory_space<hbm>>
      %dma_wait3A_26 = tpu.memref_slice %arg7[%mul3A_20] : memref<16384xf32, #tpu.memory_space<vmem_shared>> -> memref<1024xf32, #tpu.memory_space<vmem_shared>>
      tpu.wait_dma2 semaphore(%run_scoped3A : memref<!tpu.dma_semaphore, #tpu.memory_space<semaphore_mem>>) src(%dma_wait3A_26 : memref<1024xf32, #tpu.memory_space<vmem_shared>>) dst(%dma_wait3A : memref<1024xf32, #tpu.memory_space<hbm>>)
      tpu.yield
    }) : () -> ()
    return
  }
}

#map = affine_map<(d0, d1) -> (0, 0)>
#map1 = affine_map<(d0, d1) -> (0, 0, 0)>
module attributes {stable_mosaic.version = 14 : i64} {
  func.func @_agg2_body(%arg0: i32, %arg1: i32, %arg2: memref<20000x128xf32, #tpu.memory_space<hbm>>, %arg3: memref<16x168x128xi32, #tpu.memory_space<hbm>>, %arg4: memref<16x168x128xi32, #tpu.memory_space<hbm>>, %arg5: memref<2x10240x128xf32, #tpu.memory_space<hbm>>, %arg6: memref<56x128xi32, #tpu.memory_space<vmem>>, %arg7: memref<56x128xi32, #tpu.memory_space<vmem>>, %arg8: memref<128x128xf32, #tpu.memory_space<vmem>>, %arg9: memref<128x128xf32, #tpu.memory_space<vmem>>, %arg10: memref<10240x128xf32, #tpu.memory_space<vmem_shared>>, %arg11: memref<!tpu.dma_semaphore, #tpu.memory_space<semaphore_mem>>, %arg12: memref<!tpu.dma_semaphore, #tpu.memory_space<semaphore_mem>>) attributes {dimension_semantics = [#tpu.dimension_semantics<core_parallel>, #tpu.dimension_semantics<subcore_parallel>], iteration_bounds = array<i64: 2, 16>, scalar_prefetch = 0 : i64, scratch_operands = 7 : i64, tpu.core_type = #tpu.core_type<sc_vector_subcore>, window_params = [{transform_indices = #map}, {transform_indices = #map1}, {transform_indices = #map1}, {transform_indices = #map1}]} {
    %scan3A = arith.constant 0 : i32
    %scan3A_0 = arith.constant 0 : i32
    %scan3A_1 = arith.constant 1024 : i32
    %scan3A_2 = arith.addi %scan3A_0, %scan3A_1 : i32
    %scan3A_3 = arith.constant 1 : i32
    scf.for %scan3A_21 = %scan3A_0 to %scan3A_2 step %scan3A_3  : i32 {
      %broadcast_in_dim3A = arith.constant 0.000000e+00 : f32
      %broadcast_in_dim3A_22 = vector.broadcast %broadcast_in_dim3A : f32 to vector<16xf32>
      %jit3A = arith.constant 8 : i32
      %div3A = arith.divsi %scan3A_21, %jit3A : i32
      %sign3A = arith.constant 0 : i32
      %sign3A_23 = arith.cmpi sgt, %scan3A_21, %sign3A : i32
      %sign3A_24 = arith.extui %sign3A_23 : i1 to i32
      %sign3A_25 = arith.constant 0 : i32
      %sign3A_26 = arith.cmpi slt, %scan3A_21, %sign3A_25 : i32
      %sign3A_27 = arith.extui %sign3A_26 : i1 to i32
      %sign3A_28 = arith.subi %sign3A_24, %sign3A_27 : i32
      %sign3A_29 = arith.constant 0 : i32
      %sign3A_30 = arith.cmpi sgt, %jit3A, %sign3A_29 : i32
      %sign3A_31 = arith.extui %sign3A_30 : i1 to i32
      %sign3A_32 = arith.constant 0 : i32
      %sign3A_33 = arith.cmpi slt, %jit3A, %sign3A_32 : i32
      %sign3A_34 = arith.extui %sign3A_33 : i1 to i32
      %sign3A_35 = arith.subi %sign3A_31, %sign3A_34 : i32
      %ne3A = arith.cmpi ne, %sign3A_28, %sign3A_35 : i32
      %rem3A = arith.remsi %scan3A_21, %jit3A : i32
      %ne3A_36 = arith.constant 0 : i32
      %ne3A_37 = arith.cmpi ne, %rem3A, %ne3A_36 : i32
      %and3A = arith.andi %ne3A, %ne3A_37 : i1
      %sub3A = arith.constant 1 : i32
      %sub3A_38 = arith.subi %div3A, %sub3A : i32
      %select_n3A = arith.select %and3A, %sub3A_38, %div3A : i32
      %jit3A_39 = arith.constant 8 : i32
      %eq3A = arith.constant 0 : i32
      %eq3A_40 = arith.cmpi eq, %jit3A_39, %eq3A : i32
      %jit3A_41 = arith.constant 1 : i32
      %select_n3A_42 = arith.select %eq3A_40, %jit3A_41, %jit3A_39 : i32
      %rem3A_43 = arith.remsi %scan3A_21, %select_n3A_42 : i32
      %ne3A_44 = arith.constant 0 : i32
      %ne3A_45 = arith.cmpi ne, %rem3A_43, %ne3A_44 : i32
      %lt3A = arith.constant 0 : i32
      %lt3A_46 = arith.cmpi slt, %rem3A_43, %lt3A : i32
      %lt3A_47 = arith.constant 0 : i32
      %lt3A_48 = arith.cmpi slt, %select_n3A_42, %lt3A_47 : i32
      %ne3A_49 = arith.xori %lt3A_46, %lt3A_48 : i1
      %and3A_50 = arith.andi %ne3A_49, %ne3A_45 : i1
      %add3A = arith.addi %rem3A_43, %select_n3A_42 : i32
      %select_n3A_51 = arith.select %and3A_50, %add3A, %rem3A_43 : i32
      %mul3A_52 = arith.constant 16 : i32
      %mul3A_53 = arith.muli %select_n3A_51, %mul3A_52 : i32
      %swap3A = arith.index_cast %select_n3A : i32 to index
      %swap3A_54 = arith.index_cast %mul3A_53 : i32 to index
      %swap3A_55 = tpu.vector_load %arg8[%swap3A, %swap3A_54] {strides = array<i32>} : memref<128x128xf32, #tpu.memory_space<vmem>>, vector<1x16xf32>,
      %swap3A_56 = vector.shape_cast %swap3A_55 : vector<1x16xf32> to vector<16xf32>
      %swap3A_57 = vector.shape_cast %broadcast_in_dim3A_22 : vector<16xf32> to vector<1x16xf32>
      tpu.vector_store %arg8[%swap3A, %swap3A_54], %swap3A_57 {strides = array<i32>} : memref<128x128xf32, #tpu.memory_space<vmem>>, vector<1x16xf32>,
    }
    %scan3A_4 = arith.constant 1024 : i32
    %scan3A_5 = arith.constant 0 : i32
    %scan3A_6 = arith.constant 0 : i32
    %scan3A_7 = arith.constant 5 : i32
    %scan3A_8 = arith.addi %scan3A_6, %scan3A_7 : i32
    %scan3A_9 = arith.constant 1 : i32
    scf.for %scan3A_21 = %scan3A_6 to %scan3A_8 step %scan3A_9  : i32 {
      %mul3A_22 = arith.constant 640 : i32
      %mul3A_23 = arith.muli %arg1, %mul3A_22 : i32
      %mul3A_24 = arith.constant 128 : i32
      %mul3A_25 = arith.muli %scan3A_21, %mul3A_24 : i32
      %add3A = arith.addi %mul3A_23, %mul3A_25 : i32
      "tpu.region"() ({
        %run_scoped3A = tpu.sem_alloc : memref<!tpu.dma_semaphore, #tpu.memory_space<semaphore_mem>>
        %dma_start3A = arith.constant 0 : i32
        %dma_start3A_26 = tpu.memref_slice %arg10[%add3A, %dma_start3A] : memref<10240x128xf32, #tpu.memory_space<vmem_shared>> -> memref<128x128xf32, #tpu.memory_space<vmem_shared>>
        %dma_start3A_27 = arith.constant 0 : i32
        %dma_start3A_28 = tpu.memref_slice %arg10[%add3A, %dma_start3A_27] : memref<10240x128xf32, #tpu.memory_space<vmem_shared>> -> memref<128x128xf32, #tpu.memory_space<vmem_shared>>
        tpu.enqueue_dma source(%arg8 : memref<128x128xf32, #tpu.memory_space<vmem>>) target(%dma_start3A_28 : memref<128x128xf32, #tpu.memory_space<vmem_shared>>) target_semaphore(%run_scoped3A : memref<!tpu.dma_semaphore, #tpu.memory_space<semaphore_mem>>)
        %dma_wait3A = arith.constant 0 : i32
        %dma_wait3A_29 = tpu.memref_slice %arg10[%add3A, %dma_wait3A] : memref<10240x128xf32, #tpu.memory_space<vmem_shared>> -> memref<128x128xf32, #tpu.memory_space<vmem_shared>>
        %dma_wait3A_30 = arith.constant 0 : i32
        %dma_wait3A_31 = tpu.memref_slice %arg10[%add3A, %dma_wait3A_30] : memref<10240x128xf32, #tpu.memory_space<vmem_shared>> -> memref<128x128xf32, #tpu.memory_space<vmem_shared>>
        tpu.wait_dma2 semaphore(%run_scoped3A : memref<!tpu.dma_semaphore, #tpu.memory_space<semaphore_mem>>) src(%arg8 : memref<128x128xf32, #tpu.memory_space<vmem>>) dst(%dma_wait3A_31 : memref<128x128xf32, #tpu.memory_space<vmem_shared>>)
        tpu.yield
      }) : () -> ()
    }
    %scan3A_10 = arith.constant 5 : i32
    %barrier3A = arith.constant 0 : index
    tpu.barrier barrier_id(%barrier3A)
    %scan3A_11 = arith.constant 0 : i32
    %scan3A_12 = arith.constant 0 : i32
    %scan3A_13 = arith.constant 3 : i32
    %scan3A_14 = arith.addi %scan3A_12, %scan3A_13 : i32
    %scan3A_15 = arith.constant 1 : i32
    scf.for %scan3A_21 = %scan3A_12 to %scan3A_14 step %scan3A_15  : i32 {
      %mul3A_22 = arith.constant 56 : i32
      %mul3A_23 = arith.muli %scan3A_21, %mul3A_22 : i32
      "tpu.region"() ({
        %run_scoped3A = tpu.sem_alloc : memref<!tpu.dma_semaphore, #tpu.memory_space<semaphore_mem>>
        %dma_start3A_475 = arith.constant 0 : i32
        %dma_start3A_476 = tpu.memref_slice %arg3[%arg1, %mul3A_23, %dma_start3A_475] : memref<16x168x128xi32, #tpu.memory_space<hbm>> -> memref<1x56x128xi32, #tpu.memory_space<hbm>>
        %dma_start3A_477 = tpu.memref_squeeze %dma_start3A_476 : memref<1x56x128xi32, #tpu.memory_space<hbm>> -> memref<56x128xi32, #tpu.memory_space<hbm>>
        %dma_start3A_478 = arith.constant 0 : i32
        %dma_start3A_479 = tpu.memref_slice %arg3[%arg1, %mul3A_23, %dma_start3A_478] : memref<16x168x128xi32, #tpu.memory_space<hbm>> -> memref<1x56x128xi32, #tpu.memory_space<hbm>>
        %dma_start3A_480 = tpu.memref_squeeze %dma_start3A_479 : memref<1x56x128xi32, #tpu.memory_space<hbm>> -> memref<56x128xi32, #tpu.memory_space<hbm>>
        tpu.enqueue_dma source(%dma_start3A_480 : memref<56x128xi32, #tpu.memory_space<hbm>>) target(%arg6 : memref<56x128xi32, #tpu.memory_space<vmem>>) target_semaphore(%run_scoped3A : memref<!tpu.dma_semaphore, #tpu.memory_space<semaphore_mem>>)
        %dma_wait3A_481 = arith.constant 0 : i32
        %dma_wait3A_482 = tpu.memref_slice %arg3[%arg1, %mul3A_23, %dma_wait3A_481] : memref<16x168x128xi32, #tpu.memory_space<hbm>> -> memref<1x56x128xi32, #tpu.memory_space<hbm>>
        %dma_wait3A_483 = tpu.memref_squeeze %dma_wait3A_482 : memref<1x56x128xi32, #tpu.memory_space<hbm>> -> memref<56x128xi32, #tpu.memory_space<hbm>>
        %dma_wait3A_484 = arith.constant 0 : i32
        %dma_wait3A_485 = tpu.memref_slice %arg3[%arg1, %mul3A_23, %dma_wait3A_484] : memref<16x168x128xi32, #tpu.memory_space<hbm>> -> memref<1x56x128xi32, #tpu.memory_space<hbm>>
        %dma_wait3A_486 = tpu.memref_squeeze %dma_wait3A_485 : memref<1x56x128xi32, #tpu.memory_space<hbm>> -> memref<56x128xi32, #tpu.memory_space<hbm>>
        tpu.wait_dma2 semaphore(%run_scoped3A : memref<!tpu.dma_semaphore, #tpu.memory_space<semaphore_mem>>) src(%dma_wait3A_486 : memref<56x128xi32, #tpu.memory_space<hbm>>) dst(%arg6 : memref<56x128xi32, #tpu.memory_space<vmem>>)
        tpu.yield
      }) : () -> ()
      %mul3A_24 = arith.constant 56 : i32
      %mul3A_25 = arith.muli %scan3A_21, %mul3A_24 : i32
      "tpu.region"() ({
        %run_scoped3A = tpu.sem_alloc : memref<!tpu.dma_semaphore, #tpu.memory_space<semaphore_mem>>
        %dma_start3A_475 = arith.constant 0 : i32
        %dma_start3A_476 = tpu.memref_slice %arg4[%arg1, %mul3A_25, %dma_start3A_475] : memref<16x168x128xi32, #tpu.memory_space<hbm>> -> memref<1x56x128xi32, #tpu.memory_space<hbm>>
        %dma_start3A_477 = tpu.memref_squeeze %dma_start3A_476 : memref<1x56x128xi32, #tpu.memory_space<hbm>> -> memref<56x128xi32, #tpu.memory_space<hbm>>
        %dma_start3A_478 = arith.constant 0 : i32
        %dma_start3A_479 = tpu.memref_slice %arg4[%arg1, %mul3A_25, %dma_start3A_478] : memref<16x168x128xi32, #tpu.memory_space<hbm>> -> memref<1x56x128xi32, #tpu.memory_space<hbm>>
        %dma_start3A_480 = tpu.memref_squeeze %dma_start3A_479 : memref<1x56x128xi32, #tpu.memory_space<hbm>> -> memref<56x128xi32, #tpu.memory_space<hbm>>
        tpu.enqueue_dma source(%dma_start3A_480 : memref<56x128xi32, #tpu.memory_space<hbm>>) target(%arg7 : memref<56x128xi32, #tpu.memory_space<vmem>>) target_semaphore(%run_scoped3A : memref<!tpu.dma_semaphore, #tpu.memory_space<semaphore_mem>>)
        %dma_wait3A_481 = arith.constant 0 : i32
        %dma_wait3A_482 = tpu.memref_slice %arg4[%arg1, %mul3A_25, %dma_wait3A_481] : memref<16x168x128xi32, #tpu.memory_space<hbm>> -> memref<1x56x128xi32, #tpu.memory_space<hbm>>
        %dma_wait3A_483 = tpu.memref_squeeze %dma_wait3A_482 : memref<1x56x128xi32, #tpu.memory_space<hbm>> -> memref<56x128xi32, #tpu.memory_space<hbm>>
        %dma_wait3A_484 = arith.constant 0 : i32
        %dma_wait3A_485 = tpu.memref_slice %arg4[%arg1, %mul3A_25, %dma_wait3A_484] : memref<16x168x128xi32, #tpu.memory_space<hbm>> -> memref<1x56x128xi32, #tpu.memory_space<hbm>>
        %dma_wait3A_486 = tpu.memref_squeeze %dma_wait3A_485 : memref<1x56x128xi32, #tpu.memory_space<hbm>> -> memref<56x128xi32, #tpu.memory_space<hbm>>
        tpu.wait_dma2 semaphore(%run_scoped3A : memref<!tpu.dma_semaphore, #tpu.memory_space<semaphore_mem>>) src(%dma_wait3A_486 : memref<56x128xi32, #tpu.memory_space<hbm>>) dst(%arg7 : memref<56x128xi32, #tpu.memory_space<vmem>>)
        tpu.yield
      }) : () -> ()
      %scan3A_26 = arith.constant 0 : i32
      %scan3A_27 = arith.constant 0 : i32
      %scan3A_28 = arith.constant 448 : i32
      %scan3A_29 = arith.addi %scan3A_27, %scan3A_28 : i32
      %scan3A_30 = arith.constant 1 : i32
      scf.for %scan3A_475 = %scan3A_27 to %scan3A_29 step %scan3A_30  : i32 {
        %jit3A = arith.constant 8 : i32
        %div3A = arith.divsi %scan3A_475, %jit3A : i32
        %sign3A = arith.constant 0 : i32
        %sign3A_476 = arith.cmpi sgt, %scan3A_475, %sign3A : i32
        %sign3A_477 = arith.extui %sign3A_476 : i1 to i32
        %sign3A_478 = arith.constant 0 : i32
        %sign3A_479 = arith.cmpi slt, %scan3A_475, %sign3A_478 : i32
        %sign3A_480 = arith.extui %sign3A_479 : i1 to i32
        %sign3A_481 = arith.subi %sign3A_477, %sign3A_480 : i32
        %sign3A_482 = arith.constant 0 : i32
        %sign3A_483 = arith.cmpi sgt, %jit3A, %sign3A_482 : i32
        %sign3A_484 = arith.extui %sign3A_483 : i1 to i32
        %sign3A_485 = arith.constant 0 : i32
        %sign3A_486 = arith.cmpi slt, %jit3A, %sign3A_485 : i32
        %sign3A_487 = arith.extui %sign3A_486 : i1 to i32
        %sign3A_488 = arith.subi %sign3A_484, %sign3A_487 : i32
        %ne3A = arith.cmpi ne, %sign3A_481, %sign3A_488 : i32
        %rem3A = arith.remsi %scan3A_475, %jit3A : i32
        %ne3A_489 = arith.constant 0 : i32
        %ne3A_490 = arith.cmpi ne, %rem3A, %ne3A_489 : i32
        %and3A = arith.andi %ne3A, %ne3A_490 : i1
        %sub3A = arith.constant 1 : i32
        %sub3A_491 = arith.subi %div3A, %sub3A : i32
        %select_n3A = arith.select %and3A, %sub3A_491, %div3A : i32
        %jit3A_492 = arith.constant 8 : i32
        %eq3A = arith.constant 0 : i32
        %eq3A_493 = arith.cmpi eq, %jit3A_492, %eq3A : i32
        %jit3A_494 = arith.constant 1 : i32
        %select_n3A_495 = arith.select %eq3A_493, %jit3A_494, %jit3A_492 : i32
        %rem3A_496 = arith.remsi %scan3A_475, %select_n3A_495 : i32
        %ne3A_497 = arith.constant 0 : i32
        %ne3A_498 = arith.cmpi ne, %rem3A_496, %ne3A_497 : i32
        %lt3A = arith.constant 0 : i32
        %lt3A_499 = arith.cmpi slt, %rem3A_496, %lt3A : i32
        %lt3A_500 = arith.constant 0 : i32
        %lt3A_501 = arith.cmpi slt, %select_n3A_495, %lt3A_500 : i32
        %ne3A_502 = arith.xori %lt3A_499, %lt3A_501 : i1
        %and3A_503 = arith.andi %ne3A_502, %ne3A_498 : i1
        %add3A_504 = arith.addi %rem3A_496, %select_n3A_495 : i32
        %select_n3A_505 = arith.select %and3A_503, %add3A_504, %rem3A_496 : i32
        %mul3A_506 = arith.constant 16 : i32
        %mul3A_507 = arith.muli %select_n3A_505, %mul3A_506 : i32
        %get3A = arith.index_cast %select_n3A : i32 to index
        %get3A_508 = arith.index_cast %mul3A_507 : i32 to index
        %get3A_509 = tpu.vector_load %arg6[%get3A, %get3A_508] {strides = array<i32>} : memref<56x128xi32, #tpu.memory_space<vmem>>, vector<1x16xi32>,
        %get3A_510 = vector.shape_cast %get3A_509 : vector<1x16xi32> to vector<16xi32>
        %mul3A_511 = arith.constant 10000 : i32
        %mul3A_512 = arith.muli %arg0, %mul3A_511 : i32
        %add3A_513 = vector.broadcast %mul3A_512 : i32 to vector<16xi32>
        %add3A_514 = arith.addi %get3A_510, %add3A_513 : vector<16xi32>
        %mul3A_515 = arith.constant 16 : i32
        %mul3A_516 = arith.muli %select_n3A_505, %mul3A_515 : i32
        %swap3A = arith.index_cast %select_n3A : i32 to index
        %swap3A_517 = arith.index_cast %mul3A_516 : i32 to index
        %swap3A_518 = tpu.vector_load %arg6[%swap3A, %swap3A_517] {strides = array<i32>} : memref<56x128xi32, #tpu.memory_space<vmem>>, vector<1x16xi32>,
        %swap3A_519 = vector.shape_cast %swap3A_518 : vector<1x16xi32> to vector<16xi32>
        %swap3A_520 = vector.shape_cast %add3A_514 : vector<16xi32> to vector<1x16xi32>
        tpu.vector_store %arg6[%swap3A, %swap3A_517], %swap3A_520 {strides = array<i32>} : memref<56x128xi32, #tpu.memory_space<vmem>>, vector<1x16xi32>,
      }
      %scan3A_31 = arith.constant 448 : i32
      %dma_start3A = arith.constant 0 : i32
      %dma_start3A_32 = tpu.memref_slice %arg6[%arg0, %dma_start3A] : memref<56x128xi32, #tpu.memory_space<vmem>> -> memref<1x128xi32, #tpu.memory_space<vmem>>
      %dma_start3A_33 = tpu.memref_squeeze %dma_start3A_32 : memref<1x128xi32, #tpu.memory_space<vmem>> -> memref<128xi32, #tpu.memory_space<vmem>>
      %dma_start3A_34 = arith.constant 0 : i32
      %dma_start3A_35 = arith.constant 0 : i32
      %dma_start3A_36 = tpu.memref_slice %arg2[%dma_start3A_34, %dma_start3A_35] : memref<20000x128xf32, #tpu.memory_space<hbm>> -> memref<20000x128xf32, #tpu.memory_space<hbm>>
      tpu.enqueue_indirect_dma source(%dma_start3A_36 : memref<20000x128xf32, #tpu.memory_space<hbm>>) target(%arg8 : memref<128x128xf32, #tpu.memory_space<vmem>>) offsets(%dma_start3A_33 : memref<128xi32, #tpu.memory_space<vmem>>) semaphore(%arg11 : memref<!tpu.dma_semaphore, #tpu.memory_space<semaphore_mem>>)
      %add3A = arith.constant 2 : i32
      %add3A_37 = arith.addi %add3A, %arg0 : i32
      %dma_start3A_38 = arith.constant 0 : i32
      %dma_start3A_39 = tpu.memref_slice %arg6[%add3A_37, %dma_start3A_38] : memref<56x128xi32, #tpu.memory_space<vmem>> -> memref<1x128xi32, #tpu.memory_space<vmem>>
      %dma_start3A_40 = tpu.memref_squeeze %dma_start3A_39 : memref<1x128xi32, #tpu.memory_space<vmem>> -> memref<128xi32, #tpu.memory_space<vmem>>
      %dma_start3A_41 = arith.constant 0 : i32
      %dma_start3A_42 = arith.constant 0 : i32
      %dma_start3A_43 = tpu.memref_slice %arg2[%dma_start3A_41, %dma_start3A_42] : memref<20000x128xf32, #tpu.memory_space<hbm>> -> memref<20000x128xf32, #tpu.memory_space<hbm>>
      tpu.enqueue_indirect_dma source(%dma_start3A_43 : memref<20000x128xf32, #tpu.memory_space<hbm>>) target(%arg9 : memref<128x128xf32, #tpu.memory_space<vmem>>) offsets(%dma_start3A_40 : memref<128xi32, #tpu.memory_space<vmem>>) semaphore(%arg12 : memref<!tpu.dma_semaphore, #tpu.memory_space<semaphore_mem>>)
      %dma_wait3A = arith.constant 0 : i32
      %dma_wait3A_44 = tpu.memref_slice %arg6[%arg0, %dma_wait3A] : memref<56x128xi32, #tpu.memory_space<vmem>> -> memref<1x128xi32, #tpu.memory_space<vmem>>
      %dma_wait3A_45 = tpu.memref_squeeze %dma_wait3A_44 : memref<1x128xi32, #tpu.memory_space<vmem>> -> memref<128xi32, #tpu.memory_space<vmem>>
      %dma_wait3A_46 = arith.constant 0 : i32
      %dma_wait3A_47 = arith.constant 0 : i32
      %dma_wait3A_48 = tpu.memref_slice %arg2[%dma_wait3A_46, %dma_wait3A_47] : memref<20000x128xf32, #tpu.memory_space<hbm>> -> memref<20000x128xf32, #tpu.memory_space<hbm>>
      tpu.wait_indirect_dma semaphore(%arg11 : memref<!tpu.dma_semaphore, #tpu.memory_space<semaphore_mem>>) src(%dma_wait3A_48 : memref<20000x128xf32, #tpu.memory_space<hbm>>) dst(%arg8 : memref<128x128xf32, #tpu.memory_space<vmem>>)
      %add3A_49 = arith.constant 0 : i32
      %add3A_50 = arith.addi %add3A_49, %arg0 : i32
      "tpu.region"() ({
        %run_scoped3A = tpu.sem_alloc : memref<!tpu.dma_semaphore, #tpu.memory_space<semaphore_mem>>
        %dma_start3A_475 = arith.constant 0 : i32
        %dma_start3A_476 = tpu.memref_slice %arg7[%add3A_50, %dma_start3A_475] : memref<56x128xi32, #tpu.memory_space<vmem>> -> memref<1x128xi32, #tpu.memory_space<vmem>>
        %dma_start3A_477 = tpu.memref_squeeze %dma_start3A_476 : memref<1x128xi32, #tpu.memory_space<vmem>> -> memref<128xi32, #tpu.memory_space<vmem>>
        %dma_start3A_478 = arith.constant 0 : i32
        %dma_start3A_479 = arith.constant 0 : i32
        %dma_start3A_480 = tpu.memref_slice %arg10[%dma_start3A_478, %dma_start3A_479] : memref<10240x128xf32, #tpu.memory_space<vmem_shared>> -> memref<10240x128xf32, #tpu.memory_space<vmem_shared>>
        tpu.enqueue_indirect_dma source(%arg8 : memref<128x128xf32, #tpu.memory_space<vmem>>) target(%dma_start3A_480 : memref<10240x128xf32, #tpu.memory_space<vmem_shared>>) offsets(%dma_start3A_477 : memref<128xi32, #tpu.memory_space<vmem>>) semaphore(%run_scoped3A : memref<!tpu.dma_semaphore, #tpu.memory_space<semaphore_mem>>) {add = true}
        %dma_wait3A_481 = arith.constant 0 : i32
        %dma_wait3A_482 = tpu.memref_slice %arg7[%add3A_50, %dma_wait3A_481] : memref<56x128xi32, #tpu.memory_space<vmem>> -> memref<1x128xi32, #tpu.memory_space<vmem>>
        %dma_wait3A_483 = tpu.memref_squeeze %dma_wait3A_482 : memref<1x128xi32, #tpu.memory_space<vmem>> -> memref<128xi32, #tpu.memory_space<vmem>>
        %dma_wait3A_484 = arith.constant 0 : i32
        %dma_wait3A_485 = arith.constant 0 : i32
        %dma_wait3A_486 = tpu.memref_slice %arg10[%dma_wait3A_484, %dma_wait3A_485] : memref<10240x128xf32, #tpu.memory_space<vmem_shared>> -> memref<10240x128xf32, #tpu.memory_space<vmem_shared>>
        tpu.wait_indirect_dma semaphore(%run_scoped3A : memref<!tpu.dma_semaphore, #tpu.memory_space<semaphore_mem>>) src(%arg8 : memref<128x128xf32, #tpu.memory_space<vmem>>) dst(%dma_wait3A_486 : memref<10240x128xf32, #tpu.memory_space<vmem_shared>>)
        tpu.yield
      }) : () -> ()
      %add3A_51 = arith.constant 4 : i32
      %add3A_52 = arith.addi %add3A_51, %arg0 : i32
      %dma_start3A_53 = arith.constant 0 : i32
      %dma_start3A_54 = tpu.memref_slice %arg6[%add3A_52, %dma_start3A_53] : memref<56x128xi32, #tpu.memory_space<vmem>> -> memref<1x128xi32, #tpu.memory_space<vmem>>
      %dma_start3A_55 = tpu.memref_squeeze %dma_start3A_54 : memref<1x128xi32, #tpu.memory_space<vmem>> -> memref<128xi32, #tpu.memory_space<vmem>>
      %dma_start3A_56 = arith.constant 0 : i32
      %dma_start3A_57 = arith.constant 0 : i32
      %dma_start3A_58 = tpu.memref_slice %arg2[%dma_start3A_56, %dma_start3A_57] : memref<20000x128xf32, #tpu.memory_space<hbm>> -> memref<20000x128xf32, #tpu.memory_space<hbm>>
      tpu.enqueue_indirect_dma source(%dma_start3A_58 : memref<20000x128xf32, #tpu.memory_space<hbm>>) target(%arg8 : memref<128x128xf32, #tpu.memory_space<vmem>>) offsets(%dma_start3A_55 : memref<128xi32, #tpu.memory_space<vmem>>) semaphore(%arg11 : memref<!tpu.dma_semaphore, #tpu.memory_space<semaphore_mem>>)
      %dma_wait3A_59 = arith.constant 0 : i32
      %dma_wait3A_60 = tpu.memref_slice %arg6[%add3A_37, %dma_wait3A_59] : memref<56x128xi32, #tpu.memory_space<vmem>> -> memref<1x128xi32, #tpu.memory_space<vmem>>
      %dma_wait3A_61 = tpu.memref_squeeze %dma_wait3A_60 : memref<1x128xi32, #tpu.memory_space<vmem>> -> memref<128xi32, #tpu.memory_space<vmem>>
      %dma_wait3A_62 = arith.constant 0 : i32
      %dma_wait3A_63 = arith.constant 0 : i32
      %dma_wait3A_64 = tpu.memref_slice %arg2[%dma_wait3A_62, %dma_wait3A_63] : memref<20000x128xf32, #tpu.memory_space<hbm>> -> memref<20000x128xf32, #tpu.memory_space<hbm>>
      tpu.wait_indirect_dma semaphore(%arg12 : memref<!tpu.dma_semaphore, #tpu.memory_space<semaphore_mem>>) src(%dma_wait3A_64 : memref<20000x128xf32, #tpu.memory_space<hbm>>) dst(%arg9 : memref<128x128xf32, #tpu.memory_space<vmem>>)
      %add3A_65 = arith.constant 2 : i32
      %add3A_66 = arith.addi %add3A_65, %arg0 : i32
      "tpu.region"() ({
        %run_scoped3A = tpu.sem_alloc : memref<!tpu.dma_semaphore, #tpu.memory_space<semaphore_mem>>
        %dma_start3A_475 = arith.constant 0 : i32
        %dma_start3A_476 = tpu.memref_slice %arg7[%add3A_66, %dma_start3A_475] : memref<56x128xi32, #tpu.memory_space<vmem>> -> memref<1x128xi32, #tpu.memory_space<vmem>>
        %dma_start3A_477 = tpu.memref_squeeze %dma_start3A_476 : memref<1x128xi32, #tpu.memory_space<vmem>> -> memref<128xi32, #tpu.memory_space<vmem>>
        %dma_start3A_478 = arith.constant 0 : i32
        %dma_start3A_479 = arith.constant 0 : i32
        %dma_start3A_480 = tpu.memref_slice %arg10[%dma_start3A_478, %dma_start3A_479] : memref<10240x128xf32, #tpu.memory_space<vmem_shared>> -> memref<10240x128xf32, #tpu.memory_space<vmem_shared>>
        tpu.enqueue_indirect_dma source(%arg9 : memref<128x128xf32, #tpu.memory_space<vmem>>) target(%dma_start3A_480 : memref<10240x128xf32, #tpu.memory_space<vmem_shared>>) offsets(%dma_start3A_477 : memref<128xi32, #tpu.memory_space<vmem>>) semaphore(%run_scoped3A : memref<!tpu.dma_semaphore, #tpu.memory_space<semaphore_mem>>) {add = true}
        %dma_wait3A_481 = arith.constant 0 : i32
        %dma_wait3A_482 = tpu.memref_slice %arg7[%add3A_66, %dma_wait3A_481] : memref<56x128xi32, #tpu.memory_space<vmem>> -> memref<1x128xi32, #tpu.memory_space<vmem>>
        %dma_wait3A_483 = tpu.memref_squeeze %dma_wait3A_482 : memref<1x128xi32, #tpu.memory_space<vmem>> -> memref<128xi32, #tpu.memory_space<vmem>>
        %dma_wait3A_484 = arith.constant 0 : i32
        %dma_wait3A_485 = arith.constant 0 : i32
        %dma_wait3A_486 = tpu.memref_slice %arg10[%dma_wait3A_484, %dma_wait3A_485] : memref<10240x128xf32, #tpu.memory_space<vmem_shared>> -> memref<10240x128xf32, #tpu.memory_space<vmem_shared>>
        tpu.wait_indirect_dma semaphore(%run_scoped3A : memref<!tpu.dma_semaphore, #tpu.memory_space<semaphore_mem>>) src(%arg9 : memref<128x128xf32, #tpu.memory_space<vmem>>) dst(%dma_wait3A_486 : memref<10240x128xf32, #tpu.memory_space<vmem_shared>>)
        tpu.yield
      }) : () -> ()
      %add3A_67 = arith.constant 6 : i32
      %add3A_68 = arith.addi %add3A_67, %arg0 : i32
      %dma_start3A_69 = arith.constant 0 : i32
      %dma_start3A_70 = tpu.memref_slice %arg6[%add3A_68, %dma_start3A_69] : memref<56x128xi32, #tpu.memory_space<vmem>> -> memref<1x128xi32, #tpu.memory_space<vmem>>
      %dma_start3A_71 = tpu.memref_squeeze %dma_start3A_70 : memref<1x128xi32, #tpu.memory_space<vmem>> -> memref<128xi32, #tpu.memory_space<vmem>>
      %dma_start3A_72 = arith.constant 0 : i32
      %dma_start3A_73 = arith.constant 0 : i32
      %dma_start3A_74 = tpu.memref_slice %arg2[%dma_start3A_72, %dma_start3A_73] : memref<20000x128xf32, #tpu.memory_space<hbm>> -> memref<20000x128xf32, #tpu.memory_space<hbm>>
      tpu.enqueue_indirect_dma source(%dma_start3A_74 : memref<20000x128xf32, #tpu.memory_space<hbm>>) target(%arg9 : memref<128x128xf32, #tpu.memory_space<vmem>>) offsets(%dma_start3A_71 : memref<128xi32, #tpu.memory_space<vmem>>) semaphore(%arg12 : memref<!tpu.dma_semaphore, #tpu.memory_space<semaphore_mem>>)
      %dma_wait3A_75 = arith.constant 0 : i32
      %dma_wait3A_76 = tpu.memref_slice %arg6[%add3A_52, %dma_wait3A_75] : memref<56x128xi32, #tpu.memory_space<vmem>> -> memref<1x128xi32, #tpu.memory_space<vmem>>
      %dma_wait3A_77 = tpu.memref_squeeze %dma_wait3A_76 : memref<1x128xi32, #tpu.memory_space<vmem>> -> memref<128xi32, #tpu.memory_space<vmem>>
      %dma_wait3A_78 = arith.constant 0 : i32
      %dma_wait3A_79 = arith.constant 0 : i32
      %dma_wait3A_80 = tpu.memref_slice %arg2[%dma_wait3A_78, %dma_wait3A_79] : memref<20000x128xf32, #tpu.memory_space<hbm>> -> memref<20000x128xf32, #tpu.memory_space<hbm>>
      tpu.wait_indirect_dma semaphore(%arg11 : memref<!tpu.dma_semaphore, #tpu.memory_space<semaphore_mem>>) src(%dma_wait3A_80 : memref<20000x128xf32, #tpu.memory_space<hbm>>) dst(%arg8 : memref<128x128xf32, #tpu.memory_space<vmem>>)
      %add3A_81 = arith.constant 4 : i32
      %add3A_82 = arith.addi %add3A_81, %arg0 : i32
      "tpu.region"() ({
        %run_scoped3A = tpu.sem_alloc : memref<!tpu.dma_semaphore, #tpu.memory_space<semaphore_mem>>
        %dma_start3A_475 = arith.constant 0 : i32
        %dma_start3A_476 = tpu.memref_slice %arg7[%add3A_82, %dma_start3A_475] : memref<56x128xi32, #tpu.memory_space<vmem>> -> memref<1x128xi32, #tpu.memory_space<vmem>>
        %dma_start3A_477 = tpu.memref_squeeze %dma_start3A_476 : memref<1x128xi32, #tpu.memory_space<vmem>> -> memref<128xi32, #tpu.memory_space<vmem>>
        %dma_start3A_478 = arith.constant 0 : i32
        %dma_start3A_479 = arith.constant 0 : i32
        %dma_start3A_480 = tpu.memref_slice %arg10[%dma_start3A_478, %dma_start3A_479] : memref<10240x128xf32, #tpu.memory_space<vmem_shared>> -> memref<10240x128xf32, #tpu.memory_space<vmem_shared>>
        tpu.enqueue_indirect_dma source(%arg8 : memref<128x128xf32, #tpu.memory_space<vmem>>) target(%dma_start3A_480 : memref<10240x128xf32, #tpu.memory_space<vmem_shared>>) offsets(%dma_start3A_477 : memref<128xi32, #tpu.memory_space<vmem>>) semaphore(%run_scoped3A : memref<!tpu.dma_semaphore, #tpu.memory_space<semaphore_mem>>) {add = true}
        %dma_wait3A_481 = arith.constant 0 : i32
        %dma_wait3A_482 = tpu.memref_slice %arg7[%add3A_82, %dma_wait3A_481] : memref<56x128xi32, #tpu.memory_space<vmem>> -> memref<1x128xi32, #tpu.memory_space<vmem>>
        %dma_wait3A_483 = tpu.memref_squeeze %dma_wait3A_482 : memref<1x128xi32, #tpu.memory_space<vmem>> -> memref<128xi32, #tpu.memory_space<vmem>>
        %dma_wait3A_484 = arith.constant 0 : i32
        %dma_wait3A_485 = arith.constant 0 : i32
        %dma_wait3A_486 = tpu.memref_slice %arg10[%dma_wait3A_484, %dma_wait3A_485] : memref<10240x128xf32, #tpu.memory_space<vmem_shared>> -> memref<10240x128xf32, #tpu.memory_space<vmem_shared>>
        tpu.wait_indirect_dma semaphore(%run_scoped3A : memref<!tpu.dma_semaphore, #tpu.memory_space<semaphore_mem>>) src(%arg8 : memref<128x128xf32, #tpu.memory_space<vmem>>) dst(%dma_wait3A_486 : memref<10240x128xf32, #tpu.memory_space<vmem_shared>>)
        tpu.yield
      }) : () -> ()
      %add3A_83 = arith.constant 8 : i32
      %add3A_84 = arith.addi %add3A_83, %arg0 : i32
      %dma_start3A_85 = arith.constant 0 : i32
      %dma_start3A_86 = tpu.memref_slice %arg6[%add3A_84, %dma_start3A_85] : memref<56x128xi32, #tpu.memory_space<vmem>> -> memref<1x128xi32, #tpu.memory_space<vmem>>
      %dma_start3A_87 = tpu.memref_squeeze %dma_start3A_86 : memref<1x128xi32, #tpu.memory_space<vmem>> -> memref<128xi32, #tpu.memory_space<vmem>>
      %dma_start3A_88 = arith.constant 0 : i32
      %dma_start3A_89 = arith.constant 0 : i32
      %dma_start3A_90 = tpu.memref_slice %arg2[%dma_start3A_88, %dma_start3A_89] : memref<20000x128xf32, #tpu.memory_space<hbm>> -> memref<20000x128xf32, #tpu.memory_space<hbm>>
      tpu.enqueue_indirect_dma source(%dma_start3A_90 : memref<20000x128xf32, #tpu.memory_space<hbm>>) target(%arg8 : memref<128x128xf32, #tpu.memory_space<vmem>>) offsets(%dma_start3A_87 : memref<128xi32, #tpu.memory_space<vmem>>) semaphore(%arg11 : memref<!tpu.dma_semaphore, #tpu.memory_space<semaphore_mem>>)
      %dma_wait3A_91 = arith.constant 0 : i32
      %dma_wait3A_92 = tpu.memref_slice %arg6[%add3A_68, %dma_wait3A_91] : memref<56x128xi32, #tpu.memory_space<vmem>> -> memref<1x128xi32, #tpu.memory_space<vmem>>
      %dma_wait3A_93 = tpu.memref_squeeze %dma_wait3A_92 : memref<1x128xi32, #tpu.memory_space<vmem>> -> memref<128xi32, #tpu.memory_space<vmem>>
      %dma_wait3A_94 = arith.constant 0 : i32
      %dma_wait3A_95 = arith.constant 0 : i32
      %dma_wait3A_96 = tpu.memref_slice %arg2[%dma_wait3A_94, %dma_wait3A_95] : memref<20000x128xf32, #tpu.memory_space<hbm>> -> memref<20000x128xf32, #tpu.memory_space<hbm>>
      tpu.wait_indirect_dma semaphore(%arg12 : memref<!tpu.dma_semaphore, #tpu.memory_space<semaphore_mem>>) src(%dma_wait3A_96 : memref<20000x128xf32, #tpu.memory_space<hbm>>) dst(%arg9 : memref<128x128xf32, #tpu.memory_space<vmem>>)
      %add3A_97 = arith.constant 6 : i32
      %add3A_98 = arith.addi %add3A_97, %arg0 : i32
      "tpu.region"() ({
        %run_scoped3A = tpu.sem_alloc : memref<!tpu.dma_semaphore, #tpu.memory_space<semaphore_mem>>
        %dma_start3A_475 = arith.constant 0 : i32
        %dma_start3A_476 = tpu.memref_slice %arg7[%add3A_98, %dma_start3A_475] : memref<56x128xi32, #tpu.memory_space<vmem>> -> memref<1x128xi32, #tpu.memory_space<vmem>>
        %dma_start3A_477 = tpu.memref_squeeze %dma_start3A_476 : memref<1x128xi32, #tpu.memory_space<vmem>> -> memref<128xi32, #tpu.memory_space<vmem>>
        %dma_start3A_478 = arith.constant 0 : i32
        %dma_start3A_479 = arith.constant 0 : i32
        %dma_start3A_480 = tpu.memref_slice %arg10[%dma_start3A_478, %dma_start3A_479] : memref<10240x128xf32, #tpu.memory_space<vmem_shared>> -> memref<10240x128xf32, #tpu.memory_space<vmem_shared>>
        tpu.enqueue_indirect_dma source(%arg9 : memref<128x128xf32, #tpu.memory_space<vmem>>) target(%dma_start3A_480 : memref<10240x128xf32, #tpu.memory_space<vmem_shared>>) offsets(%dma_start3A_477 : memref<128xi32, #tpu.memory_space<vmem>>) semaphore(%run_scoped3A : memref<!tpu.dma_semaphore, #tpu.memory_space<semaphore_mem>>) {add = true}
        %dma_wait3A_481 = arith.constant 0 : i32
        %dma_wait3A_482 = tpu.memref_slice %arg7[%add3A_98, %dma_wait3A_481] : memref<56x128xi32, #tpu.memory_space<vmem>> -> memref<1x128xi32, #tpu.memory_space<vmem>>
        %dma_wait3A_483 = tpu.memref_squeeze %dma_wait3A_482 : memref<1x128xi32, #tpu.memory_space<vmem>> -> memref<128xi32, #tpu.memory_space<vmem>>
        %dma_wait3A_484 = arith.constant 0 : i32
        %dma_wait3A_485 = arith.constant 0 : i32
        %dma_wait3A_486 = tpu.memref_slice %arg10[%dma_wait3A_484, %dma_wait3A_485] : memref<10240x128xf32, #tpu.memory_space<vmem_shared>> -> memref<10240x128xf32, #tpu.memory_space<vmem_shared>>
        tpu.wait_indirect_dma semaphore(%run_scoped3A : memref<!tpu.dma_semaphore, #tpu.memory_space<semaphore_mem>>) src(%arg9 : memref<128x128xf32, #tpu.memory_space<vmem>>) dst(%dma_wait3A_486 : memref<10240x128xf32, #tpu.memory_space<vmem_shared>>)
        tpu.yield
      }) : () -> ()
      %add3A_99 = arith.constant 10 : i32
      %add3A_100 = arith.addi %add3A_99, %arg0 : i32
      %dma_start3A_101 = arith.constant 0 : i32
      %dma_start3A_102 = tpu.memref_slice %arg6[%add3A_100, %dma_start3A_101] : memref<56x128xi32, #tpu.memory_space<vmem>> -> memref<1x128xi32, #tpu.memory_space<vmem>>
      %dma_start3A_103 = tpu.memref_squeeze %dma_start3A_102 : memref<1x128xi32, #tpu.memory_space<vmem>> -> memref<128xi32, #tpu.memory_space<vmem>>
      %dma_start3A_104 = arith.constant 0 : i32
      %dma_start3A_105 = arith.constant 0 : i32
      %dma_start3A_106 = tpu.memref_slice %arg2[%dma_start3A_104, %dma_start3A_105] : memref<20000x128xf32, #tpu.memory_space<hbm>> -> memref<20000x128xf32, #tpu.memory_space<hbm>>
      tpu.enqueue_indirect_dma source(%dma_start3A_106 : memref<20000x128xf32, #tpu.memory_space<hbm>>) target(%arg9 : memref<128x128xf32, #tpu.memory_space<vmem>>) offsets(%dma_start3A_103 : memref<128xi32, #tpu.memory_space<vmem>>) semaphore(%arg12 : memref<!tpu.dma_semaphore, #tpu.memory_space<semaphore_mem>>)
      %dma_wait3A_107 = arith.constant 0 : i32
      %dma_wait3A_108 = tpu.memref_slice %arg6[%add3A_84, %dma_wait3A_107] : memref<56x128xi32, #tpu.memory_space<vmem>> -> memref<1x128xi32, #tpu.memory_space<vmem>>
      %dma_wait3A_109 = tpu.memref_squeeze %dma_wait3A_108 : memref<1x128xi32, #tpu.memory_space<vmem>> -> memref<128xi32, #tpu.memory_space<vmem>>
      %dma_wait3A_110 = arith.constant 0 : i32
      %dma_wait3A_111 = arith.constant 0 : i32
      %dma_wait3A_112 = tpu.memref_slice %arg2[%dma_wait3A_110, %dma_wait3A_111] : memref<20000x128xf32, #tpu.memory_space<hbm>> -> memref<20000x128xf32, #tpu.memory_space<hbm>>
      tpu.wait_indirect_dma semaphore(%arg11 : memref<!tpu.dma_semaphore, #tpu.memory_space<semaphore_mem>>) src(%dma_wait3A_112 : memref<20000x128xf32, #tpu.memory_space<hbm>>) dst(%arg8 : memref<128x128xf32, #tpu.memory_space<vmem>>)
      %add3A_113 = arith.constant 8 : i32
      %add3A_114 = arith.addi %add3A_113, %arg0 : i32
      "tpu.region"() ({
        %run_scoped3A = tpu.sem_alloc : memref<!tpu.dma_semaphore, #tpu.memory_space<semaphore_mem>>
        %dma_start3A_475 = arith.constant 0 : i32
        %dma_start3A_476 = tpu.memref_slice %arg7[%add3A_114, %dma_start3A_475] : memref<56x128xi32, #tpu.memory_space<vmem>> -> memref<1x128xi32, #tpu.memory_space<vmem>>
        %dma_start3A_477 = tpu.memref_squeeze %dma_start3A_476 : memref<1x128xi32, #tpu.memory_space<vmem>> -> memref<128xi32, #tpu.memory_space<vmem>>
        %dma_start3A_478 = arith.constant 0 : i32
        %dma_start3A_479 = arith.constant 0 : i32
        %dma_start3A_480 = tpu.memref_slice %arg10[%dma_start3A_478, %dma_start3A_479] : memref<10240x128xf32, #tpu.memory_space<vmem_shared>> -> memref<10240x128xf32, #tpu.memory_space<vmem_shared>>
        tpu.enqueue_indirect_dma source(%arg8 : memref<128x128xf32, #tpu.memory_space<vmem>>) target(%dma_start3A_480 : memref<10240x128xf32, #tpu.memory_space<vmem_shared>>) offsets(%dma_start3A_477 : memref<128xi32, #tpu.memory_space<vmem>>) semaphore(%run_scoped3A : memref<!tpu.dma_semaphore, #tpu.memory_space<semaphore_mem>>) {add = true}
        %dma_wait3A_481 = arith.constant 0 : i32
        %dma_wait3A_482 = tpu.memref_slice %arg7[%add3A_114, %dma_wait3A_481] : memref<56x128xi32, #tpu.memory_space<vmem>> -> memref<1x128xi32, #tpu.memory_space<vmem>>
        %dma_wait3A_483 = tpu.memref_squeeze %dma_wait3A_482 : memref<1x128xi32, #tpu.memory_space<vmem>> -> memref<128xi32, #tpu.memory_space<vmem>>
        %dma_wait3A_484 = arith.constant 0 : i32
        %dma_wait3A_485 = arith.constant 0 : i32
        %dma_wait3A_486 = tpu.memref_slice %arg10[%dma_wait3A_484, %dma_wait3A_485] : memref<10240x128xf32, #tpu.memory_space<vmem_shared>> -> memref<10240x128xf32, #tpu.memory_space<vmem_shared>>
        tpu.wait_indirect_dma semaphore(%run_scoped3A : memref<!tpu.dma_semaphore, #tpu.memory_space<semaphore_mem>>) src(%arg8 : memref<128x128xf32, #tpu.memory_space<vmem>>) dst(%dma_wait3A_486 : memref<10240x128xf32, #tpu.memory_space<vmem_shared>>)
        tpu.yield
      }) : () -> ()
      %add3A_115 = arith.constant 12 : i32
      %add3A_116 = arith.addi %add3A_115, %arg0 : i32
      %dma_start3A_117 = arith.constant 0 : i32
      %dma_start3A_118 = tpu.memref_slice %arg6[%add3A_116, %dma_start3A_117] : memref<56x128xi32, #tpu.memory_space<vmem>> -> memref<1x128xi32, #tpu.memory_space<vmem>>
      %dma_start3A_119 = tpu.memref_squeeze %dma_start3A_118 : memref<1x128xi32, #tpu.memory_space<vmem>> -> memref<128xi32, #tpu.memory_space<vmem>>
      %dma_start3A_120 = arith.constant 0 : i32
      %dma_start3A_121 = arith.constant 0 : i32
      %dma_start3A_122 = tpu.memref_slice %arg2[%dma_start3A_120, %dma_start3A_121] : memref<20000x128xf32, #tpu.memory_space<hbm>> -> memref<20000x128xf32, #tpu.memory_space<hbm>>
      tpu.enqueue_indirect_dma source(%dma_start3A_122 : memref<20000x128xf32, #tpu.memory_space<hbm>>) target(%arg8 : memref<128x128xf32, #tpu.memory_space<vmem>>) offsets(%dma_start3A_119 : memref<128xi32, #tpu.memory_space<vmem>>) semaphore(%arg11 : memref<!tpu.dma_semaphore, #tpu.memory_space<semaphore_mem>>)
      %dma_wait3A_123 = arith.constant 0 : i32
      %dma_wait3A_124 = tpu.memref_slice %arg6[%add3A_100, %dma_wait3A_123] : memref<56x128xi32, #tpu.memory_space<vmem>> -> memref<1x128xi32, #tpu.memory_space<vmem>>
      %dma_wait3A_125 = tpu.memref_squeeze %dma_wait3A_124 : memref<1x128xi32, #tpu.memory_space<vmem>> -> memref<128xi32, #tpu.memory_space<vmem>>
      %dma_wait3A_126 = arith.constant 0 : i32
      %dma_wait3A_127 = arith.constant 0 : i32
      %dma_wait3A_128 = tpu.memref_slice %arg2[%dma_wait3A_126, %dma_wait3A_127] : memref<20000x128xf32, #tpu.memory_space<hbm>> -> memref<20000x128xf32, #tpu.memory_space<hbm>>
      tpu.wait_indirect_dma semaphore(%arg12 : memref<!tpu.dma_semaphore, #tpu.memory_space<semaphore_mem>>) src(%dma_wait3A_128 : memref<20000x128xf32, #tpu.memory_space<hbm>>) dst(%arg9 : memref<128x128xf32, #tpu.memory_space<vmem>>)
      %add3A_129 = arith.constant 10 : i32
      %add3A_130 = arith.addi %add3A_129, %arg0 : i32
      "tpu.region"() ({
        %run_scoped3A = tpu.sem_alloc : memref<!tpu.dma_semaphore, #tpu.memory_space<semaphore_mem>>
        %dma_start3A_475 = arith.constant 0 : i32
        %dma_start3A_476 = tpu.memref_slice %arg7[%add3A_130, %dma_start3A_475] : memref<56x128xi32, #tpu.memory_space<vmem>> -> memref<1x128xi32, #tpu.memory_space<vmem>>
        %dma_start3A_477 = tpu.memref_squeeze %dma_start3A_476 : memref<1x128xi32, #tpu.memory_space<vmem>> -> memref<128xi32, #tpu.memory_space<vmem>>
        %dma_start3A_478 = arith.constant 0 : i32
        %dma_start3A_479 = arith.constant 0 : i32
        %dma_start3A_480 = tpu.memref_slice %arg10[%dma_start3A_478, %dma_start3A_479] : memref<10240x128xf32, #tpu.memory_space<vmem_shared>> -> memref<10240x128xf32, #tpu.memory_space<vmem_shared>>
        tpu.enqueue_indirect_dma source(%arg9 : memref<128x128xf32, #tpu.memory_space<vmem>>) target(%dma_start3A_480 : memref<10240x128xf32, #tpu.memory_space<vmem_shared>>) offsets(%dma_start3A_477 : memref<128xi32, #tpu.memory_space<vmem>>) semaphore(%run_scoped3A : memref<!tpu.dma_semaphore, #tpu.memory_space<semaphore_mem>>) {add = true}
        %dma_wait3A_481 = arith.constant 0 : i32
        %dma_wait3A_482 = tpu.memref_slice %arg7[%add3A_130, %dma_wait3A_481] : memref<56x128xi32, #tpu.memory_space<vmem>> -> memref<1x128xi32, #tpu.memory_space<vmem>>
        %dma_wait3A_483 = tpu.memref_squeeze %dma_wait3A_482 : memref<1x128xi32, #tpu.memory_space<vmem>> -> memref<128xi32, #tpu.memory_space<vmem>>
        %dma_wait3A_484 = arith.constant 0 : i32
        %dma_wait3A_485 = arith.constant 0 : i32
        %dma_wait3A_486 = tpu.memref_slice %arg10[%dma_wait3A_484, %dma_wait3A_485] : memref<10240x128xf32, #tpu.memory_space<vmem_shared>> -> memref<10240x128xf32, #tpu.memory_space<vmem_shared>>
        tpu.wait_indirect_dma semaphore(%run_scoped3A : memref<!tpu.dma_semaphore, #tpu.memory_space<semaphore_mem>>) src(%arg9 : memref<128x128xf32, #tpu.memory_space<vmem>>) dst(%dma_wait3A_486 : memref<10240x128xf32, #tpu.memory_space<vmem_shared>>)
        tpu.yield
      }) : () -> ()
      %add3A_131 = arith.constant 14 : i32
      %add3A_132 = arith.addi %add3A_131, %arg0 : i32
      %dma_start3A_133 = arith.constant 0 : i32
      %dma_start3A_134 = tpu.memref_slice %arg6[%add3A_132, %dma_start3A_133] : memref<56x128xi32, #tpu.memory_space<vmem>> -> memref<1x128xi32, #tpu.memory_space<vmem>>
      %dma_start3A_135 = tpu.memref_squeeze %dma_start3A_134 : memref<1x128xi32, #tpu.memory_space<vmem>> -> memref<128xi32, #tpu.memory_space<vmem>>
      %dma_start3A_136 = arith.constant 0 : i32
      %dma_start3A_137 = arith.constant 0 : i32
      %dma_start3A_138 = tpu.memref_slice %arg2[%dma_start3A_136, %dma_start3A_137] : memref<20000x128xf32, #tpu.memory_space<hbm>> -> memref<20000x128xf32, #tpu.memory_space<hbm>>
      tpu.enqueue_indirect_dma source(%dma_start3A_138 : memref<20000x128xf32, #tpu.memory_space<hbm>>) target(%arg9 : memref<128x128xf32, #tpu.memory_space<vmem>>) offsets(%dma_start3A_135 : memref<128xi32, #tpu.memory_space<vmem>>) semaphore(%arg12 : memref<!tpu.dma_semaphore, #tpu.memory_space<semaphore_mem>>)
      %dma_wait3A_139 = arith.constant 0 : i32
      %dma_wait3A_140 = tpu.memref_slice %arg6[%add3A_116, %dma_wait3A_139] : memref<56x128xi32, #tpu.memory_space<vmem>> -> memref<1x128xi32, #tpu.memory_space<vmem>>
      %dma_wait3A_141 = tpu.memref_squeeze %dma_wait3A_140 : memref<1x128xi32, #tpu.memory_space<vmem>> -> memref<128xi32, #tpu.memory_space<vmem>>
      %dma_wait3A_142 = arith.constant 0 : i32
      %dma_wait3A_143 = arith.constant 0 : i32
      %dma_wait3A_144 = tpu.memref_slice %arg2[%dma_wait3A_142, %dma_wait3A_143] : memref<20000x128xf32, #tpu.memory_space<hbm>> -> memref<20000x128xf32, #tpu.memory_space<hbm>>
      tpu.wait_indirect_dma semaphore(%arg11 : memref<!tpu.dma_semaphore, #tpu.memory_space<semaphore_mem>>) src(%dma_wait3A_144 : memref<20000x128xf32, #tpu.memory_space<hbm>>) dst(%arg8 : memref<128x128xf32, #tpu.memory_space<vmem>>)
      %add3A_145 = arith.constant 12 : i32
      %add3A_146 = arith.addi %add3A_145, %arg0 : i32
      "tpu.region"() ({
        %run_scoped3A = tpu.sem_alloc : memref<!tpu.dma_semaphore, #tpu.memory_space<semaphore_mem>>
        %dma_start3A_475 = arith.constant 0 : i32
        %dma_start3A_476 = tpu.memref_slice %arg7[%add3A_146, %dma_start3A_475] : memref<56x128xi32, #tpu.memory_space<vmem>> -> memref<1x128xi32, #tpu.memory_space<vmem>>
        %dma_start3A_477 = tpu.memref_squeeze %dma_start3A_476 : memref<1x128xi32, #tpu.memory_space<vmem>> -> memref<128xi32, #tpu.memory_space<vmem>>
        %dma_start3A_478 = arith.constant 0 : i32
        %dma_start3A_479 = arith.constant 0 : i32
        %dma_start3A_480 = tpu.memref_slice %arg10[%dma_start3A_478, %dma_start3A_479] : memref<10240x128xf32, #tpu.memory_space<vmem_shared>> -> memref<10240x128xf32, #tpu.memory_space<vmem_shared>>
        tpu.enqueue_indirect_dma source(%arg8 : memref<128x128xf32, #tpu.memory_space<vmem>>) target(%dma_start3A_480 : memref<10240x128xf32, #tpu.memory_space<vmem_shared>>) offsets(%dma_start3A_477 : memref<128xi32, #tpu.memory_space<vmem>>) semaphore(%run_scoped3A : memref<!tpu.dma_semaphore, #tpu.memory_space<semaphore_mem>>) {add = true}
        %dma_wait3A_481 = arith.constant 0 : i32
        %dma_wait3A_482 = tpu.memref_slice %arg7[%add3A_146, %dma_wait3A_481] : memref<56x128xi32, #tpu.memory_space<vmem>> -> memref<1x128xi32, #tpu.memory_space<vmem>>
        %dma_wait3A_483 = tpu.memref_squeeze %dma_wait3A_482 : memref<1x128xi32, #tpu.memory_space<vmem>> -> memref<128xi32, #tpu.memory_space<vmem>>
        %dma_wait3A_484 = arith.constant 0 : i32
        %dma_wait3A_485 = arith.constant 0 : i32
        %dma_wait3A_486 = tpu.memref_slice %arg10[%dma_wait3A_484, %dma_wait3A_485] : memref<10240x128xf32, #tpu.memory_space<vmem_shared>> -> memref<10240x128xf32, #tpu.memory_space<vmem_shared>>
        tpu.wait_indirect_dma semaphore(%run_scoped3A : memref<!tpu.dma_semaphore, #tpu.memory_space<semaphore_mem>>) src(%arg8 : memref<128x128xf32, #tpu.memory_space<vmem>>) dst(%dma_wait3A_486 : memref<10240x128xf32, #tpu.memory_space<vmem_shared>>)
        tpu.yield
      }) : () -> ()
      %add3A_147 = arith.constant 16 : i32
      %add3A_148 = arith.addi %add3A_147, %arg0 : i32
      %dma_start3A_149 = arith.constant 0 : i32
      %dma_start3A_150 = tpu.memref_slice %arg6[%add3A_148, %dma_start3A_149] : memref<56x128xi32, #tpu.memory_space<vmem>> -> memref<1x128xi32, #tpu.memory_space<vmem>>
      %dma_start3A_151 = tpu.memref_squeeze %dma_start3A_150 : memref<1x128xi32, #tpu.memory_space<vmem>> -> memref<128xi32, #tpu.memory_space<vmem>>
      %dma_start3A_152 = arith.constant 0 : i32
      %dma_start3A_153 = arith.constant 0 : i32
      %dma_start3A_154 = tpu.memref_slice %arg2[%dma_start3A_152, %dma_start3A_153] : memref<20000x128xf32, #tpu.memory_space<hbm>> -> memref<20000x128xf32, #tpu.memory_space<hbm>>
      tpu.enqueue_indirect_dma source(%dma_start3A_154 : memref<20000x128xf32, #tpu.memory_space<hbm>>) target(%arg8 : memref<128x128xf32, #tpu.memory_space<vmem>>) offsets(%dma_start3A_151 : memref<128xi32, #tpu.memory_space<vmem>>) semaphore(%arg11 : memref<!tpu.dma_semaphore, #tpu.memory_space<semaphore_mem>>)
      %dma_wait3A_155 = arith.constant 0 : i32
      %dma_wait3A_156 = tpu.memref_slice %arg6[%add3A_132, %dma_wait3A_155] : memref<56x128xi32, #tpu.memory_space<vmem>> -> memref<1x128xi32, #tpu.memory_space<vmem>>
      %dma_wait3A_157 = tpu.memref_squeeze %dma_wait3A_156 : memref<1x128xi32, #tpu.memory_space<vmem>> -> memref<128xi32, #tpu.memory_space<vmem>>
      %dma_wait3A_158 = arith.constant 0 : i32
      %dma_wait3A_159 = arith.constant 0 : i32
      %dma_wait3A_160 = tpu.memref_slice %arg2[%dma_wait3A_158, %dma_wait3A_159] : memref<20000x128xf32, #tpu.memory_space<hbm>> -> memref<20000x128xf32, #tpu.memory_space<hbm>>
      tpu.wait_indirect_dma semaphore(%arg12 : memref<!tpu.dma_semaphore, #tpu.memory_space<semaphore_mem>>) src(%dma_wait3A_160 : memref<20000x128xf32, #tpu.memory_space<hbm>>) dst(%arg9 : memref<128x128xf32, #tpu.memory_space<vmem>>)
      %add3A_161 = arith.constant 14 : i32
      %add3A_162 = arith.addi %add3A_161, %arg0 : i32
      "tpu.region"() ({
        %run_scoped3A = tpu.sem_alloc : memref<!tpu.dma_semaphore, #tpu.memory_space<semaphore_mem>>
        %dma_start3A_475 = arith.constant 0 : i32
        %dma_start3A_476 = tpu.memref_slice %arg7[%add3A_162, %dma_start3A_475] : memref<56x128xi32, #tpu.memory_space<vmem>> -> memref<1x128xi32, #tpu.memory_space<vmem>>
        %dma_start3A_477 = tpu.memref_squeeze %dma_start3A_476 : memref<1x128xi32, #tpu.memory_space<vmem>> -> memref<128xi32, #tpu.memory_space<vmem>>
        %dma_start3A_478 = arith.constant 0 : i32
        %dma_start3A_479 = arith.constant 0 : i32
        %dma_start3A_480 = tpu.memref_slice %arg10[%dma_start3A_478, %dma_start3A_479] : memref<10240x128xf32, #tpu.memory_space<vmem_shared>> -> memref<10240x128xf32, #tpu.memory_space<vmem_shared>>
        tpu.enqueue_indirect_dma source(%arg9 : memref<128x128xf32, #tpu.memory_space<vmem>>) target(%dma_start3A_480 : memref<10240x128xf32, #tpu.memory_space<vmem_shared>>) offsets(%dma_start3A_477 : memref<128xi32, #tpu.memory_space<vmem>>) semaphore(%run_scoped3A : memref<!tpu.dma_semaphore, #tpu.memory_space<semaphore_mem>>) {add = true}
        %dma_wait3A_481 = arith.constant 0 : i32
        %dma_wait3A_482 = tpu.memref_slice %arg7[%add3A_162, %dma_wait3A_481] : memref<56x128xi32, #tpu.memory_space<vmem>> -> memref<1x128xi32, #tpu.memory_space<vmem>>
        %dma_wait3A_483 = tpu.memref_squeeze %dma_wait3A_482 : memref<1x128xi32, #tpu.memory_space<vmem>> -> memref<128xi32, #tpu.memory_space<vmem>>
        %dma_wait3A_484 = arith.constant 0 : i32
        %dma_wait3A_485 = arith.constant 0 : i32
        %dma_wait3A_486 = tpu.memref_slice %arg10[%dma_wait3A_484, %dma_wait3A_485] : memref<10240x128xf32, #tpu.memory_space<vmem_shared>> -> memref<10240x128xf32, #tpu.memory_space<vmem_shared>>
        tpu.wait_indirect_dma semaphore(%run_scoped3A : memref<!tpu.dma_semaphore, #tpu.memory_space<semaphore_mem>>) src(%arg9 : memref<128x128xf32, #tpu.memory_space<vmem>>) dst(%dma_wait3A_486 : memref<10240x128xf32, #tpu.memory_space<vmem_shared>>)
        tpu.yield
      }) : () -> ()
      %add3A_163 = arith.constant 18 : i32
      %add3A_164 = arith.addi %add3A_163, %arg0 : i32
      %dma_start3A_165 = arith.constant 0 : i32
      %dma_start3A_166 = tpu.memref_slice %arg6[%add3A_164, %dma_start3A_165] : memref<56x128xi32, #tpu.memory_space<vmem>> -> memref<1x128xi32, #tpu.memory_space<vmem>>
      %dma_start3A_167 = tpu.memref_squeeze %dma_start3A_166 : memref<1x128xi32, #tpu.memory_space<vmem>> -> memref<128xi32, #tpu.memory_space<vmem>>
      %dma_start3A_168 = arith.constant 0 : i32
      %dma_start3A_169 = arith.constant 0 : i32
      %dma_start3A_170 = tpu.memref_slice %arg2[%dma_start3A_168, %dma_start3A_169] : memref<20000x128xf32, #tpu.memory_space<hbm>> -> memref<20000x128xf32, #tpu.memory_space<hbm>>
      tpu.enqueue_indirect_dma source(%dma_start3A_170 : memref<20000x128xf32, #tpu.memory_space<hbm>>) target(%arg9 : memref<128x128xf32, #tpu.memory_space<vmem>>) offsets(%dma_start3A_167 : memref<128xi32, #tpu.memory_space<vmem>>) semaphore(%arg12 : memref<!tpu.dma_semaphore, #tpu.memory_space<semaphore_mem>>)
      %dma_wait3A_171 = arith.constant 0 : i32
      %dma_wait3A_172 = tpu.memref_slice %arg6[%add3A_148, %dma_wait3A_171] : memref<56x128xi32, #tpu.memory_space<vmem>> -> memref<1x128xi32, #tpu.memory_space<vmem>>
      %dma_wait3A_173 = tpu.memref_squeeze %dma_wait3A_172 : memref<1x128xi32, #tpu.memory_space<vmem>> -> memref<128xi32, #tpu.memory_space<vmem>>
      %dma_wait3A_174 = arith.constant 0 : i32
      %dma_wait3A_175 = arith.constant 0 : i32
      %dma_wait3A_176 = tpu.memref_slice %arg2[%dma_wait3A_174, %dma_wait3A_175] : memref<20000x128xf32, #tpu.memory_space<hbm>> -> memref<20000x128xf32, #tpu.memory_space<hbm>>
      tpu.wait_indirect_dma semaphore(%arg11 : memref<!tpu.dma_semaphore, #tpu.memory_space<semaphore_mem>>) src(%dma_wait3A_176 : memref<20000x128xf32, #tpu.memory_space<hbm>>) dst(%arg8 : memref<128x128xf32, #tpu.memory_space<vmem>>)
      %add3A_177 = arith.constant 16 : i32
      %add3A_178 = arith.addi %add3A_177, %arg0 : i32
      "tpu.region"() ({
        %run_scoped3A = tpu.sem_alloc : memref<!tpu.dma_semaphore, #tpu.memory_space<semaphore_mem>>
        %dma_start3A_475 = arith.constant 0 : i32
        %dma_start3A_476 = tpu.memref_slice %arg7[%add3A_178, %dma_start3A_475] : memref<56x128xi32, #tpu.memory_space<vmem>> -> memref<1x128xi32, #tpu.memory_space<vmem>>
        %dma_start3A_477 = tpu.memref_squeeze %dma_start3A_476 : memref<1x128xi32, #tpu.memory_space<vmem>> -> memref<128xi32, #tpu.memory_space<vmem>>
        %dma_start3A_478 = arith.constant 0 : i32
        %dma_start3A_479 = arith.constant 0 : i32
        %dma_start3A_480 = tpu.memref_slice %arg10[%dma_start3A_478, %dma_start3A_479] : memref<10240x128xf32, #tpu.memory_space<vmem_shared>> -> memref<10240x128xf32, #tpu.memory_space<vmem_shared>>
        tpu.enqueue_indirect_dma source(%arg8 : memref<128x128xf32, #tpu.memory_space<vmem>>) target(%dma_start3A_480 : memref<10240x128xf32, #tpu.memory_space<vmem_shared>>) offsets(%dma_start3A_477 : memref<128xi32, #tpu.memory_space<vmem>>) semaphore(%run_scoped3A : memref<!tpu.dma_semaphore, #tpu.memory_space<semaphore_mem>>) {add = true}
        %dma_wait3A_481 = arith.constant 0 : i32
        %dma_wait3A_482 = tpu.memref_slice %arg7[%add3A_178, %dma_wait3A_481] : memref<56x128xi32, #tpu.memory_space<vmem>> -> memref<1x128xi32, #tpu.memory_space<vmem>>
        %dma_wait3A_483 = tpu.memref_squeeze %dma_wait3A_482 : memref<1x128xi32, #tpu.memory_space<vmem>> -> memref<128xi32, #tpu.memory_space<vmem>>
        %dma_wait3A_484 = arith.constant 0 : i32
        %dma_wait3A_485 = arith.constant 0 : i32
        %dma_wait3A_486 = tpu.memref_slice %arg10[%dma_wait3A_484, %dma_wait3A_485] : memref<10240x128xf32, #tpu.memory_space<vmem_shared>> -> memref<10240x128xf32, #tpu.memory_space<vmem_shared>>
        tpu.wait_indirect_dma semaphore(%run_scoped3A : memref<!tpu.dma_semaphore, #tpu.memory_space<semaphore_mem>>) src(%arg8 : memref<128x128xf32, #tpu.memory_space<vmem>>) dst(%dma_wait3A_486 : memref<10240x128xf32, #tpu.memory_space<vmem_shared>>)
        tpu.yield
      }) : () -> ()
      %add3A_179 = arith.constant 20 : i32
      %add3A_180 = arith.addi %add3A_179, %arg0 : i32
      %dma_start3A_181 = arith.constant 0 : i32
      %dma_start3A_182 = tpu.memref_slice %arg6[%add3A_180, %dma_start3A_181] : memref<56x128xi32, #tpu.memory_space<vmem>> -> memref<1x128xi32, #tpu.memory_space<vmem>>
      %dma_start3A_183 = tpu.memref_squeeze %dma_start3A_182 : memref<1x128xi32, #tpu.memory_space<vmem>> -> memref<128xi32, #tpu.memory_space<vmem>>
      %dma_start3A_184 = arith.constant 0 : i32
      %dma_start3A_185 = arith.constant 0 : i32
      %dma_start3A_186 = tpu.memref_slice %arg2[%dma_start3A_184, %dma_start3A_185] : memref<20000x128xf32, #tpu.memory_space<hbm>> -> memref<20000x128xf32, #tpu.memory_space<hbm>>
      tpu.enqueue_indirect_dma source(%dma_start3A_186 : memref<20000x128xf32, #tpu.memory_space<hbm>>) target(%arg8 : memref<128x128xf32, #tpu.memory_space<vmem>>) offsets(%dma_start3A_183 : memref<128xi32, #tpu.memory_space<vmem>>) semaphore(%arg11 : memref<!tpu.dma_semaphore, #tpu.memory_space<semaphore_mem>>)
      %dma_wait3A_187 = arith.constant 0 : i32
      %dma_wait3A_188 = tpu.memref_slice %arg6[%add3A_164, %dma_wait3A_187] : memref<56x128xi32, #tpu.memory_space<vmem>> -> memref<1x128xi32, #tpu.memory_space<vmem>>
      %dma_wait3A_189 = tpu.memref_squeeze %dma_wait3A_188 : memref<1x128xi32, #tpu.memory_space<vmem>> -> memref<128xi32, #tpu.memory_space<vmem>>
      %dma_wait3A_190 = arith.constant 0 : i32
      %dma_wait3A_191 = arith.constant 0 : i32
      %dma_wait3A_192 = tpu.memref_slice %arg2[%dma_wait3A_190, %dma_wait3A_191] : memref<20000x128xf32, #tpu.memory_space<hbm>> -> memref<20000x128xf32, #tpu.memory_space<hbm>>
      tpu.wait_indirect_dma semaphore(%arg12 : memref<!tpu.dma_semaphore, #tpu.memory_space<semaphore_mem>>) src(%dma_wait3A_192 : memref<20000x128xf32, #tpu.memory_space<hbm>>) dst(%arg9 : memref<128x128xf32, #tpu.memory_space<vmem>>)
      %add3A_193 = arith.constant 18 : i32
      %add3A_194 = arith.addi %add3A_193, %arg0 : i32
      "tpu.region"() ({
        %run_scoped3A = tpu.sem_alloc : memref<!tpu.dma_semaphore, #tpu.memory_space<semaphore_mem>>
        %dma_start3A_475 = arith.constant 0 : i32
        %dma_start3A_476 = tpu.memref_slice %arg7[%add3A_194, %dma_start3A_475] : memref<56x128xi32, #tpu.memory_space<vmem>> -> memref<1x128xi32, #tpu.memory_space<vmem>>
        %dma_start3A_477 = tpu.memref_squeeze %dma_start3A_476 : memref<1x128xi32, #tpu.memory_space<vmem>> -> memref<128xi32, #tpu.memory_space<vmem>>
        %dma_start3A_478 = arith.constant 0 : i32
        %dma_start3A_479 = arith.constant 0 : i32
        %dma_start3A_480 = tpu.memref_slice %arg10[%dma_start3A_478, %dma_start3A_479] : memref<10240x128xf32, #tpu.memory_space<vmem_shared>> -> memref<10240x128xf32, #tpu.memory_space<vmem_shared>>
        tpu.enqueue_indirect_dma source(%arg9 : memref<128x128xf32, #tpu.memory_space<vmem>>) target(%dma_start3A_480 : memref<10240x128xf32, #tpu.memory_space<vmem_shared>>) offsets(%dma_start3A_477 : memref<128xi32, #tpu.memory_space<vmem>>) semaphore(%run_scoped3A : memref<!tpu.dma_semaphore, #tpu.memory_space<semaphore_mem>>) {add = true}
        %dma_wait3A_481 = arith.constant 0 : i32
        %dma_wait3A_482 = tpu.memref_slice %arg7[%add3A_194, %dma_wait3A_481] : memref<56x128xi32, #tpu.memory_space<vmem>> -> memref<1x128xi32, #tpu.memory_space<vmem>>
        %dma_wait3A_483 = tpu.memref_squeeze %dma_wait3A_482 : memref<1x128xi32, #tpu.memory_space<vmem>> -> memref<128xi32, #tpu.memory_space<vmem>>
        %dma_wait3A_484 = arith.constant 0 : i32
        %dma_wait3A_485 = arith.constant 0 : i32
        %dma_wait3A_486 = tpu.memref_slice %arg10[%dma_wait3A_484, %dma_wait3A_485] : memref<10240x128xf32, #tpu.memory_space<vmem_shared>> -> memref<10240x128xf32, #tpu.memory_space<vmem_shared>>
        tpu.wait_indirect_dma semaphore(%run_scoped3A : memref<!tpu.dma_semaphore, #tpu.memory_space<semaphore_mem>>) src(%arg9 : memref<128x128xf32, #tpu.memory_space<vmem>>) dst(%dma_wait3A_486 : memref<10240x128xf32, #tpu.memory_space<vmem_shared>>)
        tpu.yield
      }) : () -> ()
      %add3A_195 = arith.constant 22 : i32
      %add3A_196 = arith.addi %add3A_195, %arg0 : i32
      %dma_start3A_197 = arith.constant 0 : i32
      %dma_start3A_198 = tpu.memref_slice %arg6[%add3A_196, %dma_start3A_197] : memref<56x128xi32, #tpu.memory_space<vmem>> -> memref<1x128xi32, #tpu.memory_space<vmem>>
      %dma_start3A_199 = tpu.memref_squeeze %dma_start3A_198 : memref<1x128xi32, #tpu.memory_space<vmem>> -> memref<128xi32, #tpu.memory_space<vmem>>
      %dma_start3A_200 = arith.constant 0 : i32
      %dma_start3A_201 = arith.constant 0 : i32
      %dma_start3A_202 = tpu.memref_slice %arg2[%dma_start3A_200, %dma_start3A_201] : memref<20000x128xf32, #tpu.memory_space<hbm>> -> memref<20000x128xf32, #tpu.memory_space<hbm>>
      tpu.enqueue_indirect_dma source(%dma_start3A_202 : memref<20000x128xf32, #tpu.memory_space<hbm>>) target(%arg9 : memref<128x128xf32, #tpu.memory_space<vmem>>) offsets(%dma_start3A_199 : memref<128xi32, #tpu.memory_space<vmem>>) semaphore(%arg12 : memref<!tpu.dma_semaphore, #tpu.memory_space<semaphore_mem>>)
      %dma_wait3A_203 = arith.constant 0 : i32
      %dma_wait3A_204 = tpu.memref_slice %arg6[%add3A_180, %dma_wait3A_203] : memref<56x128xi32, #tpu.memory_space<vmem>> -> memref<1x128xi32, #tpu.memory_space<vmem>>
      %dma_wait3A_205 = tpu.memref_squeeze %dma_wait3A_204 : memref<1x128xi32, #tpu.memory_space<vmem>> -> memref<128xi32, #tpu.memory_space<vmem>>
      %dma_wait3A_206 = arith.constant 0 : i32
      %dma_wait3A_207 = arith.constant 0 : i32
      %dma_wait3A_208 = tpu.memref_slice %arg2[%dma_wait3A_206, %dma_wait3A_207] : memref<20000x128xf32, #tpu.memory_space<hbm>> -> memref<20000x128xf32, #tpu.memory_space<hbm>>
      tpu.wait_indirect_dma semaphore(%arg11 : memref<!tpu.dma_semaphore, #tpu.memory_space<semaphore_mem>>) src(%dma_wait3A_208 : memref<20000x128xf32, #tpu.memory_space<hbm>>) dst(%arg8 : memref<128x128xf32, #tpu.memory_space<vmem>>)
      %add3A_209 = arith.constant 20 : i32
      %add3A_210 = arith.addi %add3A_209, %arg0 : i32
      "tpu.region"() ({
        %run_scoped3A = tpu.sem_alloc : memref<!tpu.dma_semaphore, #tpu.memory_space<semaphore_mem>>
        %dma_start3A_475 = arith.constant 0 : i32
        %dma_start3A_476 = tpu.memref_slice %arg7[%add3A_210, %dma_start3A_475] : memref<56x128xi32, #tpu.memory_space<vmem>> -> memref<1x128xi32, #tpu.memory_space<vmem>>
        %dma_start3A_477 = tpu.memref_squeeze %dma_start3A_476 : memref<1x128xi32, #tpu.memory_space<vmem>> -> memref<128xi32, #tpu.memory_space<vmem>>
        %dma_start3A_478 = arith.constant 0 : i32
        %dma_start3A_479 = arith.constant 0 : i32
        %dma_start3A_480 = tpu.memref_slice %arg10[%dma_start3A_478, %dma_start3A_479] : memref<10240x128xf32, #tpu.memory_space<vmem_shared>> -> memref<10240x128xf32, #tpu.memory_space<vmem_shared>>
        tpu.enqueue_indirect_dma source(%arg8 : memref<128x128xf32, #tpu.memory_space<vmem>>) target(%dma_start3A_480 : memref<10240x128xf32, #tpu.memory_space<vmem_shared>>) offsets(%dma_start3A_477 : memref<128xi32, #tpu.memory_space<vmem>>) semaphore(%run_scoped3A : memref<!tpu.dma_semaphore, #tpu.memory_space<semaphore_mem>>) {add = true}
        %dma_wait3A_481 = arith.constant 0 : i32
        %dma_wait3A_482 = tpu.memref_slice %arg7[%add3A_210, %dma_wait3A_481] : memref<56x128xi32, #tpu.memory_space<vmem>> -> memref<1x128xi32, #tpu.memory_space<vmem>>
        %dma_wait3A_483 = tpu.memref_squeeze %dma_wait3A_482 : memref<1x128xi32, #tpu.memory_space<vmem>> -> memref<128xi32, #tpu.memory_space<vmem>>
        %dma_wait3A_484 = arith.constant 0 : i32
        %dma_wait3A_485 = arith.constant 0 : i32
        %dma_wait3A_486 = tpu.memref_slice %arg10[%dma_wait3A_484, %dma_wait3A_485] : memref<10240x128xf32, #tpu.memory_space<vmem_shared>> -> memref<10240x128xf32, #tpu.memory_space<vmem_shared>>
        tpu.wait_indirect_dma semaphore(%run_scoped3A : memref<!tpu.dma_semaphore, #tpu.memory_space<semaphore_mem>>) src(%arg8 : memref<128x128xf32, #tpu.memory_space<vmem>>) dst(%dma_wait3A_486 : memref<10240x128xf32, #tpu.memory_space<vmem_shared>>)
        tpu.yield
      }) : () -> ()
      %add3A_211 = arith.constant 24 : i32
      %add3A_212 = arith.addi %add3A_211, %arg0 : i32
      %dma_start3A_213 = arith.constant 0 : i32
      %dma_start3A_214 = tpu.memref_slice %arg6[%add3A_212, %dma_start3A_213] : memref<56x128xi32, #tpu.memory_space<vmem>> -> memref<1x128xi32, #tpu.memory_space<vmem>>
      %dma_start3A_215 = tpu.memref_squeeze %dma_start3A_214 : memref<1x128xi32, #tpu.memory_space<vmem>> -> memref<128xi32, #tpu.memory_space<vmem>>
      %dma_start3A_216 = arith.constant 0 : i32
      %dma_start3A_217 = arith.constant 0 : i32
      %dma_start3A_218 = tpu.memref_slice %arg2[%dma_start3A_216, %dma_start3A_217] : memref<20000x128xf32, #tpu.memory_space<hbm>> -> memref<20000x128xf32, #tpu.memory_space<hbm>>
      tpu.enqueue_indirect_dma source(%dma_start3A_218 : memref<20000x128xf32, #tpu.memory_space<hbm>>) target(%arg8 : memref<128x128xf32, #tpu.memory_space<vmem>>) offsets(%dma_start3A_215 : memref<128xi32, #tpu.memory_space<vmem>>) semaphore(%arg11 : memref<!tpu.dma_semaphore, #tpu.memory_space<semaphore_mem>>)
      %dma_wait3A_219 = arith.constant 0 : i32
      %dma_wait3A_220 = tpu.memref_slice %arg6[%add3A_196, %dma_wait3A_219] : memref<56x128xi32, #tpu.memory_space<vmem>> -> memref<1x128xi32, #tpu.memory_space<vmem>>
      %dma_wait3A_221 = tpu.memref_squeeze %dma_wait3A_220 : memref<1x128xi32, #tpu.memory_space<vmem>> -> memref<128xi32, #tpu.memory_space<vmem>>
      %dma_wait3A_222 = arith.constant 0 : i32
      %dma_wait3A_223 = arith.constant 0 : i32
      %dma_wait3A_224 = tpu.memref_slice %arg2[%dma_wait3A_222, %dma_wait3A_223] : memref<20000x128xf32, #tpu.memory_space<hbm>> -> memref<20000x128xf32, #tpu.memory_space<hbm>>
      tpu.wait_indirect_dma semaphore(%arg12 : memref<!tpu.dma_semaphore, #tpu.memory_space<semaphore_mem>>) src(%dma_wait3A_224 : memref<20000x128xf32, #tpu.memory_space<hbm>>) dst(%arg9 : memref<128x128xf32, #tpu.memory_space<vmem>>)
      %add3A_225 = arith.constant 22 : i32
      %add3A_226 = arith.addi %add3A_225, %arg0 : i32
      "tpu.region"() ({
        %run_scoped3A = tpu.sem_alloc : memref<!tpu.dma_semaphore, #tpu.memory_space<semaphore_mem>>
        %dma_start3A_475 = arith.constant 0 : i32
        %dma_start3A_476 = tpu.memref_slice %arg7[%add3A_226, %dma_start3A_475] : memref<56x128xi32, #tpu.memory_space<vmem>> -> memref<1x128xi32, #tpu.memory_space<vmem>>
        %dma_start3A_477 = tpu.memref_squeeze %dma_start3A_476 : memref<1x128xi32, #tpu.memory_space<vmem>> -> memref<128xi32, #tpu.memory_space<vmem>>
        %dma_start3A_478 = arith.constant 0 : i32
        %dma_start3A_479 = arith.constant 0 : i32
        %dma_start3A_480 = tpu.memref_slice %arg10[%dma_start3A_478, %dma_start3A_479] : memref<10240x128xf32, #tpu.memory_space<vmem_shared>> -> memref<10240x128xf32, #tpu.memory_space<vmem_shared>>
        tpu.enqueue_indirect_dma source(%arg9 : memref<128x128xf32, #tpu.memory_space<vmem>>) target(%dma_start3A_480 : memref<10240x128xf32, #tpu.memory_space<vmem_shared>>) offsets(%dma_start3A_477 : memref<128xi32, #tpu.memory_space<vmem>>) semaphore(%run_scoped3A : memref<!tpu.dma_semaphore, #tpu.memory_space<semaphore_mem>>) {add = true}
        %dma_wait3A_481 = arith.constant 0 : i32
        %dma_wait3A_482 = tpu.memref_slice %arg7[%add3A_226, %dma_wait3A_481] : memref<56x128xi32, #tpu.memory_space<vmem>> -> memref<1x128xi32, #tpu.memory_space<vmem>>
        %dma_wait3A_483 = tpu.memref_squeeze %dma_wait3A_482 : memref<1x128xi32, #tpu.memory_space<vmem>> -> memref<128xi32, #tpu.memory_space<vmem>>
        %dma_wait3A_484 = arith.constant 0 : i32
        %dma_wait3A_485 = arith.constant 0 : i32
        %dma_wait3A_486 = tpu.memref_slice %arg10[%dma_wait3A_484, %dma_wait3A_485] : memref<10240x128xf32, #tpu.memory_space<vmem_shared>> -> memref<10240x128xf32, #tpu.memory_space<vmem_shared>>
        tpu.wait_indirect_dma semaphore(%run_scoped3A : memref<!tpu.dma_semaphore, #tpu.memory_space<semaphore_mem>>) src(%arg9 : memref<128x128xf32, #tpu.memory_space<vmem>>) dst(%dma_wait3A_486 : memref<10240x128xf32, #tpu.memory_space<vmem_shared>>)
        tpu.yield
      }) : () -> ()
      %add3A_227 = arith.constant 26 : i32
      %add3A_228 = arith.addi %add3A_227, %arg0 : i32
      %dma_start3A_229 = arith.constant 0 : i32
      %dma_start3A_230 = tpu.memref_slice %arg6[%add3A_228, %dma_start3A_229] : memref<56x128xi32, #tpu.memory_space<vmem>> -> memref<1x128xi32, #tpu.memory_space<vmem>>
      %dma_start3A_231 = tpu.memref_squeeze %dma_start3A_230 : memref<1x128xi32, #tpu.memory_space<vmem>> -> memref<128xi32, #tpu.memory_space<vmem>>
      %dma_start3A_232 = arith.constant 0 : i32
      %dma_start3A_233 = arith.constant 0 : i32
      %dma_start3A_234 = tpu.memref_slice %arg2[%dma_start3A_232, %dma_start3A_233] : memref<20000x128xf32, #tpu.memory_space<hbm>> -> memref<20000x128xf32, #tpu.memory_space<hbm>>
      tpu.enqueue_indirect_dma source(%dma_start3A_234 : memref<20000x128xf32, #tpu.memory_space<hbm>>) target(%arg9 : memref<128x128xf32, #tpu.memory_space<vmem>>) offsets(%dma_start3A_231 : memref<128xi32, #tpu.memory_space<vmem>>) semaphore(%arg12 : memref<!tpu.dma_semaphore, #tpu.memory_space<semaphore_mem>>)
      %dma_wait3A_235 = arith.constant 0 : i32
      %dma_wait3A_236 = tpu.memref_slice %arg6[%add3A_212, %dma_wait3A_235] : memref<56x128xi32, #tpu.memory_space<vmem>> -> memref<1x128xi32, #tpu.memory_space<vmem>>
      %dma_wait3A_237 = tpu.memref_squeeze %dma_wait3A_236 : memref<1x128xi32, #tpu.memory_space<vmem>> -> memref<128xi32, #tpu.memory_space<vmem>>
      %dma_wait3A_238 = arith.constant 0 : i32
      %dma_wait3A_239 = arith.constant 0 : i32
      %dma_wait3A_240 = tpu.memref_slice %arg2[%dma_wait3A_238, %dma_wait3A_239] : memref<20000x128xf32, #tpu.memory_space<hbm>> -> memref<20000x128xf32, #tpu.memory_space<hbm>>
      tpu.wait_indirect_dma semaphore(%arg11 : memref<!tpu.dma_semaphore, #tpu.memory_space<semaphore_mem>>) src(%dma_wait3A_240 : memref<20000x128xf32, #tpu.memory_space<hbm>>) dst(%arg8 : memref<128x128xf32, #tpu.memory_space<vmem>>)
      %add3A_241 = arith.constant 24 : i32
      %add3A_242 = arith.addi %add3A_241, %arg0 : i32
      "tpu.region"() ({
        %run_scoped3A = tpu.sem_alloc : memref<!tpu.dma_semaphore, #tpu.memory_space<semaphore_mem>>
        %dma_start3A_475 = arith.constant 0 : i32
        %dma_start3A_476 = tpu.memref_slice %arg7[%add3A_242, %dma_start3A_475] : memref<56x128xi32, #tpu.memory_space<vmem>> -> memref<1x128xi32, #tpu.memory_space<vmem>>
        %dma_start3A_477 = tpu.memref_squeeze %dma_start3A_476 : memref<1x128xi32, #tpu.memory_space<vmem>> -> memref<128xi32, #tpu.memory_space<vmem>>
        %dma_start3A_478 = arith.constant 0 : i32
        %dma_start3A_479 = arith.constant 0 : i32
        %dma_start3A_480 = tpu.memref_slice %arg10[%dma_start3A_478, %dma_start3A_479] : memref<10240x128xf32, #tpu.memory_space<vmem_shared>> -> memref<10240x128xf32, #tpu.memory_space<vmem_shared>>
        tpu.enqueue_indirect_dma source(%arg8 : memref<128x128xf32, #tpu.memory_space<vmem>>) target(%dma_start3A_480 : memref<10240x128xf32, #tpu.memory_space<vmem_shared>>) offsets(%dma_start3A_477 : memref<128xi32, #tpu.memory_space<vmem>>) semaphore(%run_scoped3A : memref<!tpu.dma_semaphore, #tpu.memory_space<semaphore_mem>>) {add = true}
        %dma_wait3A_481 = arith.constant 0 : i32
        %dma_wait3A_482 = tpu.memref_slice %arg7[%add3A_242, %dma_wait3A_481] : memref<56x128xi32, #tpu.memory_space<vmem>> -> memref<1x128xi32, #tpu.memory_space<vmem>>
        %dma_wait3A_483 = tpu.memref_squeeze %dma_wait3A_482 : memref<1x128xi32, #tpu.memory_space<vmem>> -> memref<128xi32, #tpu.memory_space<vmem>>
        %dma_wait3A_484 = arith.constant 0 : i32
        %dma_wait3A_485 = arith.constant 0 : i32
        %dma_wait3A_486 = tpu.memref_slice %arg10[%dma_wait3A_484, %dma_wait3A_485] : memref<10240x128xf32, #tpu.memory_space<vmem_shared>> -> memref<10240x128xf32, #tpu.memory_space<vmem_shared>>
        tpu.wait_indirect_dma semaphore(%run_scoped3A : memref<!tpu.dma_semaphore, #tpu.memory_space<semaphore_mem>>) src(%arg8 : memref<128x128xf32, #tpu.memory_space<vmem>>) dst(%dma_wait3A_486 : memref<10240x128xf32, #tpu.memory_space<vmem_shared>>)
        tpu.yield
      }) : () -> ()
      %add3A_243 = arith.constant 28 : i32
      %add3A_244 = arith.addi %add3A_243, %arg0 : i32
      %dma_start3A_245 = arith.constant 0 : i32
      %dma_start3A_246 = tpu.memref_slice %arg6[%add3A_244, %dma_start3A_245] : memref<56x128xi32, #tpu.memory_space<vmem>> -> memref<1x128xi32, #tpu.memory_space<vmem>>
      %dma_start3A_247 = tpu.memref_squeeze %dma_start3A_246 : memref<1x128xi32, #tpu.memory_space<vmem>> -> memref<128xi32, #tpu.memory_space<vmem>>
      %dma_start3A_248 = arith.constant 0 : i32
      %dma_start3A_249 = arith.constant 0 : i32
      %dma_start3A_250 = tpu.memref_slice %arg2[%dma_start3A_248, %dma_start3A_249] : memref<20000x128xf32, #tpu.memory_space<hbm>> -> memref<20000x128xf32, #tpu.memory_space<hbm>>
      tpu.enqueue_indirect_dma source(%dma_start3A_250 : memref<20000x128xf32, #tpu.memory_space<hbm>>) target(%arg8 : memref<128x128xf32, #tpu.memory_space<vmem>>) offsets(%dma_start3A_247 : memref<128xi32, #tpu.memory_space<vmem>>) semaphore(%arg11 : memref<!tpu.dma_semaphore, #tpu.memory_space<semaphore_mem>>)
      %dma_wait3A_251 = arith.constant 0 : i32
      %dma_wait3A_252 = tpu.memref_slice %arg6[%add3A_228, %dma_wait3A_251] : memref<56x128xi32, #tpu.memory_space<vmem>> -> memref<1x128xi32, #tpu.memory_space<vmem>>
      %dma_wait3A_253 = tpu.memref_squeeze %dma_wait3A_252 : memref<1x128xi32, #tpu.memory_space<vmem>> -> memref<128xi32, #tpu.memory_space<vmem>>
      %dma_wait3A_254 = arith.constant 0 : i32
      %dma_wait3A_255 = arith.constant 0 : i32
      %dma_wait3A_256 = tpu.memref_slice %arg2[%dma_wait3A_254, %dma_wait3A_255] : memref<20000x128xf32, #tpu.memory_space<hbm>> -> memref<20000x128xf32, #tpu.memory_space<hbm>>
      tpu.wait_indirect_dma semaphore(%arg12 : memref<!tpu.dma_semaphore, #tpu.memory_space<semaphore_mem>>) src(%dma_wait3A_256 : memref<20000x128xf32, #tpu.memory_space<hbm>>) dst(%arg9 : memref<128x128xf32, #tpu.memory_space<vmem>>)
      %add3A_257 = arith.constant 26 : i32
      %add3A_258 = arith.addi %add3A_257, %arg0 : i32
      "tpu.region"() ({
        %run_scoped3A = tpu.sem_alloc : memref<!tpu.dma_semaphore, #tpu.memory_space<semaphore_mem>>
        %dma_start3A_475 = arith.constant 0 : i32
        %dma_start3A_476 = tpu.memref_slice %arg7[%add3A_258, %dma_start3A_475] : memref<56x128xi32, #tpu.memory_space<vmem>> -> memref<1x128xi32, #tpu.memory_space<vmem>>
        %dma_start3A_477 = tpu.memref_squeeze %dma_start3A_476 : memref<1x128xi32, #tpu.memory_space<vmem>> -> memref<128xi32, #tpu.memory_space<vmem>>
        %dma_start3A_478 = arith.constant 0 : i32
        %dma_start3A_479 = arith.constant 0 : i32
        %dma_start3A_480 = tpu.memref_slice %arg10[%dma_start3A_478, %dma_start3A_479] : memref<10240x128xf32, #tpu.memory_space<vmem_shared>> -> memref<10240x128xf32, #tpu.memory_space<vmem_shared>>
        tpu.enqueue_indirect_dma source(%arg9 : memref<128x128xf32, #tpu.memory_space<vmem>>) target(%dma_start3A_480 : memref<10240x128xf32, #tpu.memory_space<vmem_shared>>) offsets(%dma_start3A_477 : memref<128xi32, #tpu.memory_space<vmem>>) semaphore(%run_scoped3A : memref<!tpu.dma_semaphore, #tpu.memory_space<semaphore_mem>>) {add = true}
        %dma_wait3A_481 = arith.constant 0 : i32
        %dma_wait3A_482 = tpu.memref_slice %arg7[%add3A_258, %dma_wait3A_481] : memref<56x128xi32, #tpu.memory_space<vmem>> -> memref<1x128xi32, #tpu.memory_space<vmem>>
        %dma_wait3A_483 = tpu.memref_squeeze %dma_wait3A_482 : memref<1x128xi32, #tpu.memory_space<vmem>> -> memref<128xi32, #tpu.memory_space<vmem>>
        %dma_wait3A_484 = arith.constant 0 : i32
        %dma_wait3A_485 = arith.constant 0 : i32
        %dma_wait3A_486 = tpu.memref_slice %arg10[%dma_wait3A_484, %dma_wait3A_485] : memref<10240x128xf32, #tpu.memory_space<vmem_shared>> -> memref<10240x128xf32, #tpu.memory_space<vmem_shared>>
        tpu.wait_indirect_dma semaphore(%run_scoped3A : memref<!tpu.dma_semaphore, #tpu.memory_space<semaphore_mem>>) src(%arg9 : memref<128x128xf32, #tpu.memory_space<vmem>>) dst(%dma_wait3A_486 : memref<10240x128xf32, #tpu.memory_space<vmem_shared>>)
        tpu.yield
      }) : () -> ()
      %add3A_259 = arith.constant 30 : i32
      %add3A_260 = arith.addi %add3A_259, %arg0 : i32
      %dma_start3A_261 = arith.constant 0 : i32
      %dma_start3A_262 = tpu.memref_slice %arg6[%add3A_260, %dma_start3A_261] : memref<56x128xi32, #tpu.memory_space<vmem>> -> memref<1x128xi32, #tpu.memory_space<vmem>>
      %dma_start3A_263 = tpu.memref_squeeze %dma_start3A_262 : memref<1x128xi32, #tpu.memory_space<vmem>> -> memref<128xi32, #tpu.memory_space<vmem>>
      %dma_start3A_264 = arith.constant 0 : i32
      %dma_start3A_265 = arith.constant 0 : i32
      %dma_start3A_266 = tpu.memref_slice %arg2[%dma_start3A_264, %dma_start3A_265] : memref<20000x128xf32, #tpu.memory_space<hbm>> -> memref<20000x128xf32, #tpu.memory_space<hbm>>
      tpu.enqueue_indirect_dma source(%dma_start3A_266 : memref<20000x128xf32, #tpu.memory_space<hbm>>) target(%arg9 : memref<128x128xf32, #tpu.memory_space<vmem>>) offsets(%dma_start3A_263 : memref<128xi32, #tpu.memory_space<vmem>>) semaphore(%arg12 : memref<!tpu.dma_semaphore, #tpu.memory_space<semaphore_mem>>)
      %dma_wait3A_267 = arith.constant 0 : i32
      %dma_wait3A_268 = tpu.memref_slice %arg6[%add3A_244, %dma_wait3A_267] : memref<56x128xi32, #tpu.memory_space<vmem>> -> memref<1x128xi32, #tpu.memory_space<vmem>>
      %dma_wait3A_269 = tpu.memref_squeeze %dma_wait3A_268 : memref<1x128xi32, #tpu.memory_space<vmem>> -> memref<128xi32, #tpu.memory_space<vmem>>
      %dma_wait3A_270 = arith.constant 0 : i32
      %dma_wait3A_271 = arith.constant 0 : i32
      %dma_wait3A_272 = tpu.memref_slice %arg2[%dma_wait3A_270, %dma_wait3A_271] : memref<20000x128xf32, #tpu.memory_space<hbm>> -> memref<20000x128xf32, #tpu.memory_space<hbm>>
      tpu.wait_indirect_dma semaphore(%arg11 : memref<!tpu.dma_semaphore, #tpu.memory_space<semaphore_mem>>) src(%dma_wait3A_272 : memref<20000x128xf32, #tpu.memory_space<hbm>>) dst(%arg8 : memref<128x128xf32, #tpu.memory_space<vmem>>)
      %add3A_273 = arith.constant 28 : i32
      %add3A_274 = arith.addi %add3A_273, %arg0 : i32
      "tpu.region"() ({
        %run_scoped3A = tpu.sem_alloc : memref<!tpu.dma_semaphore, #tpu.memory_space<semaphore_mem>>
        %dma_start3A_475 = arith.constant 0 : i32
        %dma_start3A_476 = tpu.memref_slice %arg7[%add3A_274, %dma_start3A_475] : memref<56x128xi32, #tpu.memory_space<vmem>> -> memref<1x128xi32, #tpu.memory_space<vmem>>
        %dma_start3A_477 = tpu.memref_squeeze %dma_start3A_476 : memref<1x128xi32, #tpu.memory_space<vmem>> -> memref<128xi32, #tpu.memory_space<vmem>>
        %dma_start3A_478 = arith.constant 0 : i32
        %dma_start3A_479 = arith.constant 0 : i32
        %dma_start3A_480 = tpu.memref_slice %arg10[%dma_start3A_478, %dma_start3A_479] : memref<10240x128xf32, #tpu.memory_space<vmem_shared>> -> memref<10240x128xf32, #tpu.memory_space<vmem_shared>>
        tpu.enqueue_indirect_dma source(%arg8 : memref<128x128xf32, #tpu.memory_space<vmem>>) target(%dma_start3A_480 : memref<10240x128xf32, #tpu.memory_space<vmem_shared>>) offsets(%dma_start3A_477 : memref<128xi32, #tpu.memory_space<vmem>>) semaphore(%run_scoped3A : memref<!tpu.dma_semaphore, #tpu.memory_space<semaphore_mem>>) {add = true}
        %dma_wait3A_481 = arith.constant 0 : i32
        %dma_wait3A_482 = tpu.memref_slice %arg7[%add3A_274, %dma_wait3A_481] : memref<56x128xi32, #tpu.memory_space<vmem>> -> memref<1x128xi32, #tpu.memory_space<vmem>>
        %dma_wait3A_483 = tpu.memref_squeeze %dma_wait3A_482 : memref<1x128xi32, #tpu.memory_space<vmem>> -> memref<128xi32, #tpu.memory_space<vmem>>
        %dma_wait3A_484 = arith.constant 0 : i32
        %dma_wait3A_485 = arith.constant 0 : i32
        %dma_wait3A_486 = tpu.memref_slice %arg10[%dma_wait3A_484, %dma_wait3A_485] : memref<10240x128xf32, #tpu.memory_space<vmem_shared>> -> memref<10240x128xf32, #tpu.memory_space<vmem_shared>>
        tpu.wait_indirect_dma semaphore(%run_scoped3A : memref<!tpu.dma_semaphore, #tpu.memory_space<semaphore_mem>>) src(%arg8 : memref<128x128xf32, #tpu.memory_space<vmem>>) dst(%dma_wait3A_486 : memref<10240x128xf32, #tpu.memory_space<vmem_shared>>)
        tpu.yield
      }) : () -> ()
      %add3A_275 = arith.constant 32 : i32
      %add3A_276 = arith.addi %add3A_275, %arg0 : i32
      %dma_start3A_277 = arith.constant 0 : i32
      %dma_start3A_278 = tpu.memref_slice %arg6[%add3A_276, %dma_start3A_277] : memref<56x128xi32, #tpu.memory_space<vmem>> -> memref<1x128xi32, #tpu.memory_space<vmem>>
      %dma_start3A_279 = tpu.memref_squeeze %dma_start3A_278 : memref<1x128xi32, #tpu.memory_space<vmem>> -> memref<128xi32, #tpu.memory_space<vmem>>
      %dma_start3A_280 = arith.constant 0 : i32
      %dma_start3A_281 = arith.constant 0 : i32
      %dma_start3A_282 = tpu.memref_slice %arg2[%dma_start3A_280, %dma_start3A_281] : memref<20000x128xf32, #tpu.memory_space<hbm>> -> memref<20000x128xf32, #tpu.memory_space<hbm>>
      tpu.enqueue_indirect_dma source(%dma_start3A_282 : memref<20000x128xf32, #tpu.memory_space<hbm>>) target(%arg8 : memref<128x128xf32, #tpu.memory_space<vmem>>) offsets(%dma_start3A_279 : memref<128xi32, #tpu.memory_space<vmem>>) semaphore(%arg11 : memref<!tpu.dma_semaphore, #tpu.memory_space<semaphore_mem>>)
      %dma_wait3A_283 = arith.constant 0 : i32
      %dma_wait3A_284 = tpu.memref_slice %arg6[%add3A_260, %dma_wait3A_283] : memref<56x128xi32, #tpu.memory_space<vmem>> -> memref<1x128xi32, #tpu.memory_space<vmem>>
      %dma_wait3A_285 = tpu.memref_squeeze %dma_wait3A_284 : memref<1x128xi32, #tpu.memory_space<vmem>> -> memref<128xi32, #tpu.memory_space<vmem>>
      %dma_wait3A_286 = arith.constant 0 : i32
      %dma_wait3A_287 = arith.constant 0 : i32
      %dma_wait3A_288 = tpu.memref_slice %arg2[%dma_wait3A_286, %dma_wait3A_287] : memref<20000x128xf32, #tpu.memory_space<hbm>> -> memref<20000x128xf32, #tpu.memory_space<hbm>>
      tpu.wait_indirect_dma semaphore(%arg12 : memref<!tpu.dma_semaphore, #tpu.memory_space<semaphore_mem>>) src(%dma_wait3A_288 : memref<20000x128xf32, #tpu.memory_space<hbm>>) dst(%arg9 : memref<128x128xf32, #tpu.memory_space<vmem>>)
      %add3A_289 = arith.constant 30 : i32
      %add3A_290 = arith.addi %add3A_289, %arg0 : i32
      "tpu.region"() ({
        %run_scoped3A = tpu.sem_alloc : memref<!tpu.dma_semaphore, #tpu.memory_space<semaphore_mem>>
        %dma_start3A_475 = arith.constant 0 : i32
        %dma_start3A_476 = tpu.memref_slice %arg7[%add3A_290, %dma_start3A_475] : memref<56x128xi32, #tpu.memory_space<vmem>> -> memref<1x128xi32, #tpu.memory_space<vmem>>
        %dma_start3A_477 = tpu.memref_squeeze %dma_start3A_476 : memref<1x128xi32, #tpu.memory_space<vmem>> -> memref<128xi32, #tpu.memory_space<vmem>>
        %dma_start3A_478 = arith.constant 0 : i32
        %dma_start3A_479 = arith.constant 0 : i32
        %dma_start3A_480 = tpu.memref_slice %arg10[%dma_start3A_478, %dma_start3A_479] : memref<10240x128xf32, #tpu.memory_space<vmem_shared>> -> memref<10240x128xf32, #tpu.memory_space<vmem_shared>>
        tpu.enqueue_indirect_dma source(%arg9 : memref<128x128xf32, #tpu.memory_space<vmem>>) target(%dma_start3A_480 : memref<10240x128xf32, #tpu.memory_space<vmem_shared>>) offsets(%dma_start3A_477 : memref<128xi32, #tpu.memory_space<vmem>>) semaphore(%run_scoped3A : memref<!tpu.dma_semaphore, #tpu.memory_space<semaphore_mem>>) {add = true}
        %dma_wait3A_481 = arith.constant 0 : i32
        %dma_wait3A_482 = tpu.memref_slice %arg7[%add3A_290, %dma_wait3A_481] : memref<56x128xi32, #tpu.memory_space<vmem>> -> memref<1x128xi32, #tpu.memory_space<vmem>>
        %dma_wait3A_483 = tpu.memref_squeeze %dma_wait3A_482 : memref<1x128xi32, #tpu.memory_space<vmem>> -> memref<128xi32, #tpu.memory_space<vmem>>
        %dma_wait3A_484 = arith.constant 0 : i32
        %dma_wait3A_485 = arith.constant 0 : i32
        %dma_wait3A_486 = tpu.memref_slice %arg10[%dma_wait3A_484, %dma_wait3A_485] : memref<10240x128xf32, #tpu.memory_space<vmem_shared>> -> memref<10240x128xf32, #tpu.memory_space<vmem_shared>>
        tpu.wait_indirect_dma semaphore(%run_scoped3A : memref<!tpu.dma_semaphore, #tpu.memory_space<semaphore_mem>>) src(%arg9 : memref<128x128xf32, #tpu.memory_space<vmem>>) dst(%dma_wait3A_486 : memref<10240x128xf32, #tpu.memory_space<vmem_shared>>)
        tpu.yield
      }) : () -> ()
      %add3A_291 = arith.constant 34 : i32
      %add3A_292 = arith.addi %add3A_291, %arg0 : i32
      %dma_start3A_293 = arith.constant 0 : i32
      %dma_start3A_294 = tpu.memref_slice %arg6[%add3A_292, %dma_start3A_293] : memref<56x128xi32, #tpu.memory_space<vmem>> -> memref<1x128xi32, #tpu.memory_space<vmem>>
      %dma_start3A_295 = tpu.memref_squeeze %dma_start3A_294 : memref<1x128xi32, #tpu.memory_space<vmem>> -> memref<128xi32, #tpu.memory_space<vmem>>
      %dma_start3A_296 = arith.constant 0 : i32
      %dma_start3A_297 = arith.constant 0 : i32
      %dma_start3A_298 = tpu.memref_slice %arg2[%dma_start3A_296, %dma_start3A_297] : memref<20000x128xf32, #tpu.memory_space<hbm>> -> memref<20000x128xf32, #tpu.memory_space<hbm>>
      tpu.enqueue_indirect_dma source(%dma_start3A_298 : memref<20000x128xf32, #tpu.memory_space<hbm>>) target(%arg9 : memref<128x128xf32, #tpu.memory_space<vmem>>) offsets(%dma_start3A_295 : memref<128xi32, #tpu.memory_space<vmem>>) semaphore(%arg12 : memref<!tpu.dma_semaphore, #tpu.memory_space<semaphore_mem>>)
      %dma_wait3A_299 = arith.constant 0 : i32
      %dma_wait3A_300 = tpu.memref_slice %arg6[%add3A_276, %dma_wait3A_299] : memref<56x128xi32, #tpu.memory_space<vmem>> -> memref<1x128xi32, #tpu.memory_space<vmem>>
      %dma_wait3A_301 = tpu.memref_squeeze %dma_wait3A_300 : memref<1x128xi32, #tpu.memory_space<vmem>> -> memref<128xi32, #tpu.memory_space<vmem>>
      %dma_wait3A_302 = arith.constant 0 : i32
      %dma_wait3A_303 = arith.constant 0 : i32
      %dma_wait3A_304 = tpu.memref_slice %arg2[%dma_wait3A_302, %dma_wait3A_303] : memref<20000x128xf32, #tpu.memory_space<hbm>> -> memref<20000x128xf32, #tpu.memory_space<hbm>>
      tpu.wait_indirect_dma semaphore(%arg11 : memref<!tpu.dma_semaphore, #tpu.memory_space<semaphore_mem>>) src(%dma_wait3A_304 : memref<20000x128xf32, #tpu.memory_space<hbm>>) dst(%arg8 : memref<128x128xf32, #tpu.memory_space<vmem>>)
      %add3A_305 = arith.constant 32 : i32
      %add3A_306 = arith.addi %add3A_305, %arg0 : i32
      "tpu.region"() ({
        %run_scoped3A = tpu.sem_alloc : memref<!tpu.dma_semaphore, #tpu.memory_space<semaphore_mem>>
        %dma_start3A_475 = arith.constant 0 : i32
        %dma_start3A_476 = tpu.memref_slice %arg7[%add3A_306, %dma_start3A_475] : memref<56x128xi32, #tpu.memory_space<vmem>> -> memref<1x128xi32, #tpu.memory_space<vmem>>
        %dma_start3A_477 = tpu.memref_squeeze %dma_start3A_476 : memref<1x128xi32, #tpu.memory_space<vmem>> -> memref<128xi32, #tpu.memory_space<vmem>>
        %dma_start3A_478 = arith.constant 0 : i32
        %dma_start3A_479 = arith.constant 0 : i32
        %dma_start3A_480 = tpu.memref_slice %arg10[%dma_start3A_478, %dma_start3A_479] : memref<10240x128xf32, #tpu.memory_space<vmem_shared>> -> memref<10240x128xf32, #tpu.memory_space<vmem_shared>>
        tpu.enqueue_indirect_dma source(%arg8 : memref<128x128xf32, #tpu.memory_space<vmem>>) target(%dma_start3A_480 : memref<10240x128xf32, #tpu.memory_space<vmem_shared>>) offsets(%dma_start3A_477 : memref<128xi32, #tpu.memory_space<vmem>>) semaphore(%run_scoped3A : memref<!tpu.dma_semaphore, #tpu.memory_space<semaphore_mem>>) {add = true}
        %dma_wait3A_481 = arith.constant 0 : i32
        %dma_wait3A_482 = tpu.memref_slice %arg7[%add3A_306, %dma_wait3A_481] : memref<56x128xi32, #tpu.memory_space<vmem>> -> memref<1x128xi32, #tpu.memory_space<vmem>>
        %dma_wait3A_483 = tpu.memref_squeeze %dma_wait3A_482 : memref<1x128xi32, #tpu.memory_space<vmem>> -> memref<128xi32, #tpu.memory_space<vmem>>
        %dma_wait3A_484 = arith.constant 0 : i32
        %dma_wait3A_485 = arith.constant 0 : i32
        %dma_wait3A_486 = tpu.memref_slice %arg10[%dma_wait3A_484, %dma_wait3A_485] : memref<10240x128xf32, #tpu.memory_space<vmem_shared>> -> memref<10240x128xf32, #tpu.memory_space<vmem_shared>>
        tpu.wait_indirect_dma semaphore(%run_scoped3A : memref<!tpu.dma_semaphore, #tpu.memory_space<semaphore_mem>>) src(%arg8 : memref<128x128xf32, #tpu.memory_space<vmem>>) dst(%dma_wait3A_486 : memref<10240x128xf32, #tpu.memory_space<vmem_shared>>)
        tpu.yield
      }) : () -> ()
      %add3A_307 = arith.constant 36 : i32
      %add3A_308 = arith.addi %add3A_307, %arg0 : i32
      %dma_start3A_309 = arith.constant 0 : i32
      %dma_start3A_310 = tpu.memref_slice %arg6[%add3A_308, %dma_start3A_309] : memref<56x128xi32, #tpu.memory_space<vmem>> -> memref<1x128xi32, #tpu.memory_space<vmem>>
      %dma_start3A_311 = tpu.memref_squeeze %dma_start3A_310 : memref<1x128xi32, #tpu.memory_space<vmem>> -> memref<128xi32, #tpu.memory_space<vmem>>
      %dma_start3A_312 = arith.constant 0 : i32
      %dma_start3A_313 = arith.constant 0 : i32
      %dma_start3A_314 = tpu.memref_slice %arg2[%dma_start3A_312, %dma_start3A_313] : memref<20000x128xf32, #tpu.memory_space<hbm>> -> memref<20000x128xf32, #tpu.memory_space<hbm>>
      tpu.enqueue_indirect_dma source(%dma_start3A_314 : memref<20000x128xf32, #tpu.memory_space<hbm>>) target(%arg8 : memref<128x128xf32, #tpu.memory_space<vmem>>) offsets(%dma_start3A_311 : memref<128xi32, #tpu.memory_space<vmem>>) semaphore(%arg11 : memref<!tpu.dma_semaphore, #tpu.memory_space<semaphore_mem>>)
      %dma_wait3A_315 = arith.constant 0 : i32
      %dma_wait3A_316 = tpu.memref_slice %arg6[%add3A_292, %dma_wait3A_315] : memref<56x128xi32, #tpu.memory_space<vmem>> -> memref<1x128xi32, #tpu.memory_space<vmem>>
      %dma_wait3A_317 = tpu.memref_squeeze %dma_wait3A_316 : memref<1x128xi32, #tpu.memory_space<vmem>> -> memref<128xi32, #tpu.memory_space<vmem>>
      %dma_wait3A_318 = arith.constant 0 : i32
      %dma_wait3A_319 = arith.constant 0 : i32
      %dma_wait3A_320 = tpu.memref_slice %arg2[%dma_wait3A_318, %dma_wait3A_319] : memref<20000x128xf32, #tpu.memory_space<hbm>> -> memref<20000x128xf32, #tpu.memory_space<hbm>>
      tpu.wait_indirect_dma semaphore(%arg12 : memref<!tpu.dma_semaphore, #tpu.memory_space<semaphore_mem>>) src(%dma_wait3A_320 : memref<20000x128xf32, #tpu.memory_space<hbm>>) dst(%arg9 : memref<128x128xf32, #tpu.memory_space<vmem>>)
      %add3A_321 = arith.constant 34 : i32
      %add3A_322 = arith.addi %add3A_321, %arg0 : i32
      "tpu.region"() ({
        %run_scoped3A = tpu.sem_alloc : memref<!tpu.dma_semaphore, #tpu.memory_space<semaphore_mem>>
        %dma_start3A_475 = arith.constant 0 : i32
        %dma_start3A_476 = tpu.memref_slice %arg7[%add3A_322, %dma_start3A_475] : memref<56x128xi32, #tpu.memory_space<vmem>> -> memref<1x128xi32, #tpu.memory_space<vmem>>
        %dma_start3A_477 = tpu.memref_squeeze %dma_start3A_476 : memref<1x128xi32, #tpu.memory_space<vmem>> -> memref<128xi32, #tpu.memory_space<vmem>>
        %dma_start3A_478 = arith.constant 0 : i32
        %dma_start3A_479 = arith.constant 0 : i32
        %dma_start3A_480 = tpu.memref_slice %arg10[%dma_start3A_478, %dma_start3A_479] : memref<10240x128xf32, #tpu.memory_space<vmem_shared>> -> memref<10240x128xf32, #tpu.memory_space<vmem_shared>>
        tpu.enqueue_indirect_dma source(%arg9 : memref<128x128xf32, #tpu.memory_space<vmem>>) target(%dma_start3A_480 : memref<10240x128xf32, #tpu.memory_space<vmem_shared>>) offsets(%dma_start3A_477 : memref<128xi32, #tpu.memory_space<vmem>>) semaphore(%run_scoped3A : memref<!tpu.dma_semaphore, #tpu.memory_space<semaphore_mem>>) {add = true}
        %dma_wait3A_481 = arith.constant 0 : i32
        %dma_wait3A_482 = tpu.memref_slice %arg7[%add3A_322, %dma_wait3A_481] : memref<56x128xi32, #tpu.memory_space<vmem>> -> memref<1x128xi32, #tpu.memory_space<vmem>>
        %dma_wait3A_483 = tpu.memref_squeeze %dma_wait3A_482 : memref<1x128xi32, #tpu.memory_space<vmem>> -> memref<128xi32, #tpu.memory_space<vmem>>
        %dma_wait3A_484 = arith.constant 0 : i32
        %dma_wait3A_485 = arith.constant 0 : i32
        %dma_wait3A_486 = tpu.memref_slice %arg10[%dma_wait3A_484, %dma_wait3A_485] : memref<10240x128xf32, #tpu.memory_space<vmem_shared>> -> memref<10240x128xf32, #tpu.memory_space<vmem_shared>>
        tpu.wait_indirect_dma semaphore(%run_scoped3A : memref<!tpu.dma_semaphore, #tpu.memory_space<semaphore_mem>>) src(%arg9 : memref<128x128xf32, #tpu.memory_space<vmem>>) dst(%dma_wait3A_486 : memref<10240x128xf32, #tpu.memory_space<vmem_shared>>)
        tpu.yield
      }) : () -> ()
      %add3A_323 = arith.constant 38 : i32
      %add3A_324 = arith.addi %add3A_323, %arg0 : i32
      %dma_start3A_325 = arith.constant 0 : i32
      %dma_start3A_326 = tpu.memref_slice %arg6[%add3A_324, %dma_start3A_325] : memref<56x128xi32, #tpu.memory_space<vmem>> -> memref<1x128xi32, #tpu.memory_space<vmem>>
      %dma_start3A_327 = tpu.memref_squeeze %dma_start3A_326 : memref<1x128xi32, #tpu.memory_space<vmem>> -> memref<128xi32, #tpu.memory_space<vmem>>
      %dma_start3A_328 = arith.constant 0 : i32
      %dma_start3A_329 = arith.constant 0 : i32
      %dma_start3A_330 = tpu.memref_slice %arg2[%dma_start3A_328, %dma_start3A_329] : memref<20000x128xf32, #tpu.memory_space<hbm>> -> memref<20000x128xf32, #tpu.memory_space<hbm>>
      tpu.enqueue_indirect_dma source(%dma_start3A_330 : memref<20000x128xf32, #tpu.memory_space<hbm>>) target(%arg9 : memref<128x128xf32, #tpu.memory_space<vmem>>) offsets(%dma_start3A_327 : memref<128xi32, #tpu.memory_space<vmem>>) semaphore(%arg12 : memref<!tpu.dma_semaphore, #tpu.memory_space<semaphore_mem>>)
      %dma_wait3A_331 = arith.constant 0 : i32
      %dma_wait3A_332 = tpu.memref_slice %arg6[%add3A_308, %dma_wait3A_331] : memref<56x128xi32, #tpu.memory_space<vmem>> -> memref<1x128xi32, #tpu.memory_space<vmem>>
      %dma_wait3A_333 = tpu.memref_squeeze %dma_wait3A_332 : memref<1x128xi32, #tpu.memory_space<vmem>> -> memref<128xi32, #tpu.memory_space<vmem>>
      %dma_wait3A_334 = arith.constant 0 : i32
      %dma_wait3A_335 = arith.constant 0 : i32
      %dma_wait3A_336 = tpu.memref_slice %arg2[%dma_wait3A_334, %dma_wait3A_335] : memref<20000x128xf32, #tpu.memory_space<hbm>> -> memref<20000x128xf32, #tpu.memory_space<hbm>>
      tpu.wait_indirect_dma semaphore(%arg11 : memref<!tpu.dma_semaphore, #tpu.memory_space<semaphore_mem>>) src(%dma_wait3A_336 : memref<20000x128xf32, #tpu.memory_space<hbm>>) dst(%arg8 : memref<128x128xf32, #tpu.memory_space<vmem>>)
      %add3A_337 = arith.constant 36 : i32
      %add3A_338 = arith.addi %add3A_337, %arg0 : i32
      "tpu.region"() ({
        %run_scoped3A = tpu.sem_alloc : memref<!tpu.dma_semaphore, #tpu.memory_space<semaphore_mem>>
        %dma_start3A_475 = arith.constant 0 : i32
        %dma_start3A_476 = tpu.memref_slice %arg7[%add3A_338, %dma_start3A_475] : memref<56x128xi32, #tpu.memory_space<vmem>> -> memref<1x128xi32, #tpu.memory_space<vmem>>
        %dma_start3A_477 = tpu.memref_squeeze %dma_start3A_476 : memref<1x128xi32, #tpu.memory_space<vmem>> -> memref<128xi32, #tpu.memory_space<vmem>>
        %dma_start3A_478 = arith.constant 0 : i32
        %dma_start3A_479 = arith.constant 0 : i32
        %dma_start3A_480 = tpu.memref_slice %arg10[%dma_start3A_478, %dma_start3A_479] : memref<10240x128xf32, #tpu.memory_space<vmem_shared>> -> memref<10240x128xf32, #tpu.memory_space<vmem_shared>>
        tpu.enqueue_indirect_dma source(%arg8 : memref<128x128xf32, #tpu.memory_space<vmem>>) target(%dma_start3A_480 : memref<10240x128xf32, #tpu.memory_space<vmem_shared>>) offsets(%dma_start3A_477 : memref<128xi32, #tpu.memory_space<vmem>>) semaphore(%run_scoped3A : memref<!tpu.dma_semaphore, #tpu.memory_space<semaphore_mem>>) {add = true}
        %dma_wait3A_481 = arith.constant 0 : i32
        %dma_wait3A_482 = tpu.memref_slice %arg7[%add3A_338, %dma_wait3A_481] : memref<56x128xi32, #tpu.memory_space<vmem>> -> memref<1x128xi32, #tpu.memory_space<vmem>>
        %dma_wait3A_483 = tpu.memref_squeeze %dma_wait3A_482 : memref<1x128xi32, #tpu.memory_space<vmem>> -> memref<128xi32, #tpu.memory_space<vmem>>
        %dma_wait3A_484 = arith.constant 0 : i32
        %dma_wait3A_485 = arith.constant 0 : i32
        %dma_wait3A_486 = tpu.memref_slice %arg10[%dma_wait3A_484, %dma_wait3A_485] : memref<10240x128xf32, #tpu.memory_space<vmem_shared>> -> memref<10240x128xf32, #tpu.memory_space<vmem_shared>>
        tpu.wait_indirect_dma semaphore(%run_scoped3A : memref<!tpu.dma_semaphore, #tpu.memory_space<semaphore_mem>>) src(%arg8 : memref<128x128xf32, #tpu.memory_space<vmem>>) dst(%dma_wait3A_486 : memref<10240x128xf32, #tpu.memory_space<vmem_shared>>)
        tpu.yield
      }) : () -> ()
      %add3A_339 = arith.constant 40 : i32
      %add3A_340 = arith.addi %add3A_339, %arg0 : i32
      %dma_start3A_341 = arith.constant 0 : i32
      %dma_start3A_342 = tpu.memref_slice %arg6[%add3A_340, %dma_start3A_341] : memref<56x128xi32, #tpu.memory_space<vmem>> -> memref<1x128xi32, #tpu.memory_space<vmem>>
      %dma_start3A_343 = tpu.memref_squeeze %dma_start3A_342 : memref<1x128xi32, #tpu.memory_space<vmem>> -> memref<128xi32, #tpu.memory_space<vmem>>
      %dma_start3A_344 = arith.constant 0 : i32
      %dma_start3A_345 = arith.constant 0 : i32
      %dma_start3A_346 = tpu.memref_slice %arg2[%dma_start3A_344, %dma_start3A_345] : memref<20000x128xf32, #tpu.memory_space<hbm>> -> memref<20000x128xf32, #tpu.memory_space<hbm>>
      tpu.enqueue_indirect_dma source(%dma_start3A_346 : memref<20000x128xf32, #tpu.memory_space<hbm>>) target(%arg8 : memref<128x128xf32, #tpu.memory_space<vmem>>) offsets(%dma_start3A_343 : memref<128xi32, #tpu.memory_space<vmem>>) semaphore(%arg11 : memref<!tpu.dma_semaphore, #tpu.memory_space<semaphore_mem>>)
      %dma_wait3A_347 = arith.constant 0 : i32
      %dma_wait3A_348 = tpu.memref_slice %arg6[%add3A_324, %dma_wait3A_347] : memref<56x128xi32, #tpu.memory_space<vmem>> -> memref<1x128xi32, #tpu.memory_space<vmem>>
      %dma_wait3A_349 = tpu.memref_squeeze %dma_wait3A_348 : memref<1x128xi32, #tpu.memory_space<vmem>> -> memref<128xi32, #tpu.memory_space<vmem>>
      %dma_wait3A_350 = arith.constant 0 : i32
      %dma_wait3A_351 = arith.constant 0 : i32
      %dma_wait3A_352 = tpu.memref_slice %arg2[%dma_wait3A_350, %dma_wait3A_351] : memref<20000x128xf32, #tpu.memory_space<hbm>> -> memref<20000x128xf32, #tpu.memory_space<hbm>>
      tpu.wait_indirect_dma semaphore(%arg12 : memref<!tpu.dma_semaphore, #tpu.memory_space<semaphore_mem>>) src(%dma_wait3A_352 : memref<20000x128xf32, #tpu.memory_space<hbm>>) dst(%arg9 : memref<128x128xf32, #tpu.memory_space<vmem>>)
      %add3A_353 = arith.constant 38 : i32
      %add3A_354 = arith.addi %add3A_353, %arg0 : i32
      "tpu.region"() ({
        %run_scoped3A = tpu.sem_alloc : memref<!tpu.dma_semaphore, #tpu.memory_space<semaphore_mem>>
        %dma_start3A_475 = arith.constant 0 : i32
        %dma_start3A_476 = tpu.memref_slice %arg7[%add3A_354, %dma_start3A_475] : memref<56x128xi32, #tpu.memory_space<vmem>> -> memref<1x128xi32, #tpu.memory_space<vmem>>
        %dma_start3A_477 = tpu.memref_squeeze %dma_start3A_476 : memref<1x128xi32, #tpu.memory_space<vmem>> -> memref<128xi32, #tpu.memory_space<vmem>>
        %dma_start3A_478 = arith.constant 0 : i32
        %dma_start3A_479 = arith.constant 0 : i32
        %dma_start3A_480 = tpu.memref_slice %arg10[%dma_start3A_478, %dma_start3A_479] : memref<10240x128xf32, #tpu.memory_space<vmem_shared>> -> memref<10240x128xf32, #tpu.memory_space<vmem_shared>>
        tpu.enqueue_indirect_dma source(%arg9 : memref<128x128xf32, #tpu.memory_space<vmem>>) target(%dma_start3A_480 : memref<10240x128xf32, #tpu.memory_space<vmem_shared>>) offsets(%dma_start3A_477 : memref<128xi32, #tpu.memory_space<vmem>>) semaphore(%run_scoped3A : memref<!tpu.dma_semaphore, #tpu.memory_space<semaphore_mem>>) {add = true}
        %dma_wait3A_481 = arith.constant 0 : i32
        %dma_wait3A_482 = tpu.memref_slice %arg7[%add3A_354, %dma_wait3A_481] : memref<56x128xi32, #tpu.memory_space<vmem>> -> memref<1x128xi32, #tpu.memory_space<vmem>>
        %dma_wait3A_483 = tpu.memref_squeeze %dma_wait3A_482 : memref<1x128xi32, #tpu.memory_space<vmem>> -> memref<128xi32, #tpu.memory_space<vmem>>
        %dma_wait3A_484 = arith.constant 0 : i32
        %dma_wait3A_485 = arith.constant 0 : i32
        %dma_wait3A_486 = tpu.memref_slice %arg10[%dma_wait3A_484, %dma_wait3A_485] : memref<10240x128xf32, #tpu.memory_space<vmem_shared>> -> memref<10240x128xf32, #tpu.memory_space<vmem_shared>>
        tpu.wait_indirect_dma semaphore(%run_scoped3A : memref<!tpu.dma_semaphore, #tpu.memory_space<semaphore_mem>>) src(%arg9 : memref<128x128xf32, #tpu.memory_space<vmem>>) dst(%dma_wait3A_486 : memref<10240x128xf32, #tpu.memory_space<vmem_shared>>)
        tpu.yield
      }) : () -> ()
      %add3A_355 = arith.constant 42 : i32
      %add3A_356 = arith.addi %add3A_355, %arg0 : i32
      %dma_start3A_357 = arith.constant 0 : i32
      %dma_start3A_358 = tpu.memref_slice %arg6[%add3A_356, %dma_start3A_357] : memref<56x128xi32, #tpu.memory_space<vmem>> -> memref<1x128xi32, #tpu.memory_space<vmem>>
      %dma_start3A_359 = tpu.memref_squeeze %dma_start3A_358 : memref<1x128xi32, #tpu.memory_space<vmem>> -> memref<128xi32, #tpu.memory_space<vmem>>
      %dma_start3A_360 = arith.constant 0 : i32
      %dma_start3A_361 = arith.constant 0 : i32
      %dma_start3A_362 = tpu.memref_slice %arg2[%dma_start3A_360, %dma_start3A_361] : memref<20000x128xf32, #tpu.memory_space<hbm>> -> memref<20000x128xf32, #tpu.memory_space<hbm>>
      tpu.enqueue_indirect_dma source(%dma_start3A_362 : memref<20000x128xf32, #tpu.memory_space<hbm>>) target(%arg9 : memref<128x128xf32, #tpu.memory_space<vmem>>) offsets(%dma_start3A_359 : memref<128xi32, #tpu.memory_space<vmem>>) semaphore(%arg12 : memref<!tpu.dma_semaphore, #tpu.memory_space<semaphore_mem>>)
      %dma_wait3A_363 = arith.constant 0 : i32
      %dma_wait3A_364 = tpu.memref_slice %arg6[%add3A_340, %dma_wait3A_363] : memref<56x128xi32, #tpu.memory_space<vmem>> -> memref<1x128xi32, #tpu.memory_space<vmem>>
      %dma_wait3A_365 = tpu.memref_squeeze %dma_wait3A_364 : memref<1x128xi32, #tpu.memory_space<vmem>> -> memref<128xi32, #tpu.memory_space<vmem>>
      %dma_wait3A_366 = arith.constant 0 : i32
      %dma_wait3A_367 = arith.constant 0 : i32
      %dma_wait3A_368 = tpu.memref_slice %arg2[%dma_wait3A_366, %dma_wait3A_367] : memref<20000x128xf32, #tpu.memory_space<hbm>> -> memref<20000x128xf32, #tpu.memory_space<hbm>>
      tpu.wait_indirect_dma semaphore(%arg11 : memref<!tpu.dma_semaphore, #tpu.memory_space<semaphore_mem>>) src(%dma_wait3A_368 : memref<20000x128xf32, #tpu.memory_space<hbm>>) dst(%arg8 : memref<128x128xf32, #tpu.memory_space<vmem>>)
      %add3A_369 = arith.constant 40 : i32
      %add3A_370 = arith.addi %add3A_369, %arg0 : i32
      "tpu.region"() ({
        %run_scoped3A = tpu.sem_alloc : memref<!tpu.dma_semaphore, #tpu.memory_space<semaphore_mem>>
        %dma_start3A_475 = arith.constant 0 : i32
        %dma_start3A_476 = tpu.memref_slice %arg7[%add3A_370, %dma_start3A_475] : memref<56x128xi32, #tpu.memory_space<vmem>> -> memref<1x128xi32, #tpu.memory_space<vmem>>
        %dma_start3A_477 = tpu.memref_squeeze %dma_start3A_476 : memref<1x128xi32, #tpu.memory_space<vmem>> -> memref<128xi32, #tpu.memory_space<vmem>>
        %dma_start3A_478 = arith.constant 0 : i32
        %dma_start3A_479 = arith.constant 0 : i32
        %dma_start3A_480 = tpu.memref_slice %arg10[%dma_start3A_478, %dma_start3A_479] : memref<10240x128xf32, #tpu.memory_space<vmem_shared>> -> memref<10240x128xf32, #tpu.memory_space<vmem_shared>>
        tpu.enqueue_indirect_dma source(%arg8 : memref<128x128xf32, #tpu.memory_space<vmem>>) target(%dma_start3A_480 : memref<10240x128xf32, #tpu.memory_space<vmem_shared>>) offsets(%dma_start3A_477 : memref<128xi32, #tpu.memory_space<vmem>>) semaphore(%run_scoped3A : memref<!tpu.dma_semaphore, #tpu.memory_space<semaphore_mem>>) {add = true}
        %dma_wait3A_481 = arith.constant 0 : i32
        %dma_wait3A_482 = tpu.memref_slice %arg7[%add3A_370, %dma_wait3A_481] : memref<56x128xi32, #tpu.memory_space<vmem>> -> memref<1x128xi32, #tpu.memory_space<vmem>>
        %dma_wait3A_483 = tpu.memref_squeeze %dma_wait3A_482 : memref<1x128xi32, #tpu.memory_space<vmem>> -> memref<128xi32, #tpu.memory_space<vmem>>
        %dma_wait3A_484 = arith.constant 0 : i32
        %dma_wait3A_485 = arith.constant 0 : i32
        %dma_wait3A_486 = tpu.memref_slice %arg10[%dma_wait3A_484, %dma_wait3A_485] : memref<10240x128xf32, #tpu.memory_space<vmem_shared>> -> memref<10240x128xf32, #tpu.memory_space<vmem_shared>>
        tpu.wait_indirect_dma semaphore(%run_scoped3A : memref<!tpu.dma_semaphore, #tpu.memory_space<semaphore_mem>>) src(%arg8 : memref<128x128xf32, #tpu.memory_space<vmem>>) dst(%dma_wait3A_486 : memref<10240x128xf32, #tpu.memory_space<vmem_shared>>)
        tpu.yield
      }) : () -> ()
      %add3A_371 = arith.constant 44 : i32
      %add3A_372 = arith.addi %add3A_371, %arg0 : i32
      %dma_start3A_373 = arith.constant 0 : i32
      %dma_start3A_374 = tpu.memref_slice %arg6[%add3A_372, %dma_start3A_373] : memref<56x128xi32, #tpu.memory_space<vmem>> -> memref<1x128xi32, #tpu.memory_space<vmem>>
      %dma_start3A_375 = tpu.memref_squeeze %dma_start3A_374 : memref<1x128xi32, #tpu.memory_space<vmem>> -> memref<128xi32, #tpu.memory_space<vmem>>
      %dma_start3A_376 = arith.constant 0 : i32
      %dma_start3A_377 = arith.constant 0 : i32
      %dma_start3A_378 = tpu.memref_slice %arg2[%dma_start3A_376, %dma_start3A_377] : memref<20000x128xf32, #tpu.memory_space<hbm>> -> memref<20000x128xf32, #tpu.memory_space<hbm>>
      tpu.enqueue_indirect_dma source(%dma_start3A_378 : memref<20000x128xf32, #tpu.memory_space<hbm>>) target(%arg8 : memref<128x128xf32, #tpu.memory_space<vmem>>) offsets(%dma_start3A_375 : memref<128xi32, #tpu.memory_space<vmem>>) semaphore(%arg11 : memref<!tpu.dma_semaphore, #tpu.memory_space<semaphore_mem>>)
      %dma_wait3A_379 = arith.constant 0 : i32
      %dma_wait3A_380 = tpu.memref_slice %arg6[%add3A_356, %dma_wait3A_379] : memref<56x128xi32, #tpu.memory_space<vmem>> -> memref<1x128xi32, #tpu.memory_space<vmem>>
      %dma_wait3A_381 = tpu.memref_squeeze %dma_wait3A_380 : memref<1x128xi32, #tpu.memory_space<vmem>> -> memref<128xi32, #tpu.memory_space<vmem>>
      %dma_wait3A_382 = arith.constant 0 : i32
      %dma_wait3A_383 = arith.constant 0 : i32
      %dma_wait3A_384 = tpu.memref_slice %arg2[%dma_wait3A_382, %dma_wait3A_383] : memref<20000x128xf32, #tpu.memory_space<hbm>> -> memref<20000x128xf32, #tpu.memory_space<hbm>>
      tpu.wait_indirect_dma semaphore(%arg12 : memref<!tpu.dma_semaphore, #tpu.memory_space<semaphore_mem>>) src(%dma_wait3A_384 : memref<20000x128xf32, #tpu.memory_space<hbm>>) dst(%arg9 : memref<128x128xf32, #tpu.memory_space<vmem>>)
      %add3A_385 = arith.constant 42 : i32
      %add3A_386 = arith.addi %add3A_385, %arg0 : i32
      "tpu.region"() ({
        %run_scoped3A = tpu.sem_alloc : memref<!tpu.dma_semaphore, #tpu.memory_space<semaphore_mem>>
        %dma_start3A_475 = arith.constant 0 : i32
        %dma_start3A_476 = tpu.memref_slice %arg7[%add3A_386, %dma_start3A_475] : memref<56x128xi32, #tpu.memory_space<vmem>> -> memref<1x128xi32, #tpu.memory_space<vmem>>
        %dma_start3A_477 = tpu.memref_squeeze %dma_start3A_476 : memref<1x128xi32, #tpu.memory_space<vmem>> -> memref<128xi32, #tpu.memory_space<vmem>>
        %dma_start3A_478 = arith.constant 0 : i32
        %dma_start3A_479 = arith.constant 0 : i32
        %dma_start3A_480 = tpu.memref_slice %arg10[%dma_start3A_478, %dma_start3A_479] : memref<10240x128xf32, #tpu.memory_space<vmem_shared>> -> memref<10240x128xf32, #tpu.memory_space<vmem_shared>>
        tpu.enqueue_indirect_dma source(%arg9 : memref<128x128xf32, #tpu.memory_space<vmem>>) target(%dma_start3A_480 : memref<10240x128xf32, #tpu.memory_space<vmem_shared>>) offsets(%dma_start3A_477 : memref<128xi32, #tpu.memory_space<vmem>>) semaphore(%run_scoped3A : memref<!tpu.dma_semaphore, #tpu.memory_space<semaphore_mem>>) {add = true}
        %dma_wait3A_481 = arith.constant 0 : i32
        %dma_wait3A_482 = tpu.memref_slice %arg7[%add3A_386, %dma_wait3A_481] : memref<56x128xi32, #tpu.memory_space<vmem>> -> memref<1x128xi32, #tpu.memory_space<vmem>>
        %dma_wait3A_483 = tpu.memref_squeeze %dma_wait3A_482 : memref<1x128xi32, #tpu.memory_space<vmem>> -> memref<128xi32, #tpu.memory_space<vmem>>
        %dma_wait3A_484 = arith.constant 0 : i32
        %dma_wait3A_485 = arith.constant 0 : i32
        %dma_wait3A_486 = tpu.memref_slice %arg10[%dma_wait3A_484, %dma_wait3A_485] : memref<10240x128xf32, #tpu.memory_space<vmem_shared>> -> memref<10240x128xf32, #tpu.memory_space<vmem_shared>>
        tpu.wait_indirect_dma semaphore(%run_scoped3A : memref<!tpu.dma_semaphore, #tpu.memory_space<semaphore_mem>>) src(%arg9 : memref<128x128xf32, #tpu.memory_space<vmem>>) dst(%dma_wait3A_486 : memref<10240x128xf32, #tpu.memory_space<vmem_shared>>)
        tpu.yield
      }) : () -> ()
      %add3A_387 = arith.constant 46 : i32
      %add3A_388 = arith.addi %add3A_387, %arg0 : i32
      %dma_start3A_389 = arith.constant 0 : i32
      %dma_start3A_390 = tpu.memref_slice %arg6[%add3A_388, %dma_start3A_389] : memref<56x128xi32, #tpu.memory_space<vmem>> -> memref<1x128xi32, #tpu.memory_space<vmem>>
      %dma_start3A_391 = tpu.memref_squeeze %dma_start3A_390 : memref<1x128xi32, #tpu.memory_space<vmem>> -> memref<128xi32, #tpu.memory_space<vmem>>
      %dma_start3A_392 = arith.constant 0 : i32
      %dma_start3A_393 = arith.constant 0 : i32
      %dma_start3A_394 = tpu.memref_slice %arg2[%dma_start3A_392, %dma_start3A_393] : memref<20000x128xf32, #tpu.memory_space<hbm>> -> memref<20000x128xf32, #tpu.memory_space<hbm>>
      tpu.enqueue_indirect_dma source(%dma_start3A_394 : memref<20000x128xf32, #tpu.memory_space<hbm>>) target(%arg9 : memref<128x128xf32, #tpu.memory_space<vmem>>) offsets(%dma_start3A_391 : memref<128xi32, #tpu.memory_space<vmem>>) semaphore(%arg12 : memref<!tpu.dma_semaphore, #tpu.memory_space<semaphore_mem>>)
      %dma_wait3A_395 = arith.constant 0 : i32
      %dma_wait3A_396 = tpu.memref_slice %arg6[%add3A_372, %dma_wait3A_395] : memref<56x128xi32, #tpu.memory_space<vmem>> -> memref<1x128xi32, #tpu.memory_space<vmem>>
      %dma_wait3A_397 = tpu.memref_squeeze %dma_wait3A_396 : memref<1x128xi32, #tpu.memory_space<vmem>> -> memref<128xi32, #tpu.memory_space<vmem>>
      %dma_wait3A_398 = arith.constant 0 : i32
      %dma_wait3A_399 = arith.constant 0 : i32
      %dma_wait3A_400 = tpu.memref_slice %arg2[%dma_wait3A_398, %dma_wait3A_399] : memref<20000x128xf32, #tpu.memory_space<hbm>> -> memref<20000x128xf32, #tpu.memory_space<hbm>>
      tpu.wait_indirect_dma semaphore(%arg11 : memref<!tpu.dma_semaphore, #tpu.memory_space<semaphore_mem>>) src(%dma_wait3A_400 : memref<20000x128xf32, #tpu.memory_space<hbm>>) dst(%arg8 : memref<128x128xf32, #tpu.memory_space<vmem>>)
      %add3A_401 = arith.constant 44 : i32
      %add3A_402 = arith.addi %add3A_401, %arg0 : i32
      "tpu.region"() ({
        %run_scoped3A = tpu.sem_alloc : memref<!tpu.dma_semaphore, #tpu.memory_space<semaphore_mem>>
        %dma_start3A_475 = arith.constant 0 : i32
        %dma_start3A_476 = tpu.memref_slice %arg7[%add3A_402, %dma_start3A_475] : memref<56x128xi32, #tpu.memory_space<vmem>> -> memref<1x128xi32, #tpu.memory_space<vmem>>
        %dma_start3A_477 = tpu.memref_squeeze %dma_start3A_476 : memref<1x128xi32, #tpu.memory_space<vmem>> -> memref<128xi32, #tpu.memory_space<vmem>>
        %dma_start3A_478 = arith.constant 0 : i32
        %dma_start3A_479 = arith.constant 0 : i32
        %dma_start3A_480 = tpu.memref_slice %arg10[%dma_start3A_478, %dma_start3A_479] : memref<10240x128xf32, #tpu.memory_space<vmem_shared>> -> memref<10240x128xf32, #tpu.memory_space<vmem_shared>>
        tpu.enqueue_indirect_dma source(%arg8 : memref<128x128xf32, #tpu.memory_space<vmem>>) target(%dma_start3A_480 : memref<10240x128xf32, #tpu.memory_space<vmem_shared>>) offsets(%dma_start3A_477 : memref<128xi32, #tpu.memory_space<vmem>>) semaphore(%run_scoped3A : memref<!tpu.dma_semaphore, #tpu.memory_space<semaphore_mem>>) {add = true}
        %dma_wait3A_481 = arith.constant 0 : i32
        %dma_wait3A_482 = tpu.memref_slice %arg7[%add3A_402, %dma_wait3A_481] : memref<56x128xi32, #tpu.memory_space<vmem>> -> memref<1x128xi32, #tpu.memory_space<vmem>>
        %dma_wait3A_483 = tpu.memref_squeeze %dma_wait3A_482 : memref<1x128xi32, #tpu.memory_space<vmem>> -> memref<128xi32, #tpu.memory_space<vmem>>
        %dma_wait3A_484 = arith.constant 0 : i32
        %dma_wait3A_485 = arith.constant 0 : i32
        %dma_wait3A_486 = tpu.memref_slice %arg10[%dma_wait3A_484, %dma_wait3A_485] : memref<10240x128xf32, #tpu.memory_space<vmem_shared>> -> memref<10240x128xf32, #tpu.memory_space<vmem_shared>>
        tpu.wait_indirect_dma semaphore(%run_scoped3A : memref<!tpu.dma_semaphore, #tpu.memory_space<semaphore_mem>>) src(%arg8 : memref<128x128xf32, #tpu.memory_space<vmem>>) dst(%dma_wait3A_486 : memref<10240x128xf32, #tpu.memory_space<vmem_shared>>)
        tpu.yield
      }) : () -> ()
      %add3A_403 = arith.constant 48 : i32
      %add3A_404 = arith.addi %add3A_403, %arg0 : i32
      %dma_start3A_405 = arith.constant 0 : i32
      %dma_start3A_406 = tpu.memref_slice %arg6[%add3A_404, %dma_start3A_405] : memref<56x128xi32, #tpu.memory_space<vmem>> -> memref<1x128xi32, #tpu.memory_space<vmem>>
      %dma_start3A_407 = tpu.memref_squeeze %dma_start3A_406 : memref<1x128xi32, #tpu.memory_space<vmem>> -> memref<128xi32, #tpu.memory_space<vmem>>
      %dma_start3A_408 = arith.constant 0 : i32
      %dma_start3A_409 = arith.constant 0 : i32
      %dma_start3A_410 = tpu.memref_slice %arg2[%dma_start3A_408, %dma_start3A_409] : memref<20000x128xf32, #tpu.memory_space<hbm>> -> memref<20000x128xf32, #tpu.memory_space<hbm>>
      tpu.enqueue_indirect_dma source(%dma_start3A_410 : memref<20000x128xf32, #tpu.memory_space<hbm>>) target(%arg8 : memref<128x128xf32, #tpu.memory_space<vmem>>) offsets(%dma_start3A_407 : memref<128xi32, #tpu.memory_space<vmem>>) semaphore(%arg11 : memref<!tpu.dma_semaphore, #tpu.memory_space<semaphore_mem>>)
      %dma_wait3A_411 = arith.constant 0 : i32
      %dma_wait3A_412 = tpu.memref_slice %arg6[%add3A_388, %dma_wait3A_411] : memref<56x128xi32, #tpu.memory_space<vmem>> -> memref<1x128xi32, #tpu.memory_space<vmem>>
      %dma_wait3A_413 = tpu.memref_squeeze %dma_wait3A_412 : memref<1x128xi32, #tpu.memory_space<vmem>> -> memref<128xi32, #tpu.memory_space<vmem>>
      %dma_wait3A_414 = arith.constant 0 : i32
      %dma_wait3A_415 = arith.constant 0 : i32
      %dma_wait3A_416 = tpu.memref_slice %arg2[%dma_wait3A_414, %dma_wait3A_415] : memref<20000x128xf32, #tpu.memory_space<hbm>> -> memref<20000x128xf32, #tpu.memory_space<hbm>>
      tpu.wait_indirect_dma semaphore(%arg12 : memref<!tpu.dma_semaphore, #tpu.memory_space<semaphore_mem>>) src(%dma_wait3A_416 : memref<20000x128xf32, #tpu.memory_space<hbm>>) dst(%arg9 : memref<128x128xf32, #tpu.memory_space<vmem>>)
      %add3A_417 = arith.constant 46 : i32
      %add3A_418 = arith.addi %add3A_417, %arg0 : i32
      "tpu.region"() ({
        %run_scoped3A = tpu.sem_alloc : memref<!tpu.dma_semaphore, #tpu.memory_space<semaphore_mem>>
        %dma_start3A_475 = arith.constant 0 : i32
        %dma_start3A_476 = tpu.memref_slice %arg7[%add3A_418, %dma_start3A_475] : memref<56x128xi32, #tpu.memory_space<vmem>> -> memref<1x128xi32, #tpu.memory_space<vmem>>
        %dma_start3A_477 = tpu.memref_squeeze %dma_start3A_476 : memref<1x128xi32, #tpu.memory_space<vmem>> -> memref<128xi32, #tpu.memory_space<vmem>>
        %dma_start3A_478 = arith.constant 0 : i32
        %dma_start3A_479 = arith.constant 0 : i32
        %dma_start3A_480 = tpu.memref_slice %arg10[%dma_start3A_478, %dma_start3A_479] : memref<10240x128xf32, #tpu.memory_space<vmem_shared>> -> memref<10240x128xf32, #tpu.memory_space<vmem_shared>>
        tpu.enqueue_indirect_dma source(%arg9 : memref<128x128xf32, #tpu.memory_space<vmem>>) target(%dma_start3A_480 : memref<10240x128xf32, #tpu.memory_space<vmem_shared>>) offsets(%dma_start3A_477 : memref<128xi32, #tpu.memory_space<vmem>>) semaphore(%run_scoped3A : memref<!tpu.dma_semaphore, #tpu.memory_space<semaphore_mem>>) {add = true}
        %dma_wait3A_481 = arith.constant 0 : i32
        %dma_wait3A_482 = tpu.memref_slice %arg7[%add3A_418, %dma_wait3A_481] : memref<56x128xi32, #tpu.memory_space<vmem>> -> memref<1x128xi32, #tpu.memory_space<vmem>>
        %dma_wait3A_483 = tpu.memref_squeeze %dma_wait3A_482 : memref<1x128xi32, #tpu.memory_space<vmem>> -> memref<128xi32, #tpu.memory_space<vmem>>
        %dma_wait3A_484 = arith.constant 0 : i32
        %dma_wait3A_485 = arith.constant 0 : i32
        %dma_wait3A_486 = tpu.memref_slice %arg10[%dma_wait3A_484, %dma_wait3A_485] : memref<10240x128xf32, #tpu.memory_space<vmem_shared>> -> memref<10240x128xf32, #tpu.memory_space<vmem_shared>>
        tpu.wait_indirect_dma semaphore(%run_scoped3A : memref<!tpu.dma_semaphore, #tpu.memory_space<semaphore_mem>>) src(%arg9 : memref<128x128xf32, #tpu.memory_space<vmem>>) dst(%dma_wait3A_486 : memref<10240x128xf32, #tpu.memory_space<vmem_shared>>)
        tpu.yield
      }) : () -> ()
      %add3A_419 = arith.constant 50 : i32
      %add3A_420 = arith.addi %add3A_419, %arg0 : i32
      %dma_start3A_421 = arith.constant 0 : i32
      %dma_start3A_422 = tpu.memref_slice %arg6[%add3A_420, %dma_start3A_421] : memref<56x128xi32, #tpu.memory_space<vmem>> -> memref<1x128xi32, #tpu.memory_space<vmem>>
      %dma_start3A_423 = tpu.memref_squeeze %dma_start3A_422 : memref<1x128xi32, #tpu.memory_space<vmem>> -> memref<128xi32, #tpu.memory_space<vmem>>
      %dma_start3A_424 = arith.constant 0 : i32
      %dma_start3A_425 = arith.constant 0 : i32
      %dma_start3A_426 = tpu.memref_slice %arg2[%dma_start3A_424, %dma_start3A_425] : memref<20000x128xf32, #tpu.memory_space<hbm>> -> memref<20000x128xf32, #tpu.memory_space<hbm>>
      tpu.enqueue_indirect_dma source(%dma_start3A_426 : memref<20000x128xf32, #tpu.memory_space<hbm>>) target(%arg9 : memref<128x128xf32, #tpu.memory_space<vmem>>) offsets(%dma_start3A_423 : memref<128xi32, #tpu.memory_space<vmem>>) semaphore(%arg12 : memref<!tpu.dma_semaphore, #tpu.memory_space<semaphore_mem>>)
      %dma_wait3A_427 = arith.constant 0 : i32
      %dma_wait3A_428 = tpu.memref_slice %arg6[%add3A_404, %dma_wait3A_427] : memref<56x128xi32, #tpu.memory_space<vmem>> -> memref<1x128xi32, #tpu.memory_space<vmem>>
      %dma_wait3A_429 = tpu.memref_squeeze %dma_wait3A_428 : memref<1x128xi32, #tpu.memory_space<vmem>> -> memref<128xi32, #tpu.memory_space<vmem>>
      %dma_wait3A_430 = arith.constant 0 : i32
      %dma_wait3A_431 = arith.constant 0 : i32
      %dma_wait3A_432 = tpu.memref_slice %arg2[%dma_wait3A_430, %dma_wait3A_431] : memref<20000x128xf32, #tpu.memory_space<hbm>> -> memref<20000x128xf32, #tpu.memory_space<hbm>>
      tpu.wait_indirect_dma semaphore(%arg11 : memref<!tpu.dma_semaphore, #tpu.memory_space<semaphore_mem>>) src(%dma_wait3A_432 : memref<20000x128xf32, #tpu.memory_space<hbm>>) dst(%arg8 : memref<128x128xf32, #tpu.memory_space<vmem>>)
      %add3A_433 = arith.constant 48 : i32
      %add3A_434 = arith.addi %add3A_433, %arg0 : i32
      "tpu.region"() ({
        %run_scoped3A = tpu.sem_alloc : memref<!tpu.dma_semaphore, #tpu.memory_space<semaphore_mem>>
        %dma_start3A_475 = arith.constant 0 : i32
        %dma_start3A_476 = tpu.memref_slice %arg7[%add3A_434, %dma_start3A_475] : memref<56x128xi32, #tpu.memory_space<vmem>> -> memref<1x128xi32, #tpu.memory_space<vmem>>
        %dma_start3A_477 = tpu.memref_squeeze %dma_start3A_476 : memref<1x128xi32, #tpu.memory_space<vmem>> -> memref<128xi32, #tpu.memory_space<vmem>>
        %dma_start3A_478 = arith.constant 0 : i32
        %dma_start3A_479 = arith.constant 0 : i32
        %dma_start3A_480 = tpu.memref_slice %arg10[%dma_start3A_478, %dma_start3A_479] : memref<10240x128xf32, #tpu.memory_space<vmem_shared>> -> memref<10240x128xf32, #tpu.memory_space<vmem_shared>>
        tpu.enqueue_indirect_dma source(%arg8 : memref<128x128xf32, #tpu.memory_space<vmem>>) target(%dma_start3A_480 : memref<10240x128xf32, #tpu.memory_space<vmem_shared>>) offsets(%dma_start3A_477 : memref<128xi32, #tpu.memory_space<vmem>>) semaphore(%run_scoped3A : memref<!tpu.dma_semaphore, #tpu.memory_space<semaphore_mem>>) {add = true}
        %dma_wait3A_481 = arith.constant 0 : i32
        %dma_wait3A_482 = tpu.memref_slice %arg7[%add3A_434, %dma_wait3A_481] : memref<56x128xi32, #tpu.memory_space<vmem>> -> memref<1x128xi32, #tpu.memory_space<vmem>>
        %dma_wait3A_483 = tpu.memref_squeeze %dma_wait3A_482 : memref<1x128xi32, #tpu.memory_space<vmem>> -> memref<128xi32, #tpu.memory_space<vmem>>
        %dma_wait3A_484 = arith.constant 0 : i32
        %dma_wait3A_485 = arith.constant 0 : i32
        %dma_wait3A_486 = tpu.memref_slice %arg10[%dma_wait3A_484, %dma_wait3A_485] : memref<10240x128xf32, #tpu.memory_space<vmem_shared>> -> memref<10240x128xf32, #tpu.memory_space<vmem_shared>>
        tpu.wait_indirect_dma semaphore(%run_scoped3A : memref<!tpu.dma_semaphore, #tpu.memory_space<semaphore_mem>>) src(%arg8 : memref<128x128xf32, #tpu.memory_space<vmem>>) dst(%dma_wait3A_486 : memref<10240x128xf32, #tpu.memory_space<vmem_shared>>)
        tpu.yield
      }) : () -> ()
      %add3A_435 = arith.constant 52 : i32
      %add3A_436 = arith.addi %add3A_435, %arg0 : i32
      %dma_start3A_437 = arith.constant 0 : i32
      %dma_start3A_438 = tpu.memref_slice %arg6[%add3A_436, %dma_start3A_437] : memref<56x128xi32, #tpu.memory_space<vmem>> -> memref<1x128xi32, #tpu.memory_space<vmem>>
      %dma_start3A_439 = tpu.memref_squeeze %dma_start3A_438 : memref<1x128xi32, #tpu.memory_space<vmem>> -> memref<128xi32, #tpu.memory_space<vmem>>
      %dma_start3A_440 = arith.constant 0 : i32
      %dma_start3A_441 = arith.constant 0 : i32
      %dma_start3A_442 = tpu.memref_slice %arg2[%dma_start3A_440, %dma_start3A_441] : memref<20000x128xf32, #tpu.memory_space<hbm>> -> memref<20000x128xf32, #tpu.memory_space<hbm>>
      tpu.enqueue_indirect_dma source(%dma_start3A_442 : memref<20000x128xf32, #tpu.memory_space<hbm>>) target(%arg8 : memref<128x128xf32, #tpu.memory_space<vmem>>) offsets(%dma_start3A_439 : memref<128xi32, #tpu.memory_space<vmem>>) semaphore(%arg11 : memref<!tpu.dma_semaphore, #tpu.memory_space<semaphore_mem>>)
      %dma_wait3A_443 = arith.constant 0 : i32
      %dma_wait3A_444 = tpu.memref_slice %arg6[%add3A_420, %dma_wait3A_443] : memref<56x128xi32, #tpu.memory_space<vmem>> -> memref<1x128xi32, #tpu.memory_space<vmem>>
      %dma_wait3A_445 = tpu.memref_squeeze %dma_wait3A_444 : memref<1x128xi32, #tpu.memory_space<vmem>> -> memref<128xi32, #tpu.memory_space<vmem>>
      %dma_wait3A_446 = arith.constant 0 : i32
      %dma_wait3A_447 = arith.constant 0 : i32
      %dma_wait3A_448 = tpu.memref_slice %arg2[%dma_wait3A_446, %dma_wait3A_447] : memref<20000x128xf32, #tpu.memory_space<hbm>> -> memref<20000x128xf32, #tpu.memory_space<hbm>>
      tpu.wait_indirect_dma semaphore(%arg12 : memref<!tpu.dma_semaphore, #tpu.memory_space<semaphore_mem>>) src(%dma_wait3A_448 : memref<20000x128xf32, #tpu.memory_space<hbm>>) dst(%arg9 : memref<128x128xf32, #tpu.memory_space<vmem>>)
      %add3A_449 = arith.constant 50 : i32
      %add3A_450 = arith.addi %add3A_449, %arg0 : i32
      "tpu.region"() ({
        %run_scoped3A = tpu.sem_alloc : memref<!tpu.dma_semaphore, #tpu.memory_space<semaphore_mem>>
        %dma_start3A_475 = arith.constant 0 : i32
        %dma_start3A_476 = tpu.memref_slice %arg7[%add3A_450, %dma_start3A_475] : memref<56x128xi32, #tpu.memory_space<vmem>> -> memref<1x128xi32, #tpu.memory_space<vmem>>
        %dma_start3A_477 = tpu.memref_squeeze %dma_start3A_476 : memref<1x128xi32, #tpu.memory_space<vmem>> -> memref<128xi32, #tpu.memory_space<vmem>>
        %dma_start3A_478 = arith.constant 0 : i32
        %dma_start3A_479 = arith.constant 0 : i32
        %dma_start3A_480 = tpu.memref_slice %arg10[%dma_start3A_478, %dma_start3A_479] : memref<10240x128xf32, #tpu.memory_space<vmem_shared>> -> memref<10240x128xf32, #tpu.memory_space<vmem_shared>>
        tpu.enqueue_indirect_dma source(%arg9 : memref<128x128xf32, #tpu.memory_space<vmem>>) target(%dma_start3A_480 : memref<10240x128xf32, #tpu.memory_space<vmem_shared>>) offsets(%dma_start3A_477 : memref<128xi32, #tpu.memory_space<vmem>>) semaphore(%run_scoped3A : memref<!tpu.dma_semaphore, #tpu.memory_space<semaphore_mem>>) {add = true}
        %dma_wait3A_481 = arith.constant 0 : i32
        %dma_wait3A_482 = tpu.memref_slice %arg7[%add3A_450, %dma_wait3A_481] : memref<56x128xi32, #tpu.memory_space<vmem>> -> memref<1x128xi32, #tpu.memory_space<vmem>>
        %dma_wait3A_483 = tpu.memref_squeeze %dma_wait3A_482 : memref<1x128xi32, #tpu.memory_space<vmem>> -> memref<128xi32, #tpu.memory_space<vmem>>
        %dma_wait3A_484 = arith.constant 0 : i32
        %dma_wait3A_485 = arith.constant 0 : i32
        %dma_wait3A_486 = tpu.memref_slice %arg10[%dma_wait3A_484, %dma_wait3A_485] : memref<10240x128xf32, #tpu.memory_space<vmem_shared>> -> memref<10240x128xf32, #tpu.memory_space<vmem_shared>>
        tpu.wait_indirect_dma semaphore(%run_scoped3A : memref<!tpu.dma_semaphore, #tpu.memory_space<semaphore_mem>>) src(%arg9 : memref<128x128xf32, #tpu.memory_space<vmem>>) dst(%dma_wait3A_486 : memref<10240x128xf32, #tpu.memory_space<vmem_shared>>)
        tpu.yield
      }) : () -> ()
      %add3A_451 = arith.constant 54 : i32
      %add3A_452 = arith.addi %add3A_451, %arg0 : i32
      %dma_start3A_453 = arith.constant 0 : i32
      %dma_start3A_454 = tpu.memref_slice %arg6[%add3A_452, %dma_start3A_453] : memref<56x128xi32, #tpu.memory_space<vmem>> -> memref<1x128xi32, #tpu.memory_space<vmem>>
      %dma_start3A_455 = tpu.memref_squeeze %dma_start3A_454 : memref<1x128xi32, #tpu.memory_space<vmem>> -> memref<128xi32, #tpu.memory_space<vmem>>
      %dma_start3A_456 = arith.constant 0 : i32
      %dma_start3A_457 = arith.constant 0 : i32
      %dma_start3A_458 = tpu.memref_slice %arg2[%dma_start3A_456, %dma_start3A_457] : memref<20000x128xf32, #tpu.memory_space<hbm>> -> memref<20000x128xf32, #tpu.memory_space<hbm>>
      tpu.enqueue_indirect_dma source(%dma_start3A_458 : memref<20000x128xf32, #tpu.memory_space<hbm>>) target(%arg9 : memref<128x128xf32, #tpu.memory_space<vmem>>) offsets(%dma_start3A_455 : memref<128xi32, #tpu.memory_space<vmem>>) semaphore(%arg12 : memref<!tpu.dma_semaphore, #tpu.memory_space<semaphore_mem>>)
      %dma_wait3A_459 = arith.constant 0 : i32
      %dma_wait3A_460 = tpu.memref_slice %arg6[%add3A_436, %dma_wait3A_459] : memref<56x128xi32, #tpu.memory_space<vmem>> -> memref<1x128xi32, #tpu.memory_space<vmem>>
      %dma_wait3A_461 = tpu.memref_squeeze %dma_wait3A_460 : memref<1x128xi32, #tpu.memory_space<vmem>> -> memref<128xi32, #tpu.memory_space<vmem>>
      %dma_wait3A_462 = arith.constant 0 : i32
      %dma_wait3A_463 = arith.constant 0 : i32
      %dma_wait3A_464 = tpu.memref_slice %arg2[%dma_wait3A_462, %dma_wait3A_463] : memref<20000x128xf32, #tpu.memory_space<hbm>> -> memref<20000x128xf32, #tpu.memory_space<hbm>>
      tpu.wait_indirect_dma semaphore(%arg11 : memref<!tpu.dma_semaphore, #tpu.memory_space<semaphore_mem>>) src(%dma_wait3A_464 : memref<20000x128xf32, #tpu.memory_space<hbm>>) dst(%arg8 : memref<128x128xf32, #tpu.memory_space<vmem>>)
      %add3A_465 = arith.constant 52 : i32
      %add3A_466 = arith.addi %add3A_465, %arg0 : i32
      "tpu.region"() ({
        %run_scoped3A = tpu.sem_alloc : memref<!tpu.dma_semaphore, #tpu.memory_space<semaphore_mem>>
        %dma_start3A_475 = arith.constant 0 : i32
        %dma_start3A_476 = tpu.memref_slice %arg7[%add3A_466, %dma_start3A_475] : memref<56x128xi32, #tpu.memory_space<vmem>> -> memref<1x128xi32, #tpu.memory_space<vmem>>
        %dma_start3A_477 = tpu.memref_squeeze %dma_start3A_476 : memref<1x128xi32, #tpu.memory_space<vmem>> -> memref<128xi32, #tpu.memory_space<vmem>>
        %dma_start3A_478 = arith.constant 0 : i32
        %dma_start3A_479 = arith.constant 0 : i32
        %dma_start3A_480 = tpu.memref_slice %arg10[%dma_start3A_478, %dma_start3A_479] : memref<10240x128xf32, #tpu.memory_space<vmem_shared>> -> memref<10240x128xf32, #tpu.memory_space<vmem_shared>>
        tpu.enqueue_indirect_dma source(%arg8 : memref<128x128xf32, #tpu.memory_space<vmem>>) target(%dma_start3A_480 : memref<10240x128xf32, #tpu.memory_space<vmem_shared>>) offsets(%dma_start3A_477 : memref<128xi32, #tpu.memory_space<vmem>>) semaphore(%run_scoped3A : memref<!tpu.dma_semaphore, #tpu.memory_space<semaphore_mem>>) {add = true}
        %dma_wait3A_481 = arith.constant 0 : i32
        %dma_wait3A_482 = tpu.memref_slice %arg7[%add3A_466, %dma_wait3A_481] : memref<56x128xi32, #tpu.memory_space<vmem>> -> memref<1x128xi32, #tpu.memory_space<vmem>>
        %dma_wait3A_483 = tpu.memref_squeeze %dma_wait3A_482 : memref<1x128xi32, #tpu.memory_space<vmem>> -> memref<128xi32, #tpu.memory_space<vmem>>
        %dma_wait3A_484 = arith.constant 0 : i32
        %dma_wait3A_485 = arith.constant 0 : i32
        %dma_wait3A_486 = tpu.memref_slice %arg10[%dma_wait3A_484, %dma_wait3A_485] : memref<10240x128xf32, #tpu.memory_space<vmem_shared>> -> memref<10240x128xf32, #tpu.memory_space<vmem_shared>>
        tpu.wait_indirect_dma semaphore(%run_scoped3A : memref<!tpu.dma_semaphore, #tpu.memory_space<semaphore_mem>>) src(%arg8 : memref<128x128xf32, #tpu.memory_space<vmem>>) dst(%dma_wait3A_486 : memref<10240x128xf32, #tpu.memory_space<vmem_shared>>)
        tpu.yield
      }) : () -> ()
      %dma_wait3A_467 = arith.constant 0 : i32
      %dma_wait3A_468 = tpu.memref_slice %arg6[%add3A_452, %dma_wait3A_467] : memref<56x128xi32, #tpu.memory_space<vmem>> -> memref<1x128xi32, #tpu.memory_space<vmem>>
      %dma_wait3A_469 = tpu.memref_squeeze %dma_wait3A_468 : memref<1x128xi32, #tpu.memory_space<vmem>> -> memref<128xi32, #tpu.memory_space<vmem>>
      %dma_wait3A_470 = arith.constant 0 : i32
      %dma_wait3A_471 = arith.constant 0 : i32
      %dma_wait3A_472 = tpu.memref_slice %arg2[%dma_wait3A_470, %dma_wait3A_471] : memref<20000x128xf32, #tpu.memory_space<hbm>> -> memref<20000x128xf32, #tpu.memory_space<hbm>>
      tpu.wait_indirect_dma semaphore(%arg12 : memref<!tpu.dma_semaphore, #tpu.memory_space<semaphore_mem>>) src(%dma_wait3A_472 : memref<20000x128xf32, #tpu.memory_space<hbm>>) dst(%arg9 : memref<128x128xf32, #tpu.memory_space<vmem>>)
      %add3A_473 = arith.constant 54 : i32
      %add3A_474 = arith.addi %add3A_473, %arg0 : i32
      "tpu.region"() ({
        %run_scoped3A = tpu.sem_alloc : memref<!tpu.dma_semaphore, #tpu.memory_space<semaphore_mem>>
        %dma_start3A_475 = arith.constant 0 : i32
        %dma_start3A_476 = tpu.memref_slice %arg7[%add3A_474, %dma_start3A_475] : memref<56x128xi32, #tpu.memory_space<vmem>> -> memref<1x128xi32, #tpu.memory_space<vmem>>
        %dma_start3A_477 = tpu.memref_squeeze %dma_start3A_476 : memref<1x128xi32, #tpu.memory_space<vmem>> -> memref<128xi32, #tpu.memory_space<vmem>>
        %dma_start3A_478 = arith.constant 0 : i32
        %dma_start3A_479 = arith.constant 0 : i32
        %dma_start3A_480 = tpu.memref_slice %arg10[%dma_start3A_478, %dma_start3A_479] : memref<10240x128xf32, #tpu.memory_space<vmem_shared>> -> memref<10240x128xf32, #tpu.memory_space<vmem_shared>>
        tpu.enqueue_indirect_dma source(%arg9 : memref<128x128xf32, #tpu.memory_space<vmem>>) target(%dma_start3A_480 : memref<10240x128xf32, #tpu.memory_space<vmem_shared>>) offsets(%dma_start3A_477 : memref<128xi32, #tpu.memory_space<vmem>>) semaphore(%run_scoped3A : memref<!tpu.dma_semaphore, #tpu.memory_space<semaphore_mem>>) {add = true}
        %dma_wait3A_481 = arith.constant 0 : i32
        %dma_wait3A_482 = tpu.memref_slice %arg7[%add3A_474, %dma_wait3A_481] : memref<56x128xi32, #tpu.memory_space<vmem>> -> memref<1x128xi32, #tpu.memory_space<vmem>>
        %dma_wait3A_483 = tpu.memref_squeeze %dma_wait3A_482 : memref<1x128xi32, #tpu.memory_space<vmem>> -> memref<128xi32, #tpu.memory_space<vmem>>
        %dma_wait3A_484 = arith.constant 0 : i32
        %dma_wait3A_485 = arith.constant 0 : i32
        %dma_wait3A_486 = tpu.memref_slice %arg10[%dma_wait3A_484, %dma_wait3A_485] : memref<10240x128xf32, #tpu.memory_space<vmem_shared>> -> memref<10240x128xf32, #tpu.memory_space<vmem_shared>>
        tpu.wait_indirect_dma semaphore(%run_scoped3A : memref<!tpu.dma_semaphore, #tpu.memory_space<semaphore_mem>>) src(%arg9 : memref<128x128xf32, #tpu.memory_space<vmem>>) dst(%dma_wait3A_486 : memref<10240x128xf32, #tpu.memory_space<vmem_shared>>)
        tpu.yield
      }) : () -> ()
    }
    %scan3A_16 = arith.constant 3 : i32
    %barrier3A_17 = arith.constant 0 : index
    tpu.barrier barrier_id(%barrier3A_17)
    %mul3A = arith.constant 640 : i32
    %mul3A_18 = arith.muli %arg1, %mul3A : i32
    %mul3A_19 = arith.constant 640 : i32
    %mul3A_20 = arith.muli %arg1, %mul3A_19 : i32
    "tpu.region"() ({
      %run_scoped3A = tpu.sem_alloc : memref<!tpu.dma_semaphore, #tpu.memory_space<semaphore_mem>>
      %dma_start3A = arith.constant 0 : i32
      %dma_start3A_21 = tpu.memref_slice %arg5[%arg0, %mul3A_20, %dma_start3A] : memref<2x10240x128xf32, #tpu.memory_space<hbm>> -> memref<1x640x128xf32, #tpu.memory_space<hbm>>
      %dma_start3A_22 = tpu.memref_squeeze %dma_start3A_21 : memref<1x640x128xf32, #tpu.memory_space<hbm>> -> memref<640x128xf32, #tpu.memory_space<hbm>>
      %dma_start3A_23 = arith.constant 0 : i32
      %dma_start3A_24 = tpu.memref_slice %arg10[%mul3A_18, %dma_start3A_23] : memref<10240x128xf32, #tpu.memory_space<vmem_shared>> -> memref<640x128xf32, #tpu.memory_space<vmem_shared>>
      tpu.enqueue_dma source(%dma_start3A_24 : memref<640x128xf32, #tpu.memory_space<vmem_shared>>) target(%dma_start3A_22 : memref<640x128xf32, #tpu.memory_space<hbm>>) target_semaphore(%run_scoped3A : memref<!tpu.dma_semaphore, #tpu.memory_space<semaphore_mem>>)
      %dma_wait3A = arith.constant 0 : i32
      %dma_wait3A_25 = tpu.memref_slice %arg5[%arg0, %mul3A_20, %dma_wait3A] : memref<2x10240x128xf32, #tpu.memory_space<hbm>> -> memref<1x640x128xf32, #tpu.memory_space<hbm>>
      %dma_wait3A_26 = tpu.memref_squeeze %dma_wait3A_25 : memref<1x640x128xf32, #tpu.memory_space<hbm>> -> memref<640x128xf32, #tpu.memory_space<hbm>>
      %dma_wait3A_27 = arith.constant 0 : i32
      %dma_wait3A_28 = tpu.memref_slice %arg10[%mul3A_18, %dma_wait3A_27] : memref<10240x128xf32, #tpu.memory_space<vmem_shared>> -> memref<640x128xf32, #tpu.memory_space<vmem_shared>>
      tpu.wait_dma2 semaphore(%run_scoped3A : memref<!tpu.dma_semaphore, #tpu.memory_space<semaphore_mem>>) src(%dma_wait3A_28 : memref<640x128xf32, #tpu.memory_space<vmem_shared>>) dst(%dma_wait3A_26 : memref<640x128xf32, #tpu.memory_space<hbm>>)
      tpu.yield
    }) : () -> ()
    return
  }
}

module attributes {stable_mosaic.version = 14 : i64} {
  func.func @_tc1_body(%arg0: memref<10000x128xf32, #tpu.memory_space<vmem>>, %arg1: memref<128x256xf32, #tpu.memory_space<vmem>>, %arg2: memref<2x10240xf32, #tpu.memory_space<vmem>>, %arg3: memref<2x10000x128xf32, #tpu.memory_space<vmem>>, %arg4: memref<10240xf32, #tpu.memory_space<vmem>>) attributes {dimension_semantics = [], scalar_prefetch = 0 : i64, scratch_operands = 0 : i64, tpu.core_type = #tpu.core_type<tc>} {
    %get3A = arith.constant 0 : index
    %get3A_0 = arith.constant 0 : index
    %get3A_1 = vector.load %arg2[%get3A, %get3A_0] : memref<2x10240xf32, #tpu.memory_space<vmem>>, vector<1x10240xf32>
    %get3A_2 = vector.shape_cast %get3A_1 : vector<1x10240xf32> to vector<10240xf32>
    %get3A_3 = arith.constant 1 : index
    %get3A_4 = arith.constant 0 : index
    %get3A_5 = vector.load %arg2[%get3A_3, %get3A_4] : memref<2x10240xf32, #tpu.memory_space<vmem>>, vector<1x10240xf32>
    %get3A_6 = vector.shape_cast %get3A_5 : vector<1x10240xf32> to vector<10240xf32>
    %add3A = arith.addf %get3A_2, %get3A_6 : vector<10240xf32>
    %gt3A = arith.constant 0.000000e+00 : f32
    %gt3A_7 = vector.broadcast %gt3A : f32 to vector<10240xf32>
    %gt3A_8 = arith.cmpf ogt, %add3A, %gt3A_7 : vector<10240xf32>
    %rsqrt3A = math.rsqrt %add3A : vector<10240xf32>
    %jit3A = arith.constant 0.000000e+00 : f32
    %broadcast_in_dim3A = vector.broadcast %jit3A : f32 to vector<10240xf32>
    %select_n3A = arith.select %gt3A_8, %rsqrt3A, %broadcast_in_dim3A : vector<10240xi1>, vector<10240xf32>
    %swap3A = arith.constant 0 : index
    %swap3A_9 = vector.load %arg4[%swap3A] : memref<10240xf32, #tpu.memory_space<vmem>>, vector<10240xf32>
    tpu.vector_store %arg4[%swap3A], %select_n3A {strides = array<i32>} : memref<10240xf32, #tpu.memory_space<vmem>>, vector<10240xf32>,
    %get3A_10 = arith.constant 0 : index
    %get3A_11 = arith.constant 0 : index
    %get3A_12 = vector.load %arg0[%get3A_10, %get3A_11] : memref<10000x128xf32, #tpu.memory_space<vmem>>, vector<10000x128xf32>
    %get3A_13 = arith.constant 0 : index
    %get3A_14 = arith.constant 0 : index
    %get3A_15 = vector.load %arg1[%get3A_13, %get3A_14] : memref<128x256xf32, #tpu.memory_space<vmem>>, vector<128x256xf32>
    %dot_general3A = arith.constant dense<0.000000e+00> : vector<10000x256xf32>
    %dot_general3A_16 = tpu.matmul %get3A_12, %get3A_15, %dot_general3A {dimension_numbers = #tpu.dot_dimension_numbers<[1], [0], [0], [1], [0, 0, 1, 1], [], []>, transpose_lhs_hint = false} : vector<10000x128xf32>, vector<128x256xf32>, vector<10000x256xf32> -> vector<10000x256xf32>
    %slice3A = vector.extract_strided_slice %select_n3A {offsets = [0], sizes = [10000], strides = [1]} : vector<10240xf32> to vector<10000xf32>
    %broadcast_in_dim3A_17 = vector.shape_cast %slice3A : vector<10000xf32> to vector<10000x1xf32>
    %mul3A = vector.broadcast %broadcast_in_dim3A_17 : vector<10000x1xf32> to vector<10000x256xf32>
    %mul3A_18 = arith.mulf %dot_general3A_16, %mul3A : vector<10000x256xf32>
    %slice3A_19 = vector.extract_strided_slice %mul3A_18 {offsets = [0, 0], sizes = [10000, 128], strides = [1, 1]} : vector<10000x256xf32> to vector<10000x128xf32>
    %swap3A_20 = arith.constant 0 : index
    %swap3A_21 = arith.constant 0 : index
    %swap3A_22 = arith.constant 0 : index
    %swap3A_23 = vector.load %arg3[%swap3A_20, %swap3A_21, %swap3A_22] : memref<2x10000x128xf32, #tpu.memory_space<vmem>>, vector<1x10000x128xf32>
    %swap3A_24 = vector.shape_cast %swap3A_23 : vector<1x10000x128xf32> to vector<10000x128xf32>
    %swap3A_25 = vector.shape_cast %slice3A_19 : vector<10000x128xf32> to vector<1x10000x128xf32>
    tpu.vector_store %arg3[%swap3A_20, %swap3A_21, %swap3A_22], %swap3A_25 {strides = array<i32>} : memref<2x10000x128xf32, #tpu.memory_space<vmem>>, vector<1x10000x128xf32>,
    %slice3A_26 = vector.extract_strided_slice %mul3A_18 {offsets = [0, 128], sizes = [10000, 128], strides = [1, 1]} : vector<10000x256xf32> to vector<10000x128xf32>
    %swap3A_27 = arith.constant 1 : index
    %swap3A_28 = arith.constant 0 : index
    %swap3A_29 = arith.constant 0 : index
    %swap3A_30 = vector.load %arg3[%swap3A_27, %swap3A_28, %swap3A_29] : memref<2x10000x128xf32, #tpu.memory_space<vmem>>, vector<1x10000x128xf32>
    %swap3A_31 = vector.shape_cast %swap3A_30 : vector<1x10000x128xf32> to vector<10000x128xf32>
    %swap3A_32 = vector.shape_cast %slice3A_26 : vector<10000x128xf32> to vector<1x10000x128xf32>
    tpu.vector_store %arg3[%swap3A_27, %swap3A_28, %swap3A_29], %swap3A_32 {strides = array<i32>} : memref<2x10000x128xf32, #tpu.memory_space<vmem>>, vector<1x10000x128xf32>,
    return
  }
}

module attributes {stable_mosaic.version = 14 : i64} {
  func.func @_tc2_body(%arg0: memref<2x10240x128xf32, #tpu.memory_space<vmem>>, %arg1: memref<256x128xf32, #tpu.memory_space<vmem>>, %arg2: memref<256xf32, #tpu.memory_space<vmem>>, %arg3: memref<10240xf32, #tpu.memory_space<vmem>>, %arg4: memref<10000x128xf32, #tpu.memory_space<vmem>>) attributes {dimension_semantics = [], scalar_prefetch = 0 : i64, scratch_operands = 0 : i64, tpu.core_type = #tpu.core_type<tc>} {
    %get3A = arith.constant 0 : index
    %get3A_0 = vector.load %arg3[%get3A] : memref<10240xf32, #tpu.memory_space<vmem>>, vector<10240xf32>
    %slice3A = vector.extract_strided_slice %get3A_0 {offsets = [0], sizes = [10000], strides = [1]} : vector<10240xf32> to vector<10000xf32>
    %get3A_1 = arith.constant 0 : index
    %get3A_2 = arith.constant 0 : index
    %get3A_3 = arith.constant 0 : index
    %get3A_4 = vector.load %arg0[%get3A_1, %get3A_2, %get3A_3] : memref<2x10240x128xf32, #tpu.memory_space<vmem>>, vector<1x10000x128xf32>
    %get3A_5 = vector.shape_cast %get3A_4 : vector<1x10000x128xf32> to vector<10000x128xf32>
    %broadcast_in_dim3A = vector.shape_cast %slice3A : vector<10000xf32> to vector<10000x1xf32>
    %mul3A = vector.broadcast %broadcast_in_dim3A : vector<10000x1xf32> to vector<10000x128xf32>
    %mul3A_6 = arith.mulf %get3A_5, %mul3A : vector<10000x128xf32>
    %get3A_7 = arith.constant 0 : index
    %get3A_8 = vector.load %arg2[%get3A_7] : memref<256xf32, #tpu.memory_space<vmem>>, vector<256xf32>
    %slice3A_9 = vector.extract_strided_slice %get3A_8 {offsets = [0], sizes = [128], strides = [1]} : vector<256xf32> to vector<128xf32>
    %broadcast_in_dim3A_10 = vector.shape_cast %slice3A_9 : vector<128xf32> to vector<1x128xf32>
    %add3A = vector.broadcast %broadcast_in_dim3A_10 : vector<1x128xf32> to vector<10000x128xf32>
    %add3A_11 = arith.addf %mul3A_6, %add3A : vector<10000x128xf32>
    %get3A_12 = arith.constant 1 : index
    %get3A_13 = arith.constant 0 : index
    %get3A_14 = arith.constant 0 : index
    %get3A_15 = vector.load %arg0[%get3A_12, %get3A_13, %get3A_14] : memref<2x10240x128xf32, #tpu.memory_space<vmem>>, vector<1x10000x128xf32>
    %get3A_16 = vector.shape_cast %get3A_15 : vector<1x10000x128xf32> to vector<10000x128xf32>
    %broadcast_in_dim3A_17 = vector.shape_cast %slice3A : vector<10000xf32> to vector<10000x1xf32>
    %mul3A_18 = vector.broadcast %broadcast_in_dim3A_17 : vector<10000x1xf32> to vector<10000x128xf32>
    %mul3A_19 = arith.mulf %get3A_16, %mul3A_18 : vector<10000x128xf32>
    %get3A_20 = arith.constant 0 : index
    %get3A_21 = vector.load %arg2[%get3A_20] : memref<256xf32, #tpu.memory_space<vmem>>, vector<256xf32>
    %slice3A_22 = vector.extract_strided_slice %get3A_21 {offsets = [128], sizes = [128], strides = [1]} : vector<256xf32> to vector<128xf32>
    %broadcast_in_dim3A_23 = vector.shape_cast %slice3A_22 : vector<128xf32> to vector<1x128xf32>
    %add3A_24 = vector.broadcast %broadcast_in_dim3A_23 : vector<1x128xf32> to vector<10000x128xf32>
    %add3A_25 = arith.addf %mul3A_19, %add3A_24 : vector<10000x128xf32>
    %max3A = arith.constant 0.000000e+00 : f32
    %max3A_26 = vector.broadcast %max3A : f32 to vector<10000x128xf32>
    %max3A_27 = arith.maximumf %add3A_11, %max3A_26 : vector<10000x128xf32>
    %max3A_28 = arith.constant 0.000000e+00 : f32
    %max3A_29 = vector.broadcast %max3A_28 : f32 to vector<10000x128xf32>
    %max3A_30 = arith.maximumf %add3A_25, %max3A_29 : vector<10000x128xf32>
    %concatenate3A = tpu.concatenate %max3A_27, %max3A_30 in 1 : vector<10000x128xf32>, vector<10000x128xf32> -> vector<10000x256xf32>
    %get3A_31 = arith.constant 0 : index
    %get3A_32 = arith.constant 0 : index
    %get3A_33 = vector.load %arg1[%get3A_31, %get3A_32] : memref<256x128xf32, #tpu.memory_space<vmem>>, vector<256x128xf32>
    %dot_general3A = arith.constant dense<0.000000e+00> : vector<10000x128xf32>
    %dot_general3A_34 = tpu.matmul %concatenate3A, %get3A_33, %dot_general3A {dimension_numbers = #tpu.dot_dimension_numbers<[1], [0], [0], [1], [0, 0, 1, 1], [], []>, transpose_lhs_hint = false} : vector<10000x256xf32>, vector<256x128xf32>, vector<10000x128xf32> -> vector<10000x128xf32>
    %broadcast_in_dim3A_35 = vector.shape_cast %slice3A : vector<10000xf32> to vector<10000x1xf32>
    %mul3A_36 = vector.broadcast %broadcast_in_dim3A_35 : vector<10000x1xf32> to vector<10000x128xf32>
    %mul3A_37 = arith.mulf %dot_general3A_34, %mul3A_36 : vector<10000x128xf32>
    %swap3A = arith.constant 0 : index
    %swap3A_38 = arith.constant 0 : index
    %swap3A_39 = vector.load %arg4[%swap3A, %swap3A_38] : memref<10000x128xf32, #tpu.memory_space<vmem>>, vector<10000x128xf32>
    tpu.vector_store %arg4[%swap3A, %swap3A_38], %mul3A_37 {strides = array<i32>} : memref<10000x128xf32, #tpu.memory_space<vmem>>, vector<10000x128xf32>,
    return
  }
}

module attributes {stable_mosaic.version = 14 : i64} {
  func.func @_tc3_body(%arg0: memref<2x10240x128xf32, #tpu.memory_space<vmem>>, %arg1: memref<128xf32, #tpu.memory_space<vmem>>, %arg2: memref<10240xf32, #tpu.memory_space<vmem>>, %arg3: memref<10000x128xf32, #tpu.memory_space<vmem>>) attributes {dimension_semantics = [], scalar_prefetch = 0 : i64, scratch_operands = 0 : i64, tpu.core_type = #tpu.core_type<tc>} {
    %get3A = arith.constant 0 : index
    %get3A_0 = vector.load %arg2[%get3A] : memref<10240xf32, #tpu.memory_space<vmem>>, vector<10240xf32>
    %slice3A = vector.extract_strided_slice %get3A_0 {offsets = [0], sizes = [10000], strides = [1]} : vector<10240xf32> to vector<10000xf32>
    %get3A_1 = arith.constant 0 : index
    %get3A_2 = arith.constant 0 : index
    %get3A_3 = arith.constant 0 : index
    %get3A_4 = vector.load %arg0[%get3A_1, %get3A_2, %get3A_3] : memref<2x10240x128xf32, #tpu.memory_space<vmem>>, vector<1x10000x128xf32>
    %get3A_5 = vector.shape_cast %get3A_4 : vector<1x10000x128xf32> to vector<10000x128xf32>
    %get3A_6 = arith.constant 1 : index
    %get3A_7 = arith.constant 0 : index
    %get3A_8 = arith.constant 0 : index
    %get3A_9 = vector.load %arg0[%get3A_6, %get3A_7, %get3A_8] : memref<2x10240x128xf32, #tpu.memory_space<vmem>>, vector<1x10000x128xf32>
    %get3A_10 = vector.shape_cast %get3A_9 : vector<1x10000x128xf32> to vector<10000x128xf32>
    %add3A = arith.addf %get3A_5, %get3A_10 : vector<10000x128xf32>
    %broadcast_in_dim3A = vector.shape_cast %slice3A : vector<10000xf32> to vector<10000x1xf32>
    %mul3A = vector.broadcast %broadcast_in_dim3A : vector<10000x1xf32> to vector<10000x128xf32>
    %mul3A_11 = arith.mulf %add3A, %mul3A : vector<10000x128xf32>
    %get3A_12 = arith.constant 0 : index
    %get3A_13 = vector.load %arg1[%get3A_12] : memref<128xf32, #tpu.memory_space<vmem>>, vector<128xf32>
    %broadcast_in_dim3A_14 = vector.shape_cast %get3A_13 : vector<128xf32> to vector<1x128xf32>
    %add3A_15 = vector.broadcast %broadcast_in_dim3A_14 : vector<1x128xf32> to vector<10000x128xf32>
    %add3A_16 = arith.addf %mul3A_11, %add3A_15 : vector<10000x128xf32>
    %swap3A = arith.constant 0 : index
    %swap3A_17 = arith.constant 0 : index
    %swap3A_18 = vector.load %arg3[%swap3A, %swap3A_17] : memref<10000x128xf32, #tpu.memory_space<vmem>>, vector<10000x128xf32>
    tpu.vector_store %arg3[%swap3A, %swap3A_17], %add3A_16 {strides = array<i32>} : memref<10000x128xf32, #tpu.memory_space<vmem>>, vector<10000x128xf32>,
    return
  }
}

</mosaic_0001>

<sc_bundles>
// kernel: kernel.11.cloned.1.call-start
scs
__scs_entry_jumppad:
0x0: {  	(pc) =	sbr.rel $0x88, $3  }
0x1: {  	(tag) =	ssettag $0x0;
	lr =	simm.s32 $0x1  }
0x2: {  	[smem:$0x3F9B] =	sst lr;
	_ =	strace $0xD0000000  }
0x3: {  	_ = 	snop  }
0x4: {  	_ = 	snop  }
0x5: {  	_ = 	snop  }
0x6: {  	_ = 	snop  }
0x7: {  	_ = 	snop  }
__scs_overlays_trampoline_lowered:
0x8: {  	[smem:$0x3FAA] =	sst s0  }
0x9: {  	[smem:$0x3FAB] =	sst s1  }
0xa: {  	[smem:$0x3FAC] =	sst s2  }
0xb: {  	[smem:$0x3FAD] =	sst s3  }
0xc: {  	[smem:$0x3FAE] =	sst s4  }
0xd: {  	[smem:$0x3FAF] =	sst s5  }
0xe: {  	[smem:$0x3FB0] =	sst s6  }
0xf: {  	[smem:$0x3FB1] =	sst s7  }
0x10: {  	[smem:$0x3FB2] =	sst s8  }
0x11: {  	[smem:$0x3FB3] =	sst s9;
	s0 =	simm.s32 @!p0 $0x0  }
0x12: {  	s1 =	sld [smem:$0x3F99];
	s0 =	simm.s32 @p0 $0x1  }
0x13: {  	[smem:$0x3FB4] =	sst s0;
	s0 =	simm.s32 @!p1 $0x0  }
0x14: {  	s2 =	sld [smem:$0x3F98];
	s0 =	simm.s32 @p1 $0x1  }
0x15: {  	[smem:$0x3FB5] =	sst s0;
	s0 =	simm.s32 @!p2 $0x0  }
0x16: {  	s3 =	sld [smem:$0x3FDB];
	s0 =	simm.s32 @p2 $0x1  }
0x17: {  	s4 =	simm.s32 $0x1BF5;
	[smem:$0x3FB7] =	sst s0  }
0x18: {  	s0 =	sld [smem:$0x3F9A];
	_ =	swait.ge [sflag:s4], $0x0  }
0x19: {  	s7 =	sld [smem:$0x3F9B]  }
0x1a: {  	s8 =	sadd.s32 $0xFFFFE003, lr  }
0x1b: {  	s9 =	sadd.s32 $0xFFFFFEF7, lr;
	s5 =	simm.s32 $0xFFFFFFFF;
	p2 =	slt.u32 s8, $0xFFFFF086  }
0x1c: {  	p1 =	slt.u32 s9, $0xF7A;
	s5 =	simm.s32 @!p2 $0x0  }
0x1d: {  	s5 =	simm.s32 @p1 $0x1;
	p0 =	seq.s32 s7, s2  }
0x1e: {  	s7 =	smul.u32 @!p0 $0xF7A, s2;
	p2 =	seq.s32 @!p0 s5, $0x0  }
0x1f: {  	s9 =	smul.u32 $0xF7A, s1;
	s8 =	simm.s32 @!p0 $0x1BF5;
	p2 =	por !p2, p0  }
0x20: {  	[sflag:s8] =	ssyncset.s32 @!p0 $0xFFFFF086;
	s6 =	sadd.s32 @!p0 s3, s7;
	s7 =	simm.s32 @!p0 $0x108  }
0x21: {  	s3 =	sadd.s32 s3, s9;
	s6 =	sadd.s32 @!p0 $0x88, s6;
	s7 =	simm.s32 @p2 $0x1082  }
0x22: {  	[simem:s7], [sflag:s8] =	dma.local @!p0 [hbm:s6], $0xF7A  }
0x23: {  	s9 =	sor.u32 $0xD0000000, s2;
	s6 =	simm.s32 $0x108;
	_ =	swait.ge @!p0 [sflag:s8], $0x0  }
0x24: {  	s3 =	sadd.s32 $0x88, s3;
	s6 =	simm.s32 @!p1 $0x1082;
	[sflag:s4] =	ssyncset.s32 $0xFFFFF086  }
0x25: {  	[simem:s6], [sflag:s4] =	dma.local [hbm:s3], $0xF7A  }
0x26: {  	[smem:$0x3F9B] =	sst s1;
	(tag) =	ssettag s2;
	_ =	strace s9  }
0x27: {  	s1 =	sld [smem:$0x3FAB]  }
0x28: {  	s2 =	sld [smem:$0x3FAC]  }
0x29: {  	s4 =	sld [smem:$0x3FAE]  }
0x2a: {  	p0 =	seq.s32 s5, $0x0;
	s5 =	sld [smem:$0x3FAF]  }
0x2b: {  	s6 =	sld [smem:$0x3FB0]  }
0x2c: {  	s7 =	sld [smem:$0x3FB1]  }
0x2d: {  	s3 =	simm.s32 $0x108;
	s8 =	sld [smem:$0x3FB2]  }
0x2e: {  	s3 =	simm.s32 @!p0 $0x1082;
	s9 =	sld [smem:$0x3FB3]  }
0x2f: {  	lr =	sadd.s32 s0, s3;
	s0 =	sld [smem:$0x3FAA]  }
0x30: {  	s3 =	sld [smem:$0x3FAD]  }
0x31: {  	[smem:$0x3FB6] =	sst s10  }
0x32: {  	s10 =	sld [smem:$0x3FB4];
	_ =	sdelay $0x3  }
0x33: {  	p0 =	seq.s32 s10, $0x1;
	s10 =	sld [smem:$0x3FB6];
	_ =	sdelay $0x3  }
0x34: {  	[smem:$0x3FB6] =	sst s10  }
0x35: {  	s10 =	sld [smem:$0x3FB5];
	_ =	sdelay $0x3  }
0x36: {  	p1 =	seq.s32 s10, $0x1;
	s10 =	sld [smem:$0x3FB6];
	_ =	sdelay $0x3  }
0x37: {  	[smem:$0x3FB6] =	sst s10  }
0x38: {  	s10 =	sld [smem:$0x3FB7]  }
0x39: {  	_ = 	snop;
	(pc) =	sbr.ind lr, $3  }
0x3a: {  	_ = 	snop  }
0x3b: {  	_ = 	snop  }
0x3c: {  	p2 =	seq.s32 s10, $0x1;
	s10 =	sld [smem:$0x3FB6]  }
0x3d: {  	_ =	shalt  }
0x3e: {  	_ =	shalt  }
0x3f: {  	_ =	shalt  }
0x40: {  	_ =	shalt  }
0x41: {  	_ =	shalt  }
0x42: {  	_ =	shalt  }
0x43: {  	_ =	shalt  }
0x44: {  	_ =	shalt  }
0x45: {  	_ =	shalt  }
0x46: {  	_ =	shalt  }
0x47: {  	_ =	shalt  }
0x48: {  	_ =	shalt  }
0x49: {  	_ =	shalt  }
0x4a: {  	_ =	shalt  }
0x4b: {  	_ =	shalt  }
0x4c: {  	_ =	shalt  }
0x4d: {  	_ =	shalt  }
0x4e: {  	_ =	shalt  }
0x4f: {  	_ =	shalt  }
0x50: {  	_ =	shalt  }
0x51: {  	_ =	shalt  }
0x52: {  	_ =	shalt  }
0x53: {  	_ =	shalt  }
0x54: {  	_ =	shalt  }
0x55: {  	_ =	shalt  }
0x56: {  	_ =	shalt  }
0x57: {  	_ =	shalt  }
0x58: {  	_ =	shalt  }
0x59: {  	_ =	shalt  }
0x5a: {  	_ =	shalt  }
0x5b: {  	_ =	shalt  }
0x5c: {  	_ =	shalt  }
0x5d: {  	_ =	shalt  }
0x5e: {  	_ =	shalt  }
0x5f: {  	_ =	shalt  }
0x60: {  	_ =	shalt  }
0x61: {  	_ =	shalt  }
0x62: {  	_ =	shalt  }
0x63: {  	_ =	shalt  }
0x64: {  	_ =	shalt  }
0x65: {  	_ =	shalt  }
0x66: {  	_ =	shalt  }
0x67: {  	_ =	shalt  }
0x68: {  	_ =	shalt  }
0x69: {  	_ =	shalt  }
0x6a: {  	_ =	shalt  }
0x6b: {  	_ =	shalt  }
0x6c: {  	_ =	shalt  }
0x6d: {  	_ =	shalt  }
0x6e: {  	_ =	shalt  }
0x6f: {  	_ =	shalt  }
0x70: {  	_ =	shalt  }
0x71: {  	_ =	shalt  }
0x72: {  	_ =	shalt  }
0x73: {  	_ =	shalt  }
0x74: {  	_ =	shalt  }
0x75: {  	_ =	shalt  }
0x76: {  	_ =	shalt  }
0x77: {  	_ =	shalt  }
0x78: {  	_ =	shalt  }
0x79: {  	_ =	shalt  }
0x7a: {  	_ =	shalt  }
0x7b: {  	_ =	shalt  }
0x7c: {  	_ =	shalt  }
0x7d: {  	_ =	shalt  }
0x7e: {  	_ =	shalt  }
0x7f: {  	_ =	shalt  }
0x80: {  	_ =	shalt  }
0x81: {  	_ =	shalt  }
0x82: {  	_ =	shalt  }
0x83: {  	_ =	shalt  }
0x84: {  	_ =	shalt  }
0x85: {  	_ =	shalt  }
0x86: {  	_ =	shalt  }
0x87: {  	_ =	shalt  }
.Lfunc_end0:
.L_simem_size_0:
called_computation.1_lowered:
.L_overlay_start_0:
0x88: {  	s2 =	sld [smem:$0x3FD9]  }
0x89: {  	s3 =	sld [smem:$0x3FFE];
	_ =	sdelay $0x1  }
0x8a: {  	s1 =	srdreg.scid  }
0x8b: {  	s0 =	sand.u32 $0x1, s1  }
0x8c: {  	s17 =	sshll.u32 s0, $0xA;
	s2 =	sadd.s32 s3, s2  }
0x8d: {  	s2 =	sadd.s32 s2, s17  }
0x8e: {  	[smem:$0x3FC2] =	sst s2  }
0x8f: {  	_ = 	snop  }
0x90: {  	s2 =	sld [smem:$0x3FD0];
	(tm) =	ssettm $0x1  }
0x91: {  	s18 =	sld [smem:$0x3FFB];
	_ =	sdelay $0x3  }
0x92: {  	_ =	strace s18  }
0x93: {  	s3 =	sld [smem:$0x3FFC];
	_ =	sdelay $0x3  }
0x94: {  	_ =	strace s3  }
0x95: {  	s3 =	sld [smem:$0x3FFD];
	_ =	sdelay $0x3  }
0x96: {  	_ =	strace s3  }
0x97: {  	_ =	strace $0x8FFFFFFF  }
0x98: {  	s19 =	sld [smem:$0x3FDB];
	_ =	sdelay $0x1  }
0x99: {  	s4 =	simm.s32 $_scs_section_size  }
0x9a: {  	s5 =	simm.s32 $_size__tile_overlayer_lowered;
	s6 =	simm.s32 $_tile_overlayer_lowered  }
0x9b: {  	s22 =	simm.s32 $0x1BFF;
	s21 =	sshll.u32 s6, $0x1;
	s3 =	sadd.s32 s4, s19  }
0x9c: {  	s7 =	simm.s32 $0x0;
	s20 =	sshll.u32 s5, $0x1;
	s5 =	sadd.s32 s21, s3  }
0x9d: {  	[timem:s7], [sflag:s22] =	dma.local [hbm:s5], s20  }
0x9e: {  	_ =	swait.ge [sflag:s22], s20  }
0x9f: {  	s4 =	ssub.s32 $0x0, s20;
	[sflag:s22] =	ssyncset.done $0x0  }
0xa0: {  	[sflag:s22] =	ssyncadd.s32 s4;
	_ =	sdelay $0x1  }
0xa1: {  	s23 =	simm.s32 $0x1B8B  }
0xa2: {  	_ =	swait.ge [sflag:s23], $0x1  }
0xa3: {  	[sflag:s23] =	ssyncset.done $0x0  }
0xa4: {  	s25 =	simm.s32 $0x1B8E;
	s24 =	sld [smem:$0x3FFE];
	[sflag:s23] =	ssyncadd.s32 $0xFFFFFFFF  }
0xa5: {  	s26 =	simm.s32 $execute0_lowered;
	[smem:$0x3FD2] =	sst s25  }
0xa6: {  	s5 =	sshll.u32 s26, $0x1;
	_ =	strace $0x80000049;
	[dreg:$0x1] =	wrdreg $0xFFFFFFFF  }
0xa7: {  	s28 =	simm.s32 $_size_execute0_lowered;
	s3 =	sadd.s32 s3, s5;
	[dreg:$0x0] =	wrdreg $0x0  }
0xa8: {  	s5 =	sshll.u32 s28, $0x1;
	[dreg:$0x2] =	wrdreg s3  }
0xa9: {  	[dreg:$0x3] =	wrdreg s5  }
0xaa: {  	[dreg:$0x4] =	wrdreg $0xC0  }
0xab: {  	_ =	task [dreg:s7], $0x5FFFF  }
0xac: {  	[dreg:$0x1] =	wrdreg $0xFFFFFFFF  }
0xad: {  	[dreg:$0x0] =	wrdreg $0x60  }
0xae: {  	[dreg:$0x2] =	wrdreg s24  }
0xaf: {  	[dreg:$0x3] =	wrdreg s2  }
0xb0: {  	[dreg:$0x4] =	wrdreg $0xB8000  }
0xb1: {  	[dreg:$0x5] =	wrdreg $0x9  }
0xb2: {  	_ =	task.clear_ibuf [dreg:s7], $0x6FFFF;
	_ =	strace $0x90000049  }
0xb3: {  	s29 =	simm.s32 $0x9;
	_ =	strace $0x8000004B  }
0xb4: {  	_ =	swait.ge [sflag:s29], $0x1  }
0xb5: {  	[sflag:s29] =	ssyncadd.s32 $0xFFFFFFFF  }
0xb6: {  	_ =	strace $0x9000004B  }
0xb7: {  	_ =	sfence  }
0xb8: {  	s30 =	sld [smem:$0x0];
	_ =	sdelay $0x2  }
0xb9: {  	s31 =	sshll.u32 s1, $0xD;
	s1 =	sshrl.u32 s1, $0x2  }
0xba: {  	s3 =	sand.u32 $0x4000, s31;
	s1 =	sadd.s32 s1, s30  }
0xbb: {  	s0 =	sor.u32 s3, s0;
	s1 =	sshll.u32 s1, $0x11  }
0xbc: {  	s0 =	sor.u32 s1, s0  }
0xbd: {  	s0 =	sadd.s32 $0x8F2B, s0  }
0xbe: {  	[sflag:s0] =	ssyncadd.remote.s32 $0x1  }
0xbf: {  	_ =	sfence.sel $0xFFFF  }
0xc0: {  	[dreg:$0x0] =	wrdreg $0xFFFFFFFF;
	(pc) =	sbr.abs _section_cstart, $3  }
0xc1: {  	[dreg:$0x1] =	wrdreg $0xFFFFFFFF  }
0xc2: {  	_ =	task.clear_ibuf [dreg:s7], $0x2FFFF;
	_ =	strace $0x9FFFFFFF  }
0xc3: {  	(tm) =	ssettm $0x7FFFFFFF  }
tec
execute0_lowered:
.L_overlay_start_1:
0x0: {  	(tag) =	ssettag $0x1  }
0x1: {  	s0 =	rddreg [dreg:$0x0]  }
0x2: {  	s1 =	srdreg.scid;
	s3 =	rddreg [dreg:$0x2]  }
0x3: {  	s7 =	stileid.u32;
	s5 =	simm.s32 $0x0;
	s15 =	simm.s32 $0x3800  }
0x4: {  	s16 =	simm.s32 $0x3;
	s17 =	simm.s32 $0x1C00;
	s18 =	simm.s32 $0x80  }
0x5: {  	s19 =	simm.s32 $0x7800;
	s20 =	simm.s32 $0x1;
	s28 =	simm.s32 $0x1B00  }
0x6: {  	s29 =	simm.s32 $0x3680;
	s30 =	simm.s32 $0x1B80;
	s4 =	smul.u32 $0x14000, s7  }
0x7: {  	s31 =	simm.s32 $0x3700;
	s1 =	sand.u32 $0x1, s1;
	s12 =	smul.u32 $0x50000, s7  }
0x8: {  	[smem:$0x7FF] =	sst s5;
	s5 =	sadd.s32 $0xD400, s0;
	s7 =	smul.u32 $0x5400, s7  }
0x9: {  	s6 =	sadd.s32 $0x2C00, s0;
	s2 =	smul.u32 $0x140000, s1;
	s13 =	ssub.s32 $0x2, s1  }
0xa: {  	_ =	strace $0x8000004A;
	s14 =	smul.u32 $0x2710, s1;
	s8 =	sshrl.u32 s13, $0x1  }
0xb: {  	s2 =	sadd.s32 s4, s2;
	s4 =	sshrl.u32 s12, $0x2;
	s8 =	ssub.s32 s13, s8  }
0xc: {  	v0 =	vmov s14;
	s14 =	simm.s32 $0x0;
	s2 =	sshrl.u32 s2, $0x3;
	s22 =	smax.u32 s8, $0x1  }
0xd: {  	s11 =	sadd.s32 s4, s3;
	s8 =	simm.s32 $0x3480;
	[dreg:$0x6] =	wrdreg s22  }
0xe: {  	s4 =	simm.s32 $0x0;
	s23 =	sadd.s32 $0x4000, s11;
	[dreg:$0x4] =	wrdreg s11  }
0xf: {  	s2 =	sadd.s32 s2, s0;
	s24 =	sadd.s32 $0x8000, s11;
	[dreg:$0x7] =	wrdreg s23  }
0x10: {  	s25 =	sadd.s32 $0xC000, s11;
	s26 =	sadd.s32 $0x10000, s11;
	[dreg:$0x8] =	wrdreg s24  }
0x11: {  	s22 =	simm.s32 $0x2;
	s0 =	simm.s32 $0x3780;
	[dreg:$0x9] =	wrdreg s25  }
0x12: {  	s21 =	sadd.s32 $0x5B600, s2;
	[dreg:$0xa] =	wrdreg s26;
	s2 =	simm.s32 $0x1980  }
0x13: {  	s23 =	simm.s32 $0x1A00;
	s24 =	simm.s32 $0x3580;
	s25 =	simm.s32 $0x1A80  }
0x14: {  	v1 =	vimm.f32 $0.0e+00;
	s26 =	simm.s32 $0x3600;
	[dreg:$0x5] =	wrdreg s21;
	s21 =	simm.s32 $0x3500  }
.LBB2_1:
0x15: {  	s13 =	simm.s32 $0x0  }
0x16: {  	s1 =	sand.u32 $0xFE00, s13  }
0x17: {  	[dreg:$0xb] =	wrdreg s4;
	s4 =	sand.u32 $0x70, s13;
	s9 =	sshrl.u32 s1, $0x2  }
0x18: {  	s1 =	simm.s32 $0x40;
	s9 =	sor.u32 s4, s9;
	s4 =	simm.s32 $0x0  }
.LBB2_2:
0x19: {  	p0 =	sne.s32 s1, $0xFFC0  }
0x1a: {  	[tilespmem:s9+$0x3800] =	vst v1;
	s4 =	sadd.s32 $0x10, s4;
	s9 =	smov.u32 s1;
	s1 =	sadd.s32 $0x40, s1  }
.Ltmp0:
0x1b: {  	(pc) =	sbr.rel @p0 .LBB2_2-.Ltmp0, $4  }
0x1c: {  	_ = 	snop  }
0x1d: {  	s9 =	sand.u32 $0xFE00, s9  }
0x1e: {  	s10 =	sand.u32 $0x70, s4;
	s9 =	sshrl.u32 s9, $0x2  }
0x1f: {  	s9 =	sor.u32 s10, s9  }
0x20: {  	[tilespmem:s9+$0x3800] =	vst v1  }
0x21: {  	[spmem:s11] =	stream.linear.scatter [tilespmem:s15], [sflag:$0x3], $0x4000, $0x38;
	[tilespmem:$0x1F800] =	vst v63  }
0x22: {  	_ =	swait.ge [sflag:s16], $0x4000  }
0x23: {  	[sflag:s16] =	ssyncset.done $0x0  }
0x24: {  	s1 =	rddreg [dreg:$0x7];
	[sflag:s16] =	ssyncadd.s32 $0xFFFFC000  }
0x25: {  	[spmem:s1] =	stream.linear.scatter [tilespmem:s15], [sflag:$0x3], $0x4000, $0x38;
	[tilespmem:$0x1F800] =	vst v63  }
0x26: {  	_ =	swait.ge [sflag:s16], $0x4000  }
0x27: {  	[sflag:s16] =	ssyncset.done $0x0  }
0x28: {  	s11 =	rddreg [dreg:$0x8];
	[sflag:s16] =	ssyncadd.s32 $0xFFFFC000  }
0x29: {  	[spmem:s11] =	stream.linear.scatter [tilespmem:s15], [sflag:$0x3], $0x4000, $0x38;
	[tilespmem:$0x1F800] =	vst v63  }
0x2a: {  	_ =	swait.ge [sflag:s16], $0x4000  }
0x2b: {  	[sflag:s16] =	ssyncset.done $0x0  }
0x2c: {  	s12 =	rddreg [dreg:$0x9];
	[sflag:s16] =	ssyncadd.s32 $0xFFFFC000  }
0x2d: {  	[spmem:s12] =	stream.linear.scatter [tilespmem:s15], [sflag:$0x3], $0x4000, $0x38;
	[tilespmem:$0x1F800] =	vst v63  }
0x2e: {  	_ =	swait.ge [sflag:s16], $0x4000  }
0x2f: {  	[sflag:s16] =	ssyncset.done $0x0  }
0x30: {  	s13 =	rddreg [dreg:$0xa];
	[sflag:s16] =	ssyncadd.s32 $0xFFFFC000  }
0x31: {  	[spmem:s13] =	stream.linear.scatter [tilespmem:s15], [sflag:$0x3], $0x4000, $0x38;
	[tilespmem:$0x1F800] =	vst v63  }
0x32: {  	_ =	swait.ge [sflag:s16], $0x4000  }
0x33: {  	[sflag:s16] =	ssyncset.done $0x0  }
0x34: {  	[sflag:s16] =	ssyncadd.s32 $0xFFFFC000  }
0x35: {  	s9 =	simm.s32 $0x0;
	s1 =	simm.s32 $0x0;
	[bflag:$0x0] =	sbarrier.arrive $0xFFFF  }
.LBB2_4:
0x36: {  	s4 =	smul.u32 $0x1C00, s9;
	_ =	sdelay $0x1  }
0x37: {  	s4 =	sadd.s32 s7, s4  }
0x38: {  	s4 =	sshrl.u32 s4, $0x3  }
0x39: {  	s10 =	sadd.s32 s6, s4  }
0x3a: {  	[tilespmem:s1], [sflag:$0x3] =	stream.linear.gather [hbm4b:s10+s1], $0x1C00, $0x38;
	[tilespmem:$0x1F800] =	vst v63  }
0x3b: {  	_ =	swait.ge [sflag:s16], $0x1C00  }
0x3c: {  	[sflag:s16] =	ssyncset.done $0x0  }
0x3d: {  	[sflag:s16] =	ssyncadd.s32 $0xFFFFE400  }
0x3e: {  	s11 =	rddreg [dreg:$0x1]  }
0x3f: {  	s4 =	sadd.s32 s11, s4  }
0x40: {  	[tilespmem:s17], [sflag:$0x3] =	stream.linear.gather [hbm4b:s4+s1], $0x1C00, $0x38;
	[tilespmem:$0x1F800] =	vst v63  }
0x41: {  	s12 =	sand.u32 $0x7E00, s1;
	_ =	swait.ge [sflag:s16], $0x1C00  }
0x42: {  	s13 =	sand.u32 $0x70, s1;
	s4 =	sshrl.u32 s12, $0x2;
	[sflag:s16] =	ssyncset.done $0x0  }
0x43: {  	s10 =	sor.u32 s13, s4;
	[sflag:s16] =	ssyncadd.s32 $0xFFFFE400  }
0x44: {  	v2 =	vld [tilespmem:s10+$0x0];
	_ =	sdelay $0x2  }
0x45: {  	s11 =	simm.s32 $0x40  }
0x46: {  	s12 =	sand.u32 $0x7E00, s11;
	s11 =	simm.s32 $0x10;
	s4 =	simm.s32 $0x80  }
.LBB2_5:
0x47: {  	p0 =	sne.s32 s4, $0x6FC0;
	s13 =	sand.u32 $0x70, s11;
	s12 =	sshrl.u32 s12, $0x2;
	v2 =	vadd.s32 v0, v2  }
0x48: {  	[tilespmem:s10+$0x0] =	vst v2;
	s10 =	sor.u32 s13, s12  }
.Ltmp1:
0x49: {  	v2 =	vld [tilespmem:s10+$0x0];
	(pc) =	sbr.rel @p0 .LBB2_5-.Ltmp1, $2  }
0x4a: {  	_ =	sdelay $0x2  }
0x4b: {  	s11 =	sadd.s32 $0x10, s11;
	s12 =	sand.u32 $0x7E00, s4;
	s4 =	sadd.s32 $0x40, s4  }
0x4c: {  	s4 =	sand.u32 $0x70, s11;
	s12 =	sshrl.u32 s12, $0x2;
	v2 =	vadd.s32 v0, v2  }
0x4d: {  	s4 =	sor.u32 s4, s12;
	[tilespmem:s10+$0x0] =	vst v2  }
0x4e: {  	v2 =	vld [tilespmem:s4+$0x0];
	_ =	sdelay $0x4  }
0x4f: {  	v2 =	vadd.s32 v0, v2  }
0x50: {  	[tilespmem:s4+$0x0] =	vst v2  }
0x51: {  	[tilespmem:s15], [sflag:$0x1] =	stream.indirect.gather [hbm4b:s5+s18], $0x80, s14, s18, $0xb8;
	[tilespmem:$0x1F800] =	vst v63  }
0x52: {  	_ = 	snop  }
0x53: {  	[tilespmem:s19], [sflag:$0x2] =	stream.indirect.gather [hbm4b:s5+s18], $0x80, s18, s18, $0xb8;
	[tilespmem:$0x1F800] =	vst v63  }
0x54: {  	_ =	swait.ge [sflag:s20], $0x4000  }
0x55: {  	[sflag:s20] =	ssyncset.done $0x0  }
0x56: {  	[sflag:s20] =	ssyncadd.s32 $0xFFFFC000  }
0x57: {  	[spmem:s3] =	stream.indirect.scatter.add.f32 [tilespmem:s15], [sflag:$0x3], $0x80, s17, s18, $0xb8;
	[tilespmem:$0x1F800] =	vst v63  }
0x58: {  	_ =	swait.ge [sflag:s16], $0x4000  }
0x59: {  	[sflag:s16] =	ssyncset.done $0x0  }
0x5a: {  	s13 =	simm.s32 $0x100;
	[sflag:s16] =	ssyncadd.s32 $0xFFFFC000  }
0x5b: {  	[tilespmem:s15], [sflag:$0x1] =	stream.indirect.gather [hbm4b:s5+s18], $0x80, s13, s18, $0xb8;
	[tilespmem:$0x1F800] =	vst v63  }
0x5c: {  	_ =	swait.ge [sflag:s22], $0x4000  }
0x5d: {  	[sflag:s22] =	ssyncset.done $0x0  }
0x5e: {  	s10 =	simm.s32 $0x1C80;
	[sflag:s22] =	ssyncadd.s32 $0xFFFFC000  }
0x5f: {  	[spmem:s3] =	stream.indirect.scatter.add.f32 [tilespmem:s19], [sflag:$0x3], $0x80, s10, s18, $0xb8;
	[tilespmem:$0x1F800] =	vst v63  }
0x60: {  	_ =	swait.ge [sflag:s16], $0x4000  }
0x61: {  	[sflag:s16] =	ssyncset.done $0x0  }
0x62: {  	s11 =	simm.s32 $0x180;
	[sflag:s16] =	ssyncadd.s32 $0xFFFFC000  }
0x63: {  	[tilespmem:s19], [sflag:$0x2] =	stream.indirect.gather [hbm4b:s5+s18], $0x80, s11, s18, $0xb8;
	[tilespmem:$0x1F800] =	vst v63  }
0x64: {  	_ =	swait.ge [sflag:s20], $0x4000  }
0x65: {  	[sflag:s20] =	ssyncset.done $0x0  }
0x66: {  	s12 =	simm.s32 $0x1D00;
	[sflag:s20] =	ssyncadd.s32 $0xFFFFC000  }
0x67: {  	[spmem:s3] =	stream.indirect.scatter.add.f32 [tilespmem:s15], [sflag:$0x3], $0x80, s12, s18, $0xb8;
	[tilespmem:$0x1F800] =	vst v63  }
0x68: {  	_ =	swait.ge [sflag:s16], $0x4000  }
0x69: {  	[sflag:s16] =	ssyncset.done $0x0  }
0x6a: {  	s13 =	simm.s32 $0x200;
	[sflag:s16] =	ssyncadd.s32 $0xFFFFC000  }
0x6b: {  	[tilespmem:s15], [sflag:$0x1] =	stream.indirect.gather [hbm4b:s5+s18], $0x80, s13, s18, $0xb8;
	[tilespmem:$0x1F800] =	vst v63  }
0x6c: {  	_ =	swait.ge [sflag:s22], $0x4000  }
0x6d: {  	[sflag:s22] =	ssyncset.done $0x0  }
0x6e: {  	s10 =	simm.s32 $0x1D80;
	[sflag:s22] =	ssyncadd.s32 $0xFFFFC000  }
0x6f: {  	[spmem:s3] =	stream.indirect.scatter.add.f32 [tilespmem:s19], [sflag:$0x3], $0x80, s10, s18, $0xb8;
	[tilespmem:$0x1F800] =	vst v63  }
0x70: {  	_ =	swait.ge [sflag:s16], $0x4000  }
0x71: {  	[sflag:s16] =	ssyncset.done $0x0  }
0x72: {  	s11 =	simm.s32 $0x280;
	[sflag:s16] =	ssyncadd.s32 $0xFFFFC000  }
0x73: {  	[tilespmem:s19], [sflag:$0x2] =	stream.indirect.gather [hbm4b:s5+s18], $0x80, s11, s18, $0xb8;
	[tilespmem:$0x1F800] =	vst v63  }
0x74: {  	_ =	swait.ge [sflag:s20], $0x4000  }
0x75: {  	[sflag:s20] =	ssyncset.done $0x0  }
0x76: {  	s12 =	simm.s32 $0x1E00;
	[sflag:s20] =	ssyncadd.s32 $0xFFFFC000  }
0x77: {  	[spmem:s3] =	stream.indirect.scatter.add.f32 [tilespmem:s15], [sflag:$0x3], $0x80, s12, s18, $0xb8;
	[tilespmem:$0x1F800] =	vst v63  }
0x78: {  	_ =	swait.ge [sflag:s16], $0x4000  }
0x79: {  	[sflag:s16] =	ssyncset.done $0x0  }
0x7a: {  	s13 =	simm.s32 $0x300;
	[sflag:s16] =	ssyncadd.s32 $0xFFFFC000  }
0x7b: {  	[tilespmem:s15], [sflag:$0x1] =	stream.indirect.gather [hbm4b:s5+s18], $0x80, s13, s18, $0xb8;
	[tilespmem:$0x1F800] =	vst v63  }
0x7c: {  	_ =	swait.ge [sflag:s22], $0x4000  }
0x7d: {  	[sflag:s22] =	ssyncset.done $0x0  }
0x7e: {  	s10 =	simm.s32 $0x1E80;
	[sflag:s22] =	ssyncadd.s32 $0xFFFFC000  }
0x7f: {  	[spmem:s3] =	stream.indirect.scatter.add.f32 [tilespmem:s19], [sflag:$0x3], $0x80, s10, s18, $0xb8;
	[tilespmem:$0x1F800] =	vst v63  }
0x80: {  	_ =	swait.ge [sflag:s16], $0x4000  }
0x81: {  	[sflag:s16] =	ssyncset.done $0x0  }
0x82: {  	s11 =	simm.s32 $0x380;
	[sflag:s16] =	ssyncadd.s32 $0xFFFFC000  }
0x83: {  	[tilespmem:s19], [sflag:$0x2] =	stream.indirect.gather [hbm4b:s5+s18], $0x80, s11, s18, $0xb8;
	[tilespmem:$0x1F800] =	vst v63  }
0x84: {  	_ =	swait.ge [sflag:s20], $0x4000  }
0x85: {  	[sflag:s20] =	ssyncset.done $0x0  }
0x86: {  	s12 =	simm.s32 $0x1F00;
	[sflag:s20] =	ssyncadd.s32 $0xFFFFC000  }
0x87: {  	[spmem:s3] =	stream.indirect.scatter.add.f32 [tilespmem:s15], [sflag:$0x3], $0x80, s12, s18, $0xb8;
	[tilespmem:$0x1F800] =	vst v63  }
0x88: {  	_ =	swait.ge [sflag:s16], $0x4000  }
0x89: {  	[sflag:s16] =	ssyncset.done $0x0  }
0x8a: {  	s13 =	simm.s32 $0x400;
	[sflag:s16] =	ssyncadd.s32 $0xFFFFC000  }
0x8b: {  	[tilespmem:s15], [sflag:$0x1] =	stream.indirect.gather [hbm4b:s5+s18], $0x80, s13, s18, $0xb8;
	[tilespmem:$0x1F800] =	vst v63  }
0x8c: {  	_ =	swait.ge [sflag:s22], $0x4000  }
0x8d: {  	[sflag:s22] =	ssyncset.done $0x0  }
0x8e: {  	s10 =	simm.s32 $0x1F80;
	[sflag:s22] =	ssyncadd.s32 $0xFFFFC000  }
0x8f: {  	[spmem:s3] =	stream.indirect.scatter.add.f32 [tilespmem:s19], [sflag:$0x3], $0x80, s10, s18, $0xb8;
	[tilespmem:$0x1F800] =	vst v63  }
0x90: {  	_ =	swait.ge [sflag:s16], $0x4000  }
0x91: {  	[sflag:s16] =	ssyncset.done $0x0  }
0x92: {  	s11 =	simm.s32 $0x480;
	[sflag:s16] =	ssyncadd.s32 $0xFFFFC000  }
0x93: {  	[tilespmem:s19], [sflag:$0x2] =	stream.indirect.gather [hbm4b:s5+s18], $0x80, s11, s18, $0xb8;
	[tilespmem:$0x1F800] =	vst v63  }
0x94: {  	_ =	swait.ge [sflag:s20], $0x4000  }
0x95: {  	[sflag:s20] =	ssyncset.done $0x0  }
0x96: {  	s12 =	simm.s32 $0x2000;
	[sflag:s20] =	ssyncadd.s32 $0xFFFFC000  }
0x97: {  	[spmem:s3] =	stream.indirect.scatter.add.f32 [tilespmem:s15], [sflag:$0x3], $0x80, s12, s18, $0xb8;
	[tilespmem:$0x1F800] =	vst v63  }
0x98: {  	_ =	swait.ge [sflag:s16], $0x4000  }
0x99: {  	[sflag:s16] =	ssyncset.done $0x0  }
0x9a: {  	s13 =	simm.s32 $0x500;
	[sflag:s16] =	ssyncadd.s32 $0xFFFFC000  }
0x9b: {  	[tilespmem:s15], [sflag:$0x1] =	stream.indirect.gather [hbm4b:s5+s18], $0x80, s13, s18, $0xb8;
	[tilespmem:$0x1F800] =	vst v63  }
0x9c: {  	_ =	swait.ge [sflag:s22], $0x4000  }
0x9d: {  	[sflag:s22] =	ssyncset.done $0x0  }
0x9e: {  	s10 =	simm.s32 $0x2080;
	[sflag:s22] =	ssyncadd.s32 $0xFFFFC000  }
0x9f: {  	[spmem:s3] =	stream.indirect.scatter.add.f32 [tilespmem:s19], [sflag:$0x3], $0x80, s10, s18, $0xb8;
	[tilespmem:$0x1F800] =	vst v63  }
0xa0: {  	_ =	swait.ge [sflag:s16], $0x4000  }
0xa1: {  	[sflag:s16] =	ssyncset.done $0x0  }
0xa2: {  	s11 =	simm.s32 $0x580;
	[sflag:s16] =	ssyncadd.s32 $0xFFFFC000  }
0xa3: {  	[tilespmem:s19], [sflag:$0x2] =	stream.indirect.gather [hbm4b:s5+s18], $0x80, s11, s18, $0xb8;
	[tilespmem:$0x1F800] =	vst v63  }
0xa4: {  	_ =	swait.ge [sflag:s20], $0x4000  }
0xa5: {  	[sflag:s20] =	ssyncset.done $0x0  }
0xa6: {  	s12 =	simm.s32 $0x2100;
	[sflag:s20] =	ssyncadd.s32 $0xFFFFC000  }
0xa7: {  	[spmem:s3] =	stream.indirect.scatter.add.f32 [tilespmem:s15], [sflag:$0x3], $0x80, s12, s18, $0xb8;
	[tilespmem:$0x1F800] =	vst v63  }
0xa8: {  	_ =	swait.ge [sflag:s16], $0x4000  }
0xa9: {  	[sflag:s16] =	ssyncset.done $0x0  }
0xaa: {  	s13 =	simm.s32 $0x600;
	[sflag:s16] =	ssyncadd.s32 $0xFFFFC000  }
0xab: {  	[tilespmem:s15], [sflag:$0x1] =	stream.indirect.gather [hbm4b:s5+s18], $0x80, s13, s18, $0xb8;
	[tilespmem:$0x1F800] =	vst v63  }
0xac: {  	_ =	swait.ge [sflag:s22], $0x4000  }
0xad: {  	[sflag:s22] =	ssyncset.done $0x0  }
0xae: {  	s10 =	simm.s32 $0x2180;
	[sflag:s22] =	ssyncadd.s32 $0xFFFFC000  }
0xaf: {  	[spmem:s3] =	stream.indirect.scatter.add.f32 [tilespmem:s19], [sflag:$0x3], $0x80, s10, s18, $0xb8;
	[tilespmem:$0x1F800] =	vst v63  }
0xb0: {  	_ =	swait.ge [sflag:s16], $0x4000  }
0xb1: {  	[sflag:s16] =	ssyncset.done $0x0  }
0xb2: {  	s11 =	simm.s32 $0x680;
	[sflag:s16] =	ssyncadd.s32 $0xFFFFC000  }
0xb3: {  	[tilespmem:s19], [sflag:$0x2] =	stream.indirect.gather [hbm4b:s5+s18], $0x80, s11, s18, $0xb8;
	[tilespmem:$0x1F800] =	vst v63  }
0xb4: {  	_ =	swait.ge [sflag:s20], $0x4000  }
0xb5: {  	[sflag:s20] =	ssyncset.done $0x0  }
0xb6: {  	s12 =	simm.s32 $0x2200;
	[sflag:s20] =	ssyncadd.s32 $0xFFFFC000  }
0xb7: {  	[spmem:s3] =	stream.indirect.scatter.add.f32 [tilespmem:s15], [sflag:$0x3], $0x80, s12, s18, $0xb8;
	[tilespmem:$0x1F800] =	vst v63  }
0xb8: {  	_ =	swait.ge [sflag:s16], $0x4000  }
0xb9: {  	[sflag:s16] =	ssyncset.done $0x0  }
0xba: {  	s13 =	simm.s32 $0x700;
	[sflag:s16] =	ssyncadd.s32 $0xFFFFC000  }
0xbb: {  	[tilespmem:s15], [sflag:$0x1] =	stream.indirect.gather [hbm4b:s5+s18], $0x80, s13, s18, $0xb8;
	[tilespmem:$0x1F800] =	vst v63  }
0xbc: {  	_ =	swait.ge [sflag:s22], $0x4000  }
0xbd: {  	[sflag:s22] =	ssyncset.done $0x0  }
0xbe: {  	s10 =	simm.s32 $0x2280;
	[sflag:s22] =	ssyncadd.s32 $0xFFFFC000  }
0xbf: {  	[spmem:s3] =	stream.indirect.scatter.add.f32 [tilespmem:s19], [sflag:$0x3], $0x80, s10, s18, $0xb8;
	[tilespmem:$0x1F800] =	vst v63  }
0xc0: {  	_ =	swait.ge [sflag:s16], $0x4000  }
0xc1: {  	[sflag:s16] =	ssyncset.done $0x0  }
0xc2: {  	s11 =	simm.s32 $0x780;
	[sflag:s16] =	ssyncadd.s32 $0xFFFFC000  }
0xc3: {  	[tilespmem:s19], [sflag:$0x2] =	stream.indirect.gather [hbm4b:s5+s18], $0x80, s11, s18, $0xb8;
	[tilespmem:$0x1F800] =	vst v63  }
0xc4: {  	_ =	swait.ge [sflag:s20], $0x4000  }
0xc5: {  	[sflag:s20] =	ssyncset.done $0x0  }
0xc6: {  	s12 =	simm.s32 $0x2300;
	[sflag:s20] =	ssyncadd.s32 $0xFFFFC000  }
0xc7: {  	[spmem:s3] =	stream.indirect.scatter.add.f32 [tilespmem:s15], [sflag:$0x3], $0x80, s12, s18, $0xb8;
	[tilespmem:$0x1F800] =	vst v63  }
0xc8: {  	_ =	swait.ge [sflag:s16], $0x4000  }
0xc9: {  	[sflag:s16] =	ssyncset.done $0x0  }
0xca: {  	s13 =	simm.s32 $0x800;
	[sflag:s16] =	ssyncadd.s32 $0xFFFFC000  }
0xcb: {  	[tilespmem:s15], [sflag:$0x1] =	stream.indirect.gather [hbm4b:s5+s18], $0x80, s13, s18, $0xb8;
	[tilespmem:$0x1F800] =	vst v63  }
0xcc: {  	_ =	swait.ge [sflag:s22], $0x4000  }
0xcd: {  	[sflag:s22] =	ssyncset.done $0x0  }
0xce: {  	s10 =	simm.s32 $0x2380;
	[sflag:s22] =	ssyncadd.s32 $0xFFFFC000  }
0xcf: {  	[spmem:s3] =	stream.indirect.scatter.add.f32 [tilespmem:s19], [sflag:$0x3], $0x80, s10, s18, $0xb8;
	[tilespmem:$0x1F800] =	vst v63  }
0xd0: {  	_ =	swait.ge [sflag:s16], $0x4000  }
0xd1: {  	[sflag:s16] =	ssyncset.done $0x0  }
0xd2: {  	s11 =	simm.s32 $0x880;
	[sflag:s16] =	ssyncadd.s32 $0xFFFFC000  }
0xd3: {  	[tilespmem:s19], [sflag:$0x2] =	stream.indirect.gather [hbm4b:s5+s18], $0x80, s11, s18, $0xb8;
	[tilespmem:$0x1F800] =	vst v63  }
0xd4: {  	_ =	swait.ge [sflag:s20], $0x4000  }
0xd5: {  	[sflag:s20] =	ssyncset.done $0x0  }
0xd6: {  	s12 =	simm.s32 $0x2400;
	[sflag:s20] =	ssyncadd.s32 $0xFFFFC000  }
0xd7: {  	[spmem:s3] =	stream.indirect.scatter.add.f32 [tilespmem:s15], [sflag:$0x3], $0x80, s12, s18, $0xb8;
	[tilespmem:$0x1F800] =	vst v63  }
0xd8: {  	_ =	swait.ge [sflag:s16], $0x4000  }
0xd9: {  	[sflag:s16] =	ssyncset.done $0x0  }
0xda: {  	s13 =	simm.s32 $0x900;
	[sflag:s16] =	ssyncadd.s32 $0xFFFFC000  }
0xdb: {  	[tilespmem:s15], [sflag:$0x1] =	stream.indirect.gather [hbm4b:s5+s18], $0x80, s13, s18, $0xb8;
	[tilespmem:$0x1F800] =	vst v63  }
0xdc: {  	_ =	swait.ge [sflag:s22], $0x4000  }
0xdd: {  	[sflag:s22] =	ssyncset.done $0x0  }
0xde: {  	s10 =	simm.s32 $0x2480;
	[sflag:s22] =	ssyncadd.s32 $0xFFFFC000  }
0xdf: {  	[spmem:s3] =	stream.indirect.scatter.add.f32 [tilespmem:s19], [sflag:$0x3], $0x80, s10, s18, $0xb8;
	[tilespmem:$0x1F800] =	vst v63  }
0xe0: {  	_ =	swait.ge [sflag:s16], $0x4000  }
0xe1: {  	[sflag:s16] =	ssyncset.done $0x0  }
0xe2: {  	s11 =	simm.s32 $0x980;
	[sflag:s16] =	ssyncadd.s32 $0xFFFFC000  }
0xe3: {  	[tilespmem:s19], [sflag:$0x2] =	stream.indirect.gather [hbm4b:s5+s18], $0x80, s11, s18, $0xb8;
	[tilespmem:$0x1F800] =	vst v63  }
0xe4: {  	_ =	swait.ge [sflag:s20], $0x4000  }
0xe5: {  	[sflag:s20] =	ssyncset.done $0x0  }
0xe6: {  	s12 =	simm.s32 $0x2500;
	[sflag:s20] =	ssyncadd.s32 $0xFFFFC000  }
0xe7: {  	[spmem:s3] =	stream.indirect.scatter.add.f32 [tilespmem:s15], [sflag:$0x3], $0x80, s12, s18, $0xb8;
	[tilespmem:$0x1F800] =	vst v63  }
0xe8: {  	_ =	swait.ge [sflag:s16], $0x4000  }
0xe9: {  	[sflag:s16] =	ssyncset.done $0x0  }
0xea: {  	s13 =	simm.s32 $0xA00;
	[sflag:s16] =	ssyncadd.s32 $0xFFFFC000  }
0xeb: {  	[tilespmem:s15], [sflag:$0x1] =	stream.indirect.gather [hbm4b:s5+s18], $0x80, s13, s18, $0xb8;
	[tilespmem:$0x1F800] =	vst v63  }
0xec: {  	_ =	swait.ge [sflag:s22], $0x4000  }
0xed: {  	[sflag:s22] =	ssyncset.done $0x0  }
0xee: {  	s10 =	simm.s32 $0x2580;
	[sflag:s22] =	ssyncadd.s32 $0xFFFFC000  }
0xef: {  	[spmem:s3] =	stream.indirect.scatter.add.f32 [tilespmem:s19], [sflag:$0x3], $0x80, s10, s18, $0xb8;
	[tilespmem:$0x1F800] =	vst v63  }
0xf0: {  	_ =	swait.ge [sflag:s16], $0x4000  }
0xf1: {  	[sflag:s16] =	ssyncset.done $0x0  }
0xf2: {  	s11 =	simm.s32 $0xA80;
	[sflag:s16] =	ssyncadd.s32 $0xFFFFC000  }
0xf3: {  	[tilespmem:s19], [sflag:$0x2] =	stream.indirect.gather [hbm4b:s5+s18], $0x80, s11, s18, $0xb8;
	[tilespmem:$0x1F800] =	vst v63  }
0xf4: {  	_ =	swait.ge [sflag:s20], $0x4000  }
0xf5: {  	[sflag:s20] =	ssyncset.done $0x0  }
0xf6: {  	s12 =	simm.s32 $0x2600;
	[sflag:s20] =	ssyncadd.s32 $0xFFFFC000  }
0xf7: {  	[spmem:s3] =	stream.indirect.scatter.add.f32 [tilespmem:s15], [sflag:$0x3], $0x80, s12, s18, $0xb8;
	[tilespmem:$0x1F800] =	vst v63  }
0xf8: {  	_ =	swait.ge [sflag:s16], $0x4000  }
0xf9: {  	[sflag:s16] =	ssyncset.done $0x0  }
0xfa: {  	s13 =	simm.s32 $0xB00;
	[sflag:s16] =	ssyncadd.s32 $0xFFFFC000  }
0xfb: {  	[tilespmem:s15], [sflag:$0x1] =	stream.indirect.gather [hbm4b:s5+s18], $0x80, s13, s18, $0xb8;
	[tilespmem:$0x1F800] =	vst v63  }
0xfc: {  	_ =	swait.ge [sflag:s22], $0x4000  }
0xfd: {  	[sflag:s22] =	ssyncset.done $0x0  }
0xfe: {  	s10 =	simm.s32 $0x2680;
	[sflag:s22] =	ssyncadd.s32 $0xFFFFC000  }
0xff: {  	[spmem:s3] =	stream.indirect.scatter.add.f32 [tilespmem:s19], [sflag:$0x3], $0x80, s10, s18, $0xb8;
	[tilespmem:$0x1F800] =	vst v63  }
0x100: {  	_ =	swait.ge [sflag:s16], $0x4000  }
0x101: {  	[sflag:s16] =	ssyncset.done $0x0  }
0x102: {  	s11 =	simm.s32 $0xB80;
	[sflag:s16] =	ssyncadd.s32 $0xFFFFC000  }
0x103: {  	[tilespmem:s19], [sflag:$0x2] =	stream.indirect.gather [hbm4b:s5+s18], $0x80, s11, s18, $0xb8;
	[tilespmem:$0x1F800] =	vst v63  }
0x104: {  	_ =	swait.ge [sflag:s20], $0x4000  }
0x105: {  	[sflag:s20] =	ssyncset.done $0x0  }
0x106: {  	s12 =	simm.s32 $0x2700;
	[sflag:s20] =	ssyncadd.s32 $0xFFFFC000  }
0x107: {  	[spmem:s3] =	stream.indirect.scatter.add.f32 [tilespmem:s15], [sflag:$0x3], $0x80, s12, s18, $0xb8;
	[tilespmem:$0x1F800] =	vst v63  }
0x108: {  	_ =	swait.ge [sflag:s16], $0x4000  }
0x109: {  	[sflag:s16] =	ssyncset.done $0x0  }
0x10a: {  	s13 =	simm.s32 $0xC00;
	[sflag:s16] =	ssyncadd.s32 $0xFFFFC000  }
0x10b: {  	[tilespmem:s15], [sflag:$0x1] =	stream.indirect.gather [hbm4b:s5+s18], $0x80, s13, s18, $0xb8;
	[tilespmem:$0x1F800] =	vst v63  }
0x10c: {  	_ =	swait.ge [sflag:s22], $0x4000  }
0x10d: {  	[sflag:s22] =	ssyncset.done $0x0  }
0x10e: {  	s10 =	simm.s32 $0x2780;
	[sflag:s22] =	ssyncadd.s32 $0xFFFFC000  }
0x10f: {  	[spmem:s3] =	stream.indirect.scatter.add.f32 [tilespmem:s19], [sflag:$0x3], $0x80, s10, s18, $0xb8;
	[tilespmem:$0x1F800] =	vst v63  }
0x110: {  	_ =	swait.ge [sflag:s16], $0x4000  }
0x111: {  	[sflag:s16] =	ssyncset.done $0x0  }
0x112: {  	s11 =	simm.s32 $0xC80;
	[sflag:s16] =	ssyncadd.s32 $0xFFFFC000  }
0x113: {  	[tilespmem:s19], [sflag:$0x2] =	stream.indirect.gather [hbm4b:s5+s18], $0x80, s11, s18, $0xb8;
	[tilespmem:$0x1F800] =	vst v63  }
0x114: {  	_ =	swait.ge [sflag:s20], $0x4000  }
0x115: {  	[sflag:s20] =	ssyncset.done $0x0  }
0x116: {  	s12 =	simm.s32 $0x2800;
	[sflag:s20] =	ssyncadd.s32 $0xFFFFC000  }
0x117: {  	[spmem:s3] =	stream.indirect.scatter.add.f32 [tilespmem:s15], [sflag:$0x3], $0x80, s12, s18, $0xb8;
	[tilespmem:$0x1F800] =	vst v63  }
0x118: {  	_ =	swait.ge [sflag:s16], $0x4000  }
0x119: {  	[sflag:s16] =	ssyncset.done $0x0  }
0x11a: {  	s13 =	simm.s32 $0xD00;
	[sflag:s16] =	ssyncadd.s32 $0xFFFFC000  }
0x11b: {  	[tilespmem:s15], [sflag:$0x1] =	stream.indirect.gather [hbm4b:s5+s18], $0x80, s13, s18, $0xb8;
	[tilespmem:$0x1F800] =	vst v63  }
0x11c: {  	_ =	swait.ge [sflag:s22], $0x4000  }
0x11d: {  	[sflag:s22] =	ssyncset.done $0x0  }
0x11e: {  	s10 =	simm.s32 $0x2880;
	[sflag:s22] =	ssyncadd.s32 $0xFFFFC000  }
0x11f: {  	[spmem:s3] =	stream.indirect.scatter.add.f32 [tilespmem:s19], [sflag:$0x3], $0x80, s10, s18, $0xb8;
	[tilespmem:$0x1F800] =	vst v63  }
0x120: {  	_ =	swait.ge [sflag:s16], $0x4000  }
0x121: {  	[sflag:s16] =	ssyncset.done $0x0  }
0x122: {  	s11 =	simm.s32 $0xD80;
	[sflag:s16] =	ssyncadd.s32 $0xFFFFC000  }
0x123: {  	[tilespmem:s19], [sflag:$0x2] =	stream.indirect.gather [hbm4b:s5+s18], $0x80, s11, s18, $0xb8;
	[tilespmem:$0x1F800] =	vst v63  }
0x124: {  	_ =	swait.ge [sflag:s20], $0x4000  }
0x125: {  	[sflag:s20] =	ssyncset.done $0x0  }
0x126: {  	s12 =	simm.s32 $0x2900;
	[sflag:s20] =	ssyncadd.s32 $0xFFFFC000  }
0x127: {  	[spmem:s3] =	stream.indirect.scatter.add.f32 [tilespmem:s15], [sflag:$0x3], $0x80, s12, s18, $0xb8;
	[tilespmem:$0x1F800] =	vst v63  }
0x128: {  	_ =	swait.ge [sflag:s16], $0x4000  }
0x129: {  	[sflag:s16] =	ssyncset.done $0x0  }
0x12a: {  	s13 =	simm.s32 $0xE00;
	[sflag:s16] =	ssyncadd.s32 $0xFFFFC000  }
0x12b: {  	[tilespmem:s15], [sflag:$0x1] =	stream.indirect.gather [hbm4b:s5+s18], $0x80, s13, s18, $0xb8;
	[tilespmem:$0x1F800] =	vst v63  }
0x12c: {  	_ =	swait.ge [sflag:s22], $0x4000  }
0x12d: {  	[sflag:s22] =	ssyncset.done $0x0  }
0x12e: {  	s10 =	simm.s32 $0x2980;
	[sflag:s22] =	ssyncadd.s32 $0xFFFFC000  }
0x12f: {  	[spmem:s3] =	stream.indirect.scatter.add.f32 [tilespmem:s19], [sflag:$0x3], $0x80, s10, s18, $0xb8;
	[tilespmem:$0x1F800] =	vst v63  }
0x130: {  	_ =	swait.ge [sflag:s16], $0x4000  }
0x131: {  	[sflag:s16] =	ssyncset.done $0x0  }
0x132: {  	s11 =	simm.s32 $0xE80;
	[sflag:s16] =	ssyncadd.s32 $0xFFFFC000  }
0x133: {  	[tilespmem:s19], [sflag:$0x2] =	stream.indirect.gather [hbm4b:s5+s18], $0x80, s11, s18, $0xb8;
	[tilespmem:$0x1F800] =	vst v63  }
0x134: {  	_ =	swait.ge [sflag:s20], $0x4000  }
0x135: {  	[sflag:s20] =	ssyncset.done $0x0  }
0x136: {  	s12 =	simm.s32 $0x2A00;
	[sflag:s20] =	ssyncadd.s32 $0xFFFFC000  }
0x137: {  	[spmem:s3] =	stream.indirect.scatter.add.f32 [tilespmem:s15], [sflag:$0x3], $0x80, s12, s18, $0xb8;
	[tilespmem:$0x1F800] =	vst v63  }
0x138: {  	_ =	swait.ge [sflag:s16], $0x4000  }
0x139: {  	[sflag:s16] =	ssyncset.done $0x0  }
0x13a: {  	s13 =	simm.s32 $0xF00;
	[sflag:s16] =	ssyncadd.s32 $0xFFFFC000  }
0x13b: {  	[tilespmem:s15], [sflag:$0x1] =	stream.indirect.gather [hbm4b:s5+s18], $0x80, s13, s18, $0xb8;
	[tilespmem:$0x1F800] =	vst v63  }
0x13c: {  	_ =	swait.ge [sflag:s22], $0x4000  }
0x13d: {  	[sflag:s22] =	ssyncset.done $0x0  }
0x13e: {  	s10 =	simm.s32 $0x2A80;
	[sflag:s22] =	ssyncadd.s32 $0xFFFFC000  }
0x13f: {  	[spmem:s3] =	stream.indirect.scatter.add.f32 [tilespmem:s19], [sflag:$0x3], $0x80, s10, s18, $0xb8;
	[tilespmem:$0x1F800] =	vst v63  }
0x140: {  	_ =	swait.ge [sflag:s16], $0x4000  }
0x141: {  	[sflag:s16] =	ssyncset.done $0x0  }
0x142: {  	s11 =	simm.s32 $0xF80;
	[sflag:s16] =	ssyncadd.s32 $0xFFFFC000  }
0x143: {  	[tilespmem:s19], [sflag:$0x2] =	stream.indirect.gather [hbm4b:s5+s18], $0x80, s11, s18, $0xb8;
	[tilespmem:$0x1F800] =	vst v63  }
0x144: {  	_ =	swait.ge [sflag:s20], $0x4000  }
0x145: {  	[sflag:s20] =	ssyncset.done $0x0  }
0x146: {  	s12 =	simm.s32 $0x2B00;
	[sflag:s20] =	ssyncadd.s32 $0xFFFFC000  }
0x147: {  	[spmem:s3] =	stream.indirect.scatter.add.f32 [tilespmem:s15], [sflag:$0x3], $0x80, s12, s18, $0xb8;
	[tilespmem:$0x1F800] =	vst v63  }
0x148: {  	_ =	swait.ge [sflag:s16], $0x4000  }
0x149: {  	[sflag:s16] =	ssyncset.done $0x0  }
0x14a: {  	s13 =	simm.s32 $0x1000;
	[sflag:s16] =	ssyncadd.s32 $0xFFFFC000  }
0x14b: {  	[tilespmem:s15], [sflag:$0x1] =	stream.indirect.gather [hbm4b:s5+s18], $0x80, s13, s18, $0xb8;
	[tilespmem:$0x1F800] =	vst v63  }
0x14c: {  	_ =	swait.ge [sflag:s22], $0x4000  }
0x14d: {  	[sflag:s22] =	ssyncset.done $0x0  }
0x14e: {  	s10 =	simm.s32 $0x2B80;
	[sflag:s22] =	ssyncadd.s32 $0xFFFFC000  }
0x14f: {  	[spmem:s3] =	stream.indirect.scatter.add.f32 [tilespmem:s19], [sflag:$0x3], $0x80, s10, s18, $0xb8;
	[tilespmem:$0x1F800] =	vst v63  }
0x150: {  	_ =	swait.ge [sflag:s16], $0x4000  }
0x151: {  	[sflag:s16] =	ssyncset.done $0x0  }
0x152: {  	s11 =	simm.s32 $0x1080;
	[sflag:s16] =	ssyncadd.s32 $0xFFFFC000  }
0x153: {  	[tilespmem:s19], [sflag:$0x2] =	stream.indirect.gather [hbm4b:s5+s18], $0x80, s11, s18, $0xb8;
	[tilespmem:$0x1F800] =	vst v63  }
0x154: {  	_ =	swait.ge [sflag:s20], $0x4000  }
0x155: {  	[sflag:s20] =	ssyncset.done $0x0  }
0x156: {  	s12 =	simm.s32 $0x2C00;
	[sflag:s20] =	ssyncadd.s32 $0xFFFFC000  }
0x157: {  	[spmem:s3] =	stream.indirect.scatter.add.f32 [tilespmem:s15], [sflag:$0x3], $0x80, s12, s18, $0xb8;
	[tilespmem:$0x1F800] =	vst v63  }
0x158: {  	_ =	swait.ge [sflag:s16], $0x4000  }
0x159: {  	[sflag:s16] =	ssyncset.done $0x0  }
0x15a: {  	s13 =	simm.s32 $0x1100;
	[sflag:s16] =	ssyncadd.s32 $0xFFFFC000  }
0x15b: {  	[tilespmem:s15], [sflag:$0x1] =	stream.indirect.gather [hbm4b:s5+s18], $0x80, s13, s18, $0xb8;
	[tilespmem:$0x1F800] =	vst v63  }
0x15c: {  	_ =	swait.ge [sflag:s22], $0x4000  }
0x15d: {  	[sflag:s22] =	ssyncset.done $0x0  }
0x15e: {  	s10 =	simm.s32 $0x2C80;
	[sflag:s22] =	ssyncadd.s32 $0xFFFFC000  }
0x15f: {  	[spmem:s3] =	stream.indirect.scatter.add.f32 [tilespmem:s19], [sflag:$0x3], $0x80, s10, s18, $0xb8;
	[tilespmem:$0x1F800] =	vst v63  }
0x160: {  	_ =	swait.ge [sflag:s16], $0x4000  }
0x161: {  	[sflag:s16] =	ssyncset.done $0x0  }
0x162: {  	s11 =	simm.s32 $0x1180;
	[sflag:s16] =	ssyncadd.s32 $0xFFFFC000  }
0x163: {  	[tilespmem:s19], [sflag:$0x2] =	stream.indirect.gather [hbm4b:s5+s18], $0x80, s11, s18, $0xb8;
	[tilespmem:$0x1F800] =	vst v63  }
0x164: {  	_ =	swait.ge [sflag:s20], $0x4000  }
0x165: {  	[sflag:s20] =	ssyncset.done $0x0  }
0x166: {  	s12 =	simm.s32 $0x2D00;
	[sflag:s20] =	ssyncadd.s32 $0xFFFFC000  }
0x167: {  	[spmem:s3] =	stream.indirect.scatter.add.f32 [tilespmem:s15], [sflag:$0x3], $0x80, s12, s18, $0xb8;
	[tilespmem:$0x1F800] =	vst v63  }
0x168: {  	_ =	swait.ge [sflag:s16], $0x4000  }
0x169: {  	[sflag:s16] =	ssyncset.done $0x0  }
0x16a: {  	s13 =	simm.s32 $0x1200;
	[sflag:s16] =	ssyncadd.s32 $0xFFFFC000  }
0x16b: {  	[tilespmem:s15], [sflag:$0x1] =	stream.indirect.gather [hbm4b:s5+s18], $0x80, s13, s18, $0xb8;
	[tilespmem:$0x1F800] =	vst v63  }
0x16c: {  	_ =	swait.ge [sflag:s22], $0x4000  }
0x16d: {  	[sflag:s22] =	ssyncset.done $0x0  }
0x16e: {  	s10 =	simm.s32 $0x2D80;
	[sflag:s22] =	ssyncadd.s32 $0xFFFFC000  }
0x16f: {  	[spmem:s3] =	stream.indirect.scatter.add.f32 [tilespmem:s19], [sflag:$0x3], $0x80, s10, s18, $0xb8;
	[tilespmem:$0x1F800] =	vst v63  }
0x170: {  	_ =	swait.ge [sflag:s16], $0x4000  }
0x171: {  	[sflag:s16] =	ssyncset.done $0x0  }
0x172: {  	s11 =	simm.s32 $0x1280;
	[sflag:s16] =	ssyncadd.s32 $0xFFFFC000  }
0x173: {  	[tilespmem:s19], [sflag:$0x2] =	stream.indirect.gather [hbm4b:s5+s18], $0x80, s11, s18, $0xb8;
	[tilespmem:$0x1F800] =	vst v63  }
0x174: {  	_ =	swait.ge [sflag:s20], $0x4000  }
0x175: {  	[sflag:s20] =	ssyncset.done $0x0  }
0x176: {  	s12 =	simm.s32 $0x2E00;
	[sflag:s20] =	ssyncadd.s32 $0xFFFFC000  }
0x177: {  	[spmem:s3] =	stream.indirect.scatter.add.f32 [tilespmem:s15], [sflag:$0x3], $0x80, s12, s18, $0xb8;
	[tilespmem:$0x1F800] =	vst v63  }
0x178: {  	_ =	swait.ge [sflag:s16], $0x4000  }
0x179: {  	[sflag:s16] =	ssyncset.done $0x0  }
0x17a: {  	s13 =	simm.s32 $0x1300;
	[sflag:s16] =	ssyncadd.s32 $0xFFFFC000  }
0x17b: {  	[tilespmem:s15], [sflag:$0x1] =	stream.indirect.gather [hbm4b:s5+s18], $0x80, s13, s18, $0xb8;
	[tilespmem:$0x1F800] =	vst v63  }
0x17c: {  	_ =	swait.ge [sflag:s22], $0x4000  }
0x17d: {  	[sflag:s22] =	ssyncset.done $0x0  }
0x17e: {  	s10 =	simm.s32 $0x2E80;
	[sflag:s22] =	ssyncadd.s32 $0xFFFFC000  }
0x17f: {  	[spmem:s3] =	stream.indirect.scatter.add.f32 [tilespmem:s19], [sflag:$0x3], $0x80, s10, s18, $0xb8;
	[tilespmem:$0x1F800] =	vst v63  }
0x180: {  	_ =	swait.ge [sflag:s16], $0x4000  }
0x181: {  	[sflag:s16] =	ssyncset.done $0x0  }
0x182: {  	s11 =	simm.s32 $0x1380;
	[sflag:s16] =	ssyncadd.s32 $0xFFFFC000  }
0x183: {  	[tilespmem:s19], [sflag:$0x2] =	stream.indirect.gather [hbm4b:s5+s18], $0x80, s11, s18, $0xb8;
	[tilespmem:$0x1F800] =	vst v63  }
0x184: {  	_ =	swait.ge [sflag:s20], $0x4000  }
0x185: {  	[sflag:s20] =	ssyncset.done $0x0  }
0x186: {  	s12 =	simm.s32 $0x2F00;
	[sflag:s20] =	ssyncadd.s32 $0xFFFFC000  }
0x187: {  	[spmem:s3] =	stream.indirect.scatter.add.f32 [tilespmem:s15], [sflag:$0x3], $0x80, s12, s18, $0xb8;
	[tilespmem:$0x1F800] =	vst v63  }
0x188: {  	_ =	swait.ge [sflag:s16], $0x4000  }
0x189: {  	[sflag:s16] =	ssyncset.done $0x0  }
0x18a: {  	s13 =	simm.s32 $0x1400;
	[sflag:s16] =	ssyncadd.s32 $0xFFFFC000  }
0x18b: {  	[tilespmem:s15], [sflag:$0x1] =	stream.indirect.gather [hbm4b:s5+s18], $0x80, s13, s18, $0xb8;
	[tilespmem:$0x1F800] =	vst v63  }
0x18c: {  	_ =	swait.ge [sflag:s22], $0x4000  }
0x18d: {  	[sflag:s22] =	ssyncset.done $0x0  }
0x18e: {  	s10 =	simm.s32 $0x2F80;
	[sflag:s22] =	ssyncadd.s32 $0xFFFFC000  }
0x18f: {  	[spmem:s3] =	stream.indirect.scatter.add.f32 [tilespmem:s19], [sflag:$0x3], $0x80, s10, s18, $0xb8;
	[tilespmem:$0x1F800] =	vst v63  }
0x190: {  	_ =	swait.ge [sflag:s16], $0x4000  }
0x191: {  	[sflag:s16] =	ssyncset.done $0x0  }
0x192: {  	s11 =	simm.s32 $0x1480;
	[sflag:s16] =	ssyncadd.s32 $0xFFFFC000  }
0x193: {  	[tilespmem:s19], [sflag:$0x2] =	stream.indirect.gather [hbm4b:s5+s18], $0x80, s11, s18, $0xb8;
	[tilespmem:$0x1F800] =	vst v63  }
0x194: {  	_ =	swait.ge [sflag:s20], $0x4000  }
0x195: {  	[sflag:s20] =	ssyncset.done $0x0  }
0x196: {  	s12 =	simm.s32 $0x3000;
	[sflag:s20] =	ssyncadd.s32 $0xFFFFC000  }
0x197: {  	[spmem:s3] =	stream.indirect.scatter.add.f32 [tilespmem:s15], [sflag:$0x3], $0x80, s12, s18, $0xb8;
	[tilespmem:$0x1F800] =	vst v63  }
0x198: {  	_ =	swait.ge [sflag:s16], $0x4000  }
0x199: {  	[sflag:s16] =	ssyncset.done $0x0  }
0x19a: {  	s13 =	simm.s32 $0x1500;
	[sflag:s16] =	ssyncadd.s32 $0xFFFFC000  }
0x19b: {  	[tilespmem:s15], [sflag:$0x1] =	stream.indirect.gather [hbm4b:s5+s18], $0x80, s13, s18, $0xb8;
	[tilespmem:$0x1F800] =	vst v63  }
0x19c: {  	_ =	swait.ge [sflag:s22], $0x4000  }
0x19d: {  	[sflag:s22] =	ssyncset.done $0x0  }
0x19e: {  	s10 =	simm.s32 $0x3080;
	[sflag:s22] =	ssyncadd.s32 $0xFFFFC000  }
0x19f: {  	[spmem:s3] =	stream.indirect.scatter.add.f32 [tilespmem:s19], [sflag:$0x3], $0x80, s10, s18, $0xb8;
	[tilespmem:$0x1F800] =	vst v63  }
0x1a0: {  	_ =	swait.ge [sflag:s16], $0x4000  }
0x1a1: {  	[sflag:s16] =	ssyncset.done $0x0  }
0x1a2: {  	s11 =	simm.s32 $0x1580;
	[sflag:s16] =	ssyncadd.s32 $0xFFFFC000  }
0x1a3: {  	[tilespmem:s19], [sflag:$0x2] =	stream.indirect.gather [hbm4b:s5+s18], $0x80, s11, s18, $0xb8;
	[tilespmem:$0x1F800] =	vst v63  }
0x1a4: {  	_ =	swait.ge [sflag:s20], $0x4000  }
0x1a5: {  	[sflag:s20] =	ssyncset.done $0x0  }
0x1a6: {  	s12 =	simm.s32 $0x3100;
	[sflag:s20] =	ssyncadd.s32 $0xFFFFC000  }
0x1a7: {  	[spmem:s3] =	stream.indirect.scatter.add.f32 [tilespmem:s15], [sflag:$0x3], $0x80, s12, s18, $0xb8;
	[tilespmem:$0x1F800] =	vst v63  }
0x1a8: {  	_ =	swait.ge [sflag:s16], $0x4000  }
0x1a9: {  	[sflag:s16] =	ssyncset.done $0x0  }
0x1aa: {  	s13 =	simm.s32 $0x1600;
	[sflag:s16] =	ssyncadd.s32 $0xFFFFC000  }
0x1ab: {  	[tilespmem:s15], [sflag:$0x1] =	stream.indirect.gather [hbm4b:s5+s18], $0x80, s13, s18, $0xb8;
	[tilespmem:$0x1F800] =	vst v63  }
0x1ac: {  	_ =	swait.ge [sflag:s22], $0x4000  }
0x1ad: {  	[sflag:s22] =	ssyncset.done $0x0  }
0x1ae: {  	s10 =	simm.s32 $0x3180;
	[sflag:s22] =	ssyncadd.s32 $0xFFFFC000  }
0x1af: {  	[spmem:s3] =	stream.indirect.scatter.add.f32 [tilespmem:s19], [sflag:$0x3], $0x80, s10, s18, $0xb8;
	[tilespmem:$0x1F800] =	vst v63  }
0x1b0: {  	_ =	swait.ge [sflag:s16], $0x4000  }
0x1b1: {  	[sflag:s16] =	ssyncset.done $0x0  }
0x1b2: {  	s11 =	simm.s32 $0x1680;
	[sflag:s16] =	ssyncadd.s32 $0xFFFFC000  }
0x1b3: {  	[tilespmem:s19], [sflag:$0x2] =	stream.indirect.gather [hbm4b:s5+s18], $0x80, s11, s18, $0xb8;
	[tilespmem:$0x1F800] =	vst v63  }
0x1b4: {  	_ =	swait.ge [sflag:s20], $0x4000  }
0x1b5: {  	[sflag:s20] =	ssyncset.done $0x0  }
0x1b6: {  	s12 =	simm.s32 $0x3200;
	[sflag:s20] =	ssyncadd.s32 $0xFFFFC000  }
0x1b7: {  	[spmem:s3] =	stream.indirect.scatter.add.f32 [tilespmem:s15], [sflag:$0x3], $0x80, s12, s18, $0xb8;
	[tilespmem:$0x1F800] =	vst v63  }
0x1b8: {  	_ =	swait.ge [sflag:s16], $0x4000  }
0x1b9: {  	[sflag:s16] =	ssyncset.done $0x0  }
0x1ba: {  	s13 =	simm.s32 $0x1700;
	[sflag:s16] =	ssyncadd.s32 $0xFFFFC000  }
0x1bb: {  	[tilespmem:s15], [sflag:$0x1] =	stream.indirect.gather [hbm4b:s5+s18], $0x80, s13, s18, $0xb8;
	[tilespmem:$0x1F800] =	vst v63  }
0x1bc: {  	_ =	swait.ge [sflag:s22], $0x4000  }
0x1bd: {  	[sflag:s22] =	ssyncset.done $0x0  }
0x1be: {  	s10 =	simm.s32 $0x3280;
	[sflag:s22] =	ssyncadd.s32 $0xFFFFC000  }
0x1bf: {  	[spmem:s3] =	stream.indirect.scatter.add.f32 [tilespmem:s19], [sflag:$0x3], $0x80, s10, s18, $0xb8;
	[tilespmem:$0x1F800] =	vst v63  }
0x1c0: {  	_ =	swait.ge [sflag:s16], $0x4000  }
0x1c1: {  	[sflag:s16] =	ssyncset.done $0x0  }
0x1c2: {  	s11 =	simm.s32 $0x1780;
	[sflag:s16] =	ssyncadd.s32 $0xFFFFC000  }
0x1c3: {  	[tilespmem:s19], [sflag:$0x2] =	stream.indirect.gather [hbm4b:s5+s18], $0x80, s11, s18, $0xb8;
	[tilespmem:$0x1F800] =	vst v63  }
0x1c4: {  	_ =	swait.ge [sflag:s20], $0x4000  }
0x1c5: {  	[sflag:s20] =	ssyncset.done $0x0  }
0x1c6: {  	s12 =	simm.s32 $0x3300;
	[sflag:s20] =	ssyncadd.s32 $0xFFFFC000  }
0x1c7: {  	[spmem:s3] =	stream.indirect.scatter.add.f32 [tilespmem:s15], [sflag:$0x3], $0x80, s12, s18, $0xb8;
	[tilespmem:$0x1F800] =	vst v63  }
0x1c8: {  	_ =	swait.ge [sflag:s16], $0x4000  }
0x1c9: {  	[sflag:s16] =	ssyncset.done $0x0  }
0x1ca: {  	s13 =	simm.s32 $0x1800;
	[sflag:s16] =	ssyncadd.s32 $0xFFFFC000  }
0x1cb: {  	[tilespmem:s15], [sflag:$0x1] =	stream.indirect.gather [hbm4b:s5+s18], $0x80, s13, s18, $0xb8;
	[tilespmem:$0x1F800] =	vst v63  }
0x1cc: {  	_ =	swait.ge [sflag:s22], $0x4000  }
0x1cd: {  	[sflag:s22] =	ssyncset.done $0x0  }
0x1ce: {  	s10 =	simm.s32 $0x3380;
	[sflag:s22] =	ssyncadd.s32 $0xFFFFC000  }
0x1cf: {  	[spmem:s3] =	stream.indirect.scatter.add.f32 [tilespmem:s19], [sflag:$0x3], $0x80, s10, s18, $0xb8;
	[tilespmem:$0x1F800] =	vst v63  }
0x1d0: {  	_ =	swait.ge [sflag:s16], $0x4000  }
0x1d1: {  	[sflag:s16] =	ssyncset.done $0x0  }
0x1d2: {  	s11 =	simm.s32 $0x1880;
	[sflag:s16] =	ssyncadd.s32 $0xFFFFC000  }
0x1d3: {  	[tilespmem:s19], [sflag:$0x2] =	stream.indirect.gather [hbm4b:s5+s18], $0x80, s11, s18, $0xb8;
	[tilespmem:$0x1F800] =	vst v63  }
0x1d4: {  	_ =	swait.ge [sflag:s20], $0x4000  }
0x1d5: {  	[sflag:s20] =	ssyncset.done $0x0  }
0x1d6: {  	s12 =	simm.s32 $0x3400;
	[sflag:s20] =	ssyncadd.s32 $0xFFFFC000  }
0x1d7: {  	[spmem:s3] =	stream.indirect.scatter.add.f32 [tilespmem:s15], [sflag:$0x3], $0x80, s12, s18, $0xb8;
	[tilespmem:$0x1F800] =	vst v63  }
0x1d8: {  	_ =	swait.ge [sflag:s16], $0x4000  }
0x1d9: {  	[sflag:s16] =	ssyncset.done $0x0  }
0x1da: {  	s13 =	simm.s32 $0x1900;
	[sflag:s16] =	ssyncadd.s32 $0xFFFFC000  }
0x1db: {  	[tilespmem:s15], [sflag:$0x1] =	stream.indirect.gather [hbm4b:s5+s18], $0x80, s13, s18, $0xb8;
	[tilespmem:$0x1F800] =	vst v63  }
0x1dc: {  	_ =	swait.ge [sflag:s22], $0x4000  }
0x1dd: {  	[sflag:s22] =	ssyncset.done $0x0  }
0x1de: {  	[sflag:s22] =	ssyncadd.s32 $0xFFFFC000  }
0x1df: {  	[spmem:s3] =	stream.indirect.scatter.add.f32 [tilespmem:s19], [sflag:$0x3], $0x80, s8, s18, $0xb8;
	[tilespmem:$0x1F800] =	vst v63  }
0x1e0: {  	_ =	swait.ge [sflag:s16], $0x4000  }
0x1e1: {  	[sflag:s16] =	ssyncset.done $0x0  }
0x1e2: {  	[sflag:s16] =	ssyncadd.s32 $0xFFFFC000  }
0x1e3: {  	[tilespmem:s19], [sflag:$0x2] =	stream.indirect.gather [hbm4b:s5+s18], $0x80, s2, s18, $0xb8;
	[tilespmem:$0x1F800] =	vst v63  }
0x1e4: {  	_ =	swait.ge [sflag:s20], $0x4000  }
0x1e5: {  	[sflag:s20] =	ssyncset.done $0x0  }
0x1e6: {  	[sflag:s20] =	ssyncadd.s32 $0xFFFFC000  }
0x1e7: {  	[spmem:s3] =	stream.indirect.scatter.add.f32 [tilespmem:s15], [sflag:$0x3], $0x80, s21, s18, $0xb8;
	[tilespmem:$0x1F800] =	vst v63  }
0x1e8: {  	_ =	swait.ge [sflag:s16], $0x4000  }
0x1e9: {  	[sflag:s16] =	ssyncset.done $0x0  }
0x1ea: {  	[sflag:s16] =	ssyncadd.s32 $0xFFFFC000  }
0x1eb: {  	[tilespmem:s15], [sflag:$0x1] =	stream.indirect.gather [hbm4b:s5+s18], $0x80, s23, s18, $0xb8;
	[tilespmem:$0x1F800] =	vst v63  }
0x1ec: {  	_ =	swait.ge [sflag:s22], $0x4000  }
0x1ed: {  	[sflag:s22] =	ssyncset.done $0x0  }
0x1ee: {  	[sflag:s22] =	ssyncadd.s32 $0xFFFFC000  }
0x1ef: {  	[spmem:s3] =	stream.indirect.scatter.add.f32 [tilespmem:s19], [sflag:$0x3], $0x80, s24, s18, $0xb8;
	[tilespmem:$0x1F800] =	vst v63  }
0x1f0: {  	_ =	swait.ge [sflag:s16], $0x4000  }
0x1f1: {  	[sflag:s16] =	ssyncset.done $0x0  }
0x1f2: {  	[sflag:s16] =	ssyncadd.s32 $0xFFFFC000  }
0x1f3: {  	[tilespmem:s19], [sflag:$0x2] =	stream.indirect.gather [hbm4b:s5+s18], $0x80, s25, s18, $0xb8;
	[tilespmem:$0x1F800] =	vst v63  }
0x1f4: {  	_ =	swait.ge [sflag:s20], $0x4000  }
0x1f5: {  	[sflag:s20] =	ssyncset.done $0x0  }
0x1f6: {  	[sflag:s20] =	ssyncadd.s32 $0xFFFFC000  }
0x1f7: {  	[spmem:s3] =	stream.indirect.scatter.add.f32 [tilespmem:s15], [sflag:$0x3], $0x80, s26, s18, $0xb8;
	[tilespmem:$0x1F800] =	vst v63  }
0x1f8: {  	_ =	swait.ge [sflag:s16], $0x4000  }
0x1f9: {  	[sflag:s16] =	ssyncset.done $0x0  }
0x1fa: {  	[sflag:s16] =	ssyncadd.s32 $0xFFFFC000  }
0x1fb: {  	[tilespmem:s15], [sflag:$0x1] =	stream.indirect.gather [hbm4b:s5+s18], $0x80, s28, s18, $0xb8;
	[tilespmem:$0x1F800] =	vst v63  }
0x1fc: {  	_ =	swait.ge [sflag:s22], $0x4000  }
0x1fd: {  	[sflag:s22] =	ssyncset.done $0x0  }
0x1fe: {  	[sflag:s22] =	ssyncadd.s32 $0xFFFFC000  }
0x1ff: {  	[spmem:s3] =	stream.indirect.scatter.add.f32 [tilespmem:s19], [sflag:$0x3], $0x80, s29, s18, $0xb8;
	[tilespmem:$0x1F800] =	vst v63  }
0x200: {  	_ =	swait.ge [sflag:s16], $0x4000  }
0x201: {  	[sflag:s16] =	ssyncset.done $0x0  }
0x202: {  	[sflag:s16] =	ssyncadd.s32 $0xFFFFC000  }
0x203: {  	[tilespmem:s19], [sflag:$0x2] =	stream.indirect.gather [hbm4b:s5+s18], $0x80, s30, s18, $0xb8;
	[tilespmem:$0x1F800] =	vst v63  }
0x204: {  	_ =	swait.ge [sflag:s20], $0x4000  }
0x205: {  	[sflag:s20] =	ssyncset.done $0x0  }
0x206: {  	[sflag:s20] =	ssyncadd.s32 $0xFFFFC000  }
0x207: {  	[spmem:s3] =	stream.indirect.scatter.add.f32 [tilespmem:s15], [sflag:$0x3], $0x80, s31, s18, $0xb8;
	[tilespmem:$0x1F800] =	vst v63  }
0x208: {  	_ =	swait.ge [sflag:s16], $0x4000  }
0x209: {  	[sflag:s16] =	ssyncset.done $0x0  }
0x20a: {  	[sflag:s16] =	ssyncadd.s32 $0xFFFFC000  }
0x20b: {  	s9 =	sadd.s32 $0x1, s9;
	_ =	swait.ge [sflag:s22], $0x4000  }
0x20c: {  	p0 =	sne.s32 s9, $0x3;
	[sflag:s22] =	ssyncset.done $0x0  }
.Ltmp2:
0x20d: {  	[sflag:s22] =	ssyncadd.s32 $0xFFFFC000;
	(pc) =	sbr.rel @p0 .LBB2_4-.Ltmp2, $4  }
0x20e: {  	[spmem:s3] =	stream.indirect.scatter.add.f32 [tilespmem:s19], [sflag:$0x3], $0x80, s0, s18, $0xb8;
	[tilespmem:$0x1F800] =	vst v63  }
0x20f: {  	_ =	swait.ge [sflag:s16], $0x4000  }
0x210: {  	[sflag:s16] =	ssyncset.done $0x0  }
0x211: {  	[sflag:s16] =	ssyncadd.s32 $0xFFFFC000  }
0x212: {  	s1 =	stileid.u32;
	[bflag:$0x0] =	sbarrier.arrive $0xFFFF  }
0x213: {  	s1 =	sshll.u32 s1, $0x6;
	s11 =	rddreg [dreg:$0x4]  }
0x214: {  	s9 =	rddreg [dreg:$0x5];
	s1 =	sor.u32 $0x1C03, s1;
	s4 =	sshrl.u32 s11, $0x3  }
0x215: {  	[hbm:s9], [sflag:s1] =	dma.local [spmem:s4], $0x2800  }
0x216: {  	_ =	swait.ge [sflag:s16], $0x2800  }
0x217: {  	s12 =	rddreg [dreg:$0xb]  }
0x218: {  	s13 =	rddreg [dreg:$0x6];
	s4 =	sadd.s32 $0x1, s12  }
0x219: {  	p0 =	sne.s32 s4, s13  }
.Ltmp3:
0x21a: {  	_ = 	snop;
	(pc) =	sbr.rel @p0 .LBB2_1-.Ltmp3, $3  }
0x21b: {  	_ =	sdelay $0x1  }
0x21c: {  	[sflag:s16] =	ssyncset.done $0x0  }
0x21d: {  	[sflag:s16] =	ssyncadd.s32 $0xFFFFD800  }
0x21e: {  	_ =	sfence.sel $0x180000  }
0x21f: {  	[bflag:$0x0] =	sbarrier.arrive $0xFFFF  }
0x220: {  	_ =	strace $0x9000004A  }
0x221: {  	s0 =	stileid.u32;
	[bflag:$0x2] =	sbarrier.arrive $0xFFFF  }
0x222: {  	p0 =	sne.s32 s0, $0x0;
	s0 =	rddreg [dreg:$0x3]  }
0x223: {  	s0 =	sadd.s32 @!p0 $0x100000, s0  }
0x224: {  	[sflag:s0] =	ssyncadd.tile.s32 @!p0 $0x1;
	_ =	shalt  }
.Lfunc_end2:
_tile_overlayer_lowered:
.L_overlay_start_2:
0x225: {  	(tag) =	ssettag $0x2  }
0x226: {  	s0 =	rddreg [dreg:$0x0];
	s2 =	stileid.u32  }
0x227: {  	s1 =	rddreg [dreg:$0x1];
	p0 =	sne.s32 s2, $0x0  }
0x228: {  	s3 =	rddreg [dreg:$0x2];
	[bflag:$0x3] =	sbarrier.arrive $0xFFFF;
	s2 =	simm.s32 @!p0 $0x1C03  }
0x229: {  	[timem:s3], [sflag:s2] =	dma.local @!p0 [hbm:s0], s1  }
0x22a: {  	s0 =	simm.s32 @!p0 $0x3  }
0x22b: {  	_ =	swait.ge @!p0 [sflag:s0], s1  }
0x22c: {  	s1 =	ssub.s32 @!p0 $0x0, s1;
	[sflag:s0] =	ssyncset.done @!p0 $0x0  }
0x22d: {  	[sflag:s0] =	ssyncadd.s32 @!p0 s1  }
0x22e: {  	[bflag:$0x3] =	sbarrier.arrive $0xFFFF  }
0x22f: {  	_ =	shalt  }

// kernel: kernel.14.cloned.1.call-start
scs
__scs_entry_jumppad:
0x0: {  	(pc) =	sbr.rel $0x88, $3  }
0x1: {  	(tag) =	ssettag $0x0;
	lr =	simm.s32 $0x1  }
0x2: {  	[smem:$0x3F9B] =	sst lr;
	_ =	strace $0xD0000000  }
0x3: {  	_ = 	snop  }
0x4: {  	_ = 	snop  }
0x5: {  	_ = 	snop  }
0x6: {  	_ = 	snop  }
0x7: {  	_ = 	snop  }
__scs_overlays_trampoline_lowered:
0x8: {  	[smem:$0x3FAA] =	sst s0  }
0x9: {  	[smem:$0x3FAB] =	sst s1  }
0xa: {  	[smem:$0x3FAC] =	sst s2  }
0xb: {  	[smem:$0x3FAD] =	sst s3  }
0xc: {  	[smem:$0x3FAE] =	sst s4  }
0xd: {  	[smem:$0x3FAF] =	sst s5  }
0xe: {  	[smem:$0x3FB0] =	sst s6  }
0xf: {  	[smem:$0x3FB1] =	sst s7  }
0x10: {  	[smem:$0x3FB2] =	sst s8  }
0x11: {  	[smem:$0x3FB3] =	sst s9;
	s0 =	simm.s32 @!p0 $0x0  }
0x12: {  	s1 =	sld [smem:$0x3F99];
	s0 =	simm.s32 @p0 $0x1  }
0x13: {  	[smem:$0x3FB4] =	sst s0;
	s0 =	simm.s32 @!p1 $0x0  }
0x14: {  	s2 =	sld [smem:$0x3F98];
	s0 =	simm.s32 @p1 $0x1  }
0x15: {  	[smem:$0x3FB5] =	sst s0;
	s0 =	simm.s32 @!p2 $0x0  }
0x16: {  	s3 =	sld [smem:$0x3FDB];
	s0 =	simm.s32 @p2 $0x1  }
0x17: {  	s4 =	simm.s32 $0x1BF5;
	[smem:$0x3FB7] =	sst s0  }
0x18: {  	s0 =	sld [smem:$0x3F9A];
	_ =	swait.ge [sflag:s4], $0x0  }
0x19: {  	s7 =	sld [smem:$0x3F9B]  }
0x1a: {  	s8 =	sadd.s32 $0xFFFFE003, lr  }
0x1b: {  	s9 =	sadd.s32 $0xFFFFFEF7, lr;
	s5 =	simm.s32 $0xFFFFFFFF;
	p2 =	slt.u32 s8, $0xFFFFF086  }
0x1c: {  	p1 =	slt.u32 s9, $0xF7A;
	s5 =	simm.s32 @!p2 $0x0  }
0x1d: {  	s5 =	simm.s32 @p1 $0x1;
	p0 =	seq.s32 s7, s2  }
0x1e: {  	s7 =	smul.u32 @!p0 $0xF7A, s2;
	p2 =	seq.s32 @!p0 s5, $0x0  }
0x1f: {  	s9 =	smul.u32 $0xF7A, s1;
	s8 =	simm.s32 @!p0 $0x1BF5;
	p2 =	por !p2, p0  }
0x20: {  	[sflag:s8] =	ssyncset.s32 @!p0 $0xFFFFF086;
	s6 =	sadd.s32 @!p0 s3, s7;
	s7 =	simm.s32 @!p0 $0x108  }
0x21: {  	s3 =	sadd.s32 s3, s9;
	s6 =	sadd.s32 @!p0 $0x88, s6;
	s7 =	simm.s32 @p2 $0x1082  }
0x22: {  	[simem:s7], [sflag:s8] =	dma.local @!p0 [hbm:s6], $0xF7A  }
0x23: {  	s9 =	sor.u32 $0xD0000000, s2;
	s6 =	simm.s32 $0x108;
	_ =	swait.ge @!p0 [sflag:s8], $0x0  }
0x24: {  	s3 =	sadd.s32 $0x88, s3;
	s6 =	simm.s32 @!p1 $0x1082;
	[sflag:s4] =	ssyncset.s32 $0xFFFFF086  }
0x25: {  	[simem:s6], [sflag:s4] =	dma.local [hbm:s3], $0xF7A  }
0x26: {  	[smem:$0x3F9B] =	sst s1;
	(tag) =	ssettag s2;
	_ =	strace s9  }
0x27: {  	s1 =	sld [smem:$0x3FAB]  }
0x28: {  	s2 =	sld [smem:$0x3FAC]  }
0x29: {  	s4 =	sld [smem:$0x3FAE]  }
0x2a: {  	p0 =	seq.s32 s5, $0x0;
	s5 =	sld [smem:$0x3FAF]  }
0x2b: {  	s6 =	sld [smem:$0x3FB0]  }
0x2c: {  	s7 =	sld [smem:$0x3FB1]  }
0x2d: {  	s3 =	simm.s32 $0x108;
	s8 =	sld [smem:$0x3FB2]  }
0x2e: {  	s3 =	simm.s32 @!p0 $0x1082;
	s9 =	sld [smem:$0x3FB3]  }
0x2f: {  	lr =	sadd.s32 s0, s3;
	s0 =	sld [smem:$0x3FAA]  }
0x30: {  	s3 =	sld [smem:$0x3FAD]  }
0x31: {  	[smem:$0x3FB6] =	sst s10  }
0x32: {  	s10 =	sld [smem:$0x3FB4];
	_ =	sdelay $0x3  }
0x33: {  	p0 =	seq.s32 s10, $0x1;
	s10 =	sld [smem:$0x3FB6];
	_ =	sdelay $0x3  }
0x34: {  	[smem:$0x3FB6] =	sst s10  }
0x35: {  	s10 =	sld [smem:$0x3FB5];
	_ =	sdelay $0x3  }
0x36: {  	p1 =	seq.s32 s10, $0x1;
	s10 =	sld [smem:$0x3FB6];
	_ =	sdelay $0x3  }
0x37: {  	[smem:$0x3FB6] =	sst s10  }
0x38: {  	s10 =	sld [smem:$0x3FB7]  }
0x39: {  	_ = 	snop;
	(pc) =	sbr.ind lr, $3  }
0x3a: {  	_ = 	snop  }
0x3b: {  	_ = 	snop  }
0x3c: {  	p2 =	seq.s32 s10, $0x1;
	s10 =	sld [smem:$0x3FB6]  }
0x3d: {  	_ =	shalt  }
0x3e: {  	_ =	shalt  }
0x3f: {  	_ =	shalt  }
0x40: {  	_ =	shalt  }
0x41: {  	_ =	shalt  }
0x42: {  	_ =	shalt  }
0x43: {  	_ =	shalt  }
0x44: {  	_ =	shalt  }
0x45: {  	_ =	shalt  }
0x46: {  	_ =	shalt  }
0x47: {  	_ =	shalt  }
0x48: {  	_ =	shalt  }
0x49: {  	_ =	shalt  }
0x4a: {  	_ =	shalt  }
0x4b: {  	_ =	shalt  }
0x4c: {  	_ =	shalt  }
0x4d: {  	_ =	shalt  }
0x4e: {  	_ =	shalt  }
0x4f: {  	_ =	shalt  }
0x50: {  	_ =	shalt  }
0x51: {  	_ =	shalt  }
0x52: {  	_ =	shalt  }
0x53: {  	_ =	shalt  }
0x54: {  	_ =	shalt  }
0x55: {  	_ =	shalt  }
0x56: {  	_ =	shalt  }
0x57: {  	_ =	shalt  }
0x58: {  	_ =	shalt  }
0x59: {  	_ =	shalt  }
0x5a: {  	_ =	shalt  }
0x5b: {  	_ =	shalt  }
0x5c: {  	_ =	shalt  }
0x5d: {  	_ =	shalt  }
0x5e: {  	_ =	shalt  }
0x5f: {  	_ =	shalt  }
0x60: {  	_ =	shalt  }
0x61: {  	_ =	shalt  }
0x62: {  	_ =	shalt  }
0x63: {  	_ =	shalt  }
0x64: {  	_ =	shalt  }
0x65: {  	_ =	shalt  }
0x66: {  	_ =	shalt  }
0x67: {  	_ =	shalt  }
0x68: {  	_ =	shalt  }
0x69: {  	_ =	shalt  }
0x6a: {  	_ =	shalt  }
0x6b: {  	_ =	shalt  }
0x6c: {  	_ =	shalt  }
0x6d: {  	_ =	shalt  }
0x6e: {  	_ =	shalt  }
0x6f: {  	_ =	shalt  }
0x70: {  	_ =	shalt  }
0x71: {  	_ =	shalt  }
0x72: {  	_ =	shalt  }
0x73: {  	_ =	shalt  }
0x74: {  	_ =	shalt  }
0x75: {  	_ =	shalt  }
0x76: {  	_ =	shalt  }
0x77: {  	_ =	shalt  }
0x78: {  	_ =	shalt  }
0x79: {  	_ =	shalt  }
0x7a: {  	_ =	shalt  }
0x7b: {  	_ =	shalt  }
0x7c: {  	_ =	shalt  }
0x7d: {  	_ =	shalt  }
0x7e: {  	_ =	shalt  }
0x7f: {  	_ =	shalt  }
0x80: {  	_ =	shalt  }
0x81: {  	_ =	shalt  }
0x82: {  	_ =	shalt  }
0x83: {  	_ =	shalt  }
0x84: {  	_ =	shalt  }
0x85: {  	_ =	shalt  }
0x86: {  	_ =	shalt  }
0x87: {  	_ =	shalt  }
.Lfunc_end0:
.L_simem_size_0:
called_computation.2_lowered:
.L_overlay_start_0:
0x88: {  	s2 =	sld [smem:$0x3FD9]  }
0x89: {  	s3 =	sld [smem:$0x3FFE];
	_ =	sdelay $0x1  }
0x8a: {  	s1 =	srdreg.scid  }
0x8b: {  	s0 =	sand.u32 $0x1, s1  }
0x8c: {  	s17 =	sshll.u32 s0, $0xA;
	s2 =	sadd.s32 s3, s2  }
0x8d: {  	s2 =	sadd.s32 s2, s17  }
0x8e: {  	[smem:$0x3FC2] =	sst s2  }
0x8f: {  	_ = 	snop  }
0x90: {  	s2 =	sld [smem:$0x3FD0];
	(tm) =	ssettm $0x1  }
0x91: {  	s18 =	sld [smem:$0x3FFB];
	_ =	sdelay $0x3  }
0x92: {  	_ =	strace s18  }
0x93: {  	s3 =	sld [smem:$0x3FFC];
	_ =	sdelay $0x3  }
0x94: {  	_ =	strace s3  }
0x95: {  	s3 =	sld [smem:$0x3FFD];
	_ =	sdelay $0x3  }
0x96: {  	_ =	strace s3  }
0x97: {  	_ =	strace $0x8FFFFFFF  }
0x98: {  	s19 =	sld [smem:$0x3FDB];
	_ =	sdelay $0x1  }
0x99: {  	s4 =	simm.s32 $_scs_section_size  }
0x9a: {  	s5 =	simm.s32 $_size__tile_overlayer_lowered;
	s6 =	simm.s32 $_tile_overlayer_lowered  }
0x9b: {  	s22 =	simm.s32 $0x1BFF;
	s21 =	sshll.u32 s6, $0x1;
	s3 =	sadd.s32 s4, s19  }
0x9c: {  	s7 =	simm.s32 $0x0;
	s20 =	sshll.u32 s5, $0x1;
	s5 =	sadd.s32 s21, s3  }
0x9d: {  	[timem:s7], [sflag:s22] =	dma.local [hbm:s5], s20  }
0x9e: {  	_ =	swait.ge [sflag:s22], s20  }
0x9f: {  	s4 =	ssub.s32 $0x0, s20;
	[sflag:s22] =	ssyncset.done $0x0  }
0xa0: {  	[sflag:s22] =	ssyncadd.s32 s4;
	_ =	sdelay $0x1  }
0xa1: {  	s23 =	simm.s32 $0x1B8B  }
0xa2: {  	_ =	swait.ge [sflag:s23], $0x1  }
0xa3: {  	[sflag:s23] =	ssyncset.done $0x0  }
0xa4: {  	s25 =	simm.s32 $0x1B8E;
	s24 =	sld [smem:$0x3FFE];
	[sflag:s23] =	ssyncadd.s32 $0xFFFFFFFF  }
0xa5: {  	s26 =	simm.s32 $execute0_lowered;
	[smem:$0x3FD2] =	sst s25  }
0xa6: {  	s5 =	sshll.u32 s26, $0x1;
	_ =	strace $0x8000004C;
	[dreg:$0x1] =	wrdreg $0xFFFFFFFF  }
0xa7: {  	s28 =	simm.s32 $_size_execute0_lowered;
	s3 =	sadd.s32 s3, s5;
	[dreg:$0x0] =	wrdreg $0x0  }
0xa8: {  	s5 =	sshll.u32 s28, $0x1;
	[dreg:$0x2] =	wrdreg s3  }
0xa9: {  	[dreg:$0x3] =	wrdreg s5  }
0xaa: {  	[dreg:$0x4] =	wrdreg $0xC0  }
0xab: {  	_ =	task [dreg:s7], $0x5FFFF  }
0xac: {  	[dreg:$0x1] =	wrdreg $0xFFFFFFFF  }
0xad: {  	[dreg:$0x0] =	wrdreg $0x60  }
0xae: {  	[dreg:$0x2] =	wrdreg s24  }
0xaf: {  	[dreg:$0x3] =	wrdreg s2  }
0xb0: {  	[dreg:$0x4] =	wrdreg $0xB8000  }
0xb1: {  	[dreg:$0x5] =	wrdreg $0x9  }
0xb2: {  	_ =	task.clear_ibuf [dreg:s7], $0x6FFFF;
	_ =	strace $0x9000004C  }
0xb3: {  	s29 =	simm.s32 $0x9;
	_ =	strace $0x8000004E  }
0xb4: {  	_ =	swait.ge [sflag:s29], $0x1  }
0xb5: {  	[sflag:s29] =	ssyncadd.s32 $0xFFFFFFFF  }
0xb6: {  	_ =	strace $0x9000004E  }
0xb7: {  	_ =	sfence  }
0xb8: {  	s30 =	sld [smem:$0x0];
	_ =	sdelay $0x2  }
0xb9: {  	s31 =	sshll.u32 s1, $0xD;
	s1 =	sshrl.u32 s1, $0x2  }
0xba: {  	s3 =	sand.u32 $0x4000, s31;
	s1 =	sadd.s32 s1, s30  }
0xbb: {  	s0 =	sor.u32 s3, s0;
	s1 =	sshll.u32 s1, $0x11  }
0xbc: {  	s0 =	sor.u32 s1, s0  }
0xbd: {  	s0 =	sadd.s32 $0x8F2B, s0  }
0xbe: {  	[sflag:s0] =	ssyncadd.remote.s32 $0x1  }
0xbf: {  	_ =	sfence.sel $0xFFFF  }
0xc0: {  	[dreg:$0x0] =	wrdreg $0xFFFFFFFF;
	(pc) =	sbr.abs _section_cstart, $3  }
0xc1: {  	[dreg:$0x1] =	wrdreg $0xFFFFFFFF  }
0xc2: {  	_ =	task.clear_ibuf [dreg:s7], $0x2FFFF;
	_ =	strace $0x9FFFFFFF  }
0xc3: {  	(tm) =	ssettm $0x7FFFFFFF  }
tec
execute0_lowered:
.L_overlay_start_1:
0x0: {  	(tag) =	ssettag $0x1  }
0x1: {  	s0 =	rddreg [dreg:$0x0];
	s1 =	srdreg.scid  }
0x2: {  	s3 =	rddreg [dreg:$0x2];
	s7 =	stileid.u32;
	s5 =	simm.s32 $0x0  }
0x3: {  	s1 =	sand.u32 $0x1, s1;
	[smem:$0x7FF] =	sst s5;
	s6 =	smul.u32 $0x50000, s7  }
0x4: {  	s8 =	sadd.s32 $0x2C00, s0;
	s15 =	smul.u32 $0x5400, s7;
	_ =	strace $0x8000004D  }
0x5: {  	[dreg:$0x4] =	wrdreg s8;
	s14 =	sshrl.u32 s6, $0x2;
	s6 =	sshll.u32 s1, $0x7  }
0x6: {  	[dreg:$0x5] =	wrdreg s15;
	s16 =	sor.u32 $0x1C00, s6  }
0x7: {  	s17 =	sor.u32 $0x200, s6;
	[dreg:$0x8] =	wrdreg s16  }
0x8: {  	s19 =	sor.u32 $0x1D00, s6;
	[dreg:$0x9] =	wrdreg s17  }
0x9: {  	s20 =	sor.u32 $0x300, s6;
	[dreg:$0xa] =	wrdreg s19  }
0xa: {  	s21 =	sor.u32 $0x1E00, s6;
	[dreg:$0xb] =	wrdreg s20  }
0xb: {  	s22 =	sor.u32 $0x400, s6;
	[dreg:$0xc] =	wrdreg s21  }
0xc: {  	s23 =	sor.u32 $0x1F00, s6;
	[dreg:$0xd] =	wrdreg s22  }
0xd: {  	s4 =	smul.u32 $0x14000, s7;
	s24 =	sor.u32 $0x500, s6;
	[dreg:$0xe] =	wrdreg s23  }
0xe: {  	s2 =	smul.u32 $0x140000, s1;
	s25 =	sor.u32 $0x2000, s6;
	[dreg:$0xf] =	wrdreg s24  }
0xf: {  	s26 =	sor.u32 $0x600, s6;
	[dreg:$0x10] =	wrdreg s25  }
0x10: {  	s2 =	sadd.s32 s4, s2;
	s4 =	sor.u32 $0x2100, s6;
	[dreg:$0x11] =	wrdreg s26  }
0x11: {  	s7 =	sor.u32 $0x700, s6;
	[dreg:$0x12] =	wrdreg s4  }
0x12: {  	s9 =	sor.u32 $0x2200, s6;
	[dreg:$0x13] =	wrdreg s7  }
0x13: {  	s10 =	sor.u32 $0x800, s6;
	[dreg:$0x16] =	wrdreg s9  }
0x14: {  	s11 =	sor.u32 $0x2300, s6;
	[dreg:$0x17] =	wrdreg s10  }
0x15: {  	s18 =	sadd.s32 s14, s3;
	s14 =	sor.u32 $0x2400, s6;
	[dreg:$0x18] =	wrdreg s11  }
0x16: {  	s15 =	sor.u32 $0xA00, s6;
	[dreg:$0x1a] =	wrdreg s14  }
0x17: {  	[dreg:$0x1b] =	wrdreg s15  }
0x18: {  	s16 =	sor.u32 $0x2500, s6;
	[dreg:$0x6] =	wrdreg s18  }
0x19: {  	s17 =	sor.u32 $0xB00, s6;
	[dreg:$0x1c] =	wrdreg s16  }
0x1a: {  	s19 =	sor.u32 $0x2600, s6;
	[dreg:$0x1d] =	wrdreg s17  }
0x1b: {  	s20 =	sor.u32 $0xC00, s6;
	[dreg:$0x1e] =	wrdreg s19  }
0x1c: {  	s5 =	sadd.s32 $0xD400, s0;
	s21 =	sor.u32 $0x2700, s6;
	[dreg:$0x1f] =	wrdreg s20  }
0x1d: {  	s12 =	ssub.s32 $0x2, s1;
	s22 =	sor.u32 $0xD00, s6;
	[smem:$0x7E9] =	sst s21  }
0x1e: {  	s13 =	sshrl.u32 s12, $0x1;
	s23 =	sor.u32 $0x2800, s6;
	[smem:$0x7EA] =	sst s22  }
0x1f: {  	s28 =	sor.u32 $0x3100, s6;
	s24 =	sor.u32 $0xE00, s6;
	[smem:$0x7EB] =	sst s23  }
0x20: {  	s29 =	sor.u32 $0x1700, s6;
	s25 =	sor.u32 $0x2900, s6;
	[smem:$0x7EC] =	sst s24  }
0x21: {  	s30 =	sor.u32 $0x3200, s6;
	s26 =	sor.u32 $0xF00, s6;
	[smem:$0x7ED] =	sst s25  }
0x22: {  	s31 =	sor.u32 $0x1800, s6;
	s4 =	sor.u32 $0x2B00, s6;
	[smem:$0x7EE] =	sst s26  }
0x23: {  	s2 =	sshrl.u32 s2, $0x3;
	s7 =	sor.u32 $0x1100, s6;
	[smem:$0x7F1] =	sst s4  }
0x24: {  	s9 =	sor.u32 $0x1200, s6;
	s10 =	sor.u32 $0x2D00, s6;
	[smem:$0x7F2] =	sst s7  }
0x25: {  	s11 =	sor.u32 $0x1300, s6;
	s14 =	sor.u32 $0x1400, s6;
	[smem:$0x7F4] =	sst s9  }
0x26: {  	s15 =	sor.u32 $0x2F00, s6;
	s0 =	sadd.s32 s2, s0;
	[smem:$0x7F5] =	sst s10  }
0x27: {  	s2 =	ssub.s32 s12, s13;
	s12 =	smul.u32 $0x2710, s1;
	[smem:$0x7F6] =	sst s11  }
0x28: {  	s1 =	sor.u32 $0x100, s6;
	s13 =	sor.u32 $0x900, s6;
	[smem:$0x7F8] =	sst s14  }
0x29: {  	[smem:$0x7F9] =	sst s15;
	s22 =	sor.u32 $0x1500, s6;
	s25 =	sor.u32 $0x3000, s6  }
0x2a: {  	s26 =	sor.u32 $0x1600, s6;
	s9 =	sor.u32 $0x1900, s6;
	[dreg:$0x7] =	wrdreg s1  }
0x2b: {  	s4 =	sor.u32 $0x1A00, s6;
	s16 =	sadd.s32 $0x4000, s18;
	[dreg:$0x19] =	wrdreg s13  }
0x2c: {  	s23 =	sor.u32 $0x3500, s6;
	s17 =	sadd.s32 $0x8000, s18;
	[smem:$0x7FA] =	sst s16  }
0x2d: {  	s24 =	sor.u32 $0x1B00, s6;
	s19 =	sadd.s32 $0xC000, s18;
	[smem:$0x7FB] =	sst s17  }
0x2e: {  	s21 =	smov.u32 s6;
	s20 =	sadd.s32 $0x10000, s18;
	[smem:$0x7FC] =	sst s19  }
0x2f: {  	s7 =	simm.s32 $0x3;
	s0 =	sadd.s32 $0x5B600, s0;
	[smem:$0x7FD] =	sst s20  }
0x30: {  	s10 =	simm.s32 $0x80;
	s8 =	smax.u32 s2, $0x1;
	[dreg:$0x14] =	wrdreg s0  }
0x31: {  	s11 =	simm.s32 $0x7800;
	s1 =	sor.u32 $0x2A00, s6;
	[dreg:$0x15] =	wrdreg s8  }
0x32: {  	s15 =	simm.s32 $0x0;
	s2 =	sor.u32 $0x1000, s6;
	[smem:$0x7EF] =	sst s1  }
0x33: {  	s13 =	sor.u32 $0x2E00, s6;
	[smem:$0x7F0] =	sst s2;
	s8 =	sor.u32 $0x2C00, s6  }
0x34: {  	[smem:$0x7F7] =	sst s13;
	s0 =	sor.u32 $0x3300, s6;
	s1 =	sor.u32 $0x3400, s6  }
0x35: {  	s2 =	sor.u32 $0x3700, s6;
	v0 =	vmov s12;
	s12 =	simm.s32 $0x1;
	s13 =	simm.s32 $0x2  }
0x36: {  	v1 =	vimm.f32 $0.0e+00;
	[smem:$0x7F3] =	sst s8;
	s8 =	sor.u32 $0x3600, s6;
	s6 =	simm.s32 $0x3800  }
.LBB2_1:
0x37: {  	s20 =	simm.s32 $0x0  }
0x38: {  	s14 =	sand.u32 $0xFE00, s20  }
0x39: {  	[smem:$0x7E8] =	sst s15;
	s15 =	sand.u32 $0x70, s20;
	s16 =	sshrl.u32 s14, $0x2  }
0x3a: {  	s14 =	simm.s32 $0x40;
	s16 =	sor.u32 s15, s16;
	s15 =	simm.s32 $0x0  }
.LBB2_2:
0x3b: {  	p0 =	sne.s32 s14, $0xFFC0  }
0x3c: {  	[tilespmem:s16+$0x3800] =	vst v1;
	s15 =	sadd.s32 $0x10, s15;
	s16 =	smov.u32 s14;
	s14 =	sadd.s32 $0x40, s14  }
.Ltmp0:
0x3d: {  	(pc) =	sbr.rel @p0 .LBB2_2-.Ltmp0, $4  }
0x3e: {  	_ = 	snop  }
0x3f: {  	s16 =	sand.u32 $0xFE00, s16  }
0x40: {  	s17 =	sand.u32 $0x70, s15;
	s16 =	sshrl.u32 s16, $0x2  }
0x41: {  	s16 =	sor.u32 s17, s16  }
0x42: {  	[tilespmem:s16+$0x3800] =	vst v1  }
0x43: {  	[spmem:s18] =	stream.linear.scatter [tilespmem:s6], [sflag:$0x3], $0x4000, $0x38;
	[tilespmem:$0x1F800] =	vst v63  }
0x44: {  	_ =	swait.ge [sflag:s7], $0x4000  }
0x45: {  	s14 =	sld [smem:$0x7FA]  }
0x46: {  	[sflag:s7] =	ssyncset.done $0x0  }
0x47: {  	[sflag:s7] =	ssyncadd.s32 $0xFFFFC000  }
0x48: {  	[spmem:s14] =	stream.linear.scatter [tilespmem:s6], [sflag:$0x3], $0x4000, $0x38;
	[tilespmem:$0x1F800] =	vst v63  }
0x49: {  	_ =	swait.ge [sflag:s7], $0x4000  }
0x4a: {  	s18 =	sld [smem:$0x7FB]  }
0x4b: {  	[sflag:s7] =	ssyncset.done $0x0  }
0x4c: {  	[sflag:s7] =	ssyncadd.s32 $0xFFFFC000  }
0x4d: {  	[spmem:s18] =	stream.linear.scatter [tilespmem:s6], [sflag:$0x3], $0x4000, $0x38;
	[tilespmem:$0x1F800] =	vst v63  }
0x4e: {  	_ =	swait.ge [sflag:s7], $0x4000  }
0x4f: {  	s19 =	sld [smem:$0x7FC]  }
0x50: {  	[sflag:s7] =	ssyncset.done $0x0  }
0x51: {  	[sflag:s7] =	ssyncadd.s32 $0xFFFFC000  }
0x52: {  	[spmem:s19] =	stream.linear.scatter [tilespmem:s6], [sflag:$0x3], $0x4000, $0x38;
	[tilespmem:$0x1F800] =	vst v63  }
0x53: {  	_ =	swait.ge [sflag:s7], $0x4000  }
0x54: {  	s20 =	sld [smem:$0x7FD]  }
0x55: {  	[sflag:s7] =	ssyncset.done $0x0  }
0x56: {  	[sflag:s7] =	ssyncadd.s32 $0xFFFFC000  }
0x57: {  	[spmem:s20] =	stream.linear.scatter [tilespmem:s6], [sflag:$0x3], $0x4000, $0x38;
	[tilespmem:$0x1F800] =	vst v63  }
0x58: {  	_ =	swait.ge [sflag:s7], $0x4000  }
0x59: {  	[sflag:s7] =	ssyncset.done $0x0  }
0x5a: {  	[sflag:s7] =	ssyncadd.s32 $0xFFFFC000  }
0x5b: {  	s15 =	simm.s32 $0x0;
	s14 =	simm.s32 $0x0;
	[bflag:$0x0] =	sbarrier.arrive $0xFFFF  }
.LBB2_4:
0x5c: {  	s16 =	smul.u32 $0x1C00, s15  }
0x5d: {  	s17 =	rddreg [dreg:$0x5]  }
0x5e: {  	s16 =	sadd.s32 s17, s16  }
0x5f: {  	s19 =	rddreg [dreg:$0x4];
	s16 =	sshrl.u32 s16, $0x3  }
0x60: {  	s17 =	sadd.s32 s19, s16  }
0x61: {  	[tilespmem:s14], [sflag:$0x3] =	stream.linear.gather [hbm4b:s17+s14], $0x1C00, $0x38;
	[tilespmem:$0x1F800] =	vst v63  }
0x62: {  	_ =	swait.ge [sflag:s7], $0x1C00  }
0x63: {  	[sflag:s7] =	ssyncset.done $0x0  }
0x64: {  	[sflag:s7] =	ssyncadd.s32 $0xFFFFE400  }
0x65: {  	s20 =	rddreg [dreg:$0x1]  }
0x66: {  	s18 =	simm.s32 $0x1C00;
	s16 =	sadd.s32 s20, s16  }
0x67: {  	[tilespmem:s18], [sflag:$0x3] =	stream.linear.gather [hbm4b:s16+s14], $0x1C00, $0x38;
	[tilespmem:$0x1F800] =	vst v63  }
0x68: {  	s19 =	sand.u32 $0x7E00, s14;
	_ =	swait.ge [sflag:s7], $0x1C00  }
0x69: {  	s20 =	sand.u32 $0x70, s14;
	s16 =	sshrl.u32 s19, $0x2;
	[sflag:s7] =	ssyncset.done $0x0  }
0x6a: {  	s16 =	sor.u32 s20, s16;
	[sflag:s7] =	ssyncadd.s32 $0xFFFFE400  }
0x6b: {  	v2 =	vld [tilespmem:s16+$0x0];
	_ =	sdelay $0x2  }
0x6c: {  	s18 =	simm.s32 $0x40  }
0x6d: {  	s17 =	simm.s32 $0x10;
	s19 =	sand.u32 $0x7E00, s18;
	s18 =	simm.s32 $0x80  }
.LBB2_5:
0x6e: {  	p0 =	sne.s32 s18, $0x6FC0;
	s20 =	sand.u32 $0x70, s17;
	s19 =	sshrl.u32 s19, $0x2;
	v2 =	vadd.s32 v0, v2  }
0x6f: {  	[tilespmem:s16+$0x0] =	vst v2;
	s16 =	sor.u32 s20, s19  }
.Ltmp1:
0x70: {  	v2 =	vld [tilespmem:s16+$0x0];
	(pc) =	sbr.rel @p0 .LBB2_5-.Ltmp1, $2  }
0x71: {  	_ =	sdelay $0x2  }
0x72: {  	s17 =	sadd.s32 $0x10, s17;
	s19 =	sand.u32 $0x7E00, s18;
	s18 =	sadd.s32 $0x40, s18  }
0x73: {  	s17 =	sand.u32 $0x70, s17;
	s18 =	sshrl.u32 s19, $0x2;
	v2 =	vadd.s32 v0, v2  }
0x74: {  	s17 =	sor.u32 s17, s18;
	[tilespmem:s16+$0x0] =	vst v2  }
0x75: {  	v2 =	vld [tilespmem:s17+$0x0];
	_ =	sdelay $0x4  }
0x76: {  	v2 =	vadd.s32 v0, v2  }
0x77: {  	[tilespmem:s17+$0x0] =	vst v2  }
0x78: {  	[tilespmem:s6], [sflag:$0x1] =	stream.indirect.gather [hbm4b:s5+s10], $0x80, s21, s10, $0xb8;
	[tilespmem:$0x1F800] =	vst v63  }
0x79: {  	s17 =	rddreg [dreg:$0x7]  }
0x7a: {  	[tilespmem:s11], [sflag:$0x2] =	stream.indirect.gather [hbm4b:s5+s10], $0x80, s17, s10, $0xb8;
	[tilespmem:$0x1F800] =	vst v63  }
0x7b: {  	_ =	swait.ge [sflag:s12], $0x4000  }
0x7c: {  	[sflag:s12] =	ssyncset.done $0x0  }
0x7d: {  	s18 =	rddreg [dreg:$0x8];
	[sflag:s12] =	ssyncadd.s32 $0xFFFFC000  }
0x7e: {  	[spmem:s3] =	stream.indirect.scatter.add.f32 [tilespmem:s6], [sflag:$0x3], $0x80, s18, s10, $0xb8;
	[tilespmem:$0x1F800] =	vst v63  }
0x7f: {  	_ =	swait.ge [sflag:s7], $0x4000  }
0x80: {  	[sflag:s7] =	ssyncset.done $0x0  }
0x81: {  	s19 =	rddreg [dreg:$0x9];
	[sflag:s7] =	ssyncadd.s32 $0xFFFFC000  }
0x82: {  	[tilespmem:s6], [sflag:$0x1] =	stream.indirect.gather [hbm4b:s5+s10], $0x80, s19, s10, $0xb8;
	[tilespmem:$0x1F800] =	vst v63  }
0x83: {  	_ =	swait.ge [sflag:s13], $0x4000  }
0x84: {  	[sflag:s13] =	ssyncset.done $0x0  }
0x85: {  	s20 =	rddreg [dreg:$0xa];
	[sflag:s13] =	ssyncadd.s32 $0xFFFFC000  }
0x86: {  	[spmem:s3] =	stream.indirect.scatter.add.f32 [tilespmem:s11], [sflag:$0x3], $0x80, s20, s10, $0xb8;
	[tilespmem:$0x1F800] =	vst v63  }
0x87: {  	_ =	swait.ge [sflag:s7], $0x4000  }
0x88: {  	[sflag:s7] =	ssyncset.done $0x0  }
0x89: {  	s17 =	rddreg [dreg:$0xb];
	[sflag:s7] =	ssyncadd.s32 $0xFFFFC000  }
0x8a: {  	[tilespmem:s11], [sflag:$0x2] =	stream.indirect.gather [hbm4b:s5+s10], $0x80, s17, s10, $0xb8;
	[tilespmem:$0x1F800] =	vst v63  }
0x8b: {  	_ =	swait.ge [sflag:s12], $0x4000  }
0x8c: {  	[sflag:s12] =	ssyncset.done $0x0  }
0x8d: {  	s18 =	rddreg [dreg:$0xc];
	[sflag:s12] =	ssyncadd.s32 $0xFFFFC000  }
0x8e: {  	[spmem:s3] =	stream.indirect.scatter.add.f32 [tilespmem:s6], [sflag:$0x3], $0x80, s18, s10, $0xb8;
	[tilespmem:$0x1F800] =	vst v63  }
0x8f: {  	_ =	swait.ge [sflag:s7], $0x4000  }
0x90: {  	[sflag:s7] =	ssyncset.done $0x0  }
0x91: {  	s19 =	rddreg [dreg:$0xd];
	[sflag:s7] =	ssyncadd.s32 $0xFFFFC000  }
0x92: {  	[tilespmem:s6], [sflag:$0x1] =	stream.indirect.gather [hbm4b:s5+s10], $0x80, s19, s10, $0xb8;
	[tilespmem:$0x1F800] =	vst v63  }
0x93: {  	_ =	swait.ge [sflag:s13], $0x4000  }
0x94: {  	[sflag:s13] =	ssyncset.done $0x0  }
0x95: {  	s20 =	rddreg [dreg:$0xe];
	[sflag:s13] =	ssyncadd.s32 $0xFFFFC000  }
0x96: {  	[spmem:s3] =	stream.indirect.scatter.add.f32 [tilespmem:s11], [sflag:$0x3], $0x80, s20, s10, $0xb8;
	[tilespmem:$0x1F800] =	vst v63  }
0x97: {  	_ =	swait.ge [sflag:s7], $0x4000  }
0x98: {  	[sflag:s7] =	ssyncset.done $0x0  }
0x99: {  	s17 =	rddreg [dreg:$0xf];
	[sflag:s7] =	ssyncadd.s32 $0xFFFFC000  }
0x9a: {  	[tilespmem:s11], [sflag:$0x2] =	stream.indirect.gather [hbm4b:s5+s10], $0x80, s17, s10, $0xb8;
	[tilespmem:$0x1F800] =	vst v63  }
0x9b: {  	_ =	swait.ge [sflag:s12], $0x4000  }
0x9c: {  	[sflag:s12] =	ssyncset.done $0x0  }
0x9d: {  	s18 =	rddreg [dreg:$0x10];
	[sflag:s12] =	ssyncadd.s32 $0xFFFFC000  }
0x9e: {  	[spmem:s3] =	stream.indirect.scatter.add.f32 [tilespmem:s6], [sflag:$0x3], $0x80, s18, s10, $0xb8;
	[tilespmem:$0x1F800] =	vst v63  }
0x9f: {  	_ =	swait.ge [sflag:s7], $0x4000  }
0xa0: {  	[sflag:s7] =	ssyncset.done $0x0  }
0xa1: {  	s19 =	rddreg [dreg:$0x11];
	[sflag:s7] =	ssyncadd.s32 $0xFFFFC000  }
0xa2: {  	[tilespmem:s6], [sflag:$0x1] =	stream.indirect.gather [hbm4b:s5+s10], $0x80, s19, s10, $0xb8;
	[tilespmem:$0x1F800] =	vst v63  }
0xa3: {  	_ =	swait.ge [sflag:s13], $0x4000  }
0xa4: {  	[sflag:s13] =	ssyncset.done $0x0  }
0xa5: {  	s20 =	rddreg [dreg:$0x12];
	[sflag:s13] =	ssyncadd.s32 $0xFFFFC000  }
0xa6: {  	[spmem:s3] =	stream.indirect.scatter.add.f32 [tilespmem:s11], [sflag:$0x3], $0x80, s20, s10, $0xb8;
	[tilespmem:$0x1F800] =	vst v63  }
0xa7: {  	_ =	swait.ge [sflag:s7], $0x4000  }
0xa8: {  	[sflag:s7] =	ssyncset.done $0x0  }
0xa9: {  	s17 =	rddreg [dreg:$0x13];
	[sflag:s7] =	ssyncadd.s32 $0xFFFFC000  }
0xaa: {  	[tilespmem:s11], [sflag:$0x2] =	stream.indirect.gather [hbm4b:s5+s10], $0x80, s17, s10, $0xb8;
	[tilespmem:$0x1F800] =	vst v63  }
0xab: {  	_ =	swait.ge [sflag:s12], $0x4000  }
0xac: {  	[sflag:s12] =	ssyncset.done $0x0  }
0xad: {  	s18 =	rddreg [dreg:$0x16];
	[sflag:s12] =	ssyncadd.s32 $0xFFFFC000  }
0xae: {  	[spmem:s3] =	stream.indirect.scatter.add.f32 [tilespmem:s6], [sflag:$0x3], $0x80, s18, s10, $0xb8;
	[tilespmem:$0x1F800] =	vst v63  }
0xaf: {  	_ =	swait.ge [sflag:s7], $0x4000  }
0xb0: {  	[sflag:s7] =	ssyncset.done $0x0  }
0xb1: {  	s19 =	rddreg [dreg:$0x17];
	[sflag:s7] =	ssyncadd.s32 $0xFFFFC000  }
0xb2: {  	[tilespmem:s6], [sflag:$0x1] =	stream.indirect.gather [hbm4b:s5+s10], $0x80, s19, s10, $0xb8;
	[tilespmem:$0x1F800] =	vst v63  }
0xb3: {  	_ =	swait.ge [sflag:s13], $0x4000  }
0xb4: {  	[sflag:s13] =	ssyncset.done $0x0  }
0xb5: {  	s20 =	rddreg [dreg:$0x18];
	[sflag:s13] =	ssyncadd.s32 $0xFFFFC000  }
0xb6: {  	[spmem:s3] =	stream.indirect.scatter.add.f32 [tilespmem:s11], [sflag:$0x3], $0x80, s20, s10, $0xb8;
	[tilespmem:$0x1F800] =	vst v63  }
0xb7: {  	_ =	swait.ge [sflag:s7], $0x4000  }
0xb8: {  	[sflag:s7] =	ssyncset.done $0x0  }
0xb9: {  	s17 =	rddreg [dreg:$0x19];
	[sflag:s7] =	ssyncadd.s32 $0xFFFFC000  }
0xba: {  	[tilespmem:s11], [sflag:$0x2] =	stream.indirect.gather [hbm4b:s5+s10], $0x80, s17, s10, $0xb8;
	[tilespmem:$0x1F800] =	vst v63  }
0xbb: {  	_ =	swait.ge [sflag:s12], $0x4000  }
0xbc: {  	[sflag:s12] =	ssyncset.done $0x0  }
0xbd: {  	s18 =	rddreg [dreg:$0x1a];
	[sflag:s12] =	ssyncadd.s32 $0xFFFFC000  }
0xbe: {  	[spmem:s3] =	stream.indirect.scatter.add.f32 [tilespmem:s6], [sflag:$0x3], $0x80, s18, s10, $0xb8;
	[tilespmem:$0x1F800] =	vst v63  }
0xbf: {  	_ =	swait.ge [sflag:s7], $0x4000  }
0xc0: {  	[sflag:s7] =	ssyncset.done $0x0  }
0xc1: {  	s19 =	rddreg [dreg:$0x1b];
	[sflag:s7] =	ssyncadd.s32 $0xFFFFC000  }
0xc2: {  	[tilespmem:s6], [sflag:$0x1] =	stream.indirect.gather [hbm4b:s5+s10], $0x80, s19, s10, $0xb8;
	[tilespmem:$0x1F800] =	vst v63  }
0xc3: {  	_ =	swait.ge [sflag:s13], $0x4000  }
0xc4: {  	[sflag:s13] =	ssyncset.done $0x0  }
0xc5: {  	s20 =	rddreg [dreg:$0x1c];
	[sflag:s13] =	ssyncadd.s32 $0xFFFFC000  }
0xc6: {  	[spmem:s3] =	stream.indirect.scatter.add.f32 [tilespmem:s11], [sflag:$0x3], $0x80, s20, s10, $0xb8;
	[tilespmem:$0x1F800] =	vst v63  }
0xc7: {  	_ =	swait.ge [sflag:s7], $0x4000  }
0xc8: {  	[sflag:s7] =	ssyncset.done $0x0  }
0xc9: {  	s17 =	rddreg [dreg:$0x1d];
	[sflag:s7] =	ssyncadd.s32 $0xFFFFC000  }
0xca: {  	[tilespmem:s11], [sflag:$0x2] =	stream.indirect.gather [hbm4b:s5+s10], $0x80, s17, s10, $0xb8;
	[tilespmem:$0x1F800] =	vst v63  }
0xcb: {  	_ =	swait.ge [sflag:s12], $0x4000  }
0xcc: {  	[sflag:s12] =	ssyncset.done $0x0  }
0xcd: {  	s18 =	rddreg [dreg:$0x1e];
	[sflag:s12] =	ssyncadd.s32 $0xFFFFC000  }
0xce: {  	[spmem:s3] =	stream.indirect.scatter.add.f32 [tilespmem:s6], [sflag:$0x3], $0x80, s18, s10, $0xb8;
	[tilespmem:$0x1F800] =	vst v63  }
0xcf: {  	_ =	swait.ge [sflag:s7], $0x4000  }
0xd0: {  	[sflag:s7] =	ssyncset.done $0x0  }
0xd1: {  	s19 =	rddreg [dreg:$0x1f];
	[sflag:s7] =	ssyncadd.s32 $0xFFFFC000  }
0xd2: {  	[tilespmem:s6], [sflag:$0x1] =	stream.indirect.gather [hbm4b:s5+s10], $0x80, s19, s10, $0xb8;
	[tilespmem:$0x1F800] =	vst v63  }
0xd3: {  	_ =	swait.ge [sflag:s13], $0x4000  }
0xd4: {  	s20 =	sld [smem:$0x7E9]  }
0xd5: {  	[sflag:s13] =	ssyncset.done $0x0  }
0xd6: {  	[sflag:s13] =	ssyncadd.s32 $0xFFFFC000  }
0xd7: {  	[spmem:s3] =	stream.indirect.scatter.add.f32 [tilespmem:s11], [sflag:$0x3], $0x80, s20, s10, $0xb8;
	[tilespmem:$0x1F800] =	vst v63  }
0xd8: {  	_ =	swait.ge [sflag:s7], $0x4000  }
0xd9: {  	s17 =	sld [smem:$0x7EA]  }
0xda: {  	[sflag:s7] =	ssyncset.done $0x0  }
0xdb: {  	[sflag:s7] =	ssyncadd.s32 $0xFFFFC000  }
0xdc: {  	[tilespmem:s11], [sflag:$0x2] =	stream.indirect.gather [hbm4b:s5+s10], $0x80, s17, s10, $0xb8;
	[tilespmem:$0x1F800] =	vst v63  }
0xdd: {  	_ =	swait.ge [sflag:s12], $0x4000  }
0xde: {  	s18 =	sld [smem:$0x7EB]  }
0xdf: {  	[sflag:s12] =	ssyncset.done $0x0  }
0xe0: {  	[sflag:s12] =	ssyncadd.s32 $0xFFFFC000  }
0xe1: {  	[spmem:s3] =	stream.indirect.scatter.add.f32 [tilespmem:s6], [sflag:$0x3], $0x80, s18, s10, $0xb8;
	[tilespmem:$0x1F800] =	vst v63  }
0xe2: {  	_ =	swait.ge [sflag:s7], $0x4000  }
0xe3: {  	s19 =	sld [smem:$0x7EC]  }
0xe4: {  	[sflag:s7] =	ssyncset.done $0x0  }
0xe5: {  	[sflag:s7] =	ssyncadd.s32 $0xFFFFC000  }
0xe6: {  	[tilespmem:s6], [sflag:$0x1] =	stream.indirect.gather [hbm4b:s5+s10], $0x80, s19, s10, $0xb8;
	[tilespmem:$0x1F800] =	vst v63  }
0xe7: {  	_ =	swait.ge [sflag:s13], $0x4000  }
0xe8: {  	s20 =	sld [smem:$0x7ED]  }
0xe9: {  	[sflag:s13] =	ssyncset.done $0x0  }
0xea: {  	[sflag:s13] =	ssyncadd.s32 $0xFFFFC000  }
0xeb: {  	[spmem:s3] =	stream.indirect.scatter.add.f32 [tilespmem:s11], [sflag:$0x3], $0x80, s20, s10, $0xb8;
	[tilespmem:$0x1F800] =	vst v63  }
0xec: {  	_ =	swait.ge [sflag:s7], $0x4000  }
0xed: {  	s17 =	sld [smem:$0x7EE]  }
0xee: {  	[sflag:s7] =	ssyncset.done $0x0  }
0xef: {  	[sflag:s7] =	ssyncadd.s32 $0xFFFFC000  }
0xf0: {  	[tilespmem:s11], [sflag:$0x2] =	stream.indirect.gather [hbm4b:s5+s10], $0x80, s17, s10, $0xb8;
	[tilespmem:$0x1F800] =	vst v63  }
0xf1: {  	_ =	swait.ge [sflag:s12], $0x4000  }
0xf2: {  	s18 =	sld [smem:$0x7EF]  }
0xf3: {  	[sflag:s12] =	ssyncset.done $0x0  }
0xf4: {  	[sflag:s12] =	ssyncadd.s32 $0xFFFFC000  }
0xf5: {  	[spmem:s3] =	stream.indirect.scatter.add.f32 [tilespmem:s6], [sflag:$0x3], $0x80, s18, s10, $0xb8;
	[tilespmem:$0x1F800] =	vst v63  }
0xf6: {  	_ =	swait.ge [sflag:s7], $0x4000  }
0xf7: {  	s19 =	sld [smem:$0x7F0]  }
0xf8: {  	[sflag:s7] =	ssyncset.done $0x0  }
0xf9: {  	[sflag:s7] =	ssyncadd.s32 $0xFFFFC000  }
0xfa: {  	[tilespmem:s6], [sflag:$0x1] =	stream.indirect.gather [hbm4b:s5+s10], $0x80, s19, s10, $0xb8;
	[tilespmem:$0x1F800] =	vst v63  }
0xfb: {  	_ =	swait.ge [sflag:s13], $0x4000  }
0xfc: {  	s20 =	sld [smem:$0x7F1]  }
0xfd: {  	[sflag:s13] =	ssyncset.done $0x0  }
0xfe: {  	[sflag:s13] =	ssyncadd.s32 $0xFFFFC000  }
0xff: {  	[spmem:s3] =	stream.indirect.scatter.add.f32 [tilespmem:s11], [sflag:$0x3], $0x80, s20, s10, $0xb8;
	[tilespmem:$0x1F800] =	vst v63  }
0x100: {  	_ =	swait.ge [sflag:s7], $0x4000  }
0x101: {  	s17 =	sld [smem:$0x7F2]  }
0x102: {  	[sflag:s7] =	ssyncset.done $0x0  }
0x103: {  	[sflag:s7] =	ssyncadd.s32 $0xFFFFC000  }
0x104: {  	[tilespmem:s11], [sflag:$0x2] =	stream.indirect.gather [hbm4b:s5+s10], $0x80, s17, s10, $0xb8;
	[tilespmem:$0x1F800] =	vst v63  }
0x105: {  	_ =	swait.ge [sflag:s12], $0x4000  }
0x106: {  	s18 =	sld [smem:$0x7F3]  }
0x107: {  	[sflag:s12] =	ssyncset.done $0x0  }
0x108: {  	[sflag:s12] =	ssyncadd.s32 $0xFFFFC000  }
0x109: {  	[spmem:s3] =	stream.indirect.scatter.add.f32 [tilespmem:s6], [sflag:$0x3], $0x80, s18, s10, $0xb8;
	[tilespmem:$0x1F800] =	vst v63  }
0x10a: {  	_ =	swait.ge [sflag:s7], $0x4000  }
0x10b: {  	s19 =	sld [smem:$0x7F4]  }
0x10c: {  	[sflag:s7] =	ssyncset.done $0x0  }
0x10d: {  	[sflag:s7] =	ssyncadd.s32 $0xFFFFC000  }
0x10e: {  	[tilespmem:s6], [sflag:$0x1] =	stream.indirect.gather [hbm4b:s5+s10], $0x80, s19, s10, $0xb8;
	[tilespmem:$0x1F800] =	vst v63  }
0x10f: {  	_ =	swait.ge [sflag:s13], $0x4000  }
0x110: {  	s20 =	sld [smem:$0x7F5]  }
0x111: {  	[sflag:s13] =	ssyncset.done $0x0  }
0x112: {  	[sflag:s13] =	ssyncadd.s32 $0xFFFFC000  }
0x113: {  	[spmem:s3] =	stream.indirect.scatter.add.f32 [tilespmem:s11], [sflag:$0x3], $0x80, s20, s10, $0xb8;
	[tilespmem:$0x1F800] =	vst v63  }
0x114: {  	_ =	swait.ge [sflag:s7], $0x4000  }
0x115: {  	s17 =	sld [smem:$0x7F6]  }
0x116: {  	[sflag:s7] =	ssyncset.done $0x0  }
0x117: {  	[sflag:s7] =	ssyncadd.s32 $0xFFFFC000  }
0x118: {  	[tilespmem:s11], [sflag:$0x2] =	stream.indirect.gather [hbm4b:s5+s10], $0x80, s17, s10, $0xb8;
	[tilespmem:$0x1F800] =	vst v63  }
0x119: {  	_ =	swait.ge [sflag:s12], $0x4000  }
0x11a: {  	s18 =	sld [smem:$0x7F7]  }
0x11b: {  	[sflag:s12] =	ssyncset.done $0x0  }
0x11c: {  	[sflag:s12] =	ssyncadd.s32 $0xFFFFC000  }
0x11d: {  	[spmem:s3] =	stream.indirect.scatter.add.f32 [tilespmem:s6], [sflag:$0x3], $0x80, s18, s10, $0xb8;
	[tilespmem:$0x1F800] =	vst v63  }
0x11e: {  	_ =	swait.ge [sflag:s7], $0x4000  }
0x11f: {  	s19 =	sld [smem:$0x7F8]  }
0x120: {  	[sflag:s7] =	ssyncset.done $0x0  }
0x121: {  	[sflag:s7] =	ssyncadd.s32 $0xFFFFC000  }
0x122: {  	[tilespmem:s6], [sflag:$0x1] =	stream.indirect.gather [hbm4b:s5+s10], $0x80, s19, s10, $0xb8;
	[tilespmem:$0x1F800] =	vst v63  }
0x123: {  	_ =	swait.ge [sflag:s13], $0x4000  }
0x124: {  	s20 =	sld [smem:$0x7F9]  }
0x125: {  	[sflag:s13] =	ssyncset.done $0x0  }
0x126: {  	[sflag:s13] =	ssyncadd.s32 $0xFFFFC000  }
0x127: {  	[spmem:s3] =	stream.indirect.scatter.add.f32 [tilespmem:s11], [sflag:$0x3], $0x80, s20, s10, $0xb8;
	[tilespmem:$0x1F800] =	vst v63  }
0x128: {  	_ =	swait.ge [sflag:s7], $0x4000  }
0x129: {  	[sflag:s7] =	ssyncset.done $0x0  }
0x12a: {  	[sflag:s7] =	ssyncadd.s32 $0xFFFFC000  }
0x12b: {  	[tilespmem:s11], [sflag:$0x2] =	stream.indirect.gather [hbm4b:s5+s10], $0x80, s22, s10, $0xb8;
	[tilespmem:$0x1F800] =	vst v63  }
0x12c: {  	_ =	swait.ge [sflag:s12], $0x4000  }
0x12d: {  	[sflag:s12] =	ssyncset.done $0x0  }
0x12e: {  	[sflag:s12] =	ssyncadd.s32 $0xFFFFC000  }
0x12f: {  	[spmem:s3] =	stream.indirect.scatter.add.f32 [tilespmem:s6], [sflag:$0x3], $0x80, s25, s10, $0xb8;
	[tilespmem:$0x1F800] =	vst v63  }
0x130: {  	_ =	swait.ge [sflag:s7], $0x4000  }
0x131: {  	[sflag:s7] =	ssyncset.done $0x0  }
0x132: {  	[sflag:s7] =	ssyncadd.s32 $0xFFFFC000  }
0x133: {  	[tilespmem:s6], [sflag:$0x1] =	stream.indirect.gather [hbm4b:s5+s10], $0x80, s26, s10, $0xb8;
	[tilespmem:$0x1F800] =	vst v63  }
0x134: {  	_ =	swait.ge [sflag:s13], $0x4000  }
0x135: {  	[sflag:s13] =	ssyncset.done $0x0  }
0x136: {  	[sflag:s13] =	ssyncadd.s32 $0xFFFFC000  }
0x137: {  	[spmem:s3] =	stream.indirect.scatter.add.f32 [tilespmem:s11], [sflag:$0x3], $0x80, s28, s10, $0xb8;
	[tilespmem:$0x1F800] =	vst v63  }
0x138: {  	_ =	swait.ge [sflag:s7], $0x4000  }
0x139: {  	[sflag:s7] =	ssyncset.done $0x0  }
0x13a: {  	[sflag:s7] =	ssyncadd.s32 $0xFFFFC000  }
0x13b: {  	[tilespmem:s11], [sflag:$0x2] =	stream.indirect.gather [hbm4b:s5+s10], $0x80, s29, s10, $0xb8;
	[tilespmem:$0x1F800] =	vst v63  }
0x13c: {  	_ =	swait.ge [sflag:s12], $0x4000  }
0x13d: {  	[sflag:s12] =	ssyncset.done $0x0  }
0x13e: {  	[sflag:s12] =	ssyncadd.s32 $0xFFFFC000  }
0x13f: {  	[spmem:s3] =	stream.indirect.scatter.add.f32 [tilespmem:s6], [sflag:$0x3], $0x80, s30, s10, $0xb8;
	[tilespmem:$0x1F800] =	vst v63  }
0x140: {  	_ =	swait.ge [sflag:s7], $0x4000  }
0x141: {  	[sflag:s7] =	ssyncset.done $0x0  }
0x142: {  	[sflag:s7] =	ssyncadd.s32 $0xFFFFC000  }
0x143: {  	[tilespmem:s6], [sflag:$0x1] =	stream.indirect.gather [hbm4b:s5+s10], $0x80, s31, s10, $0xb8;
	[tilespmem:$0x1F800] =	vst v63  }
0x144: {  	_ =	swait.ge [sflag:s13], $0x4000  }
0x145: {  	[sflag:s13] =	ssyncset.done $0x0  }
0x146: {  	[sflag:s13] =	ssyncadd.s32 $0xFFFFC000  }
0x147: {  	[spmem:s3] =	stream.indirect.scatter.add.f32 [tilespmem:s11], [sflag:$0x3], $0x80, s0, s10, $0xb8;
	[tilespmem:$0x1F800] =	vst v63  }
0x148: {  	_ =	swait.ge [sflag:s7], $0x4000  }
0x149: {  	[sflag:s7] =	ssyncset.done $0x0  }
0x14a: {  	[sflag:s7] =	ssyncadd.s32 $0xFFFFC000  }
0x14b: {  	[tilespmem:s11], [sflag:$0x2] =	stream.indirect.gather [hbm4b:s5+s10], $0x80, s9, s10, $0xb8;
	[tilespmem:$0x1F800] =	vst v63  }
0x14c: {  	_ =	swait.ge [sflag:s12], $0x4000  }
0x14d: {  	[sflag:s12] =	ssyncset.done $0x0  }
0x14e: {  	[sflag:s12] =	ssyncadd.s32 $0xFFFFC000  }
0x14f: {  	[spmem:s3] =	stream.indirect.scatter.add.f32 [tilespmem:s6], [sflag:$0x3], $0x80, s1, s10, $0xb8;
	[tilespmem:$0x1F800] =	vst v63  }
0x150: {  	_ =	swait.ge [sflag:s7], $0x4000  }
0x151: {  	[sflag:s7] =	ssyncset.done $0x0  }
0x152: {  	[sflag:s7] =	ssyncadd.s32 $0xFFFFC000  }
0x153: {  	[tilespmem:s6], [sflag:$0x1] =	stream.indirect.gather [hbm4b:s5+s10], $0x80, s4, s10, $0xb8;
	[tilespmem:$0x1F800] =	vst v63  }
0x154: {  	_ =	swait.ge [sflag:s13], $0x4000  }
0x155: {  	[sflag:s13] =	ssyncset.done $0x0  }
0x156: {  	[sflag:s13] =	ssyncadd.s32 $0xFFFFC000  }
0x157: {  	[spmem:s3] =	stream.indirect.scatter.add.f32 [tilespmem:s11], [sflag:$0x3], $0x80, s23, s10, $0xb8;
	[tilespmem:$0x1F800] =	vst v63  }
0x158: {  	_ =	swait.ge [sflag:s7], $0x4000  }
0x159: {  	[sflag:s7] =	ssyncset.done $0x0  }
0x15a: {  	[sflag:s7] =	ssyncadd.s32 $0xFFFFC000  }
0x15b: {  	[tilespmem:s11], [sflag:$0x2] =	stream.indirect.gather [hbm4b:s5+s10], $0x80, s24, s10, $0xb8;
	[tilespmem:$0x1F800] =	vst v63  }
0x15c: {  	_ =	swait.ge [sflag:s12], $0x4000  }
0x15d: {  	[sflag:s12] =	ssyncset.done $0x0  }
0x15e: {  	[sflag:s12] =	ssyncadd.s32 $0xFFFFC000  }
0x15f: {  	[spmem:s3] =	stream.indirect.scatter.add.f32 [tilespmem:s6], [sflag:$0x3], $0x80, s8, s10, $0xb8;
	[tilespmem:$0x1F800] =	vst v63  }
0x160: {  	_ =	swait.ge [sflag:s7], $0x4000  }
0x161: {  	[sflag:s7] =	ssyncset.done $0x0  }
0x162: {  	[sflag:s7] =	ssyncadd.s32 $0xFFFFC000  }
0x163: {  	s15 =	sadd.s32 $0x1, s15;
	_ =	swait.ge [sflag:s13], $0x4000  }
0x164: {  	p0 =	sne.s32 s15, $0x3;
	[sflag:s13] =	ssyncset.done $0x0  }
.Ltmp2:
0x165: {  	[sflag:s13] =	ssyncadd.s32 $0xFFFFC000;
	(pc) =	sbr.rel @p0 .LBB2_4-.Ltmp2, $4  }
0x166: {  	[spmem:s3] =	stream.indirect.scatter.add.f32 [tilespmem:s11], [sflag:$0x3], $0x80, s2, s10, $0xb8;
	[tilespmem:$0x1F800] =	vst v63  }
0x167: {  	_ =	swait.ge [sflag:s7], $0x4000  }
0x168: {  	[sflag:s7] =	ssyncset.done $0x0  }
0x169: {  	[sflag:s7] =	ssyncadd.s32 $0xFFFFC000  }
0x16a: {  	s14 =	stileid.u32;
	[bflag:$0x0] =	sbarrier.arrive $0xFFFF  }
0x16b: {  	s14 =	sshll.u32 s14, $0x6;
	s18 =	rddreg [dreg:$0x6]  }
0x16c: {  	s16 =	rddreg [dreg:$0x14];
	s14 =	sor.u32 $0x1C03, s14;
	s15 =	sshrl.u32 s18, $0x3  }
0x16d: {  	[hbm:s16], [sflag:s14] =	dma.local [spmem:s15], $0x2800  }
0x16e: {  	_ =	swait.ge [sflag:s7], $0x2800  }
0x16f: {  	s19 =	sld [smem:$0x7E8];
	_ =	sdelay $0x2  }
0x170: {  	s20 =	rddreg [dreg:$0x15];
	s15 =	sadd.s32 $0x1, s19  }
0x171: {  	p0 =	sne.s32 s15, s20  }
.Ltmp3:
0x172: {  	_ = 	snop;
	(pc) =	sbr.rel @p0 .LBB2_1-.Ltmp3, $3  }
0x173: {  	_ =	sdelay $0x1  }
0x174: {  	[sflag:s7] =	ssyncset.done $0x0  }
0x175: {  	[sflag:s7] =	ssyncadd.s32 $0xFFFFD800  }
0x176: {  	_ =	sfence.sel $0x180000  }
0x177: {  	[bflag:$0x0] =	sbarrier.arrive $0xFFFF  }
0x178: {  	_ =	strace $0x9000004D  }
0x179: {  	s0 =	stileid.u32;
	[bflag:$0x2] =	sbarrier.arrive $0xFFFF  }
0x17a: {  	p0 =	sne.s32 s0, $0x0;
	s0 =	rddreg [dreg:$0x3]  }
0x17b: {  	s0 =	sadd.s32 @!p0 $0x100000, s0  }
0x17c: {  	[sflag:s0] =	ssyncadd.tile.s32 @!p0 $0x1;
	_ =	shalt  }
.Lfunc_end2:
_tile_overlayer_lowered:
.L_overlay_start_2:
0x17d: {  	(tag) =	ssettag $0x2  }
0x17e: {  	s0 =	rddreg [dreg:$0x0];
	s2 =	stileid.u32  }
0x17f: {  	s1 =	rddreg [dreg:$0x1];
	p0 =	sne.s32 s2, $0x0  }
0x180: {  	s3 =	rddreg [dreg:$0x2];
	[bflag:$0x3] =	sbarrier.arrive $0xFFFF;
	s2 =	simm.s32 @!p0 $0x1C03  }
0x181: {  	[timem:s3], [sflag:s2] =	dma.local @!p0 [hbm:s0], s1  }
0x182: {  	s0 =	simm.s32 @!p0 $0x3  }
0x183: {  	_ =	swait.ge @!p0 [sflag:s0], s1  }
0x184: {  	s1 =	ssub.s32 @!p0 $0x0, s1;
	[sflag:s0] =	ssyncset.done @!p0 $0x0  }
0x185: {  	[sflag:s0] =	ssyncadd.s32 @!p0 s1  }
0x186: {  	[bflag:$0x3] =	sbarrier.arrive $0xFFFF  }
0x187: {  	_ =	shalt  }

// kernel: kernel.8.cloned.1.call-start
scs
__scs_entry_jumppad:
0x0: {  	(pc) =	sbr.rel $0x88, $3  }
0x1: {  	(tag) =	ssettag $0x0;
	lr =	simm.s32 $0x1  }
0x2: {  	[smem:$0x3F9B] =	sst lr;
	_ =	strace $0xD0000000  }
0x3: {  	_ = 	snop  }
0x4: {  	_ = 	snop  }
0x5: {  	_ = 	snop  }
0x6: {  	_ = 	snop  }
0x7: {  	_ = 	snop  }
__scs_overlays_trampoline_lowered:
0x8: {  	[smem:$0x3FAA] =	sst s0  }
0x9: {  	[smem:$0x3FAB] =	sst s1  }
0xa: {  	[smem:$0x3FAC] =	sst s2  }
0xb: {  	[smem:$0x3FAD] =	sst s3  }
0xc: {  	[smem:$0x3FAE] =	sst s4  }
0xd: {  	[smem:$0x3FAF] =	sst s5  }
0xe: {  	[smem:$0x3FB0] =	sst s6  }
0xf: {  	[smem:$0x3FB1] =	sst s7  }
0x10: {  	[smem:$0x3FB2] =	sst s8  }
0x11: {  	[smem:$0x3FB3] =	sst s9;
	s0 =	simm.s32 @!p0 $0x0  }
0x12: {  	s1 =	sld [smem:$0x3F99];
	s0 =	simm.s32 @p0 $0x1  }
0x13: {  	[smem:$0x3FB4] =	sst s0;
	s0 =	simm.s32 @!p1 $0x0  }
0x14: {  	s2 =	sld [smem:$0x3F98];
	s0 =	simm.s32 @p1 $0x1  }
0x15: {  	[smem:$0x3FB5] =	sst s0;
	s0 =	simm.s32 @!p2 $0x0  }
0x16: {  	s3 =	sld [smem:$0x3FDB];
	s0 =	simm.s32 @p2 $0x1  }
0x17: {  	s4 =	simm.s32 $0x1BF5;
	[smem:$0x3FB7] =	sst s0  }
0x18: {  	s0 =	sld [smem:$0x3F9A];
	_ =	swait.ge [sflag:s4], $0x0  }
0x19: {  	s7 =	sld [smem:$0x3F9B]  }
0x1a: {  	s8 =	sadd.s32 $0xFFFFE003, lr  }
0x1b: {  	s9 =	sadd.s32 $0xFFFFFEF7, lr;
	s5 =	simm.s32 $0xFFFFFFFF;
	p2 =	slt.u32 s8, $0xFFFFF086  }
0x1c: {  	p1 =	slt.u32 s9, $0xF7A;
	s5 =	simm.s32 @!p2 $0x0  }
0x1d: {  	s5 =	simm.s32 @p1 $0x1;
	p0 =	seq.s32 s7, s2  }
0x1e: {  	s7 =	smul.u32 @!p0 $0xF7A, s2;
	p2 =	seq.s32 @!p0 s5, $0x0  }
0x1f: {  	s9 =	smul.u32 $0xF7A, s1;
	s8 =	simm.s32 @!p0 $0x1BF5;
	p2 =	por !p2, p0  }
0x20: {  	[sflag:s8] =	ssyncset.s32 @!p0 $0xFFFFF086;
	s6 =	sadd.s32 @!p0 s3, s7;
	s7 =	simm.s32 @!p0 $0x108  }
0x21: {  	s3 =	sadd.s32 s3, s9;
	s6 =	sadd.s32 @!p0 $0x88, s6;
	s7 =	simm.s32 @p2 $0x1082  }
0x22: {  	[simem:s7], [sflag:s8] =	dma.local @!p0 [hbm:s6], $0xF7A  }
0x23: {  	s9 =	sor.u32 $0xD0000000, s2;
	s6 =	simm.s32 $0x108;
	_ =	swait.ge @!p0 [sflag:s8], $0x0  }
0x24: {  	s3 =	sadd.s32 $0x88, s3;
	s6 =	simm.s32 @!p1 $0x1082;
	[sflag:s4] =	ssyncset.s32 $0xFFFFF086  }
0x25: {  	[simem:s6], [sflag:s4] =	dma.local [hbm:s3], $0xF7A  }
0x26: {  	[smem:$0x3F9B] =	sst s1;
	(tag) =	ssettag s2;
	_ =	strace s9  }
0x27: {  	s1 =	sld [smem:$0x3FAB]  }
0x28: {  	s2 =	sld [smem:$0x3FAC]  }
0x29: {  	s4 =	sld [smem:$0x3FAE]  }
0x2a: {  	p0 =	seq.s32 s5, $0x0;
	s5 =	sld [smem:$0x3FAF]  }
0x2b: {  	s6 =	sld [smem:$0x3FB0]  }
0x2c: {  	s7 =	sld [smem:$0x3FB1]  }
0x2d: {  	s3 =	simm.s32 $0x108;
	s8 =	sld [smem:$0x3FB2]  }
0x2e: {  	s3 =	simm.s32 @!p0 $0x1082;
	s9 =	sld [smem:$0x3FB3]  }
0x2f: {  	lr =	sadd.s32 s0, s3;
	s0 =	sld [smem:$0x3FAA]  }
0x30: {  	s3 =	sld [smem:$0x3FAD]  }
0x31: {  	[smem:$0x3FB6] =	sst s10  }
0x32: {  	s10 =	sld [smem:$0x3FB4];
	_ =	sdelay $0x3  }
0x33: {  	p0 =	seq.s32 s10, $0x1;
	s10 =	sld [smem:$0x3FB6];
	_ =	sdelay $0x3  }
0x34: {  	[smem:$0x3FB6] =	sst s10  }
0x35: {  	s10 =	sld [smem:$0x3FB5];
	_ =	sdelay $0x3  }
0x36: {  	p1 =	seq.s32 s10, $0x1;
	s10 =	sld [smem:$0x3FB6];
	_ =	sdelay $0x3  }
0x37: {  	[smem:$0x3FB6] =	sst s10  }
0x38: {  	s10 =	sld [smem:$0x3FB7]  }
0x39: {  	_ = 	snop;
	(pc) =	sbr.ind lr, $3  }
0x3a: {  	_ = 	snop  }
0x3b: {  	_ = 	snop  }
0x3c: {  	p2 =	seq.s32 s10, $0x1;
	s10 =	sld [smem:$0x3FB6]  }
0x3d: {  	_ =	shalt  }
0x3e: {  	_ =	shalt  }
0x3f: {  	_ =	shalt  }
0x40: {  	_ =	shalt  }
0x41: {  	_ =	shalt  }
0x42: {  	_ =	shalt  }
0x43: {  	_ =	shalt  }
0x44: {  	_ =	shalt  }
0x45: {  	_ =	shalt  }
0x46: {  	_ =	shalt  }
0x47: {  	_ =	shalt  }
0x48: {  	_ =	shalt  }
0x49: {  	_ =	shalt  }
0x4a: {  	_ =	shalt  }
0x4b: {  	_ =	shalt  }
0x4c: {  	_ =	shalt  }
0x4d: {  	_ =	shalt  }
0x4e: {  	_ =	shalt  }
0x4f: {  	_ =	shalt  }
0x50: {  	_ =	shalt  }
0x51: {  	_ =	shalt  }
0x52: {  	_ =	shalt  }
0x53: {  	_ =	shalt  }
0x54: {  	_ =	shalt  }
0x55: {  	_ =	shalt  }
0x56: {  	_ =	shalt  }
0x57: {  	_ =	shalt  }
0x58: {  	_ =	shalt  }
0x59: {  	_ =	shalt  }
0x5a: {  	_ =	shalt  }
0x5b: {  	_ =	shalt  }
0x5c: {  	_ =	shalt  }
0x5d: {  	_ =	shalt  }
0x5e: {  	_ =	shalt  }
0x5f: {  	_ =	shalt  }
0x60: {  	_ =	shalt  }
0x61: {  	_ =	shalt  }
0x62: {  	_ =	shalt  }
0x63: {  	_ =	shalt  }
0x64: {  	_ =	shalt  }
0x65: {  	_ =	shalt  }
0x66: {  	_ =	shalt  }
0x67: {  	_ =	shalt  }
0x68: {  	_ =	shalt  }
0x69: {  	_ =	shalt  }
0x6a: {  	_ =	shalt  }
0x6b: {  	_ =	shalt  }
0x6c: {  	_ =	shalt  }
0x6d: {  	_ =	shalt  }
0x6e: {  	_ =	shalt  }
0x6f: {  	_ =	shalt  }
0x70: {  	_ =	shalt  }
0x71: {  	_ =	shalt  }
0x72: {  	_ =	shalt  }
0x73: {  	_ =	shalt  }
0x74: {  	_ =	shalt  }
0x75: {  	_ =	shalt  }
0x76: {  	_ =	shalt  }
0x77: {  	_ =	shalt  }
0x78: {  	_ =	shalt  }
0x79: {  	_ =	shalt  }
0x7a: {  	_ =	shalt  }
0x7b: {  	_ =	shalt  }
0x7c: {  	_ =	shalt  }
0x7d: {  	_ =	shalt  }
0x7e: {  	_ =	shalt  }
0x7f: {  	_ =	shalt  }
0x80: {  	_ =	shalt  }
0x81: {  	_ =	shalt  }
0x82: {  	_ =	shalt  }
0x83: {  	_ =	shalt  }
0x84: {  	_ =	shalt  }
0x85: {  	_ =	shalt  }
0x86: {  	_ =	shalt  }
0x87: {  	_ =	shalt  }
.Lfunc_end0:
.L_simem_size_0:
called_computation_lowered:
.L_overlay_start_0:
0x88: {  	s2 =	sld [smem:$0x3FD9]  }
0x89: {  	s3 =	sld [smem:$0x3FFE];
	_ =	sdelay $0x1  }
0x8a: {  	s1 =	srdreg.scid  }
0x8b: {  	s0 =	sand.u32 $0x1, s1  }
0x8c: {  	s17 =	sshll.u32 s0, $0xA;
	s2 =	sadd.s32 s3, s2  }
0x8d: {  	s2 =	sadd.s32 s2, s17  }
0x8e: {  	[smem:$0x3FC2] =	sst s2  }
0x8f: {  	_ = 	snop  }
0x90: {  	s2 =	sld [smem:$0x3FD0];
	(tm) =	ssettm $0x1  }
0x91: {  	s18 =	sld [smem:$0x3FFB];
	_ =	sdelay $0x3  }
0x92: {  	_ =	strace s18  }
0x93: {  	s3 =	sld [smem:$0x3FFC];
	_ =	sdelay $0x3  }
0x94: {  	_ =	strace s3  }
0x95: {  	s3 =	sld [smem:$0x3FFD];
	_ =	sdelay $0x3  }
0x96: {  	_ =	strace s3  }
0x97: {  	_ =	strace $0x8FFFFFFF  }
0x98: {  	s19 =	sld [smem:$0x3FDB];
	_ =	sdelay $0x1  }
0x99: {  	s4 =	simm.s32 $_scs_section_size  }
0x9a: {  	s5 =	simm.s32 $_size__tile_overlayer_lowered;
	s6 =	simm.s32 $_tile_overlayer_lowered  }
0x9b: {  	s22 =	simm.s32 $0x1BFF;
	s21 =	sshll.u32 s6, $0x1;
	s3 =	sadd.s32 s4, s19  }
0x9c: {  	s7 =	simm.s32 $0x0;
	s20 =	sshll.u32 s5, $0x1;
	s5 =	sadd.s32 s21, s3  }
0x9d: {  	[timem:s7], [sflag:s22] =	dma.local [hbm:s5], s20  }
0x9e: {  	_ =	swait.ge [sflag:s22], s20  }
0x9f: {  	s4 =	ssub.s32 $0x0, s20;
	[sflag:s22] =	ssyncset.done $0x0  }
0xa0: {  	[sflag:s22] =	ssyncadd.s32 s4;
	_ =	sdelay $0x1  }
0xa1: {  	s23 =	simm.s32 $0x1B8B  }
0xa2: {  	_ =	swait.ge [sflag:s23], $0x1  }
0xa3: {  	[sflag:s23] =	ssyncset.done $0x0  }
0xa4: {  	s25 =	simm.s32 $0x1B8E;
	s24 =	sld [smem:$0x3FFE];
	[sflag:s23] =	ssyncadd.s32 $0xFFFFFFFF  }
0xa5: {  	s26 =	simm.s32 $execute0_lowered;
	[smem:$0x3FD2] =	sst s25  }
0xa6: {  	s5 =	sshll.u32 s26, $0x1;
	_ =	strace $0x80000046;
	[dreg:$0x1] =	wrdreg $0xFFFFFFFF  }
0xa7: {  	s28 =	simm.s32 $_size_execute0_lowered;
	s3 =	sadd.s32 s3, s5;
	[dreg:$0x0] =	wrdreg $0x0  }
0xa8: {  	s5 =	sshll.u32 s28, $0x1;
	[dreg:$0x2] =	wrdreg s3  }
0xa9: {  	[dreg:$0x3] =	wrdreg s5  }
0xaa: {  	[dreg:$0x4] =	wrdreg $0xC0  }
0xab: {  	_ =	task [dreg:s7], $0x5FFFF  }
0xac: {  	[dreg:$0x1] =	wrdreg $0xFFFFFFFF  }
0xad: {  	[dreg:$0x0] =	wrdreg $0x60  }
0xae: {  	[dreg:$0x2] =	wrdreg s2  }
0xaf: {  	[dreg:$0x3] =	wrdreg s24  }
0xb0: {  	[dreg:$0x4] =	wrdreg $0x20800  }
0xb1: {  	[dreg:$0x5] =	wrdreg $0x9  }
0xb2: {  	_ =	task.clear_ibuf [dreg:s7], $0x6FFFF;
	_ =	strace $0x90000046  }
0xb3: {  	s29 =	simm.s32 $0x9;
	_ =	strace $0x80000048  }
0xb4: {  	_ =	swait.ge [sflag:s29], $0x1  }
0xb5: {  	[sflag:s29] =	ssyncadd.s32 $0xFFFFFFFF  }
0xb6: {  	_ =	strace $0x90000048  }
0xb7: {  	_ =	sfence  }
0xb8: {  	s30 =	sld [smem:$0x0];
	_ =	sdelay $0x2  }
0xb9: {  	s31 =	sshll.u32 s1, $0xD;
	s1 =	sshrl.u32 s1, $0x2  }
0xba: {  	s3 =	sand.u32 $0x4000, s31;
	s1 =	sadd.s32 s1, s30  }
0xbb: {  	s0 =	sor.u32 s3, s0;
	s1 =	sshll.u32 s1, $0x11  }
0xbc: {  	s0 =	sor.u32 s1, s0  }
0xbd: {  	s0 =	sadd.s32 $0x8F2B, s0  }
0xbe: {  	[sflag:s0] =	ssyncadd.remote.s32 $0x1  }
0xbf: {  	_ =	sfence.sel $0xFFFF  }
0xc0: {  	[dreg:$0x0] =	wrdreg $0xFFFFFFFF;
	(pc) =	sbr.abs _section_cstart, $3  }
0xc1: {  	[dreg:$0x1] =	wrdreg $0xFFFFFFFF  }
0xc2: {  	_ =	task.clear_ibuf [dreg:s7], $0x2FFFF;
	_ =	strace $0x9FFFFFFF  }
0xc3: {  	(tm) =	ssettm $0x7FFFFFFF  }
tec
execute0_lowered:
.L_overlay_start_1:
0x0: {  	(tag) =	ssettag $0x1  }
0x1: {  	s8 =	rddreg [dreg:$0x0]  }
0x2: {  	s4 =	rddreg [dreg:$0x1]  }
0x3: {  	s2 =	rddreg [dreg:$0x2]  }
0x4: {  	s0 =	rddreg [dreg:$0x3]  }
0x5: {  	s3 =	simm.s32 $0x0;
	s1 =	stileid.u32;
	s5 =	srdreg.scid  }
0x6: {  	s11 =	simm.s32 $0x1C80;
	s12 =	simm.s32 $0x1;
	s13 =	simm.s32 $0x80  }
0x7: {  	s14 =	simm.s32 $0x1C00;
	[smem:$0x7FF] =	sst s3;
	s6 =	sshll.u32 s1, $0x7  }
0x8: {  	s5 =	sand.u32 $0x1, s5;
	s9 =	sshll.u32 s1, $0xA;
	s10 =	smul.u32 $0x5400, s1  }
0x9: {  	s15 =	sshll.u32 s1, $0x6;
	_ =	strace $0x80000047;
	s6 =	sadd.s32 s6, s4  }
0xa: {  	s29 =	ssub.s32 $0x2, s5;
	s4 =	sadd.s32 s9, s2;
	s30 =	sshll.u32 s5, $0xB  }
0xb: {  	s5 =	sshll.u32 s5, $0x7;
	s15 =	sor.u32 $0x1C01, s15;
	s7 =	sshrl.u32 s29, $0x1  }
0xc: {  	s6 =	sadd.s32 s30, s6;
	s31 =	sshrl.u32 s10, $0x3;
	s16 =	sshrl.u32 s4, $0x3  }
0xd: {  	s7 =	ssub.s32 s29, s7;
	s6 =	sadd.s32 $0x1C00, s6;
	s8 =	sadd.s32 s8, s31  }
0xe: {  	v0 =	vimm.f32 $1.000000000e+00;
	v1 =	vimm.f32 $0.0e+00;
	s7 =	smax.u32 s7, $0x1;
	s9 =	sadd.s32 $0x380, s8;
	s10 =	sadd.s32 $0x700, s8  }
.LBB2_1:
0xf: {  	[tilespmem:$0x1C00] =	vst v0  }
0x10: {  	[tilespmem:$0x1C10] =	vst v0  }
0x11: {  	[tilespmem:$0x1C20] =	vst v0  }
0x12: {  	[tilespmem:$0x1C30] =	vst v0  }
0x13: {  	[tilespmem:$0x1C40] =	vst v0  }
0x14: {  	[tilespmem:$0x1C50] =	vst v0  }
0x15: {  	[tilespmem:$0x1C60] =	vst v0  }
0x16: {  	[tilespmem:$0x1C70] =	vst v0;
	s17 =	simm.s32 $0x40;
	s18 =	simm.s32 $0x0  }
.LBB2_2:
0x17: {  	p0 =	sne.s32 s17, $0xFC0;
	[tilespmem:s18+$0x1C80] =	vst v1;
	s18 =	smov.u32 s17;
	s17 =	sadd.s32 $0x40, s17  }
.Ltmp0:
0x18: {  	(pc) =	sbr.rel @p0 .LBB2_2-.Ltmp0, $2  }
0x19: {  	_ =	sdelay $0x2  }
0x1a: {  	s18 =	sshra.s32 s18, $0x2  }
0x1b: {  	[tilespmem:s18+$0x1C80] =	vst v1  }
0x1c: {  	[spmem:s4] =	stream.linear.scatter [tilespmem:s11], [sflag:$0x1], $0x400, $0x38;
	[tilespmem:$0x2480] =	vst v63  }
0x1d: {  	_ =	swait.ge [sflag:s12], $0x400  }
0x1e: {  	[sflag:s12] =	ssyncset.done $0x0  }
0x1f: {  	[sflag:s12] =	ssyncadd.s32 $0xFFFFFC00  }
0x20: {  	s17 =	simm.s32 $0x0;
	[bflag:$0x0] =	sbarrier.arrive $0xFFFF  }
0x21: {  	[tilespmem:s17], [sflag:$0x1] =	stream.linear.gather [hbm4b:s8+s17], $0x1C00, $0x38;
	[tilespmem:$0x2480] =	vst v63  }
0x22: {  	_ =	swait.ge [sflag:s12], $0x1C00  }
0x23: {  	[sflag:s12] =	ssyncset.done $0x0  }
0x24: {  	s31 =	sadd.s32 $0x0, s5;
	[sflag:s12] =	ssyncadd.s32 $0xFFFFE400  }
0x25: {  	[spmem:s2] =	stream.indirect.scatter.add.f32 [tilespmem:s14], [sflag:$0x1], $0x1, s31, s13, $0xb8;
	[tilespmem:$0x2480] =	vst v63  }
0x26: {  	s17 =	simm.s32 $0x400;
	_ =	swait.ge [sflag:s12], $0x80  }
.LBB2_4:
0x27: {  	s18 =	sshra.s32 s17, $0x2;
	[sflag:s12] =	ssyncset.done $0x0;
	p0 =	sne.s32 s17, $0x6C00  }
.Ltmp1:
0x28: {  	s18 =	sadd.s32 s18, s5;
	[sflag:s12] =	ssyncadd.s32 $0xFFFFFF80;
	(pc) =	sbr.rel @p0 .LBB2_4-.Ltmp1, $3  }
0x29: {  	[spmem:s2] =	stream.indirect.scatter.add.f32 [tilespmem:s14], [sflag:$0x1], $0x1, s18, s13, $0xb8;
	[tilespmem:$0x2480] =	vst v63  }
0x2a: {  	s17 =	sadd.s32 $0x400, s17;
	_ =	sdelay $0x1  }
0x2b: {  	_ =	swait.ge [sflag:s12], $0x80  }
0x2c: {  	[sflag:s12] =	ssyncset.done $0x0  }
0x2d: {  	s17 =	simm.s32 $0x0;
	[sflag:s12] =	ssyncadd.s32 $0xFFFFFF80  }
0x2e: {  	[tilespmem:s17], [sflag:$0x1] =	stream.linear.gather [hbm4b:s9+s17], $0x1C00, $0x38;
	[tilespmem:$0x2480] =	vst v63  }
0x2f: {  	_ =	swait.ge [sflag:s12], $0x1C00  }
0x30: {  	[sflag:s12] =	ssyncset.done $0x0  }
0x31: {  	s31 =	sadd.s32 $0x0, s5;
	[sflag:s12] =	ssyncadd.s32 $0xFFFFE400  }
0x32: {  	[spmem:s2] =	stream.indirect.scatter.add.f32 [tilespmem:s14], [sflag:$0x1], $0x1, s31, s13, $0xb8;
	[tilespmem:$0x2480] =	vst v63  }
0x33: {  	s17 =	simm.s32 $0x400;
	_ =	swait.ge [sflag:s12], $0x80  }
.LBB2_6:
0x34: {  	s18 =	sshra.s32 s17, $0x2;
	[sflag:s12] =	ssyncset.done $0x0;
	p0 =	sne.s32 s17, $0x6C00  }
.Ltmp2:
0x35: {  	s18 =	sadd.s32 s18, s5;
	[sflag:s12] =	ssyncadd.s32 $0xFFFFFF80;
	(pc) =	sbr.rel @p0 .LBB2_6-.Ltmp2, $3  }
0x36: {  	[spmem:s2] =	stream.indirect.scatter.add.f32 [tilespmem:s14], [sflag:$0x1], $0x1, s18, s13, $0xb8;
	[tilespmem:$0x2480] =	vst v63  }
0x37: {  	s17 =	sadd.s32 $0x400, s17;
	_ =	sdelay $0x1  }
0x38: {  	_ =	swait.ge [sflag:s12], $0x80  }
0x39: {  	[sflag:s12] =	ssyncset.done $0x0  }
0x3a: {  	s17 =	simm.s32 $0x0;
	[sflag:s12] =	ssyncadd.s32 $0xFFFFFF80  }
0x3b: {  	[tilespmem:s17], [sflag:$0x1] =	stream.linear.gather [hbm4b:s10+s17], $0x1C00, $0x38;
	[tilespmem:$0x2480] =	vst v63  }
0x3c: {  	_ =	swait.ge [sflag:s12], $0x1C00  }
0x3d: {  	[sflag:s12] =	ssyncset.done $0x0  }
0x3e: {  	s31 =	sadd.s32 $0x0, s5;
	[sflag:s12] =	ssyncadd.s32 $0xFFFFE400  }
0x3f: {  	[spmem:s2] =	stream.indirect.scatter.add.f32 [tilespmem:s14], [sflag:$0x1], $0x1, s31, s13, $0xb8;
	[tilespmem:$0x2480] =	vst v63  }
0x40: {  	s17 =	simm.s32 $0x400;
	_ =	swait.ge [sflag:s12], $0x80  }
.LBB2_8:
0x41: {  	s18 =	sshra.s32 s17, $0x2;
	[sflag:s12] =	ssyncset.done $0x0;
	p0 =	sne.s32 s17, $0x6C00  }
.Ltmp3:
0x42: {  	s18 =	sadd.s32 s18, s5;
	[sflag:s12] =	ssyncadd.s32 $0xFFFFFF80;
	(pc) =	sbr.rel @p0 .LBB2_8-.Ltmp3, $3  }
0x43: {  	[spmem:s2] =	stream.indirect.scatter.add.f32 [tilespmem:s14], [sflag:$0x1], $0x1, s18, s13, $0xb8;
	[tilespmem:$0x2480] =	vst v63  }
0x44: {  	s17 =	sadd.s32 $0x400, s17;
	_ =	sdelay $0x1  }
0x45: {  	_ =	swait.ge [sflag:s12], $0x80  }
0x46: {  	[sflag:s12] =	ssyncset.done $0x0;
	s3 =	sadd.s32 $0x1, s3  }
0x47: {  	[sflag:s12] =	ssyncadd.s32 $0xFFFFFF80;
	p0 =	sne.s32 s3, s7  }
.Ltmp4:
0x48: {  	[bflag:$0x0] =	sbarrier.arrive $0xFFFF;
	(pc) =	sbr.rel @p0 .LBB2_1-.Ltmp4, $4  }
0x49: {  	[hbm:s6], [sflag:s15] =	dma.local [spmem:s16], $0x80  }
0x4a: {  	_ =	swait.ge [sflag:s12], $0x80  }
0x4b: {  	[sflag:s12] =	ssyncset.done $0x0  }
0x4c: {  	[sflag:s12] =	ssyncadd.s32 $0xFFFFFF80  }
0x4d: {  	_ =	sfence.sel $0x180000  }
0x4e: {  	[bflag:$0x0] =	sbarrier.arrive $0xFFFF  }
0x4f: {  	p0 =	sne.s32 s1, $0x0;
	_ =	strace $0x90000047  }
0x50: {  	s0 =	sadd.s32 @!p0 $0x100000, s0;
	[bflag:$0x2] =	sbarrier.arrive $0xFFFF  }
0x51: {  	[sflag:s0] =	ssyncadd.tile.s32 @!p0 $0x1;
	_ =	shalt  }
.Lfunc_end2:
_tile_overlayer_lowered:
.L_overlay_start_2:
0x52: {  	(tag) =	ssettag $0x2  }
0x53: {  	s0 =	rddreg [dreg:$0x0];
	s2 =	stileid.u32  }
0x54: {  	s1 =	rddreg [dreg:$0x1];
	p0 =	sne.s32 s2, $0x0  }
0x55: {  	s3 =	rddreg [dreg:$0x2];
	[bflag:$0x3] =	sbarrier.arrive $0xFFFF;
	s2 =	simm.s32 @!p0 $0x1C01  }
0x56: {  	[timem:s3], [sflag:s2] =	dma.local @!p0 [hbm:s0], s1  }
0x57: {  	s0 =	simm.s32 @!p0 $0x1  }
0x58: {  	_ =	swait.ge @!p0 [sflag:s0], s1  }
0x59: {  	s1 =	ssub.s32 @!p0 $0x0, s1;
	[sflag:s0] =	ssyncset.done @!p0 $0x0  }
0x5a: {  	[sflag:s0] =	ssyncadd.s32 @!p0 s1  }
0x5b: {  	[bflag:$0x3] =	sbarrier.arrive $0xFFFF  }
0x5c: {  	_ =	shalt  }

</sc_bundles>
